<compile_context>
chip_gen: v7x
topology: tpu7x:2x2x1
jax: 0.10.2.dev20260603
libtpu: 0.0.44.dev20260713+nightly
codegen_flags: <defaults>
</compile_context>

<pallas_src>
import functools

import jax
import jax.numpy as jnp
from jax import lax
from jax.experimental import pallas as pl
from jax.experimental.pallas import tpu as pltpu
from jax.experimental.pallas import tpu_sc as plsc

BATCH = 16384
SEQ = 50
DIM = 64
VOCAB = 1_000_000
NUM_CORES = 2
NUM_SUBCORES = 16
D_PER_CORE = DIM // NUM_CORES
B_PER_SUB = BATCH // NUM_SUBCORES
SLAB = 8
N_SLABS = 6
ROW_CHUNK = 62464
ROW_ALIGNED = 999936

_mesh = plsc.VectorSubcoreMesh(core_axis_name="c", subcore_axis_name="s")


@functools.partial(
    pl.kernel,
    mesh=_mesh,
    out_type=jax.ShapeDtypeStruct((SEQ, DIM, BATCH), jnp.float32),
    scratch_types=[
        pltpu.VMEM_SHARED((VOCAB,), jnp.float32),
        pltpu.VMEM((SEQ * B_PER_SUB,), jnp.int32),
        pltpu.VMEM((2, SLAB, 1, B_PER_SUB), jnp.float32),
        pltpu.VMEM((128,), jnp.float32),
        pltpu.SemaphoreType.DMA,
        pltpu.SemaphoreType.DMA,
        pltpu.SemaphoreType.DMA,
    ],
)
def _gather_kernel(
    table_hbm, tails_hbm, idx_hbm, out_hbm, row_sp, idx_v, gbuf, tail_buf,
    gsem, s0, s1
):
    c = lax.axis_index("c")
    t = lax.axis_index("s")
    b0 = t * B_PER_SUB
    ssems = (s0, s1)

    for si in range(SEQ):
        pltpu.async_copy(
            idx_hbm.at[si].at[pl.ds(b0, B_PER_SUB)],
            idx_v.at[pl.ds(si * B_PER_SUB, B_PER_SUB)],
            gsem,
        )
    for si in range(SEQ):
        pltpu.make_async_copy(
            idx_hbm.at[0].at[pl.ds(0, B_PER_SUB)],
            idx_v.at[pl.ds(0, B_PER_SUB)],
            gsem,
        ).wait()


    def fire_gather(s, bsel, r):
        pltpu.async_copy(
            row_sp.at[idx_v.at[pl.ds(s * B_PER_SUB, B_PER_SUB)]],
            gbuf.at[bsel, r, 0],
            gsem,
        )

    def drain_gather():
        pltpu.make_async_copy(
            table_hbm.at[0].at[pl.ds(0, B_PER_SUB)], gbuf.at[0, 0, 0], gsem
        ).wait()

    def store_slab(so, bsel, d, n):
        pltpu.async_copy(
            gbuf.at[bsel, pl.ds(0, n)],
            out_hbm.at[pl.ds(so * SLAB, n), pl.ds(d, 1), pl.ds(b0, B_PER_SUB)],
            ssems[bsel],
        )

    def drain_store(bsel, n):
        pltpu.make_async_copy(
            gbuf.at[bsel, pl.ds(0, n)],
            out_hbm.at[pl.ds(0, n), pl.ds(0, 1), pl.ds(0, B_PER_SUB)],
            ssems[bsel],
        ).wait()

    def gather_slab(so, bsel, d):
        def inner(s4, carry3):
            fire_gather(so * SLAB + s4, bsel, s4)

            @pl.when(s4 > 1)
            def _lagged():
                drain_gather()

            return carry3

        lax.fori_loop(0, SLAB, inner, 0)
        drain_gather()
        drain_gather()
        store_slab(so, bsel, d, SLAB)

    def per_dim(dd, carry):
        d = c * D_PER_CORE + dd
        plsc.subcore_barrier()

        pltpu.sync_copy(
            table_hbm.at[d].at[pl.ds(t * ROW_CHUNK, ROW_CHUNK)],
            row_sp.at[pl.ds(t * ROW_CHUNK, ROW_CHUNK)],
        )

        @pl.when(t == 0)
        def _load_span():
            pltpu.sync_copy(
                table_hbm.at[d].at[pl.ds(NUM_SUBCORES * ROW_CHUNK, 512)],
                row_sp.at[pl.ds(NUM_SUBCORES * ROW_CHUNK, 512)],
            )

        @pl.when(t == 1)
        def _load_tail():
            pltpu.sync_copy(tails_hbm.at[d], tail_buf)
            pltpu.sync_copy(
                tail_buf.at[pl.ds(0, 64)], row_sp.at[pl.ds(ROW_ALIGNED, 64)]
            )

        plsc.subcore_barrier()

        gather_slab(0, 0, d)
        gather_slab(1, 1, d)

        def per_pair(p, carry2):
            so = 2 * p + 2
            drain_store(0, SLAB)
            gather_slab(so, 0, d)
            drain_store(1, SLAB)
            gather_slab(so + 1, 1, d)
            return carry2

        lax.fori_loop(0, (N_SLABS - 2) // 2, per_pair, 0)

        drain_store(0, SLAB)
        fire_gather(48, 0, 0)
        fire_gather(49, 0, 1)
        drain_gather()
        drain_gather()
        pltpu.sync_copy(
            gbuf.at[0, pl.ds(0, 2)],
            out_hbm.at[pl.ds(48, 2), pl.ds(d, 1), pl.ds(b0, B_PER_SUB)],
        )
        drain_store(1, SLAB)
        return carry

    lax.fori_loop(0, D_PER_CORE, per_dim, 0)


def kernel(x, weight):
    w_t = weight.T
    tails = jnp.pad(w_t[:, ROW_ALIGNED:], ((0, 0), (0, 128 - (VOCAB - ROW_ALIGNED))))
    out_t = _gather_kernel(w_t, tails, x.astype(jnp.int32).T)
    return out_t.transpose(2, 0, 1)

# --- scband reference (transcript-rebuilt; emitter-appended) ---
"""Pipeline reference for scband-differentiable-embedding-56934086476539 (READ-ONLY COPY).

The authoritative reference and input builder live on the scoring server;
editing this copy changes nothing except your own understanding.
"""

import jax, jax.numpy as jnp
import numpy as np

NUM_EMBEDDINGS = 1000000
EMBEDDING_DIM = 64

def setup_inputs(seed: int = 0) -> dict:
    key = jax.random.key(seed)
    k_idx, k_w = jax.random.split(key)
    x = jax.random.randint(k_idx, (16384, 50), 0, NUM_EMBEDDINGS, dtype=jnp.int64 if jax.config.jax_enable_x64 else jnp.int32)
    weight = jax.random.normal(k_w, (NUM_EMBEDDINGS, EMBEDDING_DIM), dtype=jnp.float32)
    return {"x": x, "weight": weight}

def reference(x, weight):
    # Integer indices path of DifferentiableEmbedding: plain embedding lookup.
    h = jnp.take(weight, x, axis=0)
    return h

if __name__ == "__main__":
    import jax
    _d = setup_inputs()
    print(jax.jit(kernel)(*tuple(_d.values())))

</pallas_src>

<mosaic_0001>
#map = affine_map<(d0, d1) -> (0, 0)>
#map1 = affine_map<(d0, d1) -> (0, 0, 0)>
module attributes {stable_mosaic.version = 14 : i64} {
  func.func @_gather_kernel(%arg0: i32, %arg1: i32, %arg2: memref<64x1000000xf32, #tpu.memory_space<hbm>>, %arg3: memref<64x128xf32, #tpu.memory_space<hbm>>, %arg4: memref<50x16384xi32, #tpu.memory_space<hbm>>, %arg5: memref<50x64x16384xf32, #tpu.memory_space<hbm>>, %arg6: memref<1000000xf32, #tpu.memory_space<vmem_shared>>, %arg7: memref<51200xi32, #tpu.memory_space<vmem>>, %arg8: memref<2x8x1x1024xf32, #tpu.memory_space<vmem>>, %arg9: memref<128xf32, #tpu.memory_space<vmem>>, %arg10: memref<!tpu.dma_semaphore, #tpu.memory_space<semaphore_mem>>, %arg11: memref<!tpu.dma_semaphore, #tpu.memory_space<semaphore_mem>>, %arg12: memref<!tpu.dma_semaphore, #tpu.memory_space<semaphore_mem>>) attributes {dimension_semantics = [#tpu.dimension_semantics<core_parallel>, #tpu.dimension_semantics<subcore_parallel>], iteration_bounds = array<i64: 2, 16>, scalar_prefetch = 0 : i64, scratch_operands = 7 : i64, tpu.core_type = #tpu.core_type<sc_vector_subcore>, window_params = [{transform_indices = #map}, {transform_indices = #map}, {transform_indices = #map}, {transform_indices = #map1}]} {
    %mul3A = arith.constant 1024 : i32
    %mul3A_0 = arith.muli %arg1, %mul3A : i32
    %dma_start3A = arith.constant 0 : i32
    %dma_start3A_1 = arith.constant 0 : i32
    %dma_start3A_2 = tpu.memref_slice %arg7[%dma_start3A_1] : memref<51200xi32, #tpu.memory_space<vmem>> -> memref<1024xi32, #tpu.memory_space<vmem>>
    %dma_start3A_3 = arith.constant 0 : i32
    %dma_start3A_4 = tpu.memref_slice %arg4[%dma_start3A, %dma_start3A_3] : memref<50x16384xi32, #tpu.memory_space<hbm>> -> memref<1x16384xi32, #tpu.memory_space<hbm>>
    %dma_start3A_5 = tpu.memref_squeeze %dma_start3A_4 : memref<1x16384xi32, #tpu.memory_space<hbm>> -> memref<16384xi32, #tpu.memory_space<hbm>>
    %dma_start3A_6 = tpu.memref_slice %dma_start3A_5[%mul3A_0] : memref<16384xi32, #tpu.memory_space<hbm>> -> memref<1024xi32, #tpu.memory_space<hbm>>
    %dma_start3A_7 = arith.constant 0 : i32
    %dma_start3A_8 = tpu.memref_slice %arg7[%dma_start3A_7] : memref<51200xi32, #tpu.memory_space<vmem>> -> memref<1024xi32, #tpu.memory_space<vmem>>
    %dma_start3A_9 = arith.constant 0 : i32
    %dma_start3A_10 = tpu.memref_slice %arg4[%dma_start3A, %dma_start3A_9] : memref<50x16384xi32, #tpu.memory_space<hbm>> -> memref<1x16384xi32, #tpu.memory_space<hbm>>
    %dma_start3A_11 = tpu.memref_squeeze %dma_start3A_10 : memref<1x16384xi32, #tpu.memory_space<hbm>> -> memref<16384xi32, #tpu.memory_space<hbm>>
    %dma_start3A_12 = tpu.memref_slice %dma_start3A_11[%mul3A_0] : memref<16384xi32, #tpu.memory_space<hbm>> -> memref<1024xi32, #tpu.memory_space<hbm>>
    tpu.enqueue_dma source(%dma_start3A_12 : memref<1024xi32, #tpu.memory_space<hbm>>) target(%dma_start3A_8 : memref<1024xi32, #tpu.memory_space<vmem>>) target_semaphore(%arg10 : memref<!tpu.dma_semaphore, #tpu.memory_space<semaphore_mem>>)
    %dma_start3A_13 = arith.constant 1 : i32
    %dma_start3A_14 = arith.constant 1024 : i32
    %dma_start3A_15 = tpu.memref_slice %arg7[%dma_start3A_14] : memref<51200xi32, #tpu.memory_space<vmem>> -> memref<1024xi32, #tpu.memory_space<vmem>>
    %dma_start3A_16 = arith.constant 0 : i32
    %dma_start3A_17 = tpu.memref_slice %arg4[%dma_start3A_13, %dma_start3A_16] : memref<50x16384xi32, #tpu.memory_space<hbm>> -> memref<1x16384xi32, #tpu.memory_space<hbm>>
    %dma_start3A_18 = tpu.memref_squeeze %dma_start3A_17 : memref<1x16384xi32, #tpu.memory_space<hbm>> -> memref<16384xi32, #tpu.memory_space<hbm>>
    %dma_start3A_19 = tpu.memref_slice %dma_start3A_18[%mul3A_0] : memref<16384xi32, #tpu.memory_space<hbm>> -> memref<1024xi32, #tpu.memory_space<hbm>>
    %dma_start3A_20 = arith.constant 1024 : i32
    %dma_start3A_21 = tpu.memref_slice %arg7[%dma_start3A_20] : memref<51200xi32, #tpu.memory_space<vmem>> -> memref<1024xi32, #tpu.memory_space<vmem>>
    %dma_start3A_22 = arith.constant 0 : i32
    %dma_start3A_23 = tpu.memref_slice %arg4[%dma_start3A_13, %dma_start3A_22] : memref<50x16384xi32, #tpu.memory_space<hbm>> -> memref<1x16384xi32, #tpu.memory_space<hbm>>
    %dma_start3A_24 = tpu.memref_squeeze %dma_start3A_23 : memref<1x16384xi32, #tpu.memory_space<hbm>> -> memref<16384xi32, #tpu.memory_space<hbm>>
    %dma_start3A_25 = tpu.memref_slice %dma_start3A_24[%mul3A_0] : memref<16384xi32, #tpu.memory_space<hbm>> -> memref<1024xi32, #tpu.memory_space<hbm>>
    tpu.enqueue_dma source(%dma_start3A_25 : memref<1024xi32, #tpu.memory_space<hbm>>) target(%dma_start3A_21 : memref<1024xi32, #tpu.memory_space<vmem>>) target_semaphore(%arg10 : memref<!tpu.dma_semaphore, #tpu.memory_space<semaphore_mem>>)
    %dma_start3A_26 = arith.constant 2 : i32
    %dma_start3A_27 = arith.constant 2048 : i32
    %dma_start3A_28 = tpu.memref_slice %arg7[%dma_start3A_27] : memref<51200xi32, #tpu.memory_space<vmem>> -> memref<1024xi32, #tpu.memory_space<vmem>>
    %dma_start3A_29 = arith.constant 0 : i32
    %dma_start3A_30 = tpu.memref_slice %arg4[%dma_start3A_26, %dma_start3A_29] : memref<50x16384xi32, #tpu.memory_space<hbm>> -> memref<1x16384xi32, #tpu.memory_space<hbm>>
    %dma_start3A_31 = tpu.memref_squeeze %dma_start3A_30 : memref<1x16384xi32, #tpu.memory_space<hbm>> -> memref<16384xi32, #tpu.memory_space<hbm>>
    %dma_start3A_32 = tpu.memref_slice %dma_start3A_31[%mul3A_0] : memref<16384xi32, #tpu.memory_space<hbm>> -> memref<1024xi32, #tpu.memory_space<hbm>>
    %dma_start3A_33 = arith.constant 2048 : i32
    %dma_start3A_34 = tpu.memref_slice %arg7[%dma_start3A_33] : memref<51200xi32, #tpu.memory_space<vmem>> -> memref<1024xi32, #tpu.memory_space<vmem>>
    %dma_start3A_35 = arith.constant 0 : i32
    %dma_start3A_36 = tpu.memref_slice %arg4[%dma_start3A_26, %dma_start3A_35] : memref<50x16384xi32, #tpu.memory_space<hbm>> -> memref<1x16384xi32, #tpu.memory_space<hbm>>
    %dma_start3A_37 = tpu.memref_squeeze %dma_start3A_36 : memref<1x16384xi32, #tpu.memory_space<hbm>> -> memref<16384xi32, #tpu.memory_space<hbm>>
    %dma_start3A_38 = tpu.memref_slice %dma_start3A_37[%mul3A_0] : memref<16384xi32, #tpu.memory_space<hbm>> -> memref<1024xi32, #tpu.memory_space<hbm>>
    tpu.enqueue_dma source(%dma_start3A_38 : memref<1024xi32, #tpu.memory_space<hbm>>) target(%dma_start3A_34 : memref<1024xi32, #tpu.memory_space<vmem>>) target_semaphore(%arg10 : memref<!tpu.dma_semaphore, #tpu.memory_space<semaphore_mem>>)
    %dma_start3A_39 = arith.constant 3 : i32
    %dma_start3A_40 = arith.constant 3072 : i32
    %dma_start3A_41 = tpu.memref_slice %arg7[%dma_start3A_40] : memref<51200xi32, #tpu.memory_space<vmem>> -> memref<1024xi32, #tpu.memory_space<vmem>>
    %dma_start3A_42 = arith.constant 0 : i32
    %dma_start3A_43 = tpu.memref_slice %arg4[%dma_start3A_39, %dma_start3A_42] : memref<50x16384xi32, #tpu.memory_space<hbm>> -> memref<1x16384xi32, #tpu.memory_space<hbm>>
    %dma_start3A_44 = tpu.memref_squeeze %dma_start3A_43 : memref<1x16384xi32, #tpu.memory_space<hbm>> -> memref<16384xi32, #tpu.memory_space<hbm>>
    %dma_start3A_45 = tpu.memref_slice %dma_start3A_44[%mul3A_0] : memref<16384xi32, #tpu.memory_space<hbm>> -> memref<1024xi32, #tpu.memory_space<hbm>>
    %dma_start3A_46 = arith.constant 3072 : i32
    %dma_start3A_47 = tpu.memref_slice %arg7[%dma_start3A_46] : memref<51200xi32, #tpu.memory_space<vmem>> -> memref<1024xi32, #tpu.memory_space<vmem>>
    %dma_start3A_48 = arith.constant 0 : i32
    %dma_start3A_49 = tpu.memref_slice %arg4[%dma_start3A_39, %dma_start3A_48] : memref<50x16384xi32, #tpu.memory_space<hbm>> -> memref<1x16384xi32, #tpu.memory_space<hbm>>
    %dma_start3A_50 = tpu.memref_squeeze %dma_start3A_49 : memref<1x16384xi32, #tpu.memory_space<hbm>> -> memref<16384xi32, #tpu.memory_space<hbm>>
    %dma_start3A_51 = tpu.memref_slice %dma_start3A_50[%mul3A_0] : memref<16384xi32, #tpu.memory_space<hbm>> -> memref<1024xi32, #tpu.memory_space<hbm>>
    tpu.enqueue_dma source(%dma_start3A_51 : memref<1024xi32, #tpu.memory_space<hbm>>) target(%dma_start3A_47 : memref<1024xi32, #tpu.memory_space<vmem>>) target_semaphore(%arg10 : memref<!tpu.dma_semaphore, #tpu.memory_space<semaphore_mem>>)
    %dma_start3A_52 = arith.constant 4 : i32
    %dma_start3A_53 = arith.constant 4096 : i32
    %dma_start3A_54 = tpu.memref_slice %arg7[%dma_start3A_53] : memref<51200xi32, #tpu.memory_space<vmem>> -> memref<1024xi32, #tpu.memory_space<vmem>>
    %dma_start3A_55 = arith.constant 0 : i32
    %dma_start3A_56 = tpu.memref_slice %arg4[%dma_start3A_52, %dma_start3A_55] : memref<50x16384xi32, #tpu.memory_space<hbm>> -> memref<1x16384xi32, #tpu.memory_space<hbm>>
    %dma_start3A_57 = tpu.memref_squeeze %dma_start3A_56 : memref<1x16384xi32, #tpu.memory_space<hbm>> -> memref<16384xi32, #tpu.memory_space<hbm>>
    %dma_start3A_58 = tpu.memref_slice %dma_start3A_57[%mul3A_0] : memref<16384xi32, #tpu.memory_space<hbm>> -> memref<1024xi32, #tpu.memory_space<hbm>>
    %dma_start3A_59 = arith.constant 4096 : i32
    %dma_start3A_60 = tpu.memref_slice %arg7[%dma_start3A_59] : memref<51200xi32, #tpu.memory_space<vmem>> -> memref<1024xi32, #tpu.memory_space<vmem>>
    %dma_start3A_61 = arith.constant 0 : i32
    %dma_start3A_62 = tpu.memref_slice %arg4[%dma_start3A_52, %dma_start3A_61] : memref<50x16384xi32, #tpu.memory_space<hbm>> -> memref<1x16384xi32, #tpu.memory_space<hbm>>
    %dma_start3A_63 = tpu.memref_squeeze %dma_start3A_62 : memref<1x16384xi32, #tpu.memory_space<hbm>> -> memref<16384xi32, #tpu.memory_space<hbm>>
    %dma_start3A_64 = tpu.memref_slice %dma_start3A_63[%mul3A_0] : memref<16384xi32, #tpu.memory_space<hbm>> -> memref<1024xi32, #tpu.memory_space<hbm>>
    tpu.enqueue_dma source(%dma_start3A_64 : memref<1024xi32, #tpu.memory_space<hbm>>) target(%dma_start3A_60 : memref<1024xi32, #tpu.memory_space<vmem>>) target_semaphore(%arg10 : memref<!tpu.dma_semaphore, #tpu.memory_space<semaphore_mem>>)
    %dma_start3A_65 = arith.constant 5 : i32
    %dma_start3A_66 = arith.constant 5120 : i32
    %dma_start3A_67 = tpu.memref_slice %arg7[%dma_start3A_66] : memref<51200xi32, #tpu.memory_space<vmem>> -> memref<1024xi32, #tpu.memory_space<vmem>>
    %dma_start3A_68 = arith.constant 0 : i32
    %dma_start3A_69 = tpu.memref_slice %arg4[%dma_start3A_65, %dma_start3A_68] : memref<50x16384xi32, #tpu.memory_space<hbm>> -> memref<1x16384xi32, #tpu.memory_space<hbm>>
    %dma_start3A_70 = tpu.memref_squeeze %dma_start3A_69 : memref<1x16384xi32, #tpu.memory_space<hbm>> -> memref<16384xi32, #tpu.memory_space<hbm>>
    %dma_start3A_71 = tpu.memref_slice %dma_start3A_70[%mul3A_0] : memref<16384xi32, #tpu.memory_space<hbm>> -> memref<1024xi32, #tpu.memory_space<hbm>>
    %dma_start3A_72 = arith.constant 5120 : i32
    %dma_start3A_73 = tpu.memref_slice %arg7[%dma_start3A_72] : memref<51200xi32, #tpu.memory_space<vmem>> -> memref<1024xi32, #tpu.memory_space<vmem>>
    %dma_start3A_74 = arith.constant 0 : i32
    %dma_start3A_75 = tpu.memref_slice %arg4[%dma_start3A_65, %dma_start3A_74] : memref<50x16384xi32, #tpu.memory_space<hbm>> -> memref<1x16384xi32, #tpu.memory_space<hbm>>
    %dma_start3A_76 = tpu.memref_squeeze %dma_start3A_75 : memref<1x16384xi32, #tpu.memory_space<hbm>> -> memref<16384xi32, #tpu.memory_space<hbm>>
    %dma_start3A_77 = tpu.memref_slice %dma_start3A_76[%mul3A_0] : memref<16384xi32, #tpu.memory_space<hbm>> -> memref<1024xi32, #tpu.memory_space<hbm>>
    tpu.enqueue_dma source(%dma_start3A_77 : memref<1024xi32, #tpu.memory_space<hbm>>) target(%dma_start3A_73 : memref<1024xi32, #tpu.memory_space<vmem>>) target_semaphore(%arg10 : memref<!tpu.dma_semaphore, #tpu.memory_space<semaphore_mem>>)
    %dma_start3A_78 = arith.constant 6 : i32
    %dma_start3A_79 = arith.constant 6144 : i32
    %dma_start3A_80 = tpu.memref_slice %arg7[%dma_start3A_79] : memref<51200xi32, #tpu.memory_space<vmem>> -> memref<1024xi32, #tpu.memory_space<vmem>>
    %dma_start3A_81 = arith.constant 0 : i32
    %dma_start3A_82 = tpu.memref_slice %arg4[%dma_start3A_78, %dma_start3A_81] : memref<50x16384xi32, #tpu.memory_space<hbm>> -> memref<1x16384xi32, #tpu.memory_space<hbm>>
    %dma_start3A_83 = tpu.memref_squeeze %dma_start3A_82 : memref<1x16384xi32, #tpu.memory_space<hbm>> -> memref<16384xi32, #tpu.memory_space<hbm>>
    %dma_start3A_84 = tpu.memref_slice %dma_start3A_83[%mul3A_0] : memref<16384xi32, #tpu.memory_space<hbm>> -> memref<1024xi32, #tpu.memory_space<hbm>>
    %dma_start3A_85 = arith.constant 6144 : i32
    %dma_start3A_86 = tpu.memref_slice %arg7[%dma_start3A_85] : memref<51200xi32, #tpu.memory_space<vmem>> -> memref<1024xi32, #tpu.memory_space<vmem>>
    %dma_start3A_87 = arith.constant 0 : i32
    %dma_start3A_88 = tpu.memref_slice %arg4[%dma_start3A_78, %dma_start3A_87] : memref<50x16384xi32, #tpu.memory_space<hbm>> -> memref<1x16384xi32, #tpu.memory_space<hbm>>
    %dma_start3A_89 = tpu.memref_squeeze %dma_start3A_88 : memref<1x16384xi32, #tpu.memory_space<hbm>> -> memref<16384xi32, #tpu.memory_space<hbm>>
    %dma_start3A_90 = tpu.memref_slice %dma_start3A_89[%mul3A_0] : memref<16384xi32, #tpu.memory_space<hbm>> -> memref<1024xi32, #tpu.memory_space<hbm>>
    tpu.enqueue_dma source(%dma_start3A_90 : memref<1024xi32, #tpu.memory_space<hbm>>) target(%dma_start3A_86 : memref<1024xi32, #tpu.memory_space<vmem>>) target_semaphore(%arg10 : memref<!tpu.dma_semaphore, #tpu.memory_space<semaphore_mem>>)
    %dma_start3A_91 = arith.constant 7 : i32
    %dma_start3A_92 = arith.constant 7168 : i32
    %dma_start3A_93 = tpu.memref_slice %arg7[%dma_start3A_92] : memref<51200xi32, #tpu.memory_space<vmem>> -> memref<1024xi32, #tpu.memory_space<vmem>>
    %dma_start3A_94 = arith.constant 0 : i32
    %dma_start3A_95 = tpu.memref_slice %arg4[%dma_start3A_91, %dma_start3A_94] : memref<50x16384xi32, #tpu.memory_space<hbm>> -> memref<1x16384xi32, #tpu.memory_space<hbm>>
    %dma_start3A_96 = tpu.memref_squeeze %dma_start3A_95 : memref<1x16384xi32, #tpu.memory_space<hbm>> -> memref<16384xi32, #tpu.memory_space<hbm>>
    %dma_start3A_97 = tpu.memref_slice %dma_start3A_96[%mul3A_0] : memref<16384xi32, #tpu.memory_space<hbm>> -> memref<1024xi32, #tpu.memory_space<hbm>>
    %dma_start3A_98 = arith.constant 7168 : i32
    %dma_start3A_99 = tpu.memref_slice %arg7[%dma_start3A_98] : memref<51200xi32, #tpu.memory_space<vmem>> -> memref<1024xi32, #tpu.memory_space<vmem>>
    %dma_start3A_100 = arith.constant 0 : i32
    %dma_start3A_101 = tpu.memref_slice %arg4[%dma_start3A_91, %dma_start3A_100] : memref<50x16384xi32, #tpu.memory_space<hbm>> -> memref<1x16384xi32, #tpu.memory_space<hbm>>
    %dma_start3A_102 = tpu.memref_squeeze %dma_start3A_101 : memref<1x16384xi32, #tpu.memory_space<hbm>> -> memref<16384xi32, #tpu.memory_space<hbm>>
    %dma_start3A_103 = tpu.memref_slice %dma_start3A_102[%mul3A_0] : memref<16384xi32, #tpu.memory_space<hbm>> -> memref<1024xi32, #tpu.memory_space<hbm>>
    tpu.enqueue_dma source(%dma_start3A_103 : memref<1024xi32, #tpu.memory_space<hbm>>) target(%dma_start3A_99 : memref<1024xi32, #tpu.memory_space<vmem>>) target_semaphore(%arg10 : memref<!tpu.dma_semaphore, #tpu.memory_space<semaphore_mem>>)
    %dma_start3A_104 = arith.constant 8 : i32
    %dma_start3A_105 = arith.constant 8192 : i32
    %dma_start3A_106 = tpu.memref_slice %arg7[%dma_start3A_105] : memref<51200xi32, #tpu.memory_space<vmem>> -> memref<1024xi32, #tpu.memory_space<vmem>>
    %dma_start3A_107 = arith.constant 0 : i32
    %dma_start3A_108 = tpu.memref_slice %arg4[%dma_start3A_104, %dma_start3A_107] : memref<50x16384xi32, #tpu.memory_space<hbm>> -> memref<1x16384xi32, #tpu.memory_space<hbm>>
    %dma_start3A_109 = tpu.memref_squeeze %dma_start3A_108 : memref<1x16384xi32, #tpu.memory_space<hbm>> -> memref<16384xi32, #tpu.memory_space<hbm>>
    %dma_start3A_110 = tpu.memref_slice %dma_start3A_109[%mul3A_0] : memref<16384xi32, #tpu.memory_space<hbm>> -> memref<1024xi32, #tpu.memory_space<hbm>>
    %dma_start3A_111 = arith.constant 8192 : i32
    %dma_start3A_112 = tpu.memref_slice %arg7[%dma_start3A_111] : memref<51200xi32, #tpu.memory_space<vmem>> -> memref<1024xi32, #tpu.memory_space<vmem>>
    %dma_start3A_113 = arith.constant 0 : i32
    %dma_start3A_114 = tpu.memref_slice %arg4[%dma_start3A_104, %dma_start3A_113] : memref<50x16384xi32, #tpu.memory_space<hbm>> -> memref<1x16384xi32, #tpu.memory_space<hbm>>
    %dma_start3A_115 = tpu.memref_squeeze %dma_start3A_114 : memref<1x16384xi32, #tpu.memory_space<hbm>> -> memref<16384xi32, #tpu.memory_space<hbm>>
    %dma_start3A_116 = tpu.memref_slice %dma_start3A_115[%mul3A_0] : memref<16384xi32, #tpu.memory_space<hbm>> -> memref<1024xi32, #tpu.memory_space<hbm>>
    tpu.enqueue_dma source(%dma_start3A_116 : memref<1024xi32, #tpu.memory_space<hbm>>) target(%dma_start3A_112 : memref<1024xi32, #tpu.memory_space<vmem>>) target_semaphore(%arg10 : memref<!tpu.dma_semaphore, #tpu.memory_space<semaphore_mem>>)
    %dma_start3A_117 = arith.constant 9 : i32
    %dma_start3A_118 = arith.constant 9216 : i32
    %dma_start3A_119 = tpu.memref_slice %arg7[%dma_start3A_118] : memref<51200xi32, #tpu.memory_space<vmem>> -> memref<1024xi32, #tpu.memory_space<vmem>>
    %dma_start3A_120 = arith.constant 0 : i32
    %dma_start3A_121 = tpu.memref_slice %arg4[%dma_start3A_117, %dma_start3A_120] : memref<50x16384xi32, #tpu.memory_space<hbm>> -> memref<1x16384xi32, #tpu.memory_space<hbm>>
    %dma_start3A_122 = tpu.memref_squeeze %dma_start3A_121 : memref<1x16384xi32, #tpu.memory_space<hbm>> -> memref<16384xi32, #tpu.memory_space<hbm>>
    %dma_start3A_123 = tpu.memref_slice %dma_start3A_122[%mul3A_0] : memref<16384xi32, #tpu.memory_space<hbm>> -> memref<1024xi32, #tpu.memory_space<hbm>>
    %dma_start3A_124 = arith.constant 9216 : i32
    %dma_start3A_125 = tpu.memref_slice %arg7[%dma_start3A_124] : memref<51200xi32, #tpu.memory_space<vmem>> -> memref<1024xi32, #tpu.memory_space<vmem>>
    %dma_start3A_126 = arith.constant 0 : i32
    %dma_start3A_127 = tpu.memref_slice %arg4[%dma_start3A_117, %dma_start3A_126] : memref<50x16384xi32, #tpu.memory_space<hbm>> -> memref<1x16384xi32, #tpu.memory_space<hbm>>
    %dma_start3A_128 = tpu.memref_squeeze %dma_start3A_127 : memref<1x16384xi32, #tpu.memory_space<hbm>> -> memref<16384xi32, #tpu.memory_space<hbm>>
    %dma_start3A_129 = tpu.memref_slice %dma_start3A_128[%mul3A_0] : memref<16384xi32, #tpu.memory_space<hbm>> -> memref<1024xi32, #tpu.memory_space<hbm>>
    tpu.enqueue_dma source(%dma_start3A_129 : memref<1024xi32, #tpu.memory_space<hbm>>) target(%dma_start3A_125 : memref<1024xi32, #tpu.memory_space<vmem>>) target_semaphore(%arg10 : memref<!tpu.dma_semaphore, #tpu.memory_space<semaphore_mem>>)
    %dma_start3A_130 = arith.constant 10 : i32
    %dma_start3A_131 = arith.constant 10240 : i32
    %dma_start3A_132 = tpu.memref_slice %arg7[%dma_start3A_131] : memref<51200xi32, #tpu.memory_space<vmem>> -> memref<1024xi32, #tpu.memory_space<vmem>>
    %dma_start3A_133 = arith.constant 0 : i32
    %dma_start3A_134 = tpu.memref_slice %arg4[%dma_start3A_130, %dma_start3A_133] : memref<50x16384xi32, #tpu.memory_space<hbm>> -> memref<1x16384xi32, #tpu.memory_space<hbm>>
    %dma_start3A_135 = tpu.memref_squeeze %dma_start3A_134 : memref<1x16384xi32, #tpu.memory_space<hbm>> -> memref<16384xi32, #tpu.memory_space<hbm>>
    %dma_start3A_136 = tpu.memref_slice %dma_start3A_135[%mul3A_0] : memref<16384xi32, #tpu.memory_space<hbm>> -> memref<1024xi32, #tpu.memory_space<hbm>>
    %dma_start3A_137 = arith.constant 10240 : i32
    %dma_start3A_138 = tpu.memref_slice %arg7[%dma_start3A_137] : memref<51200xi32, #tpu.memory_space<vmem>> -> memref<1024xi32, #tpu.memory_space<vmem>>
    %dma_start3A_139 = arith.constant 0 : i32
    %dma_start3A_140 = tpu.memref_slice %arg4[%dma_start3A_130, %dma_start3A_139] : memref<50x16384xi32, #tpu.memory_space<hbm>> -> memref<1x16384xi32, #tpu.memory_space<hbm>>
    %dma_start3A_141 = tpu.memref_squeeze %dma_start3A_140 : memref<1x16384xi32, #tpu.memory_space<hbm>> -> memref<16384xi32, #tpu.memory_space<hbm>>
    %dma_start3A_142 = tpu.memref_slice %dma_start3A_141[%mul3A_0] : memref<16384xi32, #tpu.memory_space<hbm>> -> memref<1024xi32, #tpu.memory_space<hbm>>
    tpu.enqueue_dma source(%dma_start3A_142 : memref<1024xi32, #tpu.memory_space<hbm>>) target(%dma_start3A_138 : memref<1024xi32, #tpu.memory_space<vmem>>) target_semaphore(%arg10 : memref<!tpu.dma_semaphore, #tpu.memory_space<semaphore_mem>>)
    %dma_start3A_143 = arith.constant 11 : i32
    %dma_start3A_144 = arith.constant 11264 : i32
    %dma_start3A_145 = tpu.memref_slice %arg7[%dma_start3A_144] : memref<51200xi32, #tpu.memory_space<vmem>> -> memref<1024xi32, #tpu.memory_space<vmem>>
    %dma_start3A_146 = arith.constant 0 : i32
    %dma_start3A_147 = tpu.memref_slice %arg4[%dma_start3A_143, %dma_start3A_146] : memref<50x16384xi32, #tpu.memory_space<hbm>> -> memref<1x16384xi32, #tpu.memory_space<hbm>>
    %dma_start3A_148 = tpu.memref_squeeze %dma_start3A_147 : memref<1x16384xi32, #tpu.memory_space<hbm>> -> memref<16384xi32, #tpu.memory_space<hbm>>
    %dma_start3A_149 = tpu.memref_slice %dma_start3A_148[%mul3A_0] : memref<16384xi32, #tpu.memory_space<hbm>> -> memref<1024xi32, #tpu.memory_space<hbm>>
    %dma_start3A_150 = arith.constant 11264 : i32
    %dma_start3A_151 = tpu.memref_slice %arg7[%dma_start3A_150] : memref<51200xi32, #tpu.memory_space<vmem>> -> memref<1024xi32, #tpu.memory_space<vmem>>
    %dma_start3A_152 = arith.constant 0 : i32
    %dma_start3A_153 = tpu.memref_slice %arg4[%dma_start3A_143, %dma_start3A_152] : memref<50x16384xi32, #tpu.memory_space<hbm>> -> memref<1x16384xi32, #tpu.memory_space<hbm>>
    %dma_start3A_154 = tpu.memref_squeeze %dma_start3A_153 : memref<1x16384xi32, #tpu.memory_space<hbm>> -> memref<16384xi32, #tpu.memory_space<hbm>>
    %dma_start3A_155 = tpu.memref_slice %dma_start3A_154[%mul3A_0] : memref<16384xi32, #tpu.memory_space<hbm>> -> memref<1024xi32, #tpu.memory_space<hbm>>
    tpu.enqueue_dma source(%dma_start3A_155 : memref<1024xi32, #tpu.memory_space<hbm>>) target(%dma_start3A_151 : memref<1024xi32, #tpu.memory_space<vmem>>) target_semaphore(%arg10 : memref<!tpu.dma_semaphore, #tpu.memory_space<semaphore_mem>>)
    %dma_start3A_156 = arith.constant 12 : i32
    %dma_start3A_157 = arith.constant 12288 : i32
    %dma_start3A_158 = tpu.memref_slice %arg7[%dma_start3A_157] : memref<51200xi32, #tpu.memory_space<vmem>> -> memref<1024xi32, #tpu.memory_space<vmem>>
    %dma_start3A_159 = arith.constant 0 : i32
    %dma_start3A_160 = tpu.memref_slice %arg4[%dma_start3A_156, %dma_start3A_159] : memref<50x16384xi32, #tpu.memory_space<hbm>> -> memref<1x16384xi32, #tpu.memory_space<hbm>>
    %dma_start3A_161 = tpu.memref_squeeze %dma_start3A_160 : memref<1x16384xi32, #tpu.memory_space<hbm>> -> memref<16384xi32, #tpu.memory_space<hbm>>
    %dma_start3A_162 = tpu.memref_slice %dma_start3A_161[%mul3A_0] : memref<16384xi32, #tpu.memory_space<hbm>> -> memref<1024xi32, #tpu.memory_space<hbm>>
    %dma_start3A_163 = arith.constant 12288 : i32
    %dma_start3A_164 = tpu.memref_slice %arg7[%dma_start3A_163] : memref<51200xi32, #tpu.memory_space<vmem>> -> memref<1024xi32, #tpu.memory_space<vmem>>
    %dma_start3A_165 = arith.constant 0 : i32
    %dma_start3A_166 = tpu.memref_slice %arg4[%dma_start3A_156, %dma_start3A_165] : memref<50x16384xi32, #tpu.memory_space<hbm>> -> memref<1x16384xi32, #tpu.memory_space<hbm>>
    %dma_start3A_167 = tpu.memref_squeeze %dma_start3A_166 : memref<1x16384xi32, #tpu.memory_space<hbm>> -> memref<16384xi32, #tpu.memory_space<hbm>>
    %dma_start3A_168 = tpu.memref_slice %dma_start3A_167[%mul3A_0] : memref<16384xi32, #tpu.memory_space<hbm>> -> memref<1024xi32, #tpu.memory_space<hbm>>
    tpu.enqueue_dma source(%dma_start3A_168 : memref<1024xi32, #tpu.memory_space<hbm>>) target(%dma_start3A_164 : memref<1024xi32, #tpu.memory_space<vmem>>) target_semaphore(%arg10 : memref<!tpu.dma_semaphore, #tpu.memory_space<semaphore_mem>>)
    %dma_start3A_169 = arith.constant 13 : i32
    %dma_start3A_170 = arith.constant 13312 : i32
    %dma_start3A_171 = tpu.memref_slice %arg7[%dma_start3A_170] : memref<51200xi32, #tpu.memory_space<vmem>> -> memref<1024xi32, #tpu.memory_space<vmem>>
    %dma_start3A_172 = arith.constant 0 : i32
    %dma_start3A_173 = tpu.memref_slice %arg4[%dma_start3A_169, %dma_start3A_172] : memref<50x16384xi32, #tpu.memory_space<hbm>> -> memref<1x16384xi32, #tpu.memory_space<hbm>>
    %dma_start3A_174 = tpu.memref_squeeze %dma_start3A_173 : memref<1x16384xi32, #tpu.memory_space<hbm>> -> memref<16384xi32, #tpu.memory_space<hbm>>
    %dma_start3A_175 = tpu.memref_slice %dma_start3A_174[%mul3A_0] : memref<16384xi32, #tpu.memory_space<hbm>> -> memref<1024xi32, #tpu.memory_space<hbm>>
    %dma_start3A_176 = arith.constant 13312 : i32
    %dma_start3A_177 = tpu.memref_slice %arg7[%dma_start3A_176] : memref<51200xi32, #tpu.memory_space<vmem>> -> memref<1024xi32, #tpu.memory_space<vmem>>
    %dma_start3A_178 = arith.constant 0 : i32
    %dma_start3A_179 = tpu.memref_slice %arg4[%dma_start3A_169, %dma_start3A_178] : memref<50x16384xi32, #tpu.memory_space<hbm>> -> memref<1x16384xi32, #tpu.memory_space<hbm>>
    %dma_start3A_180 = tpu.memref_squeeze %dma_start3A_179 : memref<1x16384xi32, #tpu.memory_space<hbm>> -> memref<16384xi32, #tpu.memory_space<hbm>>
    %dma_start3A_181 = tpu.memref_slice %dma_start3A_180[%mul3A_0] : memref<16384xi32, #tpu.memory_space<hbm>> -> memref<1024xi32, #tpu.memory_space<hbm>>
    tpu.enqueue_dma source(%dma_start3A_181 : memref<1024xi32, #tpu.memory_space<hbm>>) target(%dma_start3A_177 : memref<1024xi32, #tpu.memory_space<vmem>>) target_semaphore(%arg10 : memref<!tpu.dma_semaphore, #tpu.memory_space<semaphore_mem>>)
    %dma_start3A_182 = arith.constant 14 : i32
    %dma_start3A_183 = arith.constant 14336 : i32
    %dma_start3A_184 = tpu.memref_slice %arg7[%dma_start3A_183] : memref<51200xi32, #tpu.memory_space<vmem>> -> memref<1024xi32, #tpu.memory_space<vmem>>
    %dma_start3A_185 = arith.constant 0 : i32
    %dma_start3A_186 = tpu.memref_slice %arg4[%dma_start3A_182, %dma_start3A_185] : memref<50x16384xi32, #tpu.memory_space<hbm>> -> memref<1x16384xi32, #tpu.memory_space<hbm>>
    %dma_start3A_187 = tpu.memref_squeeze %dma_start3A_186 : memref<1x16384xi32, #tpu.memory_space<hbm>> -> memref<16384xi32, #tpu.memory_space<hbm>>
    %dma_start3A_188 = tpu.memref_slice %dma_start3A_187[%mul3A_0] : memref<16384xi32, #tpu.memory_space<hbm>> -> memref<1024xi32, #tpu.memory_space<hbm>>
    %dma_start3A_189 = arith.constant 14336 : i32
    %dma_start3A_190 = tpu.memref_slice %arg7[%dma_start3A_189] : memref<51200xi32, #tpu.memory_space<vmem>> -> memref<1024xi32, #tpu.memory_space<vmem>>
    %dma_start3A_191 = arith.constant 0 : i32
    %dma_start3A_192 = tpu.memref_slice %arg4[%dma_start3A_182, %dma_start3A_191] : memref<50x16384xi32, #tpu.memory_space<hbm>> -> memref<1x16384xi32, #tpu.memory_space<hbm>>
    %dma_start3A_193 = tpu.memref_squeeze %dma_start3A_192 : memref<1x16384xi32, #tpu.memory_space<hbm>> -> memref<16384xi32, #tpu.memory_space<hbm>>
    %dma_start3A_194 = tpu.memref_slice %dma_start3A_193[%mul3A_0] : memref<16384xi32, #tpu.memory_space<hbm>> -> memref<1024xi32, #tpu.memory_space<hbm>>
    tpu.enqueue_dma source(%dma_start3A_194 : memref<1024xi32, #tpu.memory_space<hbm>>) target(%dma_start3A_190 : memref<1024xi32, #tpu.memory_space<vmem>>) target_semaphore(%arg10 : memref<!tpu.dma_semaphore, #tpu.memory_space<semaphore_mem>>)
    %dma_start3A_195 = arith.constant 15 : i32
    %dma_start3A_196 = arith.constant 15360 : i32
    %dma_start3A_197 = tpu.memref_slice %arg7[%dma_start3A_196] : memref<51200xi32, #tpu.memory_space<vmem>> -> memref<1024xi32, #tpu.memory_space<vmem>>
    %dma_start3A_198 = arith.constant 0 : i32
    %dma_start3A_199 = tpu.memref_slice %arg4[%dma_start3A_195, %dma_start3A_198] : memref<50x16384xi32, #tpu.memory_space<hbm>> -> memref<1x16384xi32, #tpu.memory_space<hbm>>
    %dma_start3A_200 = tpu.memref_squeeze %dma_start3A_199 : memref<1x16384xi32, #tpu.memory_space<hbm>> -> memref<16384xi32, #tpu.memory_space<hbm>>
    %dma_start3A_201 = tpu.memref_slice %dma_start3A_200[%mul3A_0] : memref<16384xi32, #tpu.memory_space<hbm>> -> memref<1024xi32, #tpu.memory_space<hbm>>
    %dma_start3A_202 = arith.constant 15360 : i32
    %dma_start3A_203 = tpu.memref_slice %arg7[%dma_start3A_202] : memref<51200xi32, #tpu.memory_space<vmem>> -> memref<1024xi32, #tpu.memory_space<vmem>>
    %dma_start3A_204 = arith.constant 0 : i32
    %dma_start3A_205 = tpu.memref_slice %arg4[%dma_start3A_195, %dma_start3A_204] : memref<50x16384xi32, #tpu.memory_space<hbm>> -> memref<1x16384xi32, #tpu.memory_space<hbm>>
    %dma_start3A_206 = tpu.memref_squeeze %dma_start3A_205 : memref<1x16384xi32, #tpu.memory_space<hbm>> -> memref<16384xi32, #tpu.memory_space<hbm>>
    %dma_start3A_207 = tpu.memref_slice %dma_start3A_206[%mul3A_0] : memref<16384xi32, #tpu.memory_space<hbm>> -> memref<1024xi32, #tpu.memory_space<hbm>>
    tpu.enqueue_dma source(%dma_start3A_207 : memref<1024xi32, #tpu.memory_space<hbm>>) target(%dma_start3A_203 : memref<1024xi32, #tpu.memory_space<vmem>>) target_semaphore(%arg10 : memref<!tpu.dma_semaphore, #tpu.memory_space<semaphore_mem>>)
    %dma_start3A_208 = arith.constant 16 : i32
    %dma_start3A_209 = arith.constant 16384 : i32
    %dma_start3A_210 = tpu.memref_slice %arg7[%dma_start3A_209] : memref<51200xi32, #tpu.memory_space<vmem>> -> memref<1024xi32, #tpu.memory_space<vmem>>
    %dma_start3A_211 = arith.constant 0 : i32
    %dma_start3A_212 = tpu.memref_slice %arg4[%dma_start3A_208, %dma_start3A_211] : memref<50x16384xi32, #tpu.memory_space<hbm>> -> memref<1x16384xi32, #tpu.memory_space<hbm>>
    %dma_start3A_213 = tpu.memref_squeeze %dma_start3A_212 : memref<1x16384xi32, #tpu.memory_space<hbm>> -> memref<16384xi32, #tpu.memory_space<hbm>>
    %dma_start3A_214 = tpu.memref_slice %dma_start3A_213[%mul3A_0] : memref<16384xi32, #tpu.memory_space<hbm>> -> memref<1024xi32, #tpu.memory_space<hbm>>
    %dma_start3A_215 = arith.constant 16384 : i32
    %dma_start3A_216 = tpu.memref_slice %arg7[%dma_start3A_215] : memref<51200xi32, #tpu.memory_space<vmem>> -> memref<1024xi32, #tpu.memory_space<vmem>>
    %dma_start3A_217 = arith.constant 0 : i32
    %dma_start3A_218 = tpu.memref_slice %arg4[%dma_start3A_208, %dma_start3A_217] : memref<50x16384xi32, #tpu.memory_space<hbm>> -> memref<1x16384xi32, #tpu.memory_space<hbm>>
    %dma_start3A_219 = tpu.memref_squeeze %dma_start3A_218 : memref<1x16384xi32, #tpu.memory_space<hbm>> -> memref<16384xi32, #tpu.memory_space<hbm>>
    %dma_start3A_220 = tpu.memref_slice %dma_start3A_219[%mul3A_0] : memref<16384xi32, #tpu.memory_space<hbm>> -> memref<1024xi32, #tpu.memory_space<hbm>>
    tpu.enqueue_dma source(%dma_start3A_220 : memref<1024xi32, #tpu.memory_space<hbm>>) target(%dma_start3A_216 : memref<1024xi32, #tpu.memory_space<vmem>>) target_semaphore(%arg10 : memref<!tpu.dma_semaphore, #tpu.memory_space<semaphore_mem>>)
    %dma_start3A_221 = arith.constant 17 : i32
    %dma_start3A_222 = arith.constant 17408 : i32
    %dma_start3A_223 = tpu.memref_slice %arg7[%dma_start3A_222] : memref<51200xi32, #tpu.memory_space<vmem>> -> memref<1024xi32, #tpu.memory_space<vmem>>
    %dma_start3A_224 = arith.constant 0 : i32
    %dma_start3A_225 = tpu.memref_slice %arg4[%dma_start3A_221, %dma_start3A_224] : memref<50x16384xi32, #tpu.memory_space<hbm>> -> memref<1x16384xi32, #tpu.memory_space<hbm>>
    %dma_start3A_226 = tpu.memref_squeeze %dma_start3A_225 : memref<1x16384xi32, #tpu.memory_space<hbm>> -> memref<16384xi32, #tpu.memory_space<hbm>>
    %dma_start3A_227 = tpu.memref_slice %dma_start3A_226[%mul3A_0] : memref<16384xi32, #tpu.memory_space<hbm>> -> memref<1024xi32, #tpu.memory_space<hbm>>
    %dma_start3A_228 = arith.constant 17408 : i32
    %dma_start3A_229 = tpu.memref_slice %arg7[%dma_start3A_228] : memref<51200xi32, #tpu.memory_space<vmem>> -> memref<1024xi32, #tpu.memory_space<vmem>>
    %dma_start3A_230 = arith.constant 0 : i32
    %dma_start3A_231 = tpu.memref_slice %arg4[%dma_start3A_221, %dma_start3A_230] : memref<50x16384xi32, #tpu.memory_space<hbm>> -> memref<1x16384xi32, #tpu.memory_space<hbm>>
    %dma_start3A_232 = tpu.memref_squeeze %dma_start3A_231 : memref<1x16384xi32, #tpu.memory_space<hbm>> -> memref<16384xi32, #tpu.memory_space<hbm>>
    %dma_start3A_233 = tpu.memref_slice %dma_start3A_232[%mul3A_0] : memref<16384xi32, #tpu.memory_space<hbm>> -> memref<1024xi32, #tpu.memory_space<hbm>>
    tpu.enqueue_dma source(%dma_start3A_233 : memref<1024xi32, #tpu.memory_space<hbm>>) target(%dma_start3A_229 : memref<1024xi32, #tpu.memory_space<vmem>>) target_semaphore(%arg10 : memref<!tpu.dma_semaphore, #tpu.memory_space<semaphore_mem>>)
    %dma_start3A_234 = arith.constant 18 : i32
    %dma_start3A_235 = arith.constant 18432 : i32
    %dma_start3A_236 = tpu.memref_slice %arg7[%dma_start3A_235] : memref<51200xi32, #tpu.memory_space<vmem>> -> memref<1024xi32, #tpu.memory_space<vmem>>
    %dma_start3A_237 = arith.constant 0 : i32
    %dma_start3A_238 = tpu.memref_slice %arg4[%dma_start3A_234, %dma_start3A_237] : memref<50x16384xi32, #tpu.memory_space<hbm>> -> memref<1x16384xi32, #tpu.memory_space<hbm>>
    %dma_start3A_239 = tpu.memref_squeeze %dma_start3A_238 : memref<1x16384xi32, #tpu.memory_space<hbm>> -> memref<16384xi32, #tpu.memory_space<hbm>>
    %dma_start3A_240 = tpu.memref_slice %dma_start3A_239[%mul3A_0] : memref<16384xi32, #tpu.memory_space<hbm>> -> memref<1024xi32, #tpu.memory_space<hbm>>
    %dma_start3A_241 = arith.constant 18432 : i32
    %dma_start3A_242 = tpu.memref_slice %arg7[%dma_start3A_241] : memref<51200xi32, #tpu.memory_space<vmem>> -> memref<1024xi32, #tpu.memory_space<vmem>>
    %dma_start3A_243 = arith.constant 0 : i32
    %dma_start3A_244 = tpu.memref_slice %arg4[%dma_start3A_234, %dma_start3A_243] : memref<50x16384xi32, #tpu.memory_space<hbm>> -> memref<1x16384xi32, #tpu.memory_space<hbm>>
    %dma_start3A_245 = tpu.memref_squeeze %dma_start3A_244 : memref<1x16384xi32, #tpu.memory_space<hbm>> -> memref<16384xi32, #tpu.memory_space<hbm>>
    %dma_start3A_246 = tpu.memref_slice %dma_start3A_245[%mul3A_0] : memref<16384xi32, #tpu.memory_space<hbm>> -> memref<1024xi32, #tpu.memory_space<hbm>>
    tpu.enqueue_dma source(%dma_start3A_246 : memref<1024xi32, #tpu.memory_space<hbm>>) target(%dma_start3A_242 : memref<1024xi32, #tpu.memory_space<vmem>>) target_semaphore(%arg10 : memref<!tpu.dma_semaphore, #tpu.memory_space<semaphore_mem>>)
    %dma_start3A_247 = arith.constant 19 : i32
    %dma_start3A_248 = arith.constant 19456 : i32
    %dma_start3A_249 = tpu.memref_slice %arg7[%dma_start3A_248] : memref<51200xi32, #tpu.memory_space<vmem>> -> memref<1024xi32, #tpu.memory_space<vmem>>
    %dma_start3A_250 = arith.constant 0 : i32
    %dma_start3A_251 = tpu.memref_slice %arg4[%dma_start3A_247, %dma_start3A_250] : memref<50x16384xi32, #tpu.memory_space<hbm>> -> memref<1x16384xi32, #tpu.memory_space<hbm>>
    %dma_start3A_252 = tpu.memref_squeeze %dma_start3A_251 : memref<1x16384xi32, #tpu.memory_space<hbm>> -> memref<16384xi32, #tpu.memory_space<hbm>>
    %dma_start3A_253 = tpu.memref_slice %dma_start3A_252[%mul3A_0] : memref<16384xi32, #tpu.memory_space<hbm>> -> memref<1024xi32, #tpu.memory_space<hbm>>
    %dma_start3A_254 = arith.constant 19456 : i32
    %dma_start3A_255 = tpu.memref_slice %arg7[%dma_start3A_254] : memref<51200xi32, #tpu.memory_space<vmem>> -> memref<1024xi32, #tpu.memory_space<vmem>>
    %dma_start3A_256 = arith.constant 0 : i32
    %dma_start3A_257 = tpu.memref_slice %arg4[%dma_start3A_247, %dma_start3A_256] : memref<50x16384xi32, #tpu.memory_space<hbm>> -> memref<1x16384xi32, #tpu.memory_space<hbm>>
    %dma_start3A_258 = tpu.memref_squeeze %dma_start3A_257 : memref<1x16384xi32, #tpu.memory_space<hbm>> -> memref<16384xi32, #tpu.memory_space<hbm>>
    %dma_start3A_259 = tpu.memref_slice %dma_start3A_258[%mul3A_0] : memref<16384xi32, #tpu.memory_space<hbm>> -> memref<1024xi32, #tpu.memory_space<hbm>>
    tpu.enqueue_dma source(%dma_start3A_259 : memref<1024xi32, #tpu.memory_space<hbm>>) target(%dma_start3A_255 : memref<1024xi32, #tpu.memory_space<vmem>>) target_semaphore(%arg10 : memref<!tpu.dma_semaphore, #tpu.memory_space<semaphore_mem>>)
    %dma_start3A_260 = arith.constant 20 : i32
    %dma_start3A_261 = arith.constant 20480 : i32
    %dma_start3A_262 = tpu.memref_slice %arg7[%dma_start3A_261] : memref<51200xi32, #tpu.memory_space<vmem>> -> memref<1024xi32, #tpu.memory_space<vmem>>
    %dma_start3A_263 = arith.constant 0 : i32
    %dma_start3A_264 = tpu.memref_slice %arg4[%dma_start3A_260, %dma_start3A_263] : memref<50x16384xi32, #tpu.memory_space<hbm>> -> memref<1x16384xi32, #tpu.memory_space<hbm>>
    %dma_start3A_265 = tpu.memref_squeeze %dma_start3A_264 : memref<1x16384xi32, #tpu.memory_space<hbm>> -> memref<16384xi32, #tpu.memory_space<hbm>>
    %dma_start3A_266 = tpu.memref_slice %dma_start3A_265[%mul3A_0] : memref<16384xi32, #tpu.memory_space<hbm>> -> memref<1024xi32, #tpu.memory_space<hbm>>
    %dma_start3A_267 = arith.constant 20480 : i32
    %dma_start3A_268 = tpu.memref_slice %arg7[%dma_start3A_267] : memref<51200xi32, #tpu.memory_space<vmem>> -> memref<1024xi32, #tpu.memory_space<vmem>>
    %dma_start3A_269 = arith.constant 0 : i32
    %dma_start3A_270 = tpu.memref_slice %arg4[%dma_start3A_260, %dma_start3A_269] : memref<50x16384xi32, #tpu.memory_space<hbm>> -> memref<1x16384xi32, #tpu.memory_space<hbm>>
    %dma_start3A_271 = tpu.memref_squeeze %dma_start3A_270 : memref<1x16384xi32, #tpu.memory_space<hbm>> -> memref<16384xi32, #tpu.memory_space<hbm>>
    %dma_start3A_272 = tpu.memref_slice %dma_start3A_271[%mul3A_0] : memref<16384xi32, #tpu.memory_space<hbm>> -> memref<1024xi32, #tpu.memory_space<hbm>>
    tpu.enqueue_dma source(%dma_start3A_272 : memref<1024xi32, #tpu.memory_space<hbm>>) target(%dma_start3A_268 : memref<1024xi32, #tpu.memory_space<vmem>>) target_semaphore(%arg10 : memref<!tpu.dma_semaphore, #tpu.memory_space<semaphore_mem>>)
    %dma_start3A_273 = arith.constant 21 : i32
    %dma_start3A_274 = arith.constant 21504 : i32
    %dma_start3A_275 = tpu.memref_slice %arg7[%dma_start3A_274] : memref<51200xi32, #tpu.memory_space<vmem>> -> memref<1024xi32, #tpu.memory_space<vmem>>
    %dma_start3A_276 = arith.constant 0 : i32
    %dma_start3A_277 = tpu.memref_slice %arg4[%dma_start3A_273, %dma_start3A_276] : memref<50x16384xi32, #tpu.memory_space<hbm>> -> memref<1x16384xi32, #tpu.memory_space<hbm>>
    %dma_start3A_278 = tpu.memref_squeeze %dma_start3A_277 : memref<1x16384xi32, #tpu.memory_space<hbm>> -> memref<16384xi32, #tpu.memory_space<hbm>>
    %dma_start3A_279 = tpu.memref_slice %dma_start3A_278[%mul3A_0] : memref<16384xi32, #tpu.memory_space<hbm>> -> memref<1024xi32, #tpu.memory_space<hbm>>
    %dma_start3A_280 = arith.constant 21504 : i32
    %dma_start3A_281 = tpu.memref_slice %arg7[%dma_start3A_280] : memref<51200xi32, #tpu.memory_space<vmem>> -> memref<1024xi32, #tpu.memory_space<vmem>>
    %dma_start3A_282 = arith.constant 0 : i32
    %dma_start3A_283 = tpu.memref_slice %arg4[%dma_start3A_273, %dma_start3A_282] : memref<50x16384xi32, #tpu.memory_space<hbm>> -> memref<1x16384xi32, #tpu.memory_space<hbm>>
    %dma_start3A_284 = tpu.memref_squeeze %dma_start3A_283 : memref<1x16384xi32, #tpu.memory_space<hbm>> -> memref<16384xi32, #tpu.memory_space<hbm>>
    %dma_start3A_285 = tpu.memref_slice %dma_start3A_284[%mul3A_0] : memref<16384xi32, #tpu.memory_space<hbm>> -> memref<1024xi32, #tpu.memory_space<hbm>>
    tpu.enqueue_dma source(%dma_start3A_285 : memref<1024xi32, #tpu.memory_space<hbm>>) target(%dma_start3A_281 : memref<1024xi32, #tpu.memory_space<vmem>>) target_semaphore(%arg10 : memref<!tpu.dma_semaphore, #tpu.memory_space<semaphore_mem>>)
    %dma_start3A_286 = arith.constant 22 : i32
    %dma_start3A_287 = arith.constant 22528 : i32
    %dma_start3A_288 = tpu.memref_slice %arg7[%dma_start3A_287] : memref<51200xi32, #tpu.memory_space<vmem>> -> memref<1024xi32, #tpu.memory_space<vmem>>
    %dma_start3A_289 = arith.constant 0 : i32
    %dma_start3A_290 = tpu.memref_slice %arg4[%dma_start3A_286, %dma_start3A_289] : memref<50x16384xi32, #tpu.memory_space<hbm>> -> memref<1x16384xi32, #tpu.memory_space<hbm>>
    %dma_start3A_291 = tpu.memref_squeeze %dma_start3A_290 : memref<1x16384xi32, #tpu.memory_space<hbm>> -> memref<16384xi32, #tpu.memory_space<hbm>>
    %dma_start3A_292 = tpu.memref_slice %dma_start3A_291[%mul3A_0] : memref<16384xi32, #tpu.memory_space<hbm>> -> memref<1024xi32, #tpu.memory_space<hbm>>
    %dma_start3A_293 = arith.constant 22528 : i32
    %dma_start3A_294 = tpu.memref_slice %arg7[%dma_start3A_293] : memref<51200xi32, #tpu.memory_space<vmem>> -> memref<1024xi32, #tpu.memory_space<vmem>>
    %dma_start3A_295 = arith.constant 0 : i32
    %dma_start3A_296 = tpu.memref_slice %arg4[%dma_start3A_286, %dma_start3A_295] : memref<50x16384xi32, #tpu.memory_space<hbm>> -> memref<1x16384xi32, #tpu.memory_space<hbm>>
    %dma_start3A_297 = tpu.memref_squeeze %dma_start3A_296 : memref<1x16384xi32, #tpu.memory_space<hbm>> -> memref<16384xi32, #tpu.memory_space<hbm>>
    %dma_start3A_298 = tpu.memref_slice %dma_start3A_297[%mul3A_0] : memref<16384xi32, #tpu.memory_space<hbm>> -> memref<1024xi32, #tpu.memory_space<hbm>>
    tpu.enqueue_dma source(%dma_start3A_298 : memref<1024xi32, #tpu.memory_space<hbm>>) target(%dma_start3A_294 : memref<1024xi32, #tpu.memory_space<vmem>>) target_semaphore(%arg10 : memref<!tpu.dma_semaphore, #tpu.memory_space<semaphore_mem>>)
    %dma_start3A_299 = arith.constant 23 : i32
    %dma_start3A_300 = arith.constant 23552 : i32
    %dma_start3A_301 = tpu.memref_slice %arg7[%dma_start3A_300] : memref<51200xi32, #tpu.memory_space<vmem>> -> memref<1024xi32, #tpu.memory_space<vmem>>
    %dma_start3A_302 = arith.constant 0 : i32
    %dma_start3A_303 = tpu.memref_slice %arg4[%dma_start3A_299, %dma_start3A_302] : memref<50x16384xi32, #tpu.memory_space<hbm>> -> memref<1x16384xi32, #tpu.memory_space<hbm>>
    %dma_start3A_304 = tpu.memref_squeeze %dma_start3A_303 : memref<1x16384xi32, #tpu.memory_space<hbm>> -> memref<16384xi32, #tpu.memory_space<hbm>>
    %dma_start3A_305 = tpu.memref_slice %dma_start3A_304[%mul3A_0] : memref<16384xi32, #tpu.memory_space<hbm>> -> memref<1024xi32, #tpu.memory_space<hbm>>
    %dma_start3A_306 = arith.constant 23552 : i32
    %dma_start3A_307 = tpu.memref_slice %arg7[%dma_start3A_306] : memref<51200xi32, #tpu.memory_space<vmem>> -> memref<1024xi32, #tpu.memory_space<vmem>>
    %dma_start3A_308 = arith.constant 0 : i32
    %dma_start3A_309 = tpu.memref_slice %arg4[%dma_start3A_299, %dma_start3A_308] : memref<50x16384xi32, #tpu.memory_space<hbm>> -> memref<1x16384xi32, #tpu.memory_space<hbm>>
    %dma_start3A_310 = tpu.memref_squeeze %dma_start3A_309 : memref<1x16384xi32, #tpu.memory_space<hbm>> -> memref<16384xi32, #tpu.memory_space<hbm>>
    %dma_start3A_311 = tpu.memref_slice %dma_start3A_310[%mul3A_0] : memref<16384xi32, #tpu.memory_space<hbm>> -> memref<1024xi32, #tpu.memory_space<hbm>>
    tpu.enqueue_dma source(%dma_start3A_311 : memref<1024xi32, #tpu.memory_space<hbm>>) target(%dma_start3A_307 : memref<1024xi32, #tpu.memory_space<vmem>>) target_semaphore(%arg10 : memref<!tpu.dma_semaphore, #tpu.memory_space<semaphore_mem>>)
    %dma_start3A_312 = arith.constant 24 : i32
    %dma_start3A_313 = arith.constant 24576 : i32
    %dma_start3A_314 = tpu.memref_slice %arg7[%dma_start3A_313] : memref<51200xi32, #tpu.memory_space<vmem>> -> memref<1024xi32, #tpu.memory_space<vmem>>
    %dma_start3A_315 = arith.constant 0 : i32
    %dma_start3A_316 = tpu.memref_slice %arg4[%dma_start3A_312, %dma_start3A_315] : memref<50x16384xi32, #tpu.memory_space<hbm>> -> memref<1x16384xi32, #tpu.memory_space<hbm>>
    %dma_start3A_317 = tpu.memref_squeeze %dma_start3A_316 : memref<1x16384xi32, #tpu.memory_space<hbm>> -> memref<16384xi32, #tpu.memory_space<hbm>>
    %dma_start3A_318 = tpu.memref_slice %dma_start3A_317[%mul3A_0] : memref<16384xi32, #tpu.memory_space<hbm>> -> memref<1024xi32, #tpu.memory_space<hbm>>
    %dma_start3A_319 = arith.constant 24576 : i32
    %dma_start3A_320 = tpu.memref_slice %arg7[%dma_start3A_319] : memref<51200xi32, #tpu.memory_space<vmem>> -> memref<1024xi32, #tpu.memory_space<vmem>>
    %dma_start3A_321 = arith.constant 0 : i32
    %dma_start3A_322 = tpu.memref_slice %arg4[%dma_start3A_312, %dma_start3A_321] : memref<50x16384xi32, #tpu.memory_space<hbm>> -> memref<1x16384xi32, #tpu.memory_space<hbm>>
    %dma_start3A_323 = tpu.memref_squeeze %dma_start3A_322 : memref<1x16384xi32, #tpu.memory_space<hbm>> -> memref<16384xi32, #tpu.memory_space<hbm>>
    %dma_start3A_324 = tpu.memref_slice %dma_start3A_323[%mul3A_0] : memref<16384xi32, #tpu.memory_space<hbm>> -> memref<1024xi32, #tpu.memory_space<hbm>>
    tpu.enqueue_dma source(%dma_start3A_324 : memref<1024xi32, #tpu.memory_space<hbm>>) target(%dma_start3A_320 : memref<1024xi32, #tpu.memory_space<vmem>>) target_semaphore(%arg10 : memref<!tpu.dma_semaphore, #tpu.memory_space<semaphore_mem>>)
    %dma_start3A_325 = arith.constant 25 : i32
    %dma_start3A_326 = arith.constant 25600 : i32
    %dma_start3A_327 = tpu.memref_slice %arg7[%dma_start3A_326] : memref<51200xi32, #tpu.memory_space<vmem>> -> memref<1024xi32, #tpu.memory_space<vmem>>
    %dma_start3A_328 = arith.constant 0 : i32
    %dma_start3A_329 = tpu.memref_slice %arg4[%dma_start3A_325, %dma_start3A_328] : memref<50x16384xi32, #tpu.memory_space<hbm>> -> memref<1x16384xi32, #tpu.memory_space<hbm>>
    %dma_start3A_330 = tpu.memref_squeeze %dma_start3A_329 : memref<1x16384xi32, #tpu.memory_space<hbm>> -> memref<16384xi32, #tpu.memory_space<hbm>>
    %dma_start3A_331 = tpu.memref_slice %dma_start3A_330[%mul3A_0] : memref<16384xi32, #tpu.memory_space<hbm>> -> memref<1024xi32, #tpu.memory_space<hbm>>
    %dma_start3A_332 = arith.constant 25600 : i32
    %dma_start3A_333 = tpu.memref_slice %arg7[%dma_start3A_332] : memref<51200xi32, #tpu.memory_space<vmem>> -> memref<1024xi32, #tpu.memory_space<vmem>>
    %dma_start3A_334 = arith.constant 0 : i32
    %dma_start3A_335 = tpu.memref_slice %arg4[%dma_start3A_325, %dma_start3A_334] : memref<50x16384xi32, #tpu.memory_space<hbm>> -> memref<1x16384xi32, #tpu.memory_space<hbm>>
    %dma_start3A_336 = tpu.memref_squeeze %dma_start3A_335 : memref<1x16384xi32, #tpu.memory_space<hbm>> -> memref<16384xi32, #tpu.memory_space<hbm>>
    %dma_start3A_337 = tpu.memref_slice %dma_start3A_336[%mul3A_0] : memref<16384xi32, #tpu.memory_space<hbm>> -> memref<1024xi32, #tpu.memory_space<hbm>>
    tpu.enqueue_dma source(%dma_start3A_337 : memref<1024xi32, #tpu.memory_space<hbm>>) target(%dma_start3A_333 : memref<1024xi32, #tpu.memory_space<vmem>>) target_semaphore(%arg10 : memref<!tpu.dma_semaphore, #tpu.memory_space<semaphore_mem>>)
    %dma_start3A_338 = arith.constant 26 : i32
    %dma_start3A_339 = arith.constant 26624 : i32
    %dma_start3A_340 = tpu.memref_slice %arg7[%dma_start3A_339] : memref<51200xi32, #tpu.memory_space<vmem>> -> memref<1024xi32, #tpu.memory_space<vmem>>
    %dma_start3A_341 = arith.constant 0 : i32
    %dma_start3A_342 = tpu.memref_slice %arg4[%dma_start3A_338, %dma_start3A_341] : memref<50x16384xi32, #tpu.memory_space<hbm>> -> memref<1x16384xi32, #tpu.memory_space<hbm>>
    %dma_start3A_343 = tpu.memref_squeeze %dma_start3A_342 : memref<1x16384xi32, #tpu.memory_space<hbm>> -> memref<16384xi32, #tpu.memory_space<hbm>>
    %dma_start3A_344 = tpu.memref_slice %dma_start3A_343[%mul3A_0] : memref<16384xi32, #tpu.memory_space<hbm>> -> memref<1024xi32, #tpu.memory_space<hbm>>
    %dma_start3A_345 = arith.constant 26624 : i32
    %dma_start3A_346 = tpu.memref_slice %arg7[%dma_start3A_345] : memref<51200xi32, #tpu.memory_space<vmem>> -> memref<1024xi32, #tpu.memory_space<vmem>>
    %dma_start3A_347 = arith.constant 0 : i32
    %dma_start3A_348 = tpu.memref_slice %arg4[%dma_start3A_338, %dma_start3A_347] : memref<50x16384xi32, #tpu.memory_space<hbm>> -> memref<1x16384xi32, #tpu.memory_space<hbm>>
    %dma_start3A_349 = tpu.memref_squeeze %dma_start3A_348 : memref<1x16384xi32, #tpu.memory_space<hbm>> -> memref<16384xi32, #tpu.memory_space<hbm>>
    %dma_start3A_350 = tpu.memref_slice %dma_start3A_349[%mul3A_0] : memref<16384xi32, #tpu.memory_space<hbm>> -> memref<1024xi32, #tpu.memory_space<hbm>>
    tpu.enqueue_dma source(%dma_start3A_350 : memref<1024xi32, #tpu.memory_space<hbm>>) target(%dma_start3A_346 : memref<1024xi32, #tpu.memory_space<vmem>>) target_semaphore(%arg10 : memref<!tpu.dma_semaphore, #tpu.memory_space<semaphore_mem>>)
    %dma_start3A_351 = arith.constant 27 : i32
    %dma_start3A_352 = arith.constant 27648 : i32
    %dma_start3A_353 = tpu.memref_slice %arg7[%dma_start3A_352] : memref<51200xi32, #tpu.memory_space<vmem>> -> memref<1024xi32, #tpu.memory_space<vmem>>
    %dma_start3A_354 = arith.constant 0 : i32
    %dma_start3A_355 = tpu.memref_slice %arg4[%dma_start3A_351, %dma_start3A_354] : memref<50x16384xi32, #tpu.memory_space<hbm>> -> memref<1x16384xi32, #tpu.memory_space<hbm>>
    %dma_start3A_356 = tpu.memref_squeeze %dma_start3A_355 : memref<1x16384xi32, #tpu.memory_space<hbm>> -> memref<16384xi32, #tpu.memory_space<hbm>>
    %dma_start3A_357 = tpu.memref_slice %dma_start3A_356[%mul3A_0] : memref<16384xi32, #tpu.memory_space<hbm>> -> memref<1024xi32, #tpu.memory_space<hbm>>
    %dma_start3A_358 = arith.constant 27648 : i32
    %dma_start3A_359 = tpu.memref_slice %arg7[%dma_start3A_358] : memref<51200xi32, #tpu.memory_space<vmem>> -> memref<1024xi32, #tpu.memory_space<vmem>>
    %dma_start3A_360 = arith.constant 0 : i32
    %dma_start3A_361 = tpu.memref_slice %arg4[%dma_start3A_351, %dma_start3A_360] : memref<50x16384xi32, #tpu.memory_space<hbm>> -> memref<1x16384xi32, #tpu.memory_space<hbm>>
    %dma_start3A_362 = tpu.memref_squeeze %dma_start3A_361 : memref<1x16384xi32, #tpu.memory_space<hbm>> -> memref<16384xi32, #tpu.memory_space<hbm>>
    %dma_start3A_363 = tpu.memref_slice %dma_start3A_362[%mul3A_0] : memref<16384xi32, #tpu.memory_space<hbm>> -> memref<1024xi32, #tpu.memory_space<hbm>>
    tpu.enqueue_dma source(%dma_start3A_363 : memref<1024xi32, #tpu.memory_space<hbm>>) target(%dma_start3A_359 : memref<1024xi32, #tpu.memory_space<vmem>>) target_semaphore(%arg10 : memref<!tpu.dma_semaphore, #tpu.memory_space<semaphore_mem>>)
    %dma_start3A_364 = arith.constant 28 : i32
    %dma_start3A_365 = arith.constant 28672 : i32
    %dma_start3A_366 = tpu.memref_slice %arg7[%dma_start3A_365] : memref<51200xi32, #tpu.memory_space<vmem>> -> memref<1024xi32, #tpu.memory_space<vmem>>
    %dma_start3A_367 = arith.constant 0 : i32
    %dma_start3A_368 = tpu.memref_slice %arg4[%dma_start3A_364, %dma_start3A_367] : memref<50x16384xi32, #tpu.memory_space<hbm>> -> memref<1x16384xi32, #tpu.memory_space<hbm>>
    %dma_start3A_369 = tpu.memref_squeeze %dma_start3A_368 : memref<1x16384xi32, #tpu.memory_space<hbm>> -> memref<16384xi32, #tpu.memory_space<hbm>>
    %dma_start3A_370 = tpu.memref_slice %dma_start3A_369[%mul3A_0] : memref<16384xi32, #tpu.memory_space<hbm>> -> memref<1024xi32, #tpu.memory_space<hbm>>
    %dma_start3A_371 = arith.constant 28672 : i32
    %dma_start3A_372 = tpu.memref_slice %arg7[%dma_start3A_371] : memref<51200xi32, #tpu.memory_space<vmem>> -> memref<1024xi32, #tpu.memory_space<vmem>>
    %dma_start3A_373 = arith.constant 0 : i32
    %dma_start3A_374 = tpu.memref_slice %arg4[%dma_start3A_364, %dma_start3A_373] : memref<50x16384xi32, #tpu.memory_space<hbm>> -> memref<1x16384xi32, #tpu.memory_space<hbm>>
    %dma_start3A_375 = tpu.memref_squeeze %dma_start3A_374 : memref<1x16384xi32, #tpu.memory_space<hbm>> -> memref<16384xi32, #tpu.memory_space<hbm>>
    %dma_start3A_376 = tpu.memref_slice %dma_start3A_375[%mul3A_0] : memref<16384xi32, #tpu.memory_space<hbm>> -> memref<1024xi32, #tpu.memory_space<hbm>>
    tpu.enqueue_dma source(%dma_start3A_376 : memref<1024xi32, #tpu.memory_space<hbm>>) target(%dma_start3A_372 : memref<1024xi32, #tpu.memory_space<vmem>>) target_semaphore(%arg10 : memref<!tpu.dma_semaphore, #tpu.memory_space<semaphore_mem>>)
    %dma_start3A_377 = arith.constant 29 : i32
    %dma_start3A_378 = arith.constant 29696 : i32
    %dma_start3A_379 = tpu.memref_slice %arg7[%dma_start3A_378] : memref<51200xi32, #tpu.memory_space<vmem>> -> memref<1024xi32, #tpu.memory_space<vmem>>
    %dma_start3A_380 = arith.constant 0 : i32
    %dma_start3A_381 = tpu.memref_slice %arg4[%dma_start3A_377, %dma_start3A_380] : memref<50x16384xi32, #tpu.memory_space<hbm>> -> memref<1x16384xi32, #tpu.memory_space<hbm>>
    %dma_start3A_382 = tpu.memref_squeeze %dma_start3A_381 : memref<1x16384xi32, #tpu.memory_space<hbm>> -> memref<16384xi32, #tpu.memory_space<hbm>>
    %dma_start3A_383 = tpu.memref_slice %dma_start3A_382[%mul3A_0] : memref<16384xi32, #tpu.memory_space<hbm>> -> memref<1024xi32, #tpu.memory_space<hbm>>
    %dma_start3A_384 = arith.constant 29696 : i32
    %dma_start3A_385 = tpu.memref_slice %arg7[%dma_start3A_384] : memref<51200xi32, #tpu.memory_space<vmem>> -> memref<1024xi32, #tpu.memory_space<vmem>>
    %dma_start3A_386 = arith.constant 0 : i32
    %dma_start3A_387 = tpu.memref_slice %arg4[%dma_start3A_377, %dma_start3A_386] : memref<50x16384xi32, #tpu.memory_space<hbm>> -> memref<1x16384xi32, #tpu.memory_space<hbm>>
    %dma_start3A_388 = tpu.memref_squeeze %dma_start3A_387 : memref<1x16384xi32, #tpu.memory_space<hbm>> -> memref<16384xi32, #tpu.memory_space<hbm>>
    %dma_start3A_389 = tpu.memref_slice %dma_start3A_388[%mul3A_0] : memref<16384xi32, #tpu.memory_space<hbm>> -> memref<1024xi32, #tpu.memory_space<hbm>>
    tpu.enqueue_dma source(%dma_start3A_389 : memref<1024xi32, #tpu.memory_space<hbm>>) target(%dma_start3A_385 : memref<1024xi32, #tpu.memory_space<vmem>>) target_semaphore(%arg10 : memref<!tpu.dma_semaphore, #tpu.memory_space<semaphore_mem>>)
    %dma_start3A_390 = arith.constant 30 : i32
    %dma_start3A_391 = arith.constant 30720 : i32
    %dma_start3A_392 = tpu.memref_slice %arg7[%dma_start3A_391] : memref<51200xi32, #tpu.memory_space<vmem>> -> memref<1024xi32, #tpu.memory_space<vmem>>
    %dma_start3A_393 = arith.constant 0 : i32
    %dma_start3A_394 = tpu.memref_slice %arg4[%dma_start3A_390, %dma_start3A_393] : memref<50x16384xi32, #tpu.memory_space<hbm>> -> memref<1x16384xi32, #tpu.memory_space<hbm>>
    %dma_start3A_395 = tpu.memref_squeeze %dma_start3A_394 : memref<1x16384xi32, #tpu.memory_space<hbm>> -> memref<16384xi32, #tpu.memory_space<hbm>>
    %dma_start3A_396 = tpu.memref_slice %dma_start3A_395[%mul3A_0] : memref<16384xi32, #tpu.memory_space<hbm>> -> memref<1024xi32, #tpu.memory_space<hbm>>
    %dma_start3A_397 = arith.constant 30720 : i32
    %dma_start3A_398 = tpu.memref_slice %arg7[%dma_start3A_397] : memref<51200xi32, #tpu.memory_space<vmem>> -> memref<1024xi32, #tpu.memory_space<vmem>>
    %dma_start3A_399 = arith.constant 0 : i32
    %dma_start3A_400 = tpu.memref_slice %arg4[%dma_start3A_390, %dma_start3A_399] : memref<50x16384xi32, #tpu.memory_space<hbm>> -> memref<1x16384xi32, #tpu.memory_space<hbm>>
    %dma_start3A_401 = tpu.memref_squeeze %dma_start3A_400 : memref<1x16384xi32, #tpu.memory_space<hbm>> -> memref<16384xi32, #tpu.memory_space<hbm>>
    %dma_start3A_402 = tpu.memref_slice %dma_start3A_401[%mul3A_0] : memref<16384xi32, #tpu.memory_space<hbm>> -> memref<1024xi32, #tpu.memory_space<hbm>>
    tpu.enqueue_dma source(%dma_start3A_402 : memref<1024xi32, #tpu.memory_space<hbm>>) target(%dma_start3A_398 : memref<1024xi32, #tpu.memory_space<vmem>>) target_semaphore(%arg10 : memref<!tpu.dma_semaphore, #tpu.memory_space<semaphore_mem>>)
    %dma_start3A_403 = arith.constant 31 : i32
    %dma_start3A_404 = arith.constant 31744 : i32
    %dma_start3A_405 = tpu.memref_slice %arg7[%dma_start3A_404] : memref<51200xi32, #tpu.memory_space<vmem>> -> memref<1024xi32, #tpu.memory_space<vmem>>
    %dma_start3A_406 = arith.constant 0 : i32
    %dma_start3A_407 = tpu.memref_slice %arg4[%dma_start3A_403, %dma_start3A_406] : memref<50x16384xi32, #tpu.memory_space<hbm>> -> memref<1x16384xi32, #tpu.memory_space<hbm>>
    %dma_start3A_408 = tpu.memref_squeeze %dma_start3A_407 : memref<1x16384xi32, #tpu.memory_space<hbm>> -> memref<16384xi32, #tpu.memory_space<hbm>>
    %dma_start3A_409 = tpu.memref_slice %dma_start3A_408[%mul3A_0] : memref<16384xi32, #tpu.memory_space<hbm>> -> memref<1024xi32, #tpu.memory_space<hbm>>
    %dma_start3A_410 = arith.constant 31744 : i32
    %dma_start3A_411 = tpu.memref_slice %arg7[%dma_start3A_410] : memref<51200xi32, #tpu.memory_space<vmem>> -> memref<1024xi32, #tpu.memory_space<vmem>>
    %dma_start3A_412 = arith.constant 0 : i32
    %dma_start3A_413 = tpu.memref_slice %arg4[%dma_start3A_403, %dma_start3A_412] : memref<50x16384xi32, #tpu.memory_space<hbm>> -> memref<1x16384xi32, #tpu.memory_space<hbm>>
    %dma_start3A_414 = tpu.memref_squeeze %dma_start3A_413 : memref<1x16384xi32, #tpu.memory_space<hbm>> -> memref<16384xi32, #tpu.memory_space<hbm>>
    %dma_start3A_415 = tpu.memref_slice %dma_start3A_414[%mul3A_0] : memref<16384xi32, #tpu.memory_space<hbm>> -> memref<1024xi32, #tpu.memory_space<hbm>>
    tpu.enqueue_dma source(%dma_start3A_415 : memref<1024xi32, #tpu.memory_space<hbm>>) target(%dma_start3A_411 : memref<1024xi32, #tpu.memory_space<vmem>>) target_semaphore(%arg10 : memref<!tpu.dma_semaphore, #tpu.memory_space<semaphore_mem>>)
    %dma_start3A_416 = arith.constant 32 : i32
    %dma_start3A_417 = arith.constant 32768 : i32
    %dma_start3A_418 = tpu.memref_slice %arg7[%dma_start3A_417] : memref<51200xi32, #tpu.memory_space<vmem>> -> memref<1024xi32, #tpu.memory_space<vmem>>
    %dma_start3A_419 = arith.constant 0 : i32
    %dma_start3A_420 = tpu.memref_slice %arg4[%dma_start3A_416, %dma_start3A_419] : memref<50x16384xi32, #tpu.memory_space<hbm>> -> memref<1x16384xi32, #tpu.memory_space<hbm>>
    %dma_start3A_421 = tpu.memref_squeeze %dma_start3A_420 : memref<1x16384xi32, #tpu.memory_space<hbm>> -> memref<16384xi32, #tpu.memory_space<hbm>>
    %dma_start3A_422 = tpu.memref_slice %dma_start3A_421[%mul3A_0] : memref<16384xi32, #tpu.memory_space<hbm>> -> memref<1024xi32, #tpu.memory_space<hbm>>
    %dma_start3A_423 = arith.constant 32768 : i32
    %dma_start3A_424 = tpu.memref_slice %arg7[%dma_start3A_423] : memref<51200xi32, #tpu.memory_space<vmem>> -> memref<1024xi32, #tpu.memory_space<vmem>>
    %dma_start3A_425 = arith.constant 0 : i32
    %dma_start3A_426 = tpu.memref_slice %arg4[%dma_start3A_416, %dma_start3A_425] : memref<50x16384xi32, #tpu.memory_space<hbm>> -> memref<1x16384xi32, #tpu.memory_space<hbm>>
    %dma_start3A_427 = tpu.memref_squeeze %dma_start3A_426 : memref<1x16384xi32, #tpu.memory_space<hbm>> -> memref<16384xi32, #tpu.memory_space<hbm>>
    %dma_start3A_428 = tpu.memref_slice %dma_start3A_427[%mul3A_0] : memref<16384xi32, #tpu.memory_space<hbm>> -> memref<1024xi32, #tpu.memory_space<hbm>>
    tpu.enqueue_dma source(%dma_start3A_428 : memref<1024xi32, #tpu.memory_space<hbm>>) target(%dma_start3A_424 : memref<1024xi32, #tpu.memory_space<vmem>>) target_semaphore(%arg10 : memref<!tpu.dma_semaphore, #tpu.memory_space<semaphore_mem>>)
    %dma_start3A_429 = arith.constant 33 : i32
    %dma_start3A_430 = arith.constant 33792 : i32
    %dma_start3A_431 = tpu.memref_slice %arg7[%dma_start3A_430] : memref<51200xi32, #tpu.memory_space<vmem>> -> memref<1024xi32, #tpu.memory_space<vmem>>
    %dma_start3A_432 = arith.constant 0 : i32
    %dma_start3A_433 = tpu.memref_slice %arg4[%dma_start3A_429, %dma_start3A_432] : memref<50x16384xi32, #tpu.memory_space<hbm>> -> memref<1x16384xi32, #tpu.memory_space<hbm>>
    %dma_start3A_434 = tpu.memref_squeeze %dma_start3A_433 : memref<1x16384xi32, #tpu.memory_space<hbm>> -> memref<16384xi32, #tpu.memory_space<hbm>>
    %dma_start3A_435 = tpu.memref_slice %dma_start3A_434[%mul3A_0] : memref<16384xi32, #tpu.memory_space<hbm>> -> memref<1024xi32, #tpu.memory_space<hbm>>
    %dma_start3A_436 = arith.constant 33792 : i32
    %dma_start3A_437 = tpu.memref_slice %arg7[%dma_start3A_436] : memref<51200xi32, #tpu.memory_space<vmem>> -> memref<1024xi32, #tpu.memory_space<vmem>>
    %dma_start3A_438 = arith.constant 0 : i32
    %dma_start3A_439 = tpu.memref_slice %arg4[%dma_start3A_429, %dma_start3A_438] : memref<50x16384xi32, #tpu.memory_space<hbm>> -> memref<1x16384xi32, #tpu.memory_space<hbm>>
    %dma_start3A_440 = tpu.memref_squeeze %dma_start3A_439 : memref<1x16384xi32, #tpu.memory_space<hbm>> -> memref<16384xi32, #tpu.memory_space<hbm>>
    %dma_start3A_441 = tpu.memref_slice %dma_start3A_440[%mul3A_0] : memref<16384xi32, #tpu.memory_space<hbm>> -> memref<1024xi32, #tpu.memory_space<hbm>>
    tpu.enqueue_dma source(%dma_start3A_441 : memref<1024xi32, #tpu.memory_space<hbm>>) target(%dma_start3A_437 : memref<1024xi32, #tpu.memory_space<vmem>>) target_semaphore(%arg10 : memref<!tpu.dma_semaphore, #tpu.memory_space<semaphore_mem>>)
    %dma_start3A_442 = arith.constant 34 : i32
    %dma_start3A_443 = arith.constant 34816 : i32
    %dma_start3A_444 = tpu.memref_slice %arg7[%dma_start3A_443] : memref<51200xi32, #tpu.memory_space<vmem>> -> memref<1024xi32, #tpu.memory_space<vmem>>
    %dma_start3A_445 = arith.constant 0 : i32
    %dma_start3A_446 = tpu.memref_slice %arg4[%dma_start3A_442, %dma_start3A_445] : memref<50x16384xi32, #tpu.memory_space<hbm>> -> memref<1x16384xi32, #tpu.memory_space<hbm>>
    %dma_start3A_447 = tpu.memref_squeeze %dma_start3A_446 : memref<1x16384xi32, #tpu.memory_space<hbm>> -> memref<16384xi32, #tpu.memory_space<hbm>>
    %dma_start3A_448 = tpu.memref_slice %dma_start3A_447[%mul3A_0] : memref<16384xi32, #tpu.memory_space<hbm>> -> memref<1024xi32, #tpu.memory_space<hbm>>
    %dma_start3A_449 = arith.constant 34816 : i32
    %dma_start3A_450 = tpu.memref_slice %arg7[%dma_start3A_449] : memref<51200xi32, #tpu.memory_space<vmem>> -> memref<1024xi32, #tpu.memory_space<vmem>>
    %dma_start3A_451 = arith.constant 0 : i32
    %dma_start3A_452 = tpu.memref_slice %arg4[%dma_start3A_442, %dma_start3A_451] : memref<50x16384xi32, #tpu.memory_space<hbm>> -> memref<1x16384xi32, #tpu.memory_space<hbm>>
    %dma_start3A_453 = tpu.memref_squeeze %dma_start3A_452 : memref<1x16384xi32, #tpu.memory_space<hbm>> -> memref<16384xi32, #tpu.memory_space<hbm>>
    %dma_start3A_454 = tpu.memref_slice %dma_start3A_453[%mul3A_0] : memref<16384xi32, #tpu.memory_space<hbm>> -> memref<1024xi32, #tpu.memory_space<hbm>>
    tpu.enqueue_dma source(%dma_start3A_454 : memref<1024xi32, #tpu.memory_space<hbm>>) target(%dma_start3A_450 : memref<1024xi32, #tpu.memory_space<vmem>>) target_semaphore(%arg10 : memref<!tpu.dma_semaphore, #tpu.memory_space<semaphore_mem>>)
    %dma_start3A_455 = arith.constant 35 : i32
    %dma_start3A_456 = arith.constant 35840 : i32
    %dma_start3A_457 = tpu.memref_slice %arg7[%dma_start3A_456] : memref<51200xi32, #tpu.memory_space<vmem>> -> memref<1024xi32, #tpu.memory_space<vmem>>
    %dma_start3A_458 = arith.constant 0 : i32
    %dma_start3A_459 = tpu.memref_slice %arg4[%dma_start3A_455, %dma_start3A_458] : memref<50x16384xi32, #tpu.memory_space<hbm>> -> memref<1x16384xi32, #tpu.memory_space<hbm>>
    %dma_start3A_460 = tpu.memref_squeeze %dma_start3A_459 : memref<1x16384xi32, #tpu.memory_space<hbm>> -> memref<16384xi32, #tpu.memory_space<hbm>>
    %dma_start3A_461 = tpu.memref_slice %dma_start3A_460[%mul3A_0] : memref<16384xi32, #tpu.memory_space<hbm>> -> memref<1024xi32, #tpu.memory_space<hbm>>
    %dma_start3A_462 = arith.constant 35840 : i32
    %dma_start3A_463 = tpu.memref_slice %arg7[%dma_start3A_462] : memref<51200xi32, #tpu.memory_space<vmem>> -> memref<1024xi32, #tpu.memory_space<vmem>>
    %dma_start3A_464 = arith.constant 0 : i32
    %dma_start3A_465 = tpu.memref_slice %arg4[%dma_start3A_455, %dma_start3A_464] : memref<50x16384xi32, #tpu.memory_space<hbm>> -> memref<1x16384xi32, #tpu.memory_space<hbm>>
    %dma_start3A_466 = tpu.memref_squeeze %dma_start3A_465 : memref<1x16384xi32, #tpu.memory_space<hbm>> -> memref<16384xi32, #tpu.memory_space<hbm>>
    %dma_start3A_467 = tpu.memref_slice %dma_start3A_466[%mul3A_0] : memref<16384xi32, #tpu.memory_space<hbm>> -> memref<1024xi32, #tpu.memory_space<hbm>>
    tpu.enqueue_dma source(%dma_start3A_467 : memref<1024xi32, #tpu.memory_space<hbm>>) target(%dma_start3A_463 : memref<1024xi32, #tpu.memory_space<vmem>>) target_semaphore(%arg10 : memref<!tpu.dma_semaphore, #tpu.memory_space<semaphore_mem>>)
    %dma_start3A_468 = arith.constant 36 : i32
    %dma_start3A_469 = arith.constant 36864 : i32
    %dma_start3A_470 = tpu.memref_slice %arg7[%dma_start3A_469] : memref<51200xi32, #tpu.memory_space<vmem>> -> memref<1024xi32, #tpu.memory_space<vmem>>
    %dma_start3A_471 = arith.constant 0 : i32
    %dma_start3A_472 = tpu.memref_slice %arg4[%dma_start3A_468, %dma_start3A_471] : memref<50x16384xi32, #tpu.memory_space<hbm>> -> memref<1x16384xi32, #tpu.memory_space<hbm>>
    %dma_start3A_473 = tpu.memref_squeeze %dma_start3A_472 : memref<1x16384xi32, #tpu.memory_space<hbm>> -> memref<16384xi32, #tpu.memory_space<hbm>>
    %dma_start3A_474 = tpu.memref_slice %dma_start3A_473[%mul3A_0] : memref<16384xi32, #tpu.memory_space<hbm>> -> memref<1024xi32, #tpu.memory_space<hbm>>
    %dma_start3A_475 = arith.constant 36864 : i32
    %dma_start3A_476 = tpu.memref_slice %arg7[%dma_start3A_475] : memref<51200xi32, #tpu.memory_space<vmem>> -> memref<1024xi32, #tpu.memory_space<vmem>>
    %dma_start3A_477 = arith.constant 0 : i32
    %dma_start3A_478 = tpu.memref_slice %arg4[%dma_start3A_468, %dma_start3A_477] : memref<50x16384xi32, #tpu.memory_space<hbm>> -> memref<1x16384xi32, #tpu.memory_space<hbm>>
    %dma_start3A_479 = tpu.memref_squeeze %dma_start3A_478 : memref<1x16384xi32, #tpu.memory_space<hbm>> -> memref<16384xi32, #tpu.memory_space<hbm>>
    %dma_start3A_480 = tpu.memref_slice %dma_start3A_479[%mul3A_0] : memref<16384xi32, #tpu.memory_space<hbm>> -> memref<1024xi32, #tpu.memory_space<hbm>>
    tpu.enqueue_dma source(%dma_start3A_480 : memref<1024xi32, #tpu.memory_space<hbm>>) target(%dma_start3A_476 : memref<1024xi32, #tpu.memory_space<vmem>>) target_semaphore(%arg10 : memref<!tpu.dma_semaphore, #tpu.memory_space<semaphore_mem>>)
    %dma_start3A_481 = arith.constant 37 : i32
    %dma_start3A_482 = arith.constant 37888 : i32
    %dma_start3A_483 = tpu.memref_slice %arg7[%dma_start3A_482] : memref<51200xi32, #tpu.memory_space<vmem>> -> memref<1024xi32, #tpu.memory_space<vmem>>
    %dma_start3A_484 = arith.constant 0 : i32
    %dma_start3A_485 = tpu.memref_slice %arg4[%dma_start3A_481, %dma_start3A_484] : memref<50x16384xi32, #tpu.memory_space<hbm>> -> memref<1x16384xi32, #tpu.memory_space<hbm>>
    %dma_start3A_486 = tpu.memref_squeeze %dma_start3A_485 : memref<1x16384xi32, #tpu.memory_space<hbm>> -> memref<16384xi32, #tpu.memory_space<hbm>>
    %dma_start3A_487 = tpu.memref_slice %dma_start3A_486[%mul3A_0] : memref<16384xi32, #tpu.memory_space<hbm>> -> memref<1024xi32, #tpu.memory_space<hbm>>
    %dma_start3A_488 = arith.constant 37888 : i32
    %dma_start3A_489 = tpu.memref_slice %arg7[%dma_start3A_488] : memref<51200xi32, #tpu.memory_space<vmem>> -> memref<1024xi32, #tpu.memory_space<vmem>>
    %dma_start3A_490 = arith.constant 0 : i32
    %dma_start3A_491 = tpu.memref_slice %arg4[%dma_start3A_481, %dma_start3A_490] : memref<50x16384xi32, #tpu.memory_space<hbm>> -> memref<1x16384xi32, #tpu.memory_space<hbm>>
    %dma_start3A_492 = tpu.memref_squeeze %dma_start3A_491 : memref<1x16384xi32, #tpu.memory_space<hbm>> -> memref<16384xi32, #tpu.memory_space<hbm>>
    %dma_start3A_493 = tpu.memref_slice %dma_start3A_492[%mul3A_0] : memref<16384xi32, #tpu.memory_space<hbm>> -> memref<1024xi32, #tpu.memory_space<hbm>>
    tpu.enqueue_dma source(%dma_start3A_493 : memref<1024xi32, #tpu.memory_space<hbm>>) target(%dma_start3A_489 : memref<1024xi32, #tpu.memory_space<vmem>>) target_semaphore(%arg10 : memref<!tpu.dma_semaphore, #tpu.memory_space<semaphore_mem>>)
    %dma_start3A_494 = arith.constant 38 : i32
    %dma_start3A_495 = arith.constant 38912 : i32
    %dma_start3A_496 = tpu.memref_slice %arg7[%dma_start3A_495] : memref<51200xi32, #tpu.memory_space<vmem>> -> memref<1024xi32, #tpu.memory_space<vmem>>
    %dma_start3A_497 = arith.constant 0 : i32
    %dma_start3A_498 = tpu.memref_slice %arg4[%dma_start3A_494, %dma_start3A_497] : memref<50x16384xi32, #tpu.memory_space<hbm>> -> memref<1x16384xi32, #tpu.memory_space<hbm>>
    %dma_start3A_499 = tpu.memref_squeeze %dma_start3A_498 : memref<1x16384xi32, #tpu.memory_space<hbm>> -> memref<16384xi32, #tpu.memory_space<hbm>>
    %dma_start3A_500 = tpu.memref_slice %dma_start3A_499[%mul3A_0] : memref<16384xi32, #tpu.memory_space<hbm>> -> memref<1024xi32, #tpu.memory_space<hbm>>
    %dma_start3A_501 = arith.constant 38912 : i32
    %dma_start3A_502 = tpu.memref_slice %arg7[%dma_start3A_501] : memref<51200xi32, #tpu.memory_space<vmem>> -> memref<1024xi32, #tpu.memory_space<vmem>>
    %dma_start3A_503 = arith.constant 0 : i32
    %dma_start3A_504 = tpu.memref_slice %arg4[%dma_start3A_494, %dma_start3A_503] : memref<50x16384xi32, #tpu.memory_space<hbm>> -> memref<1x16384xi32, #tpu.memory_space<hbm>>
    %dma_start3A_505 = tpu.memref_squeeze %dma_start3A_504 : memref<1x16384xi32, #tpu.memory_space<hbm>> -> memref<16384xi32, #tpu.memory_space<hbm>>
    %dma_start3A_506 = tpu.memref_slice %dma_start3A_505[%mul3A_0] : memref<16384xi32, #tpu.memory_space<hbm>> -> memref<1024xi32, #tpu.memory_space<hbm>>
    tpu.enqueue_dma source(%dma_start3A_506 : memref<1024xi32, #tpu.memory_space<hbm>>) target(%dma_start3A_502 : memref<1024xi32, #tpu.memory_space<vmem>>) target_semaphore(%arg10 : memref<!tpu.dma_semaphore, #tpu.memory_space<semaphore_mem>>)
    %dma_start3A_507 = arith.constant 39 : i32
    %dma_start3A_508 = arith.constant 39936 : i32
    %dma_start3A_509 = tpu.memref_slice %arg7[%dma_start3A_508] : memref<51200xi32, #tpu.memory_space<vmem>> -> memref<1024xi32, #tpu.memory_space<vmem>>
    %dma_start3A_510 = arith.constant 0 : i32
    %dma_start3A_511 = tpu.memref_slice %arg4[%dma_start3A_507, %dma_start3A_510] : memref<50x16384xi32, #tpu.memory_space<hbm>> -> memref<1x16384xi32, #tpu.memory_space<hbm>>
    %dma_start3A_512 = tpu.memref_squeeze %dma_start3A_511 : memref<1x16384xi32, #tpu.memory_space<hbm>> -> memref<16384xi32, #tpu.memory_space<hbm>>
    %dma_start3A_513 = tpu.memref_slice %dma_start3A_512[%mul3A_0] : memref<16384xi32, #tpu.memory_space<hbm>> -> memref<1024xi32, #tpu.memory_space<hbm>>
    %dma_start3A_514 = arith.constant 39936 : i32
    %dma_start3A_515 = tpu.memref_slice %arg7[%dma_start3A_514] : memref<51200xi32, #tpu.memory_space<vmem>> -> memref<1024xi32, #tpu.memory_space<vmem>>
    %dma_start3A_516 = arith.constant 0 : i32
    %dma_start3A_517 = tpu.memref_slice %arg4[%dma_start3A_507, %dma_start3A_516] : memref<50x16384xi32, #tpu.memory_space<hbm>> -> memref<1x16384xi32, #tpu.memory_space<hbm>>
    %dma_start3A_518 = tpu.memref_squeeze %dma_start3A_517 : memref<1x16384xi32, #tpu.memory_space<hbm>> -> memref<16384xi32, #tpu.memory_space<hbm>>
    %dma_start3A_519 = tpu.memref_slice %dma_start3A_518[%mul3A_0] : memref<16384xi32, #tpu.memory_space<hbm>> -> memref<1024xi32, #tpu.memory_space<hbm>>
    tpu.enqueue_dma source(%dma_start3A_519 : memref<1024xi32, #tpu.memory_space<hbm>>) target(%dma_start3A_515 : memref<1024xi32, #tpu.memory_space<vmem>>) target_semaphore(%arg10 : memref<!tpu.dma_semaphore, #tpu.memory_space<semaphore_mem>>)
    %dma_start3A_520 = arith.constant 40 : i32
    %dma_start3A_521 = arith.constant 40960 : i32
    %dma_start3A_522 = tpu.memref_slice %arg7[%dma_start3A_521] : memref<51200xi32, #tpu.memory_space<vmem>> -> memref<1024xi32, #tpu.memory_space<vmem>>
    %dma_start3A_523 = arith.constant 0 : i32
    %dma_start3A_524 = tpu.memref_slice %arg4[%dma_start3A_520, %dma_start3A_523] : memref<50x16384xi32, #tpu.memory_space<hbm>> -> memref<1x16384xi32, #tpu.memory_space<hbm>>
    %dma_start3A_525 = tpu.memref_squeeze %dma_start3A_524 : memref<1x16384xi32, #tpu.memory_space<hbm>> -> memref<16384xi32, #tpu.memory_space<hbm>>
    %dma_start3A_526 = tpu.memref_slice %dma_start3A_525[%mul3A_0] : memref<16384xi32, #tpu.memory_space<hbm>> -> memref<1024xi32, #tpu.memory_space<hbm>>
    %dma_start3A_527 = arith.constant 40960 : i32
    %dma_start3A_528 = tpu.memref_slice %arg7[%dma_start3A_527] : memref<51200xi32, #tpu.memory_space<vmem>> -> memref<1024xi32, #tpu.memory_space<vmem>>
    %dma_start3A_529 = arith.constant 0 : i32
    %dma_start3A_530 = tpu.memref_slice %arg4[%dma_start3A_520, %dma_start3A_529] : memref<50x16384xi32, #tpu.memory_space<hbm>> -> memref<1x16384xi32, #tpu.memory_space<hbm>>
    %dma_start3A_531 = tpu.memref_squeeze %dma_start3A_530 : memref<1x16384xi32, #tpu.memory_space<hbm>> -> memref<16384xi32, #tpu.memory_space<hbm>>
    %dma_start3A_532 = tpu.memref_slice %dma_start3A_531[%mul3A_0] : memref<16384xi32, #tpu.memory_space<hbm>> -> memref<1024xi32, #tpu.memory_space<hbm>>
    tpu.enqueue_dma source(%dma_start3A_532 : memref<1024xi32, #tpu.memory_space<hbm>>) target(%dma_start3A_528 : memref<1024xi32, #tpu.memory_space<vmem>>) target_semaphore(%arg10 : memref<!tpu.dma_semaphore, #tpu.memory_space<semaphore_mem>>)
    %dma_start3A_533 = arith.constant 41 : i32
    %dma_start3A_534 = arith.constant 41984 : i32
    %dma_start3A_535 = tpu.memref_slice %arg7[%dma_start3A_534] : memref<51200xi32, #tpu.memory_space<vmem>> -> memref<1024xi32, #tpu.memory_space<vmem>>
    %dma_start3A_536 = arith.constant 0 : i32
    %dma_start3A_537 = tpu.memref_slice %arg4[%dma_start3A_533, %dma_start3A_536] : memref<50x16384xi32, #tpu.memory_space<hbm>> -> memref<1x16384xi32, #tpu.memory_space<hbm>>
    %dma_start3A_538 = tpu.memref_squeeze %dma_start3A_537 : memref<1x16384xi32, #tpu.memory_space<hbm>> -> memref<16384xi32, #tpu.memory_space<hbm>>
    %dma_start3A_539 = tpu.memref_slice %dma_start3A_538[%mul3A_0] : memref<16384xi32, #tpu.memory_space<hbm>> -> memref<1024xi32, #tpu.memory_space<hbm>>
    %dma_start3A_540 = arith.constant 41984 : i32
    %dma_start3A_541 = tpu.memref_slice %arg7[%dma_start3A_540] : memref<51200xi32, #tpu.memory_space<vmem>> -> memref<1024xi32, #tpu.memory_space<vmem>>
    %dma_start3A_542 = arith.constant 0 : i32
    %dma_start3A_543 = tpu.memref_slice %arg4[%dma_start3A_533, %dma_start3A_542] : memref<50x16384xi32, #tpu.memory_space<hbm>> -> memref<1x16384xi32, #tpu.memory_space<hbm>>
    %dma_start3A_544 = tpu.memref_squeeze %dma_start3A_543 : memref<1x16384xi32, #tpu.memory_space<hbm>> -> memref<16384xi32, #tpu.memory_space<hbm>>
    %dma_start3A_545 = tpu.memref_slice %dma_start3A_544[%mul3A_0] : memref<16384xi32, #tpu.memory_space<hbm>> -> memref<1024xi32, #tpu.memory_space<hbm>>
    tpu.enqueue_dma source(%dma_start3A_545 : memref<1024xi32, #tpu.memory_space<hbm>>) target(%dma_start3A_541 : memref<1024xi32, #tpu.memory_space<vmem>>) target_semaphore(%arg10 : memref<!tpu.dma_semaphore, #tpu.memory_space<semaphore_mem>>)
    %dma_start3A_546 = arith.constant 42 : i32
    %dma_start3A_547 = arith.constant 43008 : i32
    %dma_start3A_548 = tpu.memref_slice %arg7[%dma_start3A_547] : memref<51200xi32, #tpu.memory_space<vmem>> -> memref<1024xi32, #tpu.memory_space<vmem>>
    %dma_start3A_549 = arith.constant 0 : i32
    %dma_start3A_550 = tpu.memref_slice %arg4[%dma_start3A_546, %dma_start3A_549] : memref<50x16384xi32, #tpu.memory_space<hbm>> -> memref<1x16384xi32, #tpu.memory_space<hbm>>
    %dma_start3A_551 = tpu.memref_squeeze %dma_start3A_550 : memref<1x16384xi32, #tpu.memory_space<hbm>> -> memref<16384xi32, #tpu.memory_space<hbm>>
    %dma_start3A_552 = tpu.memref_slice %dma_start3A_551[%mul3A_0] : memref<16384xi32, #tpu.memory_space<hbm>> -> memref<1024xi32, #tpu.memory_space<hbm>>
    %dma_start3A_553 = arith.constant 43008 : i32
    %dma_start3A_554 = tpu.memref_slice %arg7[%dma_start3A_553] : memref<51200xi32, #tpu.memory_space<vmem>> -> memref<1024xi32, #tpu.memory_space<vmem>>
    %dma_start3A_555 = arith.constant 0 : i32
    %dma_start3A_556 = tpu.memref_slice %arg4[%dma_start3A_546, %dma_start3A_555] : memref<50x16384xi32, #tpu.memory_space<hbm>> -> memref<1x16384xi32, #tpu.memory_space<hbm>>
    %dma_start3A_557 = tpu.memref_squeeze %dma_start3A_556 : memref<1x16384xi32, #tpu.memory_space<hbm>> -> memref<16384xi32, #tpu.memory_space<hbm>>
    %dma_start3A_558 = tpu.memref_slice %dma_start3A_557[%mul3A_0] : memref<16384xi32, #tpu.memory_space<hbm>> -> memref<1024xi32, #tpu.memory_space<hbm>>
    tpu.enqueue_dma source(%dma_start3A_558 : memref<1024xi32, #tpu.memory_space<hbm>>) target(%dma_start3A_554 : memref<1024xi32, #tpu.memory_space<vmem>>) target_semaphore(%arg10 : memref<!tpu.dma_semaphore, #tpu.memory_space<semaphore_mem>>)
    %dma_start3A_559 = arith.constant 43 : i32
    %dma_start3A_560 = arith.constant 44032 : i32
    %dma_start3A_561 = tpu.memref_slice %arg7[%dma_start3A_560] : memref<51200xi32, #tpu.memory_space<vmem>> -> memref<1024xi32, #tpu.memory_space<vmem>>
    %dma_start3A_562 = arith.constant 0 : i32
    %dma_start3A_563 = tpu.memref_slice %arg4[%dma_start3A_559, %dma_start3A_562] : memref<50x16384xi32, #tpu.memory_space<hbm>> -> memref<1x16384xi32, #tpu.memory_space<hbm>>
    %dma_start3A_564 = tpu.memref_squeeze %dma_start3A_563 : memref<1x16384xi32, #tpu.memory_space<hbm>> -> memref<16384xi32, #tpu.memory_space<hbm>>
    %dma_start3A_565 = tpu.memref_slice %dma_start3A_564[%mul3A_0] : memref<16384xi32, #tpu.memory_space<hbm>> -> memref<1024xi32, #tpu.memory_space<hbm>>
    %dma_start3A_566 = arith.constant 44032 : i32
    %dma_start3A_567 = tpu.memref_slice %arg7[%dma_start3A_566] : memref<51200xi32, #tpu.memory_space<vmem>> -> memref<1024xi32, #tpu.memory_space<vmem>>
    %dma_start3A_568 = arith.constant 0 : i32
    %dma_start3A_569 = tpu.memref_slice %arg4[%dma_start3A_559, %dma_start3A_568] : memref<50x16384xi32, #tpu.memory_space<hbm>> -> memref<1x16384xi32, #tpu.memory_space<hbm>>
    %dma_start3A_570 = tpu.memref_squeeze %dma_start3A_569 : memref<1x16384xi32, #tpu.memory_space<hbm>> -> memref<16384xi32, #tpu.memory_space<hbm>>
    %dma_start3A_571 = tpu.memref_slice %dma_start3A_570[%mul3A_0] : memref<16384xi32, #tpu.memory_space<hbm>> -> memref<1024xi32, #tpu.memory_space<hbm>>
    tpu.enqueue_dma source(%dma_start3A_571 : memref<1024xi32, #tpu.memory_space<hbm>>) target(%dma_start3A_567 : memref<1024xi32, #tpu.memory_space<vmem>>) target_semaphore(%arg10 : memref<!tpu.dma_semaphore, #tpu.memory_space<semaphore_mem>>)
    %dma_start3A_572 = arith.constant 44 : i32
    %dma_start3A_573 = arith.constant 45056 : i32
    %dma_start3A_574 = tpu.memref_slice %arg7[%dma_start3A_573] : memref<51200xi32, #tpu.memory_space<vmem>> -> memref<1024xi32, #tpu.memory_space<vmem>>
    %dma_start3A_575 = arith.constant 0 : i32
    %dma_start3A_576 = tpu.memref_slice %arg4[%dma_start3A_572, %dma_start3A_575] : memref<50x16384xi32, #tpu.memory_space<hbm>> -> memref<1x16384xi32, #tpu.memory_space<hbm>>
    %dma_start3A_577 = tpu.memref_squeeze %dma_start3A_576 : memref<1x16384xi32, #tpu.memory_space<hbm>> -> memref<16384xi32, #tpu.memory_space<hbm>>
    %dma_start3A_578 = tpu.memref_slice %dma_start3A_577[%mul3A_0] : memref<16384xi32, #tpu.memory_space<hbm>> -> memref<1024xi32, #tpu.memory_space<hbm>>
    %dma_start3A_579 = arith.constant 45056 : i32
    %dma_start3A_580 = tpu.memref_slice %arg7[%dma_start3A_579] : memref<51200xi32, #tpu.memory_space<vmem>> -> memref<1024xi32, #tpu.memory_space<vmem>>
    %dma_start3A_581 = arith.constant 0 : i32
    %dma_start3A_582 = tpu.memref_slice %arg4[%dma_start3A_572, %dma_start3A_581] : memref<50x16384xi32, #tpu.memory_space<hbm>> -> memref<1x16384xi32, #tpu.memory_space<hbm>>
    %dma_start3A_583 = tpu.memref_squeeze %dma_start3A_582 : memref<1x16384xi32, #tpu.memory_space<hbm>> -> memref<16384xi32, #tpu.memory_space<hbm>>
    %dma_start3A_584 = tpu.memref_slice %dma_start3A_583[%mul3A_0] : memref<16384xi32, #tpu.memory_space<hbm>> -> memref<1024xi32, #tpu.memory_space<hbm>>
    tpu.enqueue_dma source(%dma_start3A_584 : memref<1024xi32, #tpu.memory_space<hbm>>) target(%dma_start3A_580 : memref<1024xi32, #tpu.memory_space<vmem>>) target_semaphore(%arg10 : memref<!tpu.dma_semaphore, #tpu.memory_space<semaphore_mem>>)
    %dma_start3A_585 = arith.constant 45 : i32
    %dma_start3A_586 = arith.constant 46080 : i32
    %dma_start3A_587 = tpu.memref_slice %arg7[%dma_start3A_586] : memref<51200xi32, #tpu.memory_space<vmem>> -> memref<1024xi32, #tpu.memory_space<vmem>>
    %dma_start3A_588 = arith.constant 0 : i32
    %dma_start3A_589 = tpu.memref_slice %arg4[%dma_start3A_585, %dma_start3A_588] : memref<50x16384xi32, #tpu.memory_space<hbm>> -> memref<1x16384xi32, #tpu.memory_space<hbm>>
    %dma_start3A_590 = tpu.memref_squeeze %dma_start3A_589 : memref<1x16384xi32, #tpu.memory_space<hbm>> -> memref<16384xi32, #tpu.memory_space<hbm>>
    %dma_start3A_591 = tpu.memref_slice %dma_start3A_590[%mul3A_0] : memref<16384xi32, #tpu.memory_space<hbm>> -> memref<1024xi32, #tpu.memory_space<hbm>>
    %dma_start3A_592 = arith.constant 46080 : i32
    %dma_start3A_593 = tpu.memref_slice %arg7[%dma_start3A_592] : memref<51200xi32, #tpu.memory_space<vmem>> -> memref<1024xi32, #tpu.memory_space<vmem>>
    %dma_start3A_594 = arith.constant 0 : i32
    %dma_start3A_595 = tpu.memref_slice %arg4[%dma_start3A_585, %dma_start3A_594] : memref<50x16384xi32, #tpu.memory_space<hbm>> -> memref<1x16384xi32, #tpu.memory_space<hbm>>
    %dma_start3A_596 = tpu.memref_squeeze %dma_start3A_595 : memref<1x16384xi32, #tpu.memory_space<hbm>> -> memref<16384xi32, #tpu.memory_space<hbm>>
    %dma_start3A_597 = tpu.memref_slice %dma_start3A_596[%mul3A_0] : memref<16384xi32, #tpu.memory_space<hbm>> -> memref<1024xi32, #tpu.memory_space<hbm>>
    tpu.enqueue_dma source(%dma_start3A_597 : memref<1024xi32, #tpu.memory_space<hbm>>) target(%dma_start3A_593 : memref<1024xi32, #tpu.memory_space<vmem>>) target_semaphore(%arg10 : memref<!tpu.dma_semaphore, #tpu.memory_space<semaphore_mem>>)
    %dma_start3A_598 = arith.constant 46 : i32
    %dma_start3A_599 = arith.constant 47104 : i32
    %dma_start3A_600 = tpu.memref_slice %arg7[%dma_start3A_599] : memref<51200xi32, #tpu.memory_space<vmem>> -> memref<1024xi32, #tpu.memory_space<vmem>>
    %dma_start3A_601 = arith.constant 0 : i32
    %dma_start3A_602 = tpu.memref_slice %arg4[%dma_start3A_598, %dma_start3A_601] : memref<50x16384xi32, #tpu.memory_space<hbm>> -> memref<1x16384xi32, #tpu.memory_space<hbm>>
    %dma_start3A_603 = tpu.memref_squeeze %dma_start3A_602 : memref<1x16384xi32, #tpu.memory_space<hbm>> -> memref<16384xi32, #tpu.memory_space<hbm>>
    %dma_start3A_604 = tpu.memref_slice %dma_start3A_603[%mul3A_0] : memref<16384xi32, #tpu.memory_space<hbm>> -> memref<1024xi32, #tpu.memory_space<hbm>>
    %dma_start3A_605 = arith.constant 47104 : i32
    %dma_start3A_606 = tpu.memref_slice %arg7[%dma_start3A_605] : memref<51200xi32, #tpu.memory_space<vmem>> -> memref<1024xi32, #tpu.memory_space<vmem>>
    %dma_start3A_607 = arith.constant 0 : i32
    %dma_start3A_608 = tpu.memref_slice %arg4[%dma_start3A_598, %dma_start3A_607] : memref<50x16384xi32, #tpu.memory_space<hbm>> -> memref<1x16384xi32, #tpu.memory_space<hbm>>
    %dma_start3A_609 = tpu.memref_squeeze %dma_start3A_608 : memref<1x16384xi32, #tpu.memory_space<hbm>> -> memref<16384xi32, #tpu.memory_space<hbm>>
    %dma_start3A_610 = tpu.memref_slice %dma_start3A_609[%mul3A_0] : memref<16384xi32, #tpu.memory_space<hbm>> -> memref<1024xi32, #tpu.memory_space<hbm>>
    tpu.enqueue_dma source(%dma_start3A_610 : memref<1024xi32, #tpu.memory_space<hbm>>) target(%dma_start3A_606 : memref<1024xi32, #tpu.memory_space<vmem>>) target_semaphore(%arg10 : memref<!tpu.dma_semaphore, #tpu.memory_space<semaphore_mem>>)
    %dma_start3A_611 = arith.constant 47 : i32
    %dma_start3A_612 = arith.constant 48128 : i32
    %dma_start3A_613 = tpu.memref_slice %arg7[%dma_start3A_612] : memref<51200xi32, #tpu.memory_space<vmem>> -> memref<1024xi32, #tpu.memory_space<vmem>>
    %dma_start3A_614 = arith.constant 0 : i32
    %dma_start3A_615 = tpu.memref_slice %arg4[%dma_start3A_611, %dma_start3A_614] : memref<50x16384xi32, #tpu.memory_space<hbm>> -> memref<1x16384xi32, #tpu.memory_space<hbm>>
    %dma_start3A_616 = tpu.memref_squeeze %dma_start3A_615 : memref<1x16384xi32, #tpu.memory_space<hbm>> -> memref<16384xi32, #tpu.memory_space<hbm>>
    %dma_start3A_617 = tpu.memref_slice %dma_start3A_616[%mul3A_0] : memref<16384xi32, #tpu.memory_space<hbm>> -> memref<1024xi32, #tpu.memory_space<hbm>>
    %dma_start3A_618 = arith.constant 48128 : i32
    %dma_start3A_619 = tpu.memref_slice %arg7[%dma_start3A_618] : memref<51200xi32, #tpu.memory_space<vmem>> -> memref<1024xi32, #tpu.memory_space<vmem>>
    %dma_start3A_620 = arith.constant 0 : i32
    %dma_start3A_621 = tpu.memref_slice %arg4[%dma_start3A_611, %dma_start3A_620] : memref<50x16384xi32, #tpu.memory_space<hbm>> -> memref<1x16384xi32, #tpu.memory_space<hbm>>
    %dma_start3A_622 = tpu.memref_squeeze %dma_start3A_621 : memref<1x16384xi32, #tpu.memory_space<hbm>> -> memref<16384xi32, #tpu.memory_space<hbm>>
    %dma_start3A_623 = tpu.memref_slice %dma_start3A_622[%mul3A_0] : memref<16384xi32, #tpu.memory_space<hbm>> -> memref<1024xi32, #tpu.memory_space<hbm>>
    tpu.enqueue_dma source(%dma_start3A_623 : memref<1024xi32, #tpu.memory_space<hbm>>) target(%dma_start3A_619 : memref<1024xi32, #tpu.memory_space<vmem>>) target_semaphore(%arg10 : memref<!tpu.dma_semaphore, #tpu.memory_space<semaphore_mem>>)
    %dma_start3A_624 = arith.constant 48 : i32
    %dma_start3A_625 = arith.constant 49152 : i32
    %dma_start3A_626 = tpu.memref_slice %arg7[%dma_start3A_625] : memref<51200xi32, #tpu.memory_space<vmem>> -> memref<1024xi32, #tpu.memory_space<vmem>>
    %dma_start3A_627 = arith.constant 0 : i32
    %dma_start3A_628 = tpu.memref_slice %arg4[%dma_start3A_624, %dma_start3A_627] : memref<50x16384xi32, #tpu.memory_space<hbm>> -> memref<1x16384xi32, #tpu.memory_space<hbm>>
    %dma_start3A_629 = tpu.memref_squeeze %dma_start3A_628 : memref<1x16384xi32, #tpu.memory_space<hbm>> -> memref<16384xi32, #tpu.memory_space<hbm>>
    %dma_start3A_630 = tpu.memref_slice %dma_start3A_629[%mul3A_0] : memref<16384xi32, #tpu.memory_space<hbm>> -> memref<1024xi32, #tpu.memory_space<hbm>>
    %dma_start3A_631 = arith.constant 49152 : i32
    %dma_start3A_632 = tpu.memref_slice %arg7[%dma_start3A_631] : memref<51200xi32, #tpu.memory_space<vmem>> -> memref<1024xi32, #tpu.memory_space<vmem>>
    %dma_start3A_633 = arith.constant 0 : i32
    %dma_start3A_634 = tpu.memref_slice %arg4[%dma_start3A_624, %dma_start3A_633] : memref<50x16384xi32, #tpu.memory_space<hbm>> -> memref<1x16384xi32, #tpu.memory_space<hbm>>
    %dma_start3A_635 = tpu.memref_squeeze %dma_start3A_634 : memref<1x16384xi32, #tpu.memory_space<hbm>> -> memref<16384xi32, #tpu.memory_space<hbm>>
    %dma_start3A_636 = tpu.memref_slice %dma_start3A_635[%mul3A_0] : memref<16384xi32, #tpu.memory_space<hbm>> -> memref<1024xi32, #tpu.memory_space<hbm>>
    tpu.enqueue_dma source(%dma_start3A_636 : memref<1024xi32, #tpu.memory_space<hbm>>) target(%dma_start3A_632 : memref<1024xi32, #tpu.memory_space<vmem>>) target_semaphore(%arg10 : memref<!tpu.dma_semaphore, #tpu.memory_space<semaphore_mem>>)
    %dma_start3A_637 = arith.constant 49 : i32
    %dma_start3A_638 = arith.constant 50176 : i32
    %dma_start3A_639 = tpu.memref_slice %arg7[%dma_start3A_638] : memref<51200xi32, #tpu.memory_space<vmem>> -> memref<1024xi32, #tpu.memory_space<vmem>>
    %dma_start3A_640 = arith.constant 0 : i32
    %dma_start3A_641 = tpu.memref_slice %arg4[%dma_start3A_637, %dma_start3A_640] : memref<50x16384xi32, #tpu.memory_space<hbm>> -> memref<1x16384xi32, #tpu.memory_space<hbm>>
    %dma_start3A_642 = tpu.memref_squeeze %dma_start3A_641 : memref<1x16384xi32, #tpu.memory_space<hbm>> -> memref<16384xi32, #tpu.memory_space<hbm>>
    %dma_start3A_643 = tpu.memref_slice %dma_start3A_642[%mul3A_0] : memref<16384xi32, #tpu.memory_space<hbm>> -> memref<1024xi32, #tpu.memory_space<hbm>>
    %dma_start3A_644 = arith.constant 50176 : i32
    %dma_start3A_645 = tpu.memref_slice %arg7[%dma_start3A_644] : memref<51200xi32, #tpu.memory_space<vmem>> -> memref<1024xi32, #tpu.memory_space<vmem>>
    %dma_start3A_646 = arith.constant 0 : i32
    %dma_start3A_647 = tpu.memref_slice %arg4[%dma_start3A_637, %dma_start3A_646] : memref<50x16384xi32, #tpu.memory_space<hbm>> -> memref<1x16384xi32, #tpu.memory_space<hbm>>
    %dma_start3A_648 = tpu.memref_squeeze %dma_start3A_647 : memref<1x16384xi32, #tpu.memory_space<hbm>> -> memref<16384xi32, #tpu.memory_space<hbm>>
    %dma_start3A_649 = tpu.memref_slice %dma_start3A_648[%mul3A_0] : memref<16384xi32, #tpu.memory_space<hbm>> -> memref<1024xi32, #tpu.memory_space<hbm>>
    tpu.enqueue_dma source(%dma_start3A_649 : memref<1024xi32, #tpu.memory_space<hbm>>) target(%dma_start3A_645 : memref<1024xi32, #tpu.memory_space<vmem>>) target_semaphore(%arg10 : memref<!tpu.dma_semaphore, #tpu.memory_space<semaphore_mem>>)
    %dma_wait3A = arith.constant 0 : i32
    %dma_wait3A_650 = arith.constant 0 : i32
    %dma_wait3A_651 = tpu.memref_slice %arg7[%dma_wait3A_650] : memref<51200xi32, #tpu.memory_space<vmem>> -> memref<1024xi32, #tpu.memory_space<vmem>>
    %dma_wait3A_652 = arith.constant 0 : i32
    %dma_wait3A_653 = tpu.memref_slice %arg4[%dma_wait3A, %dma_wait3A_652] : memref<50x16384xi32, #tpu.memory_space<hbm>> -> memref<1x16384xi32, #tpu.memory_space<hbm>>
    %dma_wait3A_654 = tpu.memref_squeeze %dma_wait3A_653 : memref<1x16384xi32, #tpu.memory_space<hbm>> -> memref<16384xi32, #tpu.memory_space<hbm>>
    %dma_wait3A_655 = arith.constant 0 : i32
    %dma_wait3A_656 = tpu.memref_slice %dma_wait3A_654[%dma_wait3A_655] : memref<16384xi32, #tpu.memory_space<hbm>> -> memref<1024xi32, #tpu.memory_space<hbm>>
    %dma_wait3A_657 = arith.constant 0 : i32
    %dma_wait3A_658 = tpu.memref_slice %arg7[%dma_wait3A_657] : memref<51200xi32, #tpu.memory_space<vmem>> -> memref<1024xi32, #tpu.memory_space<vmem>>
    %dma_wait3A_659 = arith.constant 0 : i32
    %dma_wait3A_660 = tpu.memref_slice %arg4[%dma_wait3A, %dma_wait3A_659] : memref<50x16384xi32, #tpu.memory_space<hbm>> -> memref<1x16384xi32, #tpu.memory_space<hbm>>
    %dma_wait3A_661 = tpu.memref_squeeze %dma_wait3A_660 : memref<1x16384xi32, #tpu.memory_space<hbm>> -> memref<16384xi32, #tpu.memory_space<hbm>>
    %dma_wait3A_662 = arith.constant 0 : i32
    %dma_wait3A_663 = tpu.memref_slice %dma_wait3A_661[%dma_wait3A_662] : memref<16384xi32, #tpu.memory_space<hbm>> -> memref<1024xi32, #tpu.memory_space<hbm>>
    tpu.wait_dma2 semaphore(%arg10 : memref<!tpu.dma_semaphore, #tpu.memory_space<semaphore_mem>>) src(%dma_wait3A_663 : memref<1024xi32, #tpu.memory_space<hbm>>) dst(%dma_wait3A_658 : memref<1024xi32, #tpu.memory_space<vmem>>)
    %dma_wait3A_664 = arith.constant 0 : i32
    %dma_wait3A_665 = arith.constant 0 : i32
    %dma_wait3A_666 = tpu.memref_slice %arg7[%dma_wait3A_665] : memref<51200xi32, #tpu.memory_space<vmem>> -> memref<1024xi32, #tpu.memory_space<vmem>>
    %dma_wait3A_667 = arith.constant 0 : i32
    %dma_wait3A_668 = tpu.memref_slice %arg4[%dma_wait3A_664, %dma_wait3A_667] : memref<50x16384xi32, #tpu.memory_space<hbm>> -> memref<1x16384xi32, #tpu.memory_space<hbm>>
    %dma_wait3A_669 = tpu.memref_squeeze %dma_wait3A_668 : memref<1x16384xi32, #tpu.memory_space<hbm>> -> memref<16384xi32, #tpu.memory_space<hbm>>
    %dma_wait3A_670 = arith.constant 0 : i32
    %dma_wait3A_671 = tpu.memref_slice %dma_wait3A_669[%dma_wait3A_670] : memref<16384xi32, #tpu.memory_space<hbm>> -> memref<1024xi32, #tpu.memory_space<hbm>>
    %dma_wait3A_672 = arith.constant 0 : i32
    %dma_wait3A_673 = tpu.memref_slice %arg7[%dma_wait3A_672] : memref<51200xi32, #tpu.memory_space<vmem>> -> memref<1024xi32, #tpu.memory_space<vmem>>
    %dma_wait3A_674 = arith.constant 0 : i32
    %dma_wait3A_675 = tpu.memref_slice %arg4[%dma_wait3A_664, %dma_wait3A_674] : memref<50x16384xi32, #tpu.memory_space<hbm>> -> memref<1x16384xi32, #tpu.memory_space<hbm>>
    %dma_wait3A_676 = tpu.memref_squeeze %dma_wait3A_675 : memref<1x16384xi32, #tpu.memory_space<hbm>> -> memref<16384xi32, #tpu.memory_space<hbm>>
    %dma_wait3A_677 = arith.constant 0 : i32
    %dma_wait3A_678 = tpu.memref_slice %dma_wait3A_676[%dma_wait3A_677] : memref<16384xi32, #tpu.memory_space<hbm>> -> memref<1024xi32, #tpu.memory_space<hbm>>
    tpu.wait_dma2 semaphore(%arg10 : memref<!tpu.dma_semaphore, #tpu.memory_space<semaphore_mem>>) src(%dma_wait3A_678 : memref<1024xi32, #tpu.memory_space<hbm>>) dst(%dma_wait3A_673 : memref<1024xi32, #tpu.memory_space<vmem>>)
    %dma_wait3A_679 = arith.constant 0 : i32
    %dma_wait3A_680 = arith.constant 0 : i32
    %dma_wait3A_681 = tpu.memref_slice %arg7[%dma_wait3A_680] : memref<51200xi32, #tpu.memory_space<vmem>> -> memref<1024xi32, #tpu.memory_space<vmem>>
    %dma_wait3A_682 = arith.constant 0 : i32
    %dma_wait3A_683 = tpu.memref_slice %arg4[%dma_wait3A_679, %dma_wait3A_682] : memref<50x16384xi32, #tpu.memory_space<hbm>> -> memref<1x16384xi32, #tpu.memory_space<hbm>>
    %dma_wait3A_684 = tpu.memref_squeeze %dma_wait3A_683 : memref<1x16384xi32, #tpu.memory_space<hbm>> -> memref<16384xi32, #tpu.memory_space<hbm>>
    %dma_wait3A_685 = arith.constant 0 : i32
    %dma_wait3A_686 = tpu.memref_slice %dma_wait3A_684[%dma_wait3A_685] : memref<16384xi32, #tpu.memory_space<hbm>> -> memref<1024xi32, #tpu.memory_space<hbm>>
    %dma_wait3A_687 = arith.constant 0 : i32
    %dma_wait3A_688 = tpu.memref_slice %arg7[%dma_wait3A_687] : memref<51200xi32, #tpu.memory_space<vmem>> -> memref<1024xi32, #tpu.memory_space<vmem>>
    %dma_wait3A_689 = arith.constant 0 : i32
    %dma_wait3A_690 = tpu.memref_slice %arg4[%dma_wait3A_679, %dma_wait3A_689] : memref<50x16384xi32, #tpu.memory_space<hbm>> -> memref<1x16384xi32, #tpu.memory_space<hbm>>
    %dma_wait3A_691 = tpu.memref_squeeze %dma_wait3A_690 : memref<1x16384xi32, #tpu.memory_space<hbm>> -> memref<16384xi32, #tpu.memory_space<hbm>>
    %dma_wait3A_692 = arith.constant 0 : i32
    %dma_wait3A_693 = tpu.memref_slice %dma_wait3A_691[%dma_wait3A_692] : memref<16384xi32, #tpu.memory_space<hbm>> -> memref<1024xi32, #tpu.memory_space<hbm>>
    tpu.wait_dma2 semaphore(%arg10 : memref<!tpu.dma_semaphore, #tpu.memory_space<semaphore_mem>>) src(%dma_wait3A_693 : memref<1024xi32, #tpu.memory_space<hbm>>) dst(%dma_wait3A_688 : memref<1024xi32, #tpu.memory_space<vmem>>)
    %dma_wait3A_694 = arith.constant 0 : i32
    %dma_wait3A_695 = arith.constant 0 : i32
    %dma_wait3A_696 = tpu.memref_slice %arg7[%dma_wait3A_695] : memref<51200xi32, #tpu.memory_space<vmem>> -> memref<1024xi32, #tpu.memory_space<vmem>>
    %dma_wait3A_697 = arith.constant 0 : i32
    %dma_wait3A_698 = tpu.memref_slice %arg4[%dma_wait3A_694, %dma_wait3A_697] : memref<50x16384xi32, #tpu.memory_space<hbm>> -> memref<1x16384xi32, #tpu.memory_space<hbm>>
    %dma_wait3A_699 = tpu.memref_squeeze %dma_wait3A_698 : memref<1x16384xi32, #tpu.memory_space<hbm>> -> memref<16384xi32, #tpu.memory_space<hbm>>
    %dma_wait3A_700 = arith.constant 0 : i32
    %dma_wait3A_701 = tpu.memref_slice %dma_wait3A_699[%dma_wait3A_700] : memref<16384xi32, #tpu.memory_space<hbm>> -> memref<1024xi32, #tpu.memory_space<hbm>>
    %dma_wait3A_702 = arith.constant 0 : i32
    %dma_wait3A_703 = tpu.memref_slice %arg7[%dma_wait3A_702] : memref<51200xi32, #tpu.memory_space<vmem>> -> memref<1024xi32, #tpu.memory_space<vmem>>
    %dma_wait3A_704 = arith.constant 0 : i32
    %dma_wait3A_705 = tpu.memref_slice %arg4[%dma_wait3A_694, %dma_wait3A_704] : memref<50x16384xi32, #tpu.memory_space<hbm>> -> memref<1x16384xi32, #tpu.memory_space<hbm>>
    %dma_wait3A_706 = tpu.memref_squeeze %dma_wait3A_705 : memref<1x16384xi32, #tpu.memory_space<hbm>> -> memref<16384xi32, #tpu.memory_space<hbm>>
    %dma_wait3A_707 = arith.constant 0 : i32
    %dma_wait3A_708 = tpu.memref_slice %dma_wait3A_706[%dma_wait3A_707] : memref<16384xi32, #tpu.memory_space<hbm>> -> memref<1024xi32, #tpu.memory_space<hbm>>
    tpu.wait_dma2 semaphore(%arg10 : memref<!tpu.dma_semaphore, #tpu.memory_space<semaphore_mem>>) src(%dma_wait3A_708 : memref<1024xi32, #tpu.memory_space<hbm>>) dst(%dma_wait3A_703 : memref<1024xi32, #tpu.memory_space<vmem>>)
    %dma_wait3A_709 = arith.constant 0 : i32
    %dma_wait3A_710 = arith.constant 0 : i32
    %dma_wait3A_711 = tpu.memref_slice %arg7[%dma_wait3A_710] : memref<51200xi32, #tpu.memory_space<vmem>> -> memref<1024xi32, #tpu.memory_space<vmem>>
    %dma_wait3A_712 = arith.constant 0 : i32
    %dma_wait3A_713 = tpu.memref_slice %arg4[%dma_wait3A_709, %dma_wait3A_712] : memref<50x16384xi32, #tpu.memory_space<hbm>> -> memref<1x16384xi32, #tpu.memory_space<hbm>>
    %dma_wait3A_714 = tpu.memref_squeeze %dma_wait3A_713 : memref<1x16384xi32, #tpu.memory_space<hbm>> -> memref<16384xi32, #tpu.memory_space<hbm>>
    %dma_wait3A_715 = arith.constant 0 : i32
    %dma_wait3A_716 = tpu.memref_slice %dma_wait3A_714[%dma_wait3A_715] : memref<16384xi32, #tpu.memory_space<hbm>> -> memref<1024xi32, #tpu.memory_space<hbm>>
    %dma_wait3A_717 = arith.constant 0 : i32
    %dma_wait3A_718 = tpu.memref_slice %arg7[%dma_wait3A_717] : memref<51200xi32, #tpu.memory_space<vmem>> -> memref<1024xi32, #tpu.memory_space<vmem>>
    %dma_wait3A_719 = arith.constant 0 : i32
    %dma_wait3A_720 = tpu.memref_slice %arg4[%dma_wait3A_709, %dma_wait3A_719] : memref<50x16384xi32, #tpu.memory_space<hbm>> -> memref<1x16384xi32, #tpu.memory_space<hbm>>
    %dma_wait3A_721 = tpu.memref_squeeze %dma_wait3A_720 : memref<1x16384xi32, #tpu.memory_space<hbm>> -> memref<16384xi32, #tpu.memory_space<hbm>>
    %dma_wait3A_722 = arith.constant 0 : i32
    %dma_wait3A_723 = tpu.memref_slice %dma_wait3A_721[%dma_wait3A_722] : memref<16384xi32, #tpu.memory_space<hbm>> -> memref<1024xi32, #tpu.memory_space<hbm>>
    tpu.wait_dma2 semaphore(%arg10 : memref<!tpu.dma_semaphore, #tpu.memory_space<semaphore_mem>>) src(%dma_wait3A_723 : memref<1024xi32, #tpu.memory_space<hbm>>) dst(%dma_wait3A_718 : memref<1024xi32, #tpu.memory_space<vmem>>)
    %dma_wait3A_724 = arith.constant 0 : i32
    %dma_wait3A_725 = arith.constant 0 : i32
    %dma_wait3A_726 = tpu.memref_slice %arg7[%dma_wait3A_725] : memref<51200xi32, #tpu.memory_space<vmem>> -> memref<1024xi32, #tpu.memory_space<vmem>>
    %dma_wait3A_727 = arith.constant 0 : i32
    %dma_wait3A_728 = tpu.memref_slice %arg4[%dma_wait3A_724, %dma_wait3A_727] : memref<50x16384xi32, #tpu.memory_space<hbm>> -> memref<1x16384xi32, #tpu.memory_space<hbm>>
    %dma_wait3A_729 = tpu.memref_squeeze %dma_wait3A_728 : memref<1x16384xi32, #tpu.memory_space<hbm>> -> memref<16384xi32, #tpu.memory_space<hbm>>
    %dma_wait3A_730 = arith.constant 0 : i32
    %dma_wait3A_731 = tpu.memref_slice %dma_wait3A_729[%dma_wait3A_730] : memref<16384xi32, #tpu.memory_space<hbm>> -> memref<1024xi32, #tpu.memory_space<hbm>>
    %dma_wait3A_732 = arith.constant 0 : i32
    %dma_wait3A_733 = tpu.memref_slice %arg7[%dma_wait3A_732] : memref<51200xi32, #tpu.memory_space<vmem>> -> memref<1024xi32, #tpu.memory_space<vmem>>
    %dma_wait3A_734 = arith.constant 0 : i32
    %dma_wait3A_735 = tpu.memref_slice %arg4[%dma_wait3A_724, %dma_wait3A_734] : memref<50x16384xi32, #tpu.memory_space<hbm>> -> memref<1x16384xi32, #tpu.memory_space<hbm>>
    %dma_wait3A_736 = tpu.memref_squeeze %dma_wait3A_735 : memref<1x16384xi32, #tpu.memory_space<hbm>> -> memref<16384xi32, #tpu.memory_space<hbm>>
    %dma_wait3A_737 = arith.constant 0 : i32
    %dma_wait3A_738 = tpu.memref_slice %dma_wait3A_736[%dma_wait3A_737] : memref<16384xi32, #tpu.memory_space<hbm>> -> memref<1024xi32, #tpu.memory_space<hbm>>
    tpu.wait_dma2 semaphore(%arg10 : memref<!tpu.dma_semaphore, #tpu.memory_space<semaphore_mem>>) src(%dma_wait3A_738 : memref<1024xi32, #tpu.memory_space<hbm>>) dst(%dma_wait3A_733 : memref<1024xi32, #tpu.memory_space<vmem>>)
    %dma_wait3A_739 = arith.constant 0 : i32
    %dma_wait3A_740 = arith.constant 0 : i32
    %dma_wait3A_741 = tpu.memref_slice %arg7[%dma_wait3A_740] : memref<51200xi32, #tpu.memory_space<vmem>> -> memref<1024xi32, #tpu.memory_space<vmem>>
    %dma_wait3A_742 = arith.constant 0 : i32
    %dma_wait3A_743 = tpu.memref_slice %arg4[%dma_wait3A_739, %dma_wait3A_742] : memref<50x16384xi32, #tpu.memory_space<hbm>> -> memref<1x16384xi32, #tpu.memory_space<hbm>>
    %dma_wait3A_744 = tpu.memref_squeeze %dma_wait3A_743 : memref<1x16384xi32, #tpu.memory_space<hbm>> -> memref<16384xi32, #tpu.memory_space<hbm>>
    %dma_wait3A_745 = arith.constant 0 : i32
    %dma_wait3A_746 = tpu.memref_slice %dma_wait3A_744[%dma_wait3A_745] : memref<16384xi32, #tpu.memory_space<hbm>> -> memref<1024xi32, #tpu.memory_space<hbm>>
    %dma_wait3A_747 = arith.constant 0 : i32
    %dma_wait3A_748 = tpu.memref_slice %arg7[%dma_wait3A_747] : memref<51200xi32, #tpu.memory_space<vmem>> -> memref<1024xi32, #tpu.memory_space<vmem>>
    %dma_wait3A_749 = arith.constant 0 : i32
    %dma_wait3A_750 = tpu.memref_slice %arg4[%dma_wait3A_739, %dma_wait3A_749] : memref<50x16384xi32, #tpu.memory_space<hbm>> -> memref<1x16384xi32, #tpu.memory_space<hbm>>
    %dma_wait3A_751 = tpu.memref_squeeze %dma_wait3A_750 : memref<1x16384xi32, #tpu.memory_space<hbm>> -> memref<16384xi32, #tpu.memory_space<hbm>>
    %dma_wait3A_752 = arith.constant 0 : i32
    %dma_wait3A_753 = tpu.memref_slice %dma_wait3A_751[%dma_wait3A_752] : memref<16384xi32, #tpu.memory_space<hbm>> -> memref<1024xi32, #tpu.memory_space<hbm>>
    tpu.wait_dma2 semaphore(%arg10 : memref<!tpu.dma_semaphore, #tpu.memory_space<semaphore_mem>>) src(%dma_wait3A_753 : memref<1024xi32, #tpu.memory_space<hbm>>) dst(%dma_wait3A_748 : memref<1024xi32, #tpu.memory_space<vmem>>)
    %dma_wait3A_754 = arith.constant 0 : i32
    %dma_wait3A_755 = arith.constant 0 : i32
    %dma_wait3A_756 = tpu.memref_slice %arg7[%dma_wait3A_755] : memref<51200xi32, #tpu.memory_space<vmem>> -> memref<1024xi32, #tpu.memory_space<vmem>>
    %dma_wait3A_757 = arith.constant 0 : i32
    %dma_wait3A_758 = tpu.memref_slice %arg4[%dma_wait3A_754, %dma_wait3A_757] : memref<50x16384xi32, #tpu.memory_space<hbm>> -> memref<1x16384xi32, #tpu.memory_space<hbm>>
    %dma_wait3A_759 = tpu.memref_squeeze %dma_wait3A_758 : memref<1x16384xi32, #tpu.memory_space<hbm>> -> memref<16384xi32, #tpu.memory_space<hbm>>
    %dma_wait3A_760 = arith.constant 0 : i32
    %dma_wait3A_761 = tpu.memref_slice %dma_wait3A_759[%dma_wait3A_760] : memref<16384xi32, #tpu.memory_space<hbm>> -> memref<1024xi32, #tpu.memory_space<hbm>>
    %dma_wait3A_762 = arith.constant 0 : i32
    %dma_wait3A_763 = tpu.memref_slice %arg7[%dma_wait3A_762] : memref<51200xi32, #tpu.memory_space<vmem>> -> memref<1024xi32, #tpu.memory_space<vmem>>
    %dma_wait3A_764 = arith.constant 0 : i32
    %dma_wait3A_765 = tpu.memref_slice %arg4[%dma_wait3A_754, %dma_wait3A_764] : memref<50x16384xi32, #tpu.memory_space<hbm>> -> memref<1x16384xi32, #tpu.memory_space<hbm>>
    %dma_wait3A_766 = tpu.memref_squeeze %dma_wait3A_765 : memref<1x16384xi32, #tpu.memory_space<hbm>> -> memref<16384xi32, #tpu.memory_space<hbm>>
    %dma_wait3A_767 = arith.constant 0 : i32
    %dma_wait3A_768 = tpu.memref_slice %dma_wait3A_766[%dma_wait3A_767] : memref<16384xi32, #tpu.memory_space<hbm>> -> memref<1024xi32, #tpu.memory_space<hbm>>
    tpu.wait_dma2 semaphore(%arg10 : memref<!tpu.dma_semaphore, #tpu.memory_space<semaphore_mem>>) src(%dma_wait3A_768 : memref<1024xi32, #tpu.memory_space<hbm>>) dst(%dma_wait3A_763 : memref<1024xi32, #tpu.memory_space<vmem>>)
    %dma_wait3A_769 = arith.constant 0 : i32
    %dma_wait3A_770 = arith.constant 0 : i32
    %dma_wait3A_771 = tpu.memref_slice %arg7[%dma_wait3A_770] : memref<51200xi32, #tpu.memory_space<vmem>> -> memref<1024xi32, #tpu.memory_space<vmem>>
    %dma_wait3A_772 = arith.constant 0 : i32
    %dma_wait3A_773 = tpu.memref_slice %arg4[%dma_wait3A_769, %dma_wait3A_772] : memref<50x16384xi32, #tpu.memory_space<hbm>> -> memref<1x16384xi32, #tpu.memory_space<hbm>>
    %dma_wait3A_774 = tpu.memref_squeeze %dma_wait3A_773 : memref<1x16384xi32, #tpu.memory_space<hbm>> -> memref<16384xi32, #tpu.memory_space<hbm>>
    %dma_wait3A_775 = arith.constant 0 : i32
    %dma_wait3A_776 = tpu.memref_slice %dma_wait3A_774[%dma_wait3A_775] : memref<16384xi32, #tpu.memory_space<hbm>> -> memref<1024xi32, #tpu.memory_space<hbm>>
    %dma_wait3A_777 = arith.constant 0 : i32
    %dma_wait3A_778 = tpu.memref_slice %arg7[%dma_wait3A_777] : memref<51200xi32, #tpu.memory_space<vmem>> -> memref<1024xi32, #tpu.memory_space<vmem>>
    %dma_wait3A_779 = arith.constant 0 : i32
    %dma_wait3A_780 = tpu.memref_slice %arg4[%dma_wait3A_769, %dma_wait3A_779] : memref<50x16384xi32, #tpu.memory_space<hbm>> -> memref<1x16384xi32, #tpu.memory_space<hbm>>
    %dma_wait3A_781 = tpu.memref_squeeze %dma_wait3A_780 : memref<1x16384xi32, #tpu.memory_space<hbm>> -> memref<16384xi32, #tpu.memory_space<hbm>>
    %dma_wait3A_782 = arith.constant 0 : i32
    %dma_wait3A_783 = tpu.memref_slice %dma_wait3A_781[%dma_wait3A_782] : memref<16384xi32, #tpu.memory_space<hbm>> -> memref<1024xi32, #tpu.memory_space<hbm>>
    tpu.wait_dma2 semaphore(%arg10 : memref<!tpu.dma_semaphore, #tpu.memory_space<semaphore_mem>>) src(%dma_wait3A_783 : memref<1024xi32, #tpu.memory_space<hbm>>) dst(%dma_wait3A_778 : memref<1024xi32, #tpu.memory_space<vmem>>)
    %dma_wait3A_784 = arith.constant 0 : i32
    %dma_wait3A_785 = arith.constant 0 : i32
    %dma_wait3A_786 = tpu.memref_slice %arg7[%dma_wait3A_785] : memref<51200xi32, #tpu.memory_space<vmem>> -> memref<1024xi32, #tpu.memory_space<vmem>>
    %dma_wait3A_787 = arith.constant 0 : i32
    %dma_wait3A_788 = tpu.memref_slice %arg4[%dma_wait3A_784, %dma_wait3A_787] : memref<50x16384xi32, #tpu.memory_space<hbm>> -> memref<1x16384xi32, #tpu.memory_space<hbm>>
    %dma_wait3A_789 = tpu.memref_squeeze %dma_wait3A_788 : memref<1x16384xi32, #tpu.memory_space<hbm>> -> memref<16384xi32, #tpu.memory_space<hbm>>
    %dma_wait3A_790 = arith.constant 0 : i32
    %dma_wait3A_791 = tpu.memref_slice %dma_wait3A_789[%dma_wait3A_790] : memref<16384xi32, #tpu.memory_space<hbm>> -> memref<1024xi32, #tpu.memory_space<hbm>>
    %dma_wait3A_792 = arith.constant 0 : i32
    %dma_wait3A_793 = tpu.memref_slice %arg7[%dma_wait3A_792] : memref<51200xi32, #tpu.memory_space<vmem>> -> memref<1024xi32, #tpu.memory_space<vmem>>
    %dma_wait3A_794 = arith.constant 0 : i32
    %dma_wait3A_795 = tpu.memref_slice %arg4[%dma_wait3A_784, %dma_wait3A_794] : memref<50x16384xi32, #tpu.memory_space<hbm>> -> memref<1x16384xi32, #tpu.memory_space<hbm>>
    %dma_wait3A_796 = tpu.memref_squeeze %dma_wait3A_795 : memref<1x16384xi32, #tpu.memory_space<hbm>> -> memref<16384xi32, #tpu.memory_space<hbm>>
    %dma_wait3A_797 = arith.constant 0 : i32
    %dma_wait3A_798 = tpu.memref_slice %dma_wait3A_796[%dma_wait3A_797] : memref<16384xi32, #tpu.memory_space<hbm>> -> memref<1024xi32, #tpu.memory_space<hbm>>
    tpu.wait_dma2 semaphore(%arg10 : memref<!tpu.dma_semaphore, #tpu.memory_space<semaphore_mem>>) src(%dma_wait3A_798 : memref<1024xi32, #tpu.memory_space<hbm>>) dst(%dma_wait3A_793 : memref<1024xi32, #tpu.memory_space<vmem>>)
    %dma_wait3A_799 = arith.constant 0 : i32
    %dma_wait3A_800 = arith.constant 0 : i32
    %dma_wait3A_801 = tpu.memref_slice %arg7[%dma_wait3A_800] : memref<51200xi32, #tpu.memory_space<vmem>> -> memref<1024xi32, #tpu.memory_space<vmem>>
    %dma_wait3A_802 = arith.constant 0 : i32
    %dma_wait3A_803 = tpu.memref_slice %arg4[%dma_wait3A_799, %dma_wait3A_802] : memref<50x16384xi32, #tpu.memory_space<hbm>> -> memref<1x16384xi32, #tpu.memory_space<hbm>>
    %dma_wait3A_804 = tpu.memref_squeeze %dma_wait3A_803 : memref<1x16384xi32, #tpu.memory_space<hbm>> -> memref<16384xi32, #tpu.memory_space<hbm>>
    %dma_wait3A_805 = arith.constant 0 : i32
    %dma_wait3A_806 = tpu.memref_slice %dma_wait3A_804[%dma_wait3A_805] : memref<16384xi32, #tpu.memory_space<hbm>> -> memref<1024xi32, #tpu.memory_space<hbm>>
    %dma_wait3A_807 = arith.constant 0 : i32
    %dma_wait3A_808 = tpu.memref_slice %arg7[%dma_wait3A_807] : memref<51200xi32, #tpu.memory_space<vmem>> -> memref<1024xi32, #tpu.memory_space<vmem>>
    %dma_wait3A_809 = arith.constant 0 : i32
    %dma_wait3A_810 = tpu.memref_slice %arg4[%dma_wait3A_799, %dma_wait3A_809] : memref<50x16384xi32, #tpu.memory_space<hbm>> -> memref<1x16384xi32, #tpu.memory_space<hbm>>
    %dma_wait3A_811 = tpu.memref_squeeze %dma_wait3A_810 : memref<1x16384xi32, #tpu.memory_space<hbm>> -> memref<16384xi32, #tpu.memory_space<hbm>>
    %dma_wait3A_812 = arith.constant 0 : i32
    %dma_wait3A_813 = tpu.memref_slice %dma_wait3A_811[%dma_wait3A_812] : memref<16384xi32, #tpu.memory_space<hbm>> -> memref<1024xi32, #tpu.memory_space<hbm>>
    tpu.wait_dma2 semaphore(%arg10 : memref<!tpu.dma_semaphore, #tpu.memory_space<semaphore_mem>>) src(%dma_wait3A_813 : memref<1024xi32, #tpu.memory_space<hbm>>) dst(%dma_wait3A_808 : memref<1024xi32, #tpu.memory_space<vmem>>)
    %dma_wait3A_814 = arith.constant 0 : i32
    %dma_wait3A_815 = arith.constant 0 : i32
    %dma_wait3A_816 = tpu.memref_slice %arg7[%dma_wait3A_815] : memref<51200xi32, #tpu.memory_space<vmem>> -> memref<1024xi32, #tpu.memory_space<vmem>>
    %dma_wait3A_817 = arith.constant 0 : i32
    %dma_wait3A_818 = tpu.memref_slice %arg4[%dma_wait3A_814, %dma_wait3A_817] : memref<50x16384xi32, #tpu.memory_space<hbm>> -> memref<1x16384xi32, #tpu.memory_space<hbm>>
    %dma_wait3A_819 = tpu.memref_squeeze %dma_wait3A_818 : memref<1x16384xi32, #tpu.memory_space<hbm>> -> memref<16384xi32, #tpu.memory_space<hbm>>
    %dma_wait3A_820 = arith.constant 0 : i32
    %dma_wait3A_821 = tpu.memref_slice %dma_wait3A_819[%dma_wait3A_820] : memref<16384xi32, #tpu.memory_space<hbm>> -> memref<1024xi32, #tpu.memory_space<hbm>>
    %dma_wait3A_822 = arith.constant 0 : i32
    %dma_wait3A_823 = tpu.memref_slice %arg7[%dma_wait3A_822] : memref<51200xi32, #tpu.memory_space<vmem>> -> memref<1024xi32, #tpu.memory_space<vmem>>
    %dma_wait3A_824 = arith.constant 0 : i32
    %dma_wait3A_825 = tpu.memref_slice %arg4[%dma_wait3A_814, %dma_wait3A_824] : memref<50x16384xi32, #tpu.memory_space<hbm>> -> memref<1x16384xi32, #tpu.memory_space<hbm>>
    %dma_wait3A_826 = tpu.memref_squeeze %dma_wait3A_825 : memref<1x16384xi32, #tpu.memory_space<hbm>> -> memref<16384xi32, #tpu.memory_space<hbm>>
    %dma_wait3A_827 = arith.constant 0 : i32
    %dma_wait3A_828 = tpu.memref_slice %dma_wait3A_826[%dma_wait3A_827] : memref<16384xi32, #tpu.memory_space<hbm>> -> memref<1024xi32, #tpu.memory_space<hbm>>
    tpu.wait_dma2 semaphore(%arg10 : memref<!tpu.dma_semaphore, #tpu.memory_space<semaphore_mem>>) src(%dma_wait3A_828 : memref<1024xi32, #tpu.memory_space<hbm>>) dst(%dma_wait3A_823 : memref<1024xi32, #tpu.memory_space<vmem>>)
    %dma_wait3A_829 = arith.constant 0 : i32
    %dma_wait3A_830 = arith.constant 0 : i32
    %dma_wait3A_831 = tpu.memref_slice %arg7[%dma_wait3A_830] : memref<51200xi32, #tpu.memory_space<vmem>> -> memref<1024xi32, #tpu.memory_space<vmem>>
    %dma_wait3A_832 = arith.constant 0 : i32
    %dma_wait3A_833 = tpu.memref_slice %arg4[%dma_wait3A_829, %dma_wait3A_832] : memref<50x16384xi32, #tpu.memory_space<hbm>> -> memref<1x16384xi32, #tpu.memory_space<hbm>>
    %dma_wait3A_834 = tpu.memref_squeeze %dma_wait3A_833 : memref<1x16384xi32, #tpu.memory_space<hbm>> -> memref<16384xi32, #tpu.memory_space<hbm>>
    %dma_wait3A_835 = arith.constant 0 : i32
    %dma_wait3A_836 = tpu.memref_slice %dma_wait3A_834[%dma_wait3A_835] : memref<16384xi32, #tpu.memory_space<hbm>> -> memref<1024xi32, #tpu.memory_space<hbm>>
    %dma_wait3A_837 = arith.constant 0 : i32
    %dma_wait3A_838 = tpu.memref_slice %arg7[%dma_wait3A_837] : memref<51200xi32, #tpu.memory_space<vmem>> -> memref<1024xi32, #tpu.memory_space<vmem>>
    %dma_wait3A_839 = arith.constant 0 : i32
    %dma_wait3A_840 = tpu.memref_slice %arg4[%dma_wait3A_829, %dma_wait3A_839] : memref<50x16384xi32, #tpu.memory_space<hbm>> -> memref<1x16384xi32, #tpu.memory_space<hbm>>
    %dma_wait3A_841 = tpu.memref_squeeze %dma_wait3A_840 : memref<1x16384xi32, #tpu.memory_space<hbm>> -> memref<16384xi32, #tpu.memory_space<hbm>>
    %dma_wait3A_842 = arith.constant 0 : i32
    %dma_wait3A_843 = tpu.memref_slice %dma_wait3A_841[%dma_wait3A_842] : memref<16384xi32, #tpu.memory_space<hbm>> -> memref<1024xi32, #tpu.memory_space<hbm>>
    tpu.wait_dma2 semaphore(%arg10 : memref<!tpu.dma_semaphore, #tpu.memory_space<semaphore_mem>>) src(%dma_wait3A_843 : memref<1024xi32, #tpu.memory_space<hbm>>) dst(%dma_wait3A_838 : memref<1024xi32, #tpu.memory_space<vmem>>)
    %dma_wait3A_844 = arith.constant 0 : i32
    %dma_wait3A_845 = arith.constant 0 : i32
    %dma_wait3A_846 = tpu.memref_slice %arg7[%dma_wait3A_845] : memref<51200xi32, #tpu.memory_space<vmem>> -> memref<1024xi32, #tpu.memory_space<vmem>>
    %dma_wait3A_847 = arith.constant 0 : i32
    %dma_wait3A_848 = tpu.memref_slice %arg4[%dma_wait3A_844, %dma_wait3A_847] : memref<50x16384xi32, #tpu.memory_space<hbm>> -> memref<1x16384xi32, #tpu.memory_space<hbm>>
    %dma_wait3A_849 = tpu.memref_squeeze %dma_wait3A_848 : memref<1x16384xi32, #tpu.memory_space<hbm>> -> memref<16384xi32, #tpu.memory_space<hbm>>
    %dma_wait3A_850 = arith.constant 0 : i32
    %dma_wait3A_851 = tpu.memref_slice %dma_wait3A_849[%dma_wait3A_850] : memref<16384xi32, #tpu.memory_space<hbm>> -> memref<1024xi32, #tpu.memory_space<hbm>>
    %dma_wait3A_852 = arith.constant 0 : i32
    %dma_wait3A_853 = tpu.memref_slice %arg7[%dma_wait3A_852] : memref<51200xi32, #tpu.memory_space<vmem>> -> memref<1024xi32, #tpu.memory_space<vmem>>
    %dma_wait3A_854 = arith.constant 0 : i32
    %dma_wait3A_855 = tpu.memref_slice %arg4[%dma_wait3A_844, %dma_wait3A_854] : memref<50x16384xi32, #tpu.memory_space<hbm>> -> memref<1x16384xi32, #tpu.memory_space<hbm>>
    %dma_wait3A_856 = tpu.memref_squeeze %dma_wait3A_855 : memref<1x16384xi32, #tpu.memory_space<hbm>> -> memref<16384xi32, #tpu.memory_space<hbm>>
    %dma_wait3A_857 = arith.constant 0 : i32
    %dma_wait3A_858 = tpu.memref_slice %dma_wait3A_856[%dma_wait3A_857] : memref<16384xi32, #tpu.memory_space<hbm>> -> memref<1024xi32, #tpu.memory_space<hbm>>
    tpu.wait_dma2 semaphore(%arg10 : memref<!tpu.dma_semaphore, #tpu.memory_space<semaphore_mem>>) src(%dma_wait3A_858 : memref<1024xi32, #tpu.memory_space<hbm>>) dst(%dma_wait3A_853 : memref<1024xi32, #tpu.memory_space<vmem>>)
    %dma_wait3A_859 = arith.constant 0 : i32
    %dma_wait3A_860 = arith.constant 0 : i32
    %dma_wait3A_861 = tpu.memref_slice %arg7[%dma_wait3A_860] : memref<51200xi32, #tpu.memory_space<vmem>> -> memref<1024xi32, #tpu.memory_space<vmem>>
    %dma_wait3A_862 = arith.constant 0 : i32
    %dma_wait3A_863 = tpu.memref_slice %arg4[%dma_wait3A_859, %dma_wait3A_862] : memref<50x16384xi32, #tpu.memory_space<hbm>> -> memref<1x16384xi32, #tpu.memory_space<hbm>>
    %dma_wait3A_864 = tpu.memref_squeeze %dma_wait3A_863 : memref<1x16384xi32, #tpu.memory_space<hbm>> -> memref<16384xi32, #tpu.memory_space<hbm>>
    %dma_wait3A_865 = arith.constant 0 : i32
    %dma_wait3A_866 = tpu.memref_slice %dma_wait3A_864[%dma_wait3A_865] : memref<16384xi32, #tpu.memory_space<hbm>> -> memref<1024xi32, #tpu.memory_space<hbm>>
    %dma_wait3A_867 = arith.constant 0 : i32
    %dma_wait3A_868 = tpu.memref_slice %arg7[%dma_wait3A_867] : memref<51200xi32, #tpu.memory_space<vmem>> -> memref<1024xi32, #tpu.memory_space<vmem>>
    %dma_wait3A_869 = arith.constant 0 : i32
    %dma_wait3A_870 = tpu.memref_slice %arg4[%dma_wait3A_859, %dma_wait3A_869] : memref<50x16384xi32, #tpu.memory_space<hbm>> -> memref<1x16384xi32, #tpu.memory_space<hbm>>
    %dma_wait3A_871 = tpu.memref_squeeze %dma_wait3A_870 : memref<1x16384xi32, #tpu.memory_space<hbm>> -> memref<16384xi32, #tpu.memory_space<hbm>>
    %dma_wait3A_872 = arith.constant 0 : i32
    %dma_wait3A_873 = tpu.memref_slice %dma_wait3A_871[%dma_wait3A_872] : memref<16384xi32, #tpu.memory_space<hbm>> -> memref<1024xi32, #tpu.memory_space<hbm>>
    tpu.wait_dma2 semaphore(%arg10 : memref<!tpu.dma_semaphore, #tpu.memory_space<semaphore_mem>>) src(%dma_wait3A_873 : memref<1024xi32, #tpu.memory_space<hbm>>) dst(%dma_wait3A_868 : memref<1024xi32, #tpu.memory_space<vmem>>)
    %dma_wait3A_874 = arith.constant 0 : i32
    %dma_wait3A_875 = arith.constant 0 : i32
    %dma_wait3A_876 = tpu.memref_slice %arg7[%dma_wait3A_875] : memref<51200xi32, #tpu.memory_space<vmem>> -> memref<1024xi32, #tpu.memory_space<vmem>>
    %dma_wait3A_877 = arith.constant 0 : i32
    %dma_wait3A_878 = tpu.memref_slice %arg4[%dma_wait3A_874, %dma_wait3A_877] : memref<50x16384xi32, #tpu.memory_space<hbm>> -> memref<1x16384xi32, #tpu.memory_space<hbm>>
    %dma_wait3A_879 = tpu.memref_squeeze %dma_wait3A_878 : memref<1x16384xi32, #tpu.memory_space<hbm>> -> memref<16384xi32, #tpu.memory_space<hbm>>
    %dma_wait3A_880 = arith.constant 0 : i32
    %dma_wait3A_881 = tpu.memref_slice %dma_wait3A_879[%dma_wait3A_880] : memref<16384xi32, #tpu.memory_space<hbm>> -> memref<1024xi32, #tpu.memory_space<hbm>>
    %dma_wait3A_882 = arith.constant 0 : i32
    %dma_wait3A_883 = tpu.memref_slice %arg7[%dma_wait3A_882] : memref<51200xi32, #tpu.memory_space<vmem>> -> memref<1024xi32, #tpu.memory_space<vmem>>
    %dma_wait3A_884 = arith.constant 0 : i32
    %dma_wait3A_885 = tpu.memref_slice %arg4[%dma_wait3A_874, %dma_wait3A_884] : memref<50x16384xi32, #tpu.memory_space<hbm>> -> memref<1x16384xi32, #tpu.memory_space<hbm>>
    %dma_wait3A_886 = tpu.memref_squeeze %dma_wait3A_885 : memref<1x16384xi32, #tpu.memory_space<hbm>> -> memref<16384xi32, #tpu.memory_space<hbm>>
    %dma_wait3A_887 = arith.constant 0 : i32
    %dma_wait3A_888 = tpu.memref_slice %dma_wait3A_886[%dma_wait3A_887] : memref<16384xi32, #tpu.memory_space<hbm>> -> memref<1024xi32, #tpu.memory_space<hbm>>
    tpu.wait_dma2 semaphore(%arg10 : memref<!tpu.dma_semaphore, #tpu.memory_space<semaphore_mem>>) src(%dma_wait3A_888 : memref<1024xi32, #tpu.memory_space<hbm>>) dst(%dma_wait3A_883 : memref<1024xi32, #tpu.memory_space<vmem>>)
    %dma_wait3A_889 = arith.constant 0 : i32
    %dma_wait3A_890 = arith.constant 0 : i32
    %dma_wait3A_891 = tpu.memref_slice %arg7[%dma_wait3A_890] : memref<51200xi32, #tpu.memory_space<vmem>> -> memref<1024xi32, #tpu.memory_space<vmem>>
    %dma_wait3A_892 = arith.constant 0 : i32
    %dma_wait3A_893 = tpu.memref_slice %arg4[%dma_wait3A_889, %dma_wait3A_892] : memref<50x16384xi32, #tpu.memory_space<hbm>> -> memref<1x16384xi32, #tpu.memory_space<hbm>>
    %dma_wait3A_894 = tpu.memref_squeeze %dma_wait3A_893 : memref<1x16384xi32, #tpu.memory_space<hbm>> -> memref<16384xi32, #tpu.memory_space<hbm>>
    %dma_wait3A_895 = arith.constant 0 : i32
    %dma_wait3A_896 = tpu.memref_slice %dma_wait3A_894[%dma_wait3A_895] : memref<16384xi32, #tpu.memory_space<hbm>> -> memref<1024xi32, #tpu.memory_space<hbm>>
    %dma_wait3A_897 = arith.constant 0 : i32
    %dma_wait3A_898 = tpu.memref_slice %arg7[%dma_wait3A_897] : memref<51200xi32, #tpu.memory_space<vmem>> -> memref<1024xi32, #tpu.memory_space<vmem>>
    %dma_wait3A_899 = arith.constant 0 : i32
    %dma_wait3A_900 = tpu.memref_slice %arg4[%dma_wait3A_889, %dma_wait3A_899] : memref<50x16384xi32, #tpu.memory_space<hbm>> -> memref<1x16384xi32, #tpu.memory_space<hbm>>
    %dma_wait3A_901 = tpu.memref_squeeze %dma_wait3A_900 : memref<1x16384xi32, #tpu.memory_space<hbm>> -> memref<16384xi32, #tpu.memory_space<hbm>>
    %dma_wait3A_902 = arith.constant 0 : i32
    %dma_wait3A_903 = tpu.memref_slice %dma_wait3A_901[%dma_wait3A_902] : memref<16384xi32, #tpu.memory_space<hbm>> -> memref<1024xi32, #tpu.memory_space<hbm>>
    tpu.wait_dma2 semaphore(%arg10 : memref<!tpu.dma_semaphore, #tpu.memory_space<semaphore_mem>>) src(%dma_wait3A_903 : memref<1024xi32, #tpu.memory_space<hbm>>) dst(%dma_wait3A_898 : memref<1024xi32, #tpu.memory_space<vmem>>)
    %dma_wait3A_904 = arith.constant 0 : i32
    %dma_wait3A_905 = arith.constant 0 : i32
    %dma_wait3A_906 = tpu.memref_slice %arg7[%dma_wait3A_905] : memref<51200xi32, #tpu.memory_space<vmem>> -> memref<1024xi32, #tpu.memory_space<vmem>>
    %dma_wait3A_907 = arith.constant 0 : i32
    %dma_wait3A_908 = tpu.memref_slice %arg4[%dma_wait3A_904, %dma_wait3A_907] : memref<50x16384xi32, #tpu.memory_space<hbm>> -> memref<1x16384xi32, #tpu.memory_space<hbm>>
    %dma_wait3A_909 = tpu.memref_squeeze %dma_wait3A_908 : memref<1x16384xi32, #tpu.memory_space<hbm>> -> memref<16384xi32, #tpu.memory_space<hbm>>
    %dma_wait3A_910 = arith.constant 0 : i32
    %dma_wait3A_911 = tpu.memref_slice %dma_wait3A_909[%dma_wait3A_910] : memref<16384xi32, #tpu.memory_space<hbm>> -> memref<1024xi32, #tpu.memory_space<hbm>>
    %dma_wait3A_912 = arith.constant 0 : i32
    %dma_wait3A_913 = tpu.memref_slice %arg7[%dma_wait3A_912] : memref<51200xi32, #tpu.memory_space<vmem>> -> memref<1024xi32, #tpu.memory_space<vmem>>
    %dma_wait3A_914 = arith.constant 0 : i32
    %dma_wait3A_915 = tpu.memref_slice %arg4[%dma_wait3A_904, %dma_wait3A_914] : memref<50x16384xi32, #tpu.memory_space<hbm>> -> memref<1x16384xi32, #tpu.memory_space<hbm>>
    %dma_wait3A_916 = tpu.memref_squeeze %dma_wait3A_915 : memref<1x16384xi32, #tpu.memory_space<hbm>> -> memref<16384xi32, #tpu.memory_space<hbm>>
    %dma_wait3A_917 = arith.constant 0 : i32
    %dma_wait3A_918 = tpu.memref_slice %dma_wait3A_916[%dma_wait3A_917] : memref<16384xi32, #tpu.memory_space<hbm>> -> memref<1024xi32, #tpu.memory_space<hbm>>
    tpu.wait_dma2 semaphore(%arg10 : memref<!tpu.dma_semaphore, #tpu.memory_space<semaphore_mem>>) src(%dma_wait3A_918 : memref<1024xi32, #tpu.memory_space<hbm>>) dst(%dma_wait3A_913 : memref<1024xi32, #tpu.memory_space<vmem>>)
    %dma_wait3A_919 = arith.constant 0 : i32
    %dma_wait3A_920 = arith.constant 0 : i32
    %dma_wait3A_921 = tpu.memref_slice %arg7[%dma_wait3A_920] : memref<51200xi32, #tpu.memory_space<vmem>> -> memref<1024xi32, #tpu.memory_space<vmem>>
    %dma_wait3A_922 = arith.constant 0 : i32
    %dma_wait3A_923 = tpu.memref_slice %arg4[%dma_wait3A_919, %dma_wait3A_922] : memref<50x16384xi32, #tpu.memory_space<hbm>> -> memref<1x16384xi32, #tpu.memory_space<hbm>>
    %dma_wait3A_924 = tpu.memref_squeeze %dma_wait3A_923 : memref<1x16384xi32, #tpu.memory_space<hbm>> -> memref<16384xi32, #tpu.memory_space<hbm>>
    %dma_wait3A_925 = arith.constant 0 : i32
    %dma_wait3A_926 = tpu.memref_slice %dma_wait3A_924[%dma_wait3A_925] : memref<16384xi32, #tpu.memory_space<hbm>> -> memref<1024xi32, #tpu.memory_space<hbm>>
    %dma_wait3A_927 = arith.constant 0 : i32
    %dma_wait3A_928 = tpu.memref_slice %arg7[%dma_wait3A_927] : memref<51200xi32, #tpu.memory_space<vmem>> -> memref<1024xi32, #tpu.memory_space<vmem>>
    %dma_wait3A_929 = arith.constant 0 : i32
    %dma_wait3A_930 = tpu.memref_slice %arg4[%dma_wait3A_919, %dma_wait3A_929] : memref<50x16384xi32, #tpu.memory_space<hbm>> -> memref<1x16384xi32, #tpu.memory_space<hbm>>
    %dma_wait3A_931 = tpu.memref_squeeze %dma_wait3A_930 : memref<1x16384xi32, #tpu.memory_space<hbm>> -> memref<16384xi32, #tpu.memory_space<hbm>>
    %dma_wait3A_932 = arith.constant 0 : i32
    %dma_wait3A_933 = tpu.memref_slice %dma_wait3A_931[%dma_wait3A_932] : memref<16384xi32, #tpu.memory_space<hbm>> -> memref<1024xi32, #tpu.memory_space<hbm>>
    tpu.wait_dma2 semaphore(%arg10 : memref<!tpu.dma_semaphore, #tpu.memory_space<semaphore_mem>>) src(%dma_wait3A_933 : memref<1024xi32, #tpu.memory_space<hbm>>) dst(%dma_wait3A_928 : memref<1024xi32, #tpu.memory_space<vmem>>)
    %dma_wait3A_934 = arith.constant 0 : i32
    %dma_wait3A_935 = arith.constant 0 : i32
    %dma_wait3A_936 = tpu.memref_slice %arg7[%dma_wait3A_935] : memref<51200xi32, #tpu.memory_space<vmem>> -> memref<1024xi32, #tpu.memory_space<vmem>>
    %dma_wait3A_937 = arith.constant 0 : i32
    %dma_wait3A_938 = tpu.memref_slice %arg4[%dma_wait3A_934, %dma_wait3A_937] : memref<50x16384xi32, #tpu.memory_space<hbm>> -> memref<1x16384xi32, #tpu.memory_space<hbm>>
    %dma_wait3A_939 = tpu.memref_squeeze %dma_wait3A_938 : memref<1x16384xi32, #tpu.memory_space<hbm>> -> memref<16384xi32, #tpu.memory_space<hbm>>
    %dma_wait3A_940 = arith.constant 0 : i32
    %dma_wait3A_941 = tpu.memref_slice %dma_wait3A_939[%dma_wait3A_940] : memref<16384xi32, #tpu.memory_space<hbm>> -> memref<1024xi32, #tpu.memory_space<hbm>>
    %dma_wait3A_942 = arith.constant 0 : i32
    %dma_wait3A_943 = tpu.memref_slice %arg7[%dma_wait3A_942] : memref<51200xi32, #tpu.memory_space<vmem>> -> memref<1024xi32, #tpu.memory_space<vmem>>
    %dma_wait3A_944 = arith.constant 0 : i32
    %dma_wait3A_945 = tpu.memref_slice %arg4[%dma_wait3A_934, %dma_wait3A_944] : memref<50x16384xi32, #tpu.memory_space<hbm>> -> memref<1x16384xi32, #tpu.memory_space<hbm>>
    %dma_wait3A_946 = tpu.memref_squeeze %dma_wait3A_945 : memref<1x16384xi32, #tpu.memory_space<hbm>> -> memref<16384xi32, #tpu.memory_space<hbm>>
    %dma_wait3A_947 = arith.constant 0 : i32
    %dma_wait3A_948 = tpu.memref_slice %dma_wait3A_946[%dma_wait3A_947] : memref<16384xi32, #tpu.memory_space<hbm>> -> memref<1024xi32, #tpu.memory_space<hbm>>
    tpu.wait_dma2 semaphore(%arg10 : memref<!tpu.dma_semaphore, #tpu.memory_space<semaphore_mem>>) src(%dma_wait3A_948 : memref<1024xi32, #tpu.memory_space<hbm>>) dst(%dma_wait3A_943 : memref<1024xi32, #tpu.memory_space<vmem>>)
    %dma_wait3A_949 = arith.constant 0 : i32
    %dma_wait3A_950 = arith.constant 0 : i32
    %dma_wait3A_951 = tpu.memref_slice %arg7[%dma_wait3A_950] : memref<51200xi32, #tpu.memory_space<vmem>> -> memref<1024xi32, #tpu.memory_space<vmem>>
    %dma_wait3A_952 = arith.constant 0 : i32
    %dma_wait3A_953 = tpu.memref_slice %arg4[%dma_wait3A_949, %dma_wait3A_952] : memref<50x16384xi32, #tpu.memory_space<hbm>> -> memref<1x16384xi32, #tpu.memory_space<hbm>>
    %dma_wait3A_954 = tpu.memref_squeeze %dma_wait3A_953 : memref<1x16384xi32, #tpu.memory_space<hbm>> -> memref<16384xi32, #tpu.memory_space<hbm>>
    %dma_wait3A_955 = arith.constant 0 : i32
    %dma_wait3A_956 = tpu.memref_slice %dma_wait3A_954[%dma_wait3A_955] : memref<16384xi32, #tpu.memory_space<hbm>> -> memref<1024xi32, #tpu.memory_space<hbm>>
    %dma_wait3A_957 = arith.constant 0 : i32
    %dma_wait3A_958 = tpu.memref_slice %arg7[%dma_wait3A_957] : memref<51200xi32, #tpu.memory_space<vmem>> -> memref<1024xi32, #tpu.memory_space<vmem>>
    %dma_wait3A_959 = arith.constant 0 : i32
    %dma_wait3A_960 = tpu.memref_slice %arg4[%dma_wait3A_949, %dma_wait3A_959] : memref<50x16384xi32, #tpu.memory_space<hbm>> -> memref<1x16384xi32, #tpu.memory_space<hbm>>
    %dma_wait3A_961 = tpu.memref_squeeze %dma_wait3A_960 : memref<1x16384xi32, #tpu.memory_space<hbm>> -> memref<16384xi32, #tpu.memory_space<hbm>>
    %dma_wait3A_962 = arith.constant 0 : i32
    %dma_wait3A_963 = tpu.memref_slice %dma_wait3A_961[%dma_wait3A_962] : memref<16384xi32, #tpu.memory_space<hbm>> -> memref<1024xi32, #tpu.memory_space<hbm>>
    tpu.wait_dma2 semaphore(%arg10 : memref<!tpu.dma_semaphore, #tpu.memory_space<semaphore_mem>>) src(%dma_wait3A_963 : memref<1024xi32, #tpu.memory_space<hbm>>) dst(%dma_wait3A_958 : memref<1024xi32, #tpu.memory_space<vmem>>)
    %dma_wait3A_964 = arith.constant 0 : i32
    %dma_wait3A_965 = arith.constant 0 : i32
    %dma_wait3A_966 = tpu.memref_slice %arg7[%dma_wait3A_965] : memref<51200xi32, #tpu.memory_space<vmem>> -> memref<1024xi32, #tpu.memory_space<vmem>>
    %dma_wait3A_967 = arith.constant 0 : i32
    %dma_wait3A_968 = tpu.memref_slice %arg4[%dma_wait3A_964, %dma_wait3A_967] : memref<50x16384xi32, #tpu.memory_space<hbm>> -> memref<1x16384xi32, #tpu.memory_space<hbm>>
    %dma_wait3A_969 = tpu.memref_squeeze %dma_wait3A_968 : memref<1x16384xi32, #tpu.memory_space<hbm>> -> memref<16384xi32, #tpu.memory_space<hbm>>
    %dma_wait3A_970 = arith.constant 0 : i32
    %dma_wait3A_971 = tpu.memref_slice %dma_wait3A_969[%dma_wait3A_970] : memref<16384xi32, #tpu.memory_space<hbm>> -> memref<1024xi32, #tpu.memory_space<hbm>>
    %dma_wait3A_972 = arith.constant 0 : i32
    %dma_wait3A_973 = tpu.memref_slice %arg7[%dma_wait3A_972] : memref<51200xi32, #tpu.memory_space<vmem>> -> memref<1024xi32, #tpu.memory_space<vmem>>
    %dma_wait3A_974 = arith.constant 0 : i32
    %dma_wait3A_975 = tpu.memref_slice %arg4[%dma_wait3A_964, %dma_wait3A_974] : memref<50x16384xi32, #tpu.memory_space<hbm>> -> memref<1x16384xi32, #tpu.memory_space<hbm>>
    %dma_wait3A_976 = tpu.memref_squeeze %dma_wait3A_975 : memref<1x16384xi32, #tpu.memory_space<hbm>> -> memref<16384xi32, #tpu.memory_space<hbm>>
    %dma_wait3A_977 = arith.constant 0 : i32
    %dma_wait3A_978 = tpu.memref_slice %dma_wait3A_976[%dma_wait3A_977] : memref<16384xi32, #tpu.memory_space<hbm>> -> memref<1024xi32, #tpu.memory_space<hbm>>
    tpu.wait_dma2 semaphore(%arg10 : memref<!tpu.dma_semaphore, #tpu.memory_space<semaphore_mem>>) src(%dma_wait3A_978 : memref<1024xi32, #tpu.memory_space<hbm>>) dst(%dma_wait3A_973 : memref<1024xi32, #tpu.memory_space<vmem>>)
    %dma_wait3A_979 = arith.constant 0 : i32
    %dma_wait3A_980 = arith.constant 0 : i32
    %dma_wait3A_981 = tpu.memref_slice %arg7[%dma_wait3A_980] : memref<51200xi32, #tpu.memory_space<vmem>> -> memref<1024xi32, #tpu.memory_space<vmem>>
    %dma_wait3A_982 = arith.constant 0 : i32
    %dma_wait3A_983 = tpu.memref_slice %arg4[%dma_wait3A_979, %dma_wait3A_982] : memref<50x16384xi32, #tpu.memory_space<hbm>> -> memref<1x16384xi32, #tpu.memory_space<hbm>>
    %dma_wait3A_984 = tpu.memref_squeeze %dma_wait3A_983 : memref<1x16384xi32, #tpu.memory_space<hbm>> -> memref<16384xi32, #tpu.memory_space<hbm>>
    %dma_wait3A_985 = arith.constant 0 : i32
    %dma_wait3A_986 = tpu.memref_slice %dma_wait3A_984[%dma_wait3A_985] : memref<16384xi32, #tpu.memory_space<hbm>> -> memref<1024xi32, #tpu.memory_space<hbm>>
    %dma_wait3A_987 = arith.constant 0 : i32
    %dma_wait3A_988 = tpu.memref_slice %arg7[%dma_wait3A_987] : memref<51200xi32, #tpu.memory_space<vmem>> -> memref<1024xi32, #tpu.memory_space<vmem>>
    %dma_wait3A_989 = arith.constant 0 : i32
    %dma_wait3A_990 = tpu.memref_slice %arg4[%dma_wait3A_979, %dma_wait3A_989] : memref<50x16384xi32, #tpu.memory_space<hbm>> -> memref<1x16384xi32, #tpu.memory_space<hbm>>
    %dma_wait3A_991 = tpu.memref_squeeze %dma_wait3A_990 : memref<1x16384xi32, #tpu.memory_space<hbm>> -> memref<16384xi32, #tpu.memory_space<hbm>>
    %dma_wait3A_992 = arith.constant 0 : i32
    %dma_wait3A_993 = tpu.memref_slice %dma_wait3A_991[%dma_wait3A_992] : memref<16384xi32, #tpu.memory_space<hbm>> -> memref<1024xi32, #tpu.memory_space<hbm>>
    tpu.wait_dma2 semaphore(%arg10 : memref<!tpu.dma_semaphore, #tpu.memory_space<semaphore_mem>>) src(%dma_wait3A_993 : memref<1024xi32, #tpu.memory_space<hbm>>) dst(%dma_wait3A_988 : memref<1024xi32, #tpu.memory_space<vmem>>)
    %dma_wait3A_994 = arith.constant 0 : i32
    %dma_wait3A_995 = arith.constant 0 : i32
    %dma_wait3A_996 = tpu.memref_slice %arg7[%dma_wait3A_995] : memref<51200xi32, #tpu.memory_space<vmem>> -> memref<1024xi32, #tpu.memory_space<vmem>>
    %dma_wait3A_997 = arith.constant 0 : i32
    %dma_wait3A_998 = tpu.memref_slice %arg4[%dma_wait3A_994, %dma_wait3A_997] : memref<50x16384xi32, #tpu.memory_space<hbm>> -> memref<1x16384xi32, #tpu.memory_space<hbm>>
    %dma_wait3A_999 = tpu.memref_squeeze %dma_wait3A_998 : memref<1x16384xi32, #tpu.memory_space<hbm>> -> memref<16384xi32, #tpu.memory_space<hbm>>
    %dma_wait3A_1000 = arith.constant 0 : i32
    %dma_wait3A_1001 = tpu.memref_slice %dma_wait3A_999[%dma_wait3A_1000] : memref<16384xi32, #tpu.memory_space<hbm>> -> memref<1024xi32, #tpu.memory_space<hbm>>
    %dma_wait3A_1002 = arith.constant 0 : i32
    %dma_wait3A_1003 = tpu.memref_slice %arg7[%dma_wait3A_1002] : memref<51200xi32, #tpu.memory_space<vmem>> -> memref<1024xi32, #tpu.memory_space<vmem>>
    %dma_wait3A_1004 = arith.constant 0 : i32
    %dma_wait3A_1005 = tpu.memref_slice %arg4[%dma_wait3A_994, %dma_wait3A_1004] : memref<50x16384xi32, #tpu.memory_space<hbm>> -> memref<1x16384xi32, #tpu.memory_space<hbm>>
    %dma_wait3A_1006 = tpu.memref_squeeze %dma_wait3A_1005 : memref<1x16384xi32, #tpu.memory_space<hbm>> -> memref<16384xi32, #tpu.memory_space<hbm>>
    %dma_wait3A_1007 = arith.constant 0 : i32
    %dma_wait3A_1008 = tpu.memref_slice %dma_wait3A_1006[%dma_wait3A_1007] : memref<16384xi32, #tpu.memory_space<hbm>> -> memref<1024xi32, #tpu.memory_space<hbm>>
    tpu.wait_dma2 semaphore(%arg10 : memref<!tpu.dma_semaphore, #tpu.memory_space<semaphore_mem>>) src(%dma_wait3A_1008 : memref<1024xi32, #tpu.memory_space<hbm>>) dst(%dma_wait3A_1003 : memref<1024xi32, #tpu.memory_space<vmem>>)
    %dma_wait3A_1009 = arith.constant 0 : i32
    %dma_wait3A_1010 = arith.constant 0 : i32
    %dma_wait3A_1011 = tpu.memref_slice %arg7[%dma_wait3A_1010] : memref<51200xi32, #tpu.memory_space<vmem>> -> memref<1024xi32, #tpu.memory_space<vmem>>
    %dma_wait3A_1012 = arith.constant 0 : i32
    %dma_wait3A_1013 = tpu.memref_slice %arg4[%dma_wait3A_1009, %dma_wait3A_1012] : memref<50x16384xi32, #tpu.memory_space<hbm>> -> memref<1x16384xi32, #tpu.memory_space<hbm>>
    %dma_wait3A_1014 = tpu.memref_squeeze %dma_wait3A_1013 : memref<1x16384xi32, #tpu.memory_space<hbm>> -> memref<16384xi32, #tpu.memory_space<hbm>>
    %dma_wait3A_1015 = arith.constant 0 : i32
    %dma_wait3A_1016 = tpu.memref_slice %dma_wait3A_1014[%dma_wait3A_1015] : memref<16384xi32, #tpu.memory_space<hbm>> -> memref<1024xi32, #tpu.memory_space<hbm>>
    %dma_wait3A_1017 = arith.constant 0 : i32
    %dma_wait3A_1018 = tpu.memref_slice %arg7[%dma_wait3A_1017] : memref<51200xi32, #tpu.memory_space<vmem>> -> memref<1024xi32, #tpu.memory_space<vmem>>
    %dma_wait3A_1019 = arith.constant 0 : i32
    %dma_wait3A_1020 = tpu.memref_slice %arg4[%dma_wait3A_1009, %dma_wait3A_1019] : memref<50x16384xi32, #tpu.memory_space<hbm>> -> memref<1x16384xi32, #tpu.memory_space<hbm>>
    %dma_wait3A_1021 = tpu.memref_squeeze %dma_wait3A_1020 : memref<1x16384xi32, #tpu.memory_space<hbm>> -> memref<16384xi32, #tpu.memory_space<hbm>>
    %dma_wait3A_1022 = arith.constant 0 : i32
    %dma_wait3A_1023 = tpu.memref_slice %dma_wait3A_1021[%dma_wait3A_1022] : memref<16384xi32, #tpu.memory_space<hbm>> -> memref<1024xi32, #tpu.memory_space<hbm>>
    tpu.wait_dma2 semaphore(%arg10 : memref<!tpu.dma_semaphore, #tpu.memory_space<semaphore_mem>>) src(%dma_wait3A_1023 : memref<1024xi32, #tpu.memory_space<hbm>>) dst(%dma_wait3A_1018 : memref<1024xi32, #tpu.memory_space<vmem>>)
    %dma_wait3A_1024 = arith.constant 0 : i32
    %dma_wait3A_1025 = arith.constant 0 : i32
    %dma_wait3A_1026 = tpu.memref_slice %arg7[%dma_wait3A_1025] : memref<51200xi32, #tpu.memory_space<vmem>> -> memref<1024xi32, #tpu.memory_space<vmem>>
    %dma_wait3A_1027 = arith.constant 0 : i32
    %dma_wait3A_1028 = tpu.memref_slice %arg4[%dma_wait3A_1024, %dma_wait3A_1027] : memref<50x16384xi32, #tpu.memory_space<hbm>> -> memref<1x16384xi32, #tpu.memory_space<hbm>>
    %dma_wait3A_1029 = tpu.memref_squeeze %dma_wait3A_1028 : memref<1x16384xi32, #tpu.memory_space<hbm>> -> memref<16384xi32, #tpu.memory_space<hbm>>
    %dma_wait3A_1030 = arith.constant 0 : i32
    %dma_wait3A_1031 = tpu.memref_slice %dma_wait3A_1029[%dma_wait3A_1030] : memref<16384xi32, #tpu.memory_space<hbm>> -> memref<1024xi32, #tpu.memory_space<hbm>>
    %dma_wait3A_1032 = arith.constant 0 : i32
    %dma_wait3A_1033 = tpu.memref_slice %arg7[%dma_wait3A_1032] : memref<51200xi32, #tpu.memory_space<vmem>> -> memref<1024xi32, #tpu.memory_space<vmem>>
    %dma_wait3A_1034 = arith.constant 0 : i32
    %dma_wait3A_1035 = tpu.memref_slice %arg4[%dma_wait3A_1024, %dma_wait3A_1034] : memref<50x16384xi32, #tpu.memory_space<hbm>> -> memref<1x16384xi32, #tpu.memory_space<hbm>>
    %dma_wait3A_1036 = tpu.memref_squeeze %dma_wait3A_1035 : memref<1x16384xi32, #tpu.memory_space<hbm>> -> memref<16384xi32, #tpu.memory_space<hbm>>
    %dma_wait3A_1037 = arith.constant 0 : i32
    %dma_wait3A_1038 = tpu.memref_slice %dma_wait3A_1036[%dma_wait3A_1037] : memref<16384xi32, #tpu.memory_space<hbm>> -> memref<1024xi32, #tpu.memory_space<hbm>>
    tpu.wait_dma2 semaphore(%arg10 : memref<!tpu.dma_semaphore, #tpu.memory_space<semaphore_mem>>) src(%dma_wait3A_1038 : memref<1024xi32, #tpu.memory_space<hbm>>) dst(%dma_wait3A_1033 : memref<1024xi32, #tpu.memory_space<vmem>>)
    %dma_wait3A_1039 = arith.constant 0 : i32
    %dma_wait3A_1040 = arith.constant 0 : i32
    %dma_wait3A_1041 = tpu.memref_slice %arg7[%dma_wait3A_1040] : memref<51200xi32, #tpu.memory_space<vmem>> -> memref<1024xi32, #tpu.memory_space<vmem>>
    %dma_wait3A_1042 = arith.constant 0 : i32
    %dma_wait3A_1043 = tpu.memref_slice %arg4[%dma_wait3A_1039, %dma_wait3A_1042] : memref<50x16384xi32, #tpu.memory_space<hbm>> -> memref<1x16384xi32, #tpu.memory_space<hbm>>
    %dma_wait3A_1044 = tpu.memref_squeeze %dma_wait3A_1043 : memref<1x16384xi32, #tpu.memory_space<hbm>> -> memref<16384xi32, #tpu.memory_space<hbm>>
    %dma_wait3A_1045 = arith.constant 0 : i32
    %dma_wait3A_1046 = tpu.memref_slice %dma_wait3A_1044[%dma_wait3A_1045] : memref<16384xi32, #tpu.memory_space<hbm>> -> memref<1024xi32, #tpu.memory_space<hbm>>
    %dma_wait3A_1047 = arith.constant 0 : i32
    %dma_wait3A_1048 = tpu.memref_slice %arg7[%dma_wait3A_1047] : memref<51200xi32, #tpu.memory_space<vmem>> -> memref<1024xi32, #tpu.memory_space<vmem>>
    %dma_wait3A_1049 = arith.constant 0 : i32
    %dma_wait3A_1050 = tpu.memref_slice %arg4[%dma_wait3A_1039, %dma_wait3A_1049] : memref<50x16384xi32, #tpu.memory_space<hbm>> -> memref<1x16384xi32, #tpu.memory_space<hbm>>
    %dma_wait3A_1051 = tpu.memref_squeeze %dma_wait3A_1050 : memref<1x16384xi32, #tpu.memory_space<hbm>> -> memref<16384xi32, #tpu.memory_space<hbm>>
    %dma_wait3A_1052 = arith.constant 0 : i32
    %dma_wait3A_1053 = tpu.memref_slice %dma_wait3A_1051[%dma_wait3A_1052] : memref<16384xi32, #tpu.memory_space<hbm>> -> memref<1024xi32, #tpu.memory_space<hbm>>
    tpu.wait_dma2 semaphore(%arg10 : memref<!tpu.dma_semaphore, #tpu.memory_space<semaphore_mem>>) src(%dma_wait3A_1053 : memref<1024xi32, #tpu.memory_space<hbm>>) dst(%dma_wait3A_1048 : memref<1024xi32, #tpu.memory_space<vmem>>)
    %dma_wait3A_1054 = arith.constant 0 : i32
    %dma_wait3A_1055 = arith.constant 0 : i32
    %dma_wait3A_1056 = tpu.memref_slice %arg7[%dma_wait3A_1055] : memref<51200xi32, #tpu.memory_space<vmem>> -> memref<1024xi32, #tpu.memory_space<vmem>>
    %dma_wait3A_1057 = arith.constant 0 : i32
    %dma_wait3A_1058 = tpu.memref_slice %arg4[%dma_wait3A_1054, %dma_wait3A_1057] : memref<50x16384xi32, #tpu.memory_space<hbm>> -> memref<1x16384xi32, #tpu.memory_space<hbm>>
    %dma_wait3A_1059 = tpu.memref_squeeze %dma_wait3A_1058 : memref<1x16384xi32, #tpu.memory_space<hbm>> -> memref<16384xi32, #tpu.memory_space<hbm>>
    %dma_wait3A_1060 = arith.constant 0 : i32
    %dma_wait3A_1061 = tpu.memref_slice %dma_wait3A_1059[%dma_wait3A_1060] : memref<16384xi32, #tpu.memory_space<hbm>> -> memref<1024xi32, #tpu.memory_space<hbm>>
    %dma_wait3A_1062 = arith.constant 0 : i32
    %dma_wait3A_1063 = tpu.memref_slice %arg7[%dma_wait3A_1062] : memref<51200xi32, #tpu.memory_space<vmem>> -> memref<1024xi32, #tpu.memory_space<vmem>>
    %dma_wait3A_1064 = arith.constant 0 : i32
    %dma_wait3A_1065 = tpu.memref_slice %arg4[%dma_wait3A_1054, %dma_wait3A_1064] : memref<50x16384xi32, #tpu.memory_space<hbm>> -> memref<1x16384xi32, #tpu.memory_space<hbm>>
    %dma_wait3A_1066 = tpu.memref_squeeze %dma_wait3A_1065 : memref<1x16384xi32, #tpu.memory_space<hbm>> -> memref<16384xi32, #tpu.memory_space<hbm>>
    %dma_wait3A_1067 = arith.constant 0 : i32
    %dma_wait3A_1068 = tpu.memref_slice %dma_wait3A_1066[%dma_wait3A_1067] : memref<16384xi32, #tpu.memory_space<hbm>> -> memref<1024xi32, #tpu.memory_space<hbm>>
    tpu.wait_dma2 semaphore(%arg10 : memref<!tpu.dma_semaphore, #tpu.memory_space<semaphore_mem>>) src(%dma_wait3A_1068 : memref<1024xi32, #tpu.memory_space<hbm>>) dst(%dma_wait3A_1063 : memref<1024xi32, #tpu.memory_space<vmem>>)
    %dma_wait3A_1069 = arith.constant 0 : i32
    %dma_wait3A_1070 = arith.constant 0 : i32
    %dma_wait3A_1071 = tpu.memref_slice %arg7[%dma_wait3A_1070] : memref<51200xi32, #tpu.memory_space<vmem>> -> memref<1024xi32, #tpu.memory_space<vmem>>
    %dma_wait3A_1072 = arith.constant 0 : i32
    %dma_wait3A_1073 = tpu.memref_slice %arg4[%dma_wait3A_1069, %dma_wait3A_1072] : memref<50x16384xi32, #tpu.memory_space<hbm>> -> memref<1x16384xi32, #tpu.memory_space<hbm>>
    %dma_wait3A_1074 = tpu.memref_squeeze %dma_wait3A_1073 : memref<1x16384xi32, #tpu.memory_space<hbm>> -> memref<16384xi32, #tpu.memory_space<hbm>>
    %dma_wait3A_1075 = arith.constant 0 : i32
    %dma_wait3A_1076 = tpu.memref_slice %dma_wait3A_1074[%dma_wait3A_1075] : memref<16384xi32, #tpu.memory_space<hbm>> -> memref<1024xi32, #tpu.memory_space<hbm>>
    %dma_wait3A_1077 = arith.constant 0 : i32
    %dma_wait3A_1078 = tpu.memref_slice %arg7[%dma_wait3A_1077] : memref<51200xi32, #tpu.memory_space<vmem>> -> memref<1024xi32, #tpu.memory_space<vmem>>
    %dma_wait3A_1079 = arith.constant 0 : i32
    %dma_wait3A_1080 = tpu.memref_slice %arg4[%dma_wait3A_1069, %dma_wait3A_1079] : memref<50x16384xi32, #tpu.memory_space<hbm>> -> memref<1x16384xi32, #tpu.memory_space<hbm>>
    %dma_wait3A_1081 = tpu.memref_squeeze %dma_wait3A_1080 : memref<1x16384xi32, #tpu.memory_space<hbm>> -> memref<16384xi32, #tpu.memory_space<hbm>>
    %dma_wait3A_1082 = arith.constant 0 : i32
    %dma_wait3A_1083 = tpu.memref_slice %dma_wait3A_1081[%dma_wait3A_1082] : memref<16384xi32, #tpu.memory_space<hbm>> -> memref<1024xi32, #tpu.memory_space<hbm>>
    tpu.wait_dma2 semaphore(%arg10 : memref<!tpu.dma_semaphore, #tpu.memory_space<semaphore_mem>>) src(%dma_wait3A_1083 : memref<1024xi32, #tpu.memory_space<hbm>>) dst(%dma_wait3A_1078 : memref<1024xi32, #tpu.memory_space<vmem>>)
    %dma_wait3A_1084 = arith.constant 0 : i32
    %dma_wait3A_1085 = arith.constant 0 : i32
    %dma_wait3A_1086 = tpu.memref_slice %arg7[%dma_wait3A_1085] : memref<51200xi32, #tpu.memory_space<vmem>> -> memref<1024xi32, #tpu.memory_space<vmem>>
    %dma_wait3A_1087 = arith.constant 0 : i32
    %dma_wait3A_1088 = tpu.memref_slice %arg4[%dma_wait3A_1084, %dma_wait3A_1087] : memref<50x16384xi32, #tpu.memory_space<hbm>> -> memref<1x16384xi32, #tpu.memory_space<hbm>>
    %dma_wait3A_1089 = tpu.memref_squeeze %dma_wait3A_1088 : memref<1x16384xi32, #tpu.memory_space<hbm>> -> memref<16384xi32, #tpu.memory_space<hbm>>
    %dma_wait3A_1090 = arith.constant 0 : i32
    %dma_wait3A_1091 = tpu.memref_slice %dma_wait3A_1089[%dma_wait3A_1090] : memref<16384xi32, #tpu.memory_space<hbm>> -> memref<1024xi32, #tpu.memory_space<hbm>>
    %dma_wait3A_1092 = arith.constant 0 : i32
    %dma_wait3A_1093 = tpu.memref_slice %arg7[%dma_wait3A_1092] : memref<51200xi32, #tpu.memory_space<vmem>> -> memref<1024xi32, #tpu.memory_space<vmem>>
    %dma_wait3A_1094 = arith.constant 0 : i32
    %dma_wait3A_1095 = tpu.memref_slice %arg4[%dma_wait3A_1084, %dma_wait3A_1094] : memref<50x16384xi32, #tpu.memory_space<hbm>> -> memref<1x16384xi32, #tpu.memory_space<hbm>>
    %dma_wait3A_1096 = tpu.memref_squeeze %dma_wait3A_1095 : memref<1x16384xi32, #tpu.memory_space<hbm>> -> memref<16384xi32, #tpu.memory_space<hbm>>
    %dma_wait3A_1097 = arith.constant 0 : i32
    %dma_wait3A_1098 = tpu.memref_slice %dma_wait3A_1096[%dma_wait3A_1097] : memref<16384xi32, #tpu.memory_space<hbm>> -> memref<1024xi32, #tpu.memory_space<hbm>>
    tpu.wait_dma2 semaphore(%arg10 : memref<!tpu.dma_semaphore, #tpu.memory_space<semaphore_mem>>) src(%dma_wait3A_1098 : memref<1024xi32, #tpu.memory_space<hbm>>) dst(%dma_wait3A_1093 : memref<1024xi32, #tpu.memory_space<vmem>>)
    %dma_wait3A_1099 = arith.constant 0 : i32
    %dma_wait3A_1100 = arith.constant 0 : i32
    %dma_wait3A_1101 = tpu.memref_slice %arg7[%dma_wait3A_1100] : memref<51200xi32, #tpu.memory_space<vmem>> -> memref<1024xi32, #tpu.memory_space<vmem>>
    %dma_wait3A_1102 = arith.constant 0 : i32
    %dma_wait3A_1103 = tpu.memref_slice %arg4[%dma_wait3A_1099, %dma_wait3A_1102] : memref<50x16384xi32, #tpu.memory_space<hbm>> -> memref<1x16384xi32, #tpu.memory_space<hbm>>
    %dma_wait3A_1104 = tpu.memref_squeeze %dma_wait3A_1103 : memref<1x16384xi32, #tpu.memory_space<hbm>> -> memref<16384xi32, #tpu.memory_space<hbm>>
    %dma_wait3A_1105 = arith.constant 0 : i32
    %dma_wait3A_1106 = tpu.memref_slice %dma_wait3A_1104[%dma_wait3A_1105] : memref<16384xi32, #tpu.memory_space<hbm>> -> memref<1024xi32, #tpu.memory_space<hbm>>
    %dma_wait3A_1107 = arith.constant 0 : i32
    %dma_wait3A_1108 = tpu.memref_slice %arg7[%dma_wait3A_1107] : memref<51200xi32, #tpu.memory_space<vmem>> -> memref<1024xi32, #tpu.memory_space<vmem>>
    %dma_wait3A_1109 = arith.constant 0 : i32
    %dma_wait3A_1110 = tpu.memref_slice %arg4[%dma_wait3A_1099, %dma_wait3A_1109] : memref<50x16384xi32, #tpu.memory_space<hbm>> -> memref<1x16384xi32, #tpu.memory_space<hbm>>
    %dma_wait3A_1111 = tpu.memref_squeeze %dma_wait3A_1110 : memref<1x16384xi32, #tpu.memory_space<hbm>> -> memref<16384xi32, #tpu.memory_space<hbm>>
    %dma_wait3A_1112 = arith.constant 0 : i32
    %dma_wait3A_1113 = tpu.memref_slice %dma_wait3A_1111[%dma_wait3A_1112] : memref<16384xi32, #tpu.memory_space<hbm>> -> memref<1024xi32, #tpu.memory_space<hbm>>
    tpu.wait_dma2 semaphore(%arg10 : memref<!tpu.dma_semaphore, #tpu.memory_space<semaphore_mem>>) src(%dma_wait3A_1113 : memref<1024xi32, #tpu.memory_space<hbm>>) dst(%dma_wait3A_1108 : memref<1024xi32, #tpu.memory_space<vmem>>)
    %dma_wait3A_1114 = arith.constant 0 : i32
    %dma_wait3A_1115 = arith.constant 0 : i32
    %dma_wait3A_1116 = tpu.memref_slice %arg7[%dma_wait3A_1115] : memref<51200xi32, #tpu.memory_space<vmem>> -> memref<1024xi32, #tpu.memory_space<vmem>>
    %dma_wait3A_1117 = arith.constant 0 : i32
    %dma_wait3A_1118 = tpu.memref_slice %arg4[%dma_wait3A_1114, %dma_wait3A_1117] : memref<50x16384xi32, #tpu.memory_space<hbm>> -> memref<1x16384xi32, #tpu.memory_space<hbm>>
    %dma_wait3A_1119 = tpu.memref_squeeze %dma_wait3A_1118 : memref<1x16384xi32, #tpu.memory_space<hbm>> -> memref<16384xi32, #tpu.memory_space<hbm>>
    %dma_wait3A_1120 = arith.constant 0 : i32
    %dma_wait3A_1121 = tpu.memref_slice %dma_wait3A_1119[%dma_wait3A_1120] : memref<16384xi32, #tpu.memory_space<hbm>> -> memref<1024xi32, #tpu.memory_space<hbm>>
    %dma_wait3A_1122 = arith.constant 0 : i32
    %dma_wait3A_1123 = tpu.memref_slice %arg7[%dma_wait3A_1122] : memref<51200xi32, #tpu.memory_space<vmem>> -> memref<1024xi32, #tpu.memory_space<vmem>>
    %dma_wait3A_1124 = arith.constant 0 : i32
    %dma_wait3A_1125 = tpu.memref_slice %arg4[%dma_wait3A_1114, %dma_wait3A_1124] : memref<50x16384xi32, #tpu.memory_space<hbm>> -> memref<1x16384xi32, #tpu.memory_space<hbm>>
    %dma_wait3A_1126 = tpu.memref_squeeze %dma_wait3A_1125 : memref<1x16384xi32, #tpu.memory_space<hbm>> -> memref<16384xi32, #tpu.memory_space<hbm>>
    %dma_wait3A_1127 = arith.constant 0 : i32
    %dma_wait3A_1128 = tpu.memref_slice %dma_wait3A_1126[%dma_wait3A_1127] : memref<16384xi32, #tpu.memory_space<hbm>> -> memref<1024xi32, #tpu.memory_space<hbm>>
    tpu.wait_dma2 semaphore(%arg10 : memref<!tpu.dma_semaphore, #tpu.memory_space<semaphore_mem>>) src(%dma_wait3A_1128 : memref<1024xi32, #tpu.memory_space<hbm>>) dst(%dma_wait3A_1123 : memref<1024xi32, #tpu.memory_space<vmem>>)
    %dma_wait3A_1129 = arith.constant 0 : i32
    %dma_wait3A_1130 = arith.constant 0 : i32
    %dma_wait3A_1131 = tpu.memref_slice %arg7[%dma_wait3A_1130] : memref<51200xi32, #tpu.memory_space<vmem>> -> memref<1024xi32, #tpu.memory_space<vmem>>
    %dma_wait3A_1132 = arith.constant 0 : i32
    %dma_wait3A_1133 = tpu.memref_slice %arg4[%dma_wait3A_1129, %dma_wait3A_1132] : memref<50x16384xi32, #tpu.memory_space<hbm>> -> memref<1x16384xi32, #tpu.memory_space<hbm>>
    %dma_wait3A_1134 = tpu.memref_squeeze %dma_wait3A_1133 : memref<1x16384xi32, #tpu.memory_space<hbm>> -> memref<16384xi32, #tpu.memory_space<hbm>>
    %dma_wait3A_1135 = arith.constant 0 : i32
    %dma_wait3A_1136 = tpu.memref_slice %dma_wait3A_1134[%dma_wait3A_1135] : memref<16384xi32, #tpu.memory_space<hbm>> -> memref<1024xi32, #tpu.memory_space<hbm>>
    %dma_wait3A_1137 = arith.constant 0 : i32
    %dma_wait3A_1138 = tpu.memref_slice %arg7[%dma_wait3A_1137] : memref<51200xi32, #tpu.memory_space<vmem>> -> memref<1024xi32, #tpu.memory_space<vmem>>
    %dma_wait3A_1139 = arith.constant 0 : i32
    %dma_wait3A_1140 = tpu.memref_slice %arg4[%dma_wait3A_1129, %dma_wait3A_1139] : memref<50x16384xi32, #tpu.memory_space<hbm>> -> memref<1x16384xi32, #tpu.memory_space<hbm>>
    %dma_wait3A_1141 = tpu.memref_squeeze %dma_wait3A_1140 : memref<1x16384xi32, #tpu.memory_space<hbm>> -> memref<16384xi32, #tpu.memory_space<hbm>>
    %dma_wait3A_1142 = arith.constant 0 : i32
    %dma_wait3A_1143 = tpu.memref_slice %dma_wait3A_1141[%dma_wait3A_1142] : memref<16384xi32, #tpu.memory_space<hbm>> -> memref<1024xi32, #tpu.memory_space<hbm>>
    tpu.wait_dma2 semaphore(%arg10 : memref<!tpu.dma_semaphore, #tpu.memory_space<semaphore_mem>>) src(%dma_wait3A_1143 : memref<1024xi32, #tpu.memory_space<hbm>>) dst(%dma_wait3A_1138 : memref<1024xi32, #tpu.memory_space<vmem>>)
    %dma_wait3A_1144 = arith.constant 0 : i32
    %dma_wait3A_1145 = arith.constant 0 : i32
    %dma_wait3A_1146 = tpu.memref_slice %arg7[%dma_wait3A_1145] : memref<51200xi32, #tpu.memory_space<vmem>> -> memref<1024xi32, #tpu.memory_space<vmem>>
    %dma_wait3A_1147 = arith.constant 0 : i32
    %dma_wait3A_1148 = tpu.memref_slice %arg4[%dma_wait3A_1144, %dma_wait3A_1147] : memref<50x16384xi32, #tpu.memory_space<hbm>> -> memref<1x16384xi32, #tpu.memory_space<hbm>>
    %dma_wait3A_1149 = tpu.memref_squeeze %dma_wait3A_1148 : memref<1x16384xi32, #tpu.memory_space<hbm>> -> memref<16384xi32, #tpu.memory_space<hbm>>
    %dma_wait3A_1150 = arith.constant 0 : i32
    %dma_wait3A_1151 = tpu.memref_slice %dma_wait3A_1149[%dma_wait3A_1150] : memref<16384xi32, #tpu.memory_space<hbm>> -> memref<1024xi32, #tpu.memory_space<hbm>>
    %dma_wait3A_1152 = arith.constant 0 : i32
    %dma_wait3A_1153 = tpu.memref_slice %arg7[%dma_wait3A_1152] : memref<51200xi32, #tpu.memory_space<vmem>> -> memref<1024xi32, #tpu.memory_space<vmem>>
    %dma_wait3A_1154 = arith.constant 0 : i32
    %dma_wait3A_1155 = tpu.memref_slice %arg4[%dma_wait3A_1144, %dma_wait3A_1154] : memref<50x16384xi32, #tpu.memory_space<hbm>> -> memref<1x16384xi32, #tpu.memory_space<hbm>>
    %dma_wait3A_1156 = tpu.memref_squeeze %dma_wait3A_1155 : memref<1x16384xi32, #tpu.memory_space<hbm>> -> memref<16384xi32, #tpu.memory_space<hbm>>
    %dma_wait3A_1157 = arith.constant 0 : i32
    %dma_wait3A_1158 = tpu.memref_slice %dma_wait3A_1156[%dma_wait3A_1157] : memref<16384xi32, #tpu.memory_space<hbm>> -> memref<1024xi32, #tpu.memory_space<hbm>>
    tpu.wait_dma2 semaphore(%arg10 : memref<!tpu.dma_semaphore, #tpu.memory_space<semaphore_mem>>) src(%dma_wait3A_1158 : memref<1024xi32, #tpu.memory_space<hbm>>) dst(%dma_wait3A_1153 : memref<1024xi32, #tpu.memory_space<vmem>>)
    %dma_wait3A_1159 = arith.constant 0 : i32
    %dma_wait3A_1160 = arith.constant 0 : i32
    %dma_wait3A_1161 = tpu.memref_slice %arg7[%dma_wait3A_1160] : memref<51200xi32, #tpu.memory_space<vmem>> -> memref<1024xi32, #tpu.memory_space<vmem>>
    %dma_wait3A_1162 = arith.constant 0 : i32
    %dma_wait3A_1163 = tpu.memref_slice %arg4[%dma_wait3A_1159, %dma_wait3A_1162] : memref<50x16384xi32, #tpu.memory_space<hbm>> -> memref<1x16384xi32, #tpu.memory_space<hbm>>
    %dma_wait3A_1164 = tpu.memref_squeeze %dma_wait3A_1163 : memref<1x16384xi32, #tpu.memory_space<hbm>> -> memref<16384xi32, #tpu.memory_space<hbm>>
    %dma_wait3A_1165 = arith.constant 0 : i32
    %dma_wait3A_1166 = tpu.memref_slice %dma_wait3A_1164[%dma_wait3A_1165] : memref<16384xi32, #tpu.memory_space<hbm>> -> memref<1024xi32, #tpu.memory_space<hbm>>
    %dma_wait3A_1167 = arith.constant 0 : i32
    %dma_wait3A_1168 = tpu.memref_slice %arg7[%dma_wait3A_1167] : memref<51200xi32, #tpu.memory_space<vmem>> -> memref<1024xi32, #tpu.memory_space<vmem>>
    %dma_wait3A_1169 = arith.constant 0 : i32
    %dma_wait3A_1170 = tpu.memref_slice %arg4[%dma_wait3A_1159, %dma_wait3A_1169] : memref<50x16384xi32, #tpu.memory_space<hbm>> -> memref<1x16384xi32, #tpu.memory_space<hbm>>
    %dma_wait3A_1171 = tpu.memref_squeeze %dma_wait3A_1170 : memref<1x16384xi32, #tpu.memory_space<hbm>> -> memref<16384xi32, #tpu.memory_space<hbm>>
    %dma_wait3A_1172 = arith.constant 0 : i32
    %dma_wait3A_1173 = tpu.memref_slice %dma_wait3A_1171[%dma_wait3A_1172] : memref<16384xi32, #tpu.memory_space<hbm>> -> memref<1024xi32, #tpu.memory_space<hbm>>
    tpu.wait_dma2 semaphore(%arg10 : memref<!tpu.dma_semaphore, #tpu.memory_space<semaphore_mem>>) src(%dma_wait3A_1173 : memref<1024xi32, #tpu.memory_space<hbm>>) dst(%dma_wait3A_1168 : memref<1024xi32, #tpu.memory_space<vmem>>)
    %dma_wait3A_1174 = arith.constant 0 : i32
    %dma_wait3A_1175 = arith.constant 0 : i32
    %dma_wait3A_1176 = tpu.memref_slice %arg7[%dma_wait3A_1175] : memref<51200xi32, #tpu.memory_space<vmem>> -> memref<1024xi32, #tpu.memory_space<vmem>>
    %dma_wait3A_1177 = arith.constant 0 : i32
    %dma_wait3A_1178 = tpu.memref_slice %arg4[%dma_wait3A_1174, %dma_wait3A_1177] : memref<50x16384xi32, #tpu.memory_space<hbm>> -> memref<1x16384xi32, #tpu.memory_space<hbm>>
    %dma_wait3A_1179 = tpu.memref_squeeze %dma_wait3A_1178 : memref<1x16384xi32, #tpu.memory_space<hbm>> -> memref<16384xi32, #tpu.memory_space<hbm>>
    %dma_wait3A_1180 = arith.constant 0 : i32
    %dma_wait3A_1181 = tpu.memref_slice %dma_wait3A_1179[%dma_wait3A_1180] : memref<16384xi32, #tpu.memory_space<hbm>> -> memref<1024xi32, #tpu.memory_space<hbm>>
    %dma_wait3A_1182 = arith.constant 0 : i32
    %dma_wait3A_1183 = tpu.memref_slice %arg7[%dma_wait3A_1182] : memref<51200xi32, #tpu.memory_space<vmem>> -> memref<1024xi32, #tpu.memory_space<vmem>>
    %dma_wait3A_1184 = arith.constant 0 : i32
    %dma_wait3A_1185 = tpu.memref_slice %arg4[%dma_wait3A_1174, %dma_wait3A_1184] : memref<50x16384xi32, #tpu.memory_space<hbm>> -> memref<1x16384xi32, #tpu.memory_space<hbm>>
    %dma_wait3A_1186 = tpu.memref_squeeze %dma_wait3A_1185 : memref<1x16384xi32, #tpu.memory_space<hbm>> -> memref<16384xi32, #tpu.memory_space<hbm>>
    %dma_wait3A_1187 = arith.constant 0 : i32
    %dma_wait3A_1188 = tpu.memref_slice %dma_wait3A_1186[%dma_wait3A_1187] : memref<16384xi32, #tpu.memory_space<hbm>> -> memref<1024xi32, #tpu.memory_space<hbm>>
    tpu.wait_dma2 semaphore(%arg10 : memref<!tpu.dma_semaphore, #tpu.memory_space<semaphore_mem>>) src(%dma_wait3A_1188 : memref<1024xi32, #tpu.memory_space<hbm>>) dst(%dma_wait3A_1183 : memref<1024xi32, #tpu.memory_space<vmem>>)
    %dma_wait3A_1189 = arith.constant 0 : i32
    %dma_wait3A_1190 = arith.constant 0 : i32
    %dma_wait3A_1191 = tpu.memref_slice %arg7[%dma_wait3A_1190] : memref<51200xi32, #tpu.memory_space<vmem>> -> memref<1024xi32, #tpu.memory_space<vmem>>
    %dma_wait3A_1192 = arith.constant 0 : i32
    %dma_wait3A_1193 = tpu.memref_slice %arg4[%dma_wait3A_1189, %dma_wait3A_1192] : memref<50x16384xi32, #tpu.memory_space<hbm>> -> memref<1x16384xi32, #tpu.memory_space<hbm>>
    %dma_wait3A_1194 = tpu.memref_squeeze %dma_wait3A_1193 : memref<1x16384xi32, #tpu.memory_space<hbm>> -> memref<16384xi32, #tpu.memory_space<hbm>>
    %dma_wait3A_1195 = arith.constant 0 : i32
    %dma_wait3A_1196 = tpu.memref_slice %dma_wait3A_1194[%dma_wait3A_1195] : memref<16384xi32, #tpu.memory_space<hbm>> -> memref<1024xi32, #tpu.memory_space<hbm>>
    %dma_wait3A_1197 = arith.constant 0 : i32
    %dma_wait3A_1198 = tpu.memref_slice %arg7[%dma_wait3A_1197] : memref<51200xi32, #tpu.memory_space<vmem>> -> memref<1024xi32, #tpu.memory_space<vmem>>
    %dma_wait3A_1199 = arith.constant 0 : i32
    %dma_wait3A_1200 = tpu.memref_slice %arg4[%dma_wait3A_1189, %dma_wait3A_1199] : memref<50x16384xi32, #tpu.memory_space<hbm>> -> memref<1x16384xi32, #tpu.memory_space<hbm>>
    %dma_wait3A_1201 = tpu.memref_squeeze %dma_wait3A_1200 : memref<1x16384xi32, #tpu.memory_space<hbm>> -> memref<16384xi32, #tpu.memory_space<hbm>>
    %dma_wait3A_1202 = arith.constant 0 : i32
    %dma_wait3A_1203 = tpu.memref_slice %dma_wait3A_1201[%dma_wait3A_1202] : memref<16384xi32, #tpu.memory_space<hbm>> -> memref<1024xi32, #tpu.memory_space<hbm>>
    tpu.wait_dma2 semaphore(%arg10 : memref<!tpu.dma_semaphore, #tpu.memory_space<semaphore_mem>>) src(%dma_wait3A_1203 : memref<1024xi32, #tpu.memory_space<hbm>>) dst(%dma_wait3A_1198 : memref<1024xi32, #tpu.memory_space<vmem>>)
    %dma_wait3A_1204 = arith.constant 0 : i32
    %dma_wait3A_1205 = arith.constant 0 : i32
    %dma_wait3A_1206 = tpu.memref_slice %arg7[%dma_wait3A_1205] : memref<51200xi32, #tpu.memory_space<vmem>> -> memref<1024xi32, #tpu.memory_space<vmem>>
    %dma_wait3A_1207 = arith.constant 0 : i32
    %dma_wait3A_1208 = tpu.memref_slice %arg4[%dma_wait3A_1204, %dma_wait3A_1207] : memref<50x16384xi32, #tpu.memory_space<hbm>> -> memref<1x16384xi32, #tpu.memory_space<hbm>>
    %dma_wait3A_1209 = tpu.memref_squeeze %dma_wait3A_1208 : memref<1x16384xi32, #tpu.memory_space<hbm>> -> memref<16384xi32, #tpu.memory_space<hbm>>
    %dma_wait3A_1210 = arith.constant 0 : i32
    %dma_wait3A_1211 = tpu.memref_slice %dma_wait3A_1209[%dma_wait3A_1210] : memref<16384xi32, #tpu.memory_space<hbm>> -> memref<1024xi32, #tpu.memory_space<hbm>>
    %dma_wait3A_1212 = arith.constant 0 : i32
    %dma_wait3A_1213 = tpu.memref_slice %arg7[%dma_wait3A_1212] : memref<51200xi32, #tpu.memory_space<vmem>> -> memref<1024xi32, #tpu.memory_space<vmem>>
    %dma_wait3A_1214 = arith.constant 0 : i32
    %dma_wait3A_1215 = tpu.memref_slice %arg4[%dma_wait3A_1204, %dma_wait3A_1214] : memref<50x16384xi32, #tpu.memory_space<hbm>> -> memref<1x16384xi32, #tpu.memory_space<hbm>>
    %dma_wait3A_1216 = tpu.memref_squeeze %dma_wait3A_1215 : memref<1x16384xi32, #tpu.memory_space<hbm>> -> memref<16384xi32, #tpu.memory_space<hbm>>
    %dma_wait3A_1217 = arith.constant 0 : i32
    %dma_wait3A_1218 = tpu.memref_slice %dma_wait3A_1216[%dma_wait3A_1217] : memref<16384xi32, #tpu.memory_space<hbm>> -> memref<1024xi32, #tpu.memory_space<hbm>>
    tpu.wait_dma2 semaphore(%arg10 : memref<!tpu.dma_semaphore, #tpu.memory_space<semaphore_mem>>) src(%dma_wait3A_1218 : memref<1024xi32, #tpu.memory_space<hbm>>) dst(%dma_wait3A_1213 : memref<1024xi32, #tpu.memory_space<vmem>>)
    %dma_wait3A_1219 = arith.constant 0 : i32
    %dma_wait3A_1220 = arith.constant 0 : i32
    %dma_wait3A_1221 = tpu.memref_slice %arg7[%dma_wait3A_1220] : memref<51200xi32, #tpu.memory_space<vmem>> -> memref<1024xi32, #tpu.memory_space<vmem>>
    %dma_wait3A_1222 = arith.constant 0 : i32
    %dma_wait3A_1223 = tpu.memref_slice %arg4[%dma_wait3A_1219, %dma_wait3A_1222] : memref<50x16384xi32, #tpu.memory_space<hbm>> -> memref<1x16384xi32, #tpu.memory_space<hbm>>
    %dma_wait3A_1224 = tpu.memref_squeeze %dma_wait3A_1223 : memref<1x16384xi32, #tpu.memory_space<hbm>> -> memref<16384xi32, #tpu.memory_space<hbm>>
    %dma_wait3A_1225 = arith.constant 0 : i32
    %dma_wait3A_1226 = tpu.memref_slice %dma_wait3A_1224[%dma_wait3A_1225] : memref<16384xi32, #tpu.memory_space<hbm>> -> memref<1024xi32, #tpu.memory_space<hbm>>
    %dma_wait3A_1227 = arith.constant 0 : i32
    %dma_wait3A_1228 = tpu.memref_slice %arg7[%dma_wait3A_1227] : memref<51200xi32, #tpu.memory_space<vmem>> -> memref<1024xi32, #tpu.memory_space<vmem>>
    %dma_wait3A_1229 = arith.constant 0 : i32
    %dma_wait3A_1230 = tpu.memref_slice %arg4[%dma_wait3A_1219, %dma_wait3A_1229] : memref<50x16384xi32, #tpu.memory_space<hbm>> -> memref<1x16384xi32, #tpu.memory_space<hbm>>
    %dma_wait3A_1231 = tpu.memref_squeeze %dma_wait3A_1230 : memref<1x16384xi32, #tpu.memory_space<hbm>> -> memref<16384xi32, #tpu.memory_space<hbm>>
    %dma_wait3A_1232 = arith.constant 0 : i32
    %dma_wait3A_1233 = tpu.memref_slice %dma_wait3A_1231[%dma_wait3A_1232] : memref<16384xi32, #tpu.memory_space<hbm>> -> memref<1024xi32, #tpu.memory_space<hbm>>
    tpu.wait_dma2 semaphore(%arg10 : memref<!tpu.dma_semaphore, #tpu.memory_space<semaphore_mem>>) src(%dma_wait3A_1233 : memref<1024xi32, #tpu.memory_space<hbm>>) dst(%dma_wait3A_1228 : memref<1024xi32, #tpu.memory_space<vmem>>)
    %dma_wait3A_1234 = arith.constant 0 : i32
    %dma_wait3A_1235 = arith.constant 0 : i32
    %dma_wait3A_1236 = tpu.memref_slice %arg7[%dma_wait3A_1235] : memref<51200xi32, #tpu.memory_space<vmem>> -> memref<1024xi32, #tpu.memory_space<vmem>>
    %dma_wait3A_1237 = arith.constant 0 : i32
    %dma_wait3A_1238 = tpu.memref_slice %arg4[%dma_wait3A_1234, %dma_wait3A_1237] : memref<50x16384xi32, #tpu.memory_space<hbm>> -> memref<1x16384xi32, #tpu.memory_space<hbm>>
    %dma_wait3A_1239 = tpu.memref_squeeze %dma_wait3A_1238 : memref<1x16384xi32, #tpu.memory_space<hbm>> -> memref<16384xi32, #tpu.memory_space<hbm>>
    %dma_wait3A_1240 = arith.constant 0 : i32
    %dma_wait3A_1241 = tpu.memref_slice %dma_wait3A_1239[%dma_wait3A_1240] : memref<16384xi32, #tpu.memory_space<hbm>> -> memref<1024xi32, #tpu.memory_space<hbm>>
    %dma_wait3A_1242 = arith.constant 0 : i32
    %dma_wait3A_1243 = tpu.memref_slice %arg7[%dma_wait3A_1242] : memref<51200xi32, #tpu.memory_space<vmem>> -> memref<1024xi32, #tpu.memory_space<vmem>>
    %dma_wait3A_1244 = arith.constant 0 : i32
    %dma_wait3A_1245 = tpu.memref_slice %arg4[%dma_wait3A_1234, %dma_wait3A_1244] : memref<50x16384xi32, #tpu.memory_space<hbm>> -> memref<1x16384xi32, #tpu.memory_space<hbm>>
    %dma_wait3A_1246 = tpu.memref_squeeze %dma_wait3A_1245 : memref<1x16384xi32, #tpu.memory_space<hbm>> -> memref<16384xi32, #tpu.memory_space<hbm>>
    %dma_wait3A_1247 = arith.constant 0 : i32
    %dma_wait3A_1248 = tpu.memref_slice %dma_wait3A_1246[%dma_wait3A_1247] : memref<16384xi32, #tpu.memory_space<hbm>> -> memref<1024xi32, #tpu.memory_space<hbm>>
    tpu.wait_dma2 semaphore(%arg10 : memref<!tpu.dma_semaphore, #tpu.memory_space<semaphore_mem>>) src(%dma_wait3A_1248 : memref<1024xi32, #tpu.memory_space<hbm>>) dst(%dma_wait3A_1243 : memref<1024xi32, #tpu.memory_space<vmem>>)
    %dma_wait3A_1249 = arith.constant 0 : i32
    %dma_wait3A_1250 = arith.constant 0 : i32
    %dma_wait3A_1251 = tpu.memref_slice %arg7[%dma_wait3A_1250] : memref<51200xi32, #tpu.memory_space<vmem>> -> memref<1024xi32, #tpu.memory_space<vmem>>
    %dma_wait3A_1252 = arith.constant 0 : i32
    %dma_wait3A_1253 = tpu.memref_slice %arg4[%dma_wait3A_1249, %dma_wait3A_1252] : memref<50x16384xi32, #tpu.memory_space<hbm>> -> memref<1x16384xi32, #tpu.memory_space<hbm>>
    %dma_wait3A_1254 = tpu.memref_squeeze %dma_wait3A_1253 : memref<1x16384xi32, #tpu.memory_space<hbm>> -> memref<16384xi32, #tpu.memory_space<hbm>>
    %dma_wait3A_1255 = arith.constant 0 : i32
    %dma_wait3A_1256 = tpu.memref_slice %dma_wait3A_1254[%dma_wait3A_1255] : memref<16384xi32, #tpu.memory_space<hbm>> -> memref<1024xi32, #tpu.memory_space<hbm>>
    %dma_wait3A_1257 = arith.constant 0 : i32
    %dma_wait3A_1258 = tpu.memref_slice %arg7[%dma_wait3A_1257] : memref<51200xi32, #tpu.memory_space<vmem>> -> memref<1024xi32, #tpu.memory_space<vmem>>
    %dma_wait3A_1259 = arith.constant 0 : i32
    %dma_wait3A_1260 = tpu.memref_slice %arg4[%dma_wait3A_1249, %dma_wait3A_1259] : memref<50x16384xi32, #tpu.memory_space<hbm>> -> memref<1x16384xi32, #tpu.memory_space<hbm>>
    %dma_wait3A_1261 = tpu.memref_squeeze %dma_wait3A_1260 : memref<1x16384xi32, #tpu.memory_space<hbm>> -> memref<16384xi32, #tpu.memory_space<hbm>>
    %dma_wait3A_1262 = arith.constant 0 : i32
    %dma_wait3A_1263 = tpu.memref_slice %dma_wait3A_1261[%dma_wait3A_1262] : memref<16384xi32, #tpu.memory_space<hbm>> -> memref<1024xi32, #tpu.memory_space<hbm>>
    tpu.wait_dma2 semaphore(%arg10 : memref<!tpu.dma_semaphore, #tpu.memory_space<semaphore_mem>>) src(%dma_wait3A_1263 : memref<1024xi32, #tpu.memory_space<hbm>>) dst(%dma_wait3A_1258 : memref<1024xi32, #tpu.memory_space<vmem>>)
    %dma_wait3A_1264 = arith.constant 0 : i32
    %dma_wait3A_1265 = arith.constant 0 : i32
    %dma_wait3A_1266 = tpu.memref_slice %arg7[%dma_wait3A_1265] : memref<51200xi32, #tpu.memory_space<vmem>> -> memref<1024xi32, #tpu.memory_space<vmem>>
    %dma_wait3A_1267 = arith.constant 0 : i32
    %dma_wait3A_1268 = tpu.memref_slice %arg4[%dma_wait3A_1264, %dma_wait3A_1267] : memref<50x16384xi32, #tpu.memory_space<hbm>> -> memref<1x16384xi32, #tpu.memory_space<hbm>>
    %dma_wait3A_1269 = tpu.memref_squeeze %dma_wait3A_1268 : memref<1x16384xi32, #tpu.memory_space<hbm>> -> memref<16384xi32, #tpu.memory_space<hbm>>
    %dma_wait3A_1270 = arith.constant 0 : i32
    %dma_wait3A_1271 = tpu.memref_slice %dma_wait3A_1269[%dma_wait3A_1270] : memref<16384xi32, #tpu.memory_space<hbm>> -> memref<1024xi32, #tpu.memory_space<hbm>>
    %dma_wait3A_1272 = arith.constant 0 : i32
    %dma_wait3A_1273 = tpu.memref_slice %arg7[%dma_wait3A_1272] : memref<51200xi32, #tpu.memory_space<vmem>> -> memref<1024xi32, #tpu.memory_space<vmem>>
    %dma_wait3A_1274 = arith.constant 0 : i32
    %dma_wait3A_1275 = tpu.memref_slice %arg4[%dma_wait3A_1264, %dma_wait3A_1274] : memref<50x16384xi32, #tpu.memory_space<hbm>> -> memref<1x16384xi32, #tpu.memory_space<hbm>>
    %dma_wait3A_1276 = tpu.memref_squeeze %dma_wait3A_1275 : memref<1x16384xi32, #tpu.memory_space<hbm>> -> memref<16384xi32, #tpu.memory_space<hbm>>
    %dma_wait3A_1277 = arith.constant 0 : i32
    %dma_wait3A_1278 = tpu.memref_slice %dma_wait3A_1276[%dma_wait3A_1277] : memref<16384xi32, #tpu.memory_space<hbm>> -> memref<1024xi32, #tpu.memory_space<hbm>>
    tpu.wait_dma2 semaphore(%arg10 : memref<!tpu.dma_semaphore, #tpu.memory_space<semaphore_mem>>) src(%dma_wait3A_1278 : memref<1024xi32, #tpu.memory_space<hbm>>) dst(%dma_wait3A_1273 : memref<1024xi32, #tpu.memory_space<vmem>>)
    %dma_wait3A_1279 = arith.constant 0 : i32
    %dma_wait3A_1280 = arith.constant 0 : i32
    %dma_wait3A_1281 = tpu.memref_slice %arg7[%dma_wait3A_1280] : memref<51200xi32, #tpu.memory_space<vmem>> -> memref<1024xi32, #tpu.memory_space<vmem>>
    %dma_wait3A_1282 = arith.constant 0 : i32
    %dma_wait3A_1283 = tpu.memref_slice %arg4[%dma_wait3A_1279, %dma_wait3A_1282] : memref<50x16384xi32, #tpu.memory_space<hbm>> -> memref<1x16384xi32, #tpu.memory_space<hbm>>
    %dma_wait3A_1284 = tpu.memref_squeeze %dma_wait3A_1283 : memref<1x16384xi32, #tpu.memory_space<hbm>> -> memref<16384xi32, #tpu.memory_space<hbm>>
    %dma_wait3A_1285 = arith.constant 0 : i32
    %dma_wait3A_1286 = tpu.memref_slice %dma_wait3A_1284[%dma_wait3A_1285] : memref<16384xi32, #tpu.memory_space<hbm>> -> memref<1024xi32, #tpu.memory_space<hbm>>
    %dma_wait3A_1287 = arith.constant 0 : i32
    %dma_wait3A_1288 = tpu.memref_slice %arg7[%dma_wait3A_1287] : memref<51200xi32, #tpu.memory_space<vmem>> -> memref<1024xi32, #tpu.memory_space<vmem>>
    %dma_wait3A_1289 = arith.constant 0 : i32
    %dma_wait3A_1290 = tpu.memref_slice %arg4[%dma_wait3A_1279, %dma_wait3A_1289] : memref<50x16384xi32, #tpu.memory_space<hbm>> -> memref<1x16384xi32, #tpu.memory_space<hbm>>
    %dma_wait3A_1291 = tpu.memref_squeeze %dma_wait3A_1290 : memref<1x16384xi32, #tpu.memory_space<hbm>> -> memref<16384xi32, #tpu.memory_space<hbm>>
    %dma_wait3A_1292 = arith.constant 0 : i32
    %dma_wait3A_1293 = tpu.memref_slice %dma_wait3A_1291[%dma_wait3A_1292] : memref<16384xi32, #tpu.memory_space<hbm>> -> memref<1024xi32, #tpu.memory_space<hbm>>
    tpu.wait_dma2 semaphore(%arg10 : memref<!tpu.dma_semaphore, #tpu.memory_space<semaphore_mem>>) src(%dma_wait3A_1293 : memref<1024xi32, #tpu.memory_space<hbm>>) dst(%dma_wait3A_1288 : memref<1024xi32, #tpu.memory_space<vmem>>)
    %dma_wait3A_1294 = arith.constant 0 : i32
    %dma_wait3A_1295 = arith.constant 0 : i32
    %dma_wait3A_1296 = tpu.memref_slice %arg7[%dma_wait3A_1295] : memref<51200xi32, #tpu.memory_space<vmem>> -> memref<1024xi32, #tpu.memory_space<vmem>>
    %dma_wait3A_1297 = arith.constant 0 : i32
    %dma_wait3A_1298 = tpu.memref_slice %arg4[%dma_wait3A_1294, %dma_wait3A_1297] : memref<50x16384xi32, #tpu.memory_space<hbm>> -> memref<1x16384xi32, #tpu.memory_space<hbm>>
    %dma_wait3A_1299 = tpu.memref_squeeze %dma_wait3A_1298 : memref<1x16384xi32, #tpu.memory_space<hbm>> -> memref<16384xi32, #tpu.memory_space<hbm>>
    %dma_wait3A_1300 = arith.constant 0 : i32
    %dma_wait3A_1301 = tpu.memref_slice %dma_wait3A_1299[%dma_wait3A_1300] : memref<16384xi32, #tpu.memory_space<hbm>> -> memref<1024xi32, #tpu.memory_space<hbm>>
    %dma_wait3A_1302 = arith.constant 0 : i32
    %dma_wait3A_1303 = tpu.memref_slice %arg7[%dma_wait3A_1302] : memref<51200xi32, #tpu.memory_space<vmem>> -> memref<1024xi32, #tpu.memory_space<vmem>>
    %dma_wait3A_1304 = arith.constant 0 : i32
    %dma_wait3A_1305 = tpu.memref_slice %arg4[%dma_wait3A_1294, %dma_wait3A_1304] : memref<50x16384xi32, #tpu.memory_space<hbm>> -> memref<1x16384xi32, #tpu.memory_space<hbm>>
    %dma_wait3A_1306 = tpu.memref_squeeze %dma_wait3A_1305 : memref<1x16384xi32, #tpu.memory_space<hbm>> -> memref<16384xi32, #tpu.memory_space<hbm>>
    %dma_wait3A_1307 = arith.constant 0 : i32
    %dma_wait3A_1308 = tpu.memref_slice %dma_wait3A_1306[%dma_wait3A_1307] : memref<16384xi32, #tpu.memory_space<hbm>> -> memref<1024xi32, #tpu.memory_space<hbm>>
    tpu.wait_dma2 semaphore(%arg10 : memref<!tpu.dma_semaphore, #tpu.memory_space<semaphore_mem>>) src(%dma_wait3A_1308 : memref<1024xi32, #tpu.memory_space<hbm>>) dst(%dma_wait3A_1303 : memref<1024xi32, #tpu.memory_space<vmem>>)
    %dma_wait3A_1309 = arith.constant 0 : i32
    %dma_wait3A_1310 = arith.constant 0 : i32
    %dma_wait3A_1311 = tpu.memref_slice %arg7[%dma_wait3A_1310] : memref<51200xi32, #tpu.memory_space<vmem>> -> memref<1024xi32, #tpu.memory_space<vmem>>
    %dma_wait3A_1312 = arith.constant 0 : i32
    %dma_wait3A_1313 = tpu.memref_slice %arg4[%dma_wait3A_1309, %dma_wait3A_1312] : memref<50x16384xi32, #tpu.memory_space<hbm>> -> memref<1x16384xi32, #tpu.memory_space<hbm>>
    %dma_wait3A_1314 = tpu.memref_squeeze %dma_wait3A_1313 : memref<1x16384xi32, #tpu.memory_space<hbm>> -> memref<16384xi32, #tpu.memory_space<hbm>>
    %dma_wait3A_1315 = arith.constant 0 : i32
    %dma_wait3A_1316 = tpu.memref_slice %dma_wait3A_1314[%dma_wait3A_1315] : memref<16384xi32, #tpu.memory_space<hbm>> -> memref<1024xi32, #tpu.memory_space<hbm>>
    %dma_wait3A_1317 = arith.constant 0 : i32
    %dma_wait3A_1318 = tpu.memref_slice %arg7[%dma_wait3A_1317] : memref<51200xi32, #tpu.memory_space<vmem>> -> memref<1024xi32, #tpu.memory_space<vmem>>
    %dma_wait3A_1319 = arith.constant 0 : i32
    %dma_wait3A_1320 = tpu.memref_slice %arg4[%dma_wait3A_1309, %dma_wait3A_1319] : memref<50x16384xi32, #tpu.memory_space<hbm>> -> memref<1x16384xi32, #tpu.memory_space<hbm>>
    %dma_wait3A_1321 = tpu.memref_squeeze %dma_wait3A_1320 : memref<1x16384xi32, #tpu.memory_space<hbm>> -> memref<16384xi32, #tpu.memory_space<hbm>>
    %dma_wait3A_1322 = arith.constant 0 : i32
    %dma_wait3A_1323 = tpu.memref_slice %dma_wait3A_1321[%dma_wait3A_1322] : memref<16384xi32, #tpu.memory_space<hbm>> -> memref<1024xi32, #tpu.memory_space<hbm>>
    tpu.wait_dma2 semaphore(%arg10 : memref<!tpu.dma_semaphore, #tpu.memory_space<semaphore_mem>>) src(%dma_wait3A_1323 : memref<1024xi32, #tpu.memory_space<hbm>>) dst(%dma_wait3A_1318 : memref<1024xi32, #tpu.memory_space<vmem>>)
    %dma_wait3A_1324 = arith.constant 0 : i32
    %dma_wait3A_1325 = arith.constant 0 : i32
    %dma_wait3A_1326 = tpu.memref_slice %arg7[%dma_wait3A_1325] : memref<51200xi32, #tpu.memory_space<vmem>> -> memref<1024xi32, #tpu.memory_space<vmem>>
    %dma_wait3A_1327 = arith.constant 0 : i32
    %dma_wait3A_1328 = tpu.memref_slice %arg4[%dma_wait3A_1324, %dma_wait3A_1327] : memref<50x16384xi32, #tpu.memory_space<hbm>> -> memref<1x16384xi32, #tpu.memory_space<hbm>>
    %dma_wait3A_1329 = tpu.memref_squeeze %dma_wait3A_1328 : memref<1x16384xi32, #tpu.memory_space<hbm>> -> memref<16384xi32, #tpu.memory_space<hbm>>
    %dma_wait3A_1330 = arith.constant 0 : i32
    %dma_wait3A_1331 = tpu.memref_slice %dma_wait3A_1329[%dma_wait3A_1330] : memref<16384xi32, #tpu.memory_space<hbm>> -> memref<1024xi32, #tpu.memory_space<hbm>>
    %dma_wait3A_1332 = arith.constant 0 : i32
    %dma_wait3A_1333 = tpu.memref_slice %arg7[%dma_wait3A_1332] : memref<51200xi32, #tpu.memory_space<vmem>> -> memref<1024xi32, #tpu.memory_space<vmem>>
    %dma_wait3A_1334 = arith.constant 0 : i32
    %dma_wait3A_1335 = tpu.memref_slice %arg4[%dma_wait3A_1324, %dma_wait3A_1334] : memref<50x16384xi32, #tpu.memory_space<hbm>> -> memref<1x16384xi32, #tpu.memory_space<hbm>>
    %dma_wait3A_1336 = tpu.memref_squeeze %dma_wait3A_1335 : memref<1x16384xi32, #tpu.memory_space<hbm>> -> memref<16384xi32, #tpu.memory_space<hbm>>
    %dma_wait3A_1337 = arith.constant 0 : i32
    %dma_wait3A_1338 = tpu.memref_slice %dma_wait3A_1336[%dma_wait3A_1337] : memref<16384xi32, #tpu.memory_space<hbm>> -> memref<1024xi32, #tpu.memory_space<hbm>>
    tpu.wait_dma2 semaphore(%arg10 : memref<!tpu.dma_semaphore, #tpu.memory_space<semaphore_mem>>) src(%dma_wait3A_1338 : memref<1024xi32, #tpu.memory_space<hbm>>) dst(%dma_wait3A_1333 : memref<1024xi32, #tpu.memory_space<vmem>>)
    %dma_wait3A_1339 = arith.constant 0 : i32
    %dma_wait3A_1340 = arith.constant 0 : i32
    %dma_wait3A_1341 = tpu.memref_slice %arg7[%dma_wait3A_1340] : memref<51200xi32, #tpu.memory_space<vmem>> -> memref<1024xi32, #tpu.memory_space<vmem>>
    %dma_wait3A_1342 = arith.constant 0 : i32
    %dma_wait3A_1343 = tpu.memref_slice %arg4[%dma_wait3A_1339, %dma_wait3A_1342] : memref<50x16384xi32, #tpu.memory_space<hbm>> -> memref<1x16384xi32, #tpu.memory_space<hbm>>
    %dma_wait3A_1344 = tpu.memref_squeeze %dma_wait3A_1343 : memref<1x16384xi32, #tpu.memory_space<hbm>> -> memref<16384xi32, #tpu.memory_space<hbm>>
    %dma_wait3A_1345 = arith.constant 0 : i32
    %dma_wait3A_1346 = tpu.memref_slice %dma_wait3A_1344[%dma_wait3A_1345] : memref<16384xi32, #tpu.memory_space<hbm>> -> memref<1024xi32, #tpu.memory_space<hbm>>
    %dma_wait3A_1347 = arith.constant 0 : i32
    %dma_wait3A_1348 = tpu.memref_slice %arg7[%dma_wait3A_1347] : memref<51200xi32, #tpu.memory_space<vmem>> -> memref<1024xi32, #tpu.memory_space<vmem>>
    %dma_wait3A_1349 = arith.constant 0 : i32
    %dma_wait3A_1350 = tpu.memref_slice %arg4[%dma_wait3A_1339, %dma_wait3A_1349] : memref<50x16384xi32, #tpu.memory_space<hbm>> -> memref<1x16384xi32, #tpu.memory_space<hbm>>
    %dma_wait3A_1351 = tpu.memref_squeeze %dma_wait3A_1350 : memref<1x16384xi32, #tpu.memory_space<hbm>> -> memref<16384xi32, #tpu.memory_space<hbm>>
    %dma_wait3A_1352 = arith.constant 0 : i32
    %dma_wait3A_1353 = tpu.memref_slice %dma_wait3A_1351[%dma_wait3A_1352] : memref<16384xi32, #tpu.memory_space<hbm>> -> memref<1024xi32, #tpu.memory_space<hbm>>
    tpu.wait_dma2 semaphore(%arg10 : memref<!tpu.dma_semaphore, #tpu.memory_space<semaphore_mem>>) src(%dma_wait3A_1353 : memref<1024xi32, #tpu.memory_space<hbm>>) dst(%dma_wait3A_1348 : memref<1024xi32, #tpu.memory_space<vmem>>)
    %dma_wait3A_1354 = arith.constant 0 : i32
    %dma_wait3A_1355 = arith.constant 0 : i32
    %dma_wait3A_1356 = tpu.memref_slice %arg7[%dma_wait3A_1355] : memref<51200xi32, #tpu.memory_space<vmem>> -> memref<1024xi32, #tpu.memory_space<vmem>>
    %dma_wait3A_1357 = arith.constant 0 : i32
    %dma_wait3A_1358 = tpu.memref_slice %arg4[%dma_wait3A_1354, %dma_wait3A_1357] : memref<50x16384xi32, #tpu.memory_space<hbm>> -> memref<1x16384xi32, #tpu.memory_space<hbm>>
    %dma_wait3A_1359 = tpu.memref_squeeze %dma_wait3A_1358 : memref<1x16384xi32, #tpu.memory_space<hbm>> -> memref<16384xi32, #tpu.memory_space<hbm>>
    %dma_wait3A_1360 = arith.constant 0 : i32
    %dma_wait3A_1361 = tpu.memref_slice %dma_wait3A_1359[%dma_wait3A_1360] : memref<16384xi32, #tpu.memory_space<hbm>> -> memref<1024xi32, #tpu.memory_space<hbm>>
    %dma_wait3A_1362 = arith.constant 0 : i32
    %dma_wait3A_1363 = tpu.memref_slice %arg7[%dma_wait3A_1362] : memref<51200xi32, #tpu.memory_space<vmem>> -> memref<1024xi32, #tpu.memory_space<vmem>>
    %dma_wait3A_1364 = arith.constant 0 : i32
    %dma_wait3A_1365 = tpu.memref_slice %arg4[%dma_wait3A_1354, %dma_wait3A_1364] : memref<50x16384xi32, #tpu.memory_space<hbm>> -> memref<1x16384xi32, #tpu.memory_space<hbm>>
    %dma_wait3A_1366 = tpu.memref_squeeze %dma_wait3A_1365 : memref<1x16384xi32, #tpu.memory_space<hbm>> -> memref<16384xi32, #tpu.memory_space<hbm>>
    %dma_wait3A_1367 = arith.constant 0 : i32
    %dma_wait3A_1368 = tpu.memref_slice %dma_wait3A_1366[%dma_wait3A_1367] : memref<16384xi32, #tpu.memory_space<hbm>> -> memref<1024xi32, #tpu.memory_space<hbm>>
    tpu.wait_dma2 semaphore(%arg10 : memref<!tpu.dma_semaphore, #tpu.memory_space<semaphore_mem>>) src(%dma_wait3A_1368 : memref<1024xi32, #tpu.memory_space<hbm>>) dst(%dma_wait3A_1363 : memref<1024xi32, #tpu.memory_space<vmem>>)
    %dma_wait3A_1369 = arith.constant 0 : i32
    %dma_wait3A_1370 = arith.constant 0 : i32
    %dma_wait3A_1371 = tpu.memref_slice %arg7[%dma_wait3A_1370] : memref<51200xi32, #tpu.memory_space<vmem>> -> memref<1024xi32, #tpu.memory_space<vmem>>
    %dma_wait3A_1372 = arith.constant 0 : i32
    %dma_wait3A_1373 = tpu.memref_slice %arg4[%dma_wait3A_1369, %dma_wait3A_1372] : memref<50x16384xi32, #tpu.memory_space<hbm>> -> memref<1x16384xi32, #tpu.memory_space<hbm>>
    %dma_wait3A_1374 = tpu.memref_squeeze %dma_wait3A_1373 : memref<1x16384xi32, #tpu.memory_space<hbm>> -> memref<16384xi32, #tpu.memory_space<hbm>>
    %dma_wait3A_1375 = arith.constant 0 : i32
    %dma_wait3A_1376 = tpu.memref_slice %dma_wait3A_1374[%dma_wait3A_1375] : memref<16384xi32, #tpu.memory_space<hbm>> -> memref<1024xi32, #tpu.memory_space<hbm>>
    %dma_wait3A_1377 = arith.constant 0 : i32
    %dma_wait3A_1378 = tpu.memref_slice %arg7[%dma_wait3A_1377] : memref<51200xi32, #tpu.memory_space<vmem>> -> memref<1024xi32, #tpu.memory_space<vmem>>
    %dma_wait3A_1379 = arith.constant 0 : i32
    %dma_wait3A_1380 = tpu.memref_slice %arg4[%dma_wait3A_1369, %dma_wait3A_1379] : memref<50x16384xi32, #tpu.memory_space<hbm>> -> memref<1x16384xi32, #tpu.memory_space<hbm>>
    %dma_wait3A_1381 = tpu.memref_squeeze %dma_wait3A_1380 : memref<1x16384xi32, #tpu.memory_space<hbm>> -> memref<16384xi32, #tpu.memory_space<hbm>>
    %dma_wait3A_1382 = arith.constant 0 : i32
    %dma_wait3A_1383 = tpu.memref_slice %dma_wait3A_1381[%dma_wait3A_1382] : memref<16384xi32, #tpu.memory_space<hbm>> -> memref<1024xi32, #tpu.memory_space<hbm>>
    tpu.wait_dma2 semaphore(%arg10 : memref<!tpu.dma_semaphore, #tpu.memory_space<semaphore_mem>>) src(%dma_wait3A_1383 : memref<1024xi32, #tpu.memory_space<hbm>>) dst(%dma_wait3A_1378 : memref<1024xi32, #tpu.memory_space<vmem>>)
    %dma_wait3A_1384 = arith.constant 0 : i32
    %dma_wait3A_1385 = arith.constant 0 : i32
    %dma_wait3A_1386 = tpu.memref_slice %arg7[%dma_wait3A_1385] : memref<51200xi32, #tpu.memory_space<vmem>> -> memref<1024xi32, #tpu.memory_space<vmem>>
    %dma_wait3A_1387 = arith.constant 0 : i32
    %dma_wait3A_1388 = tpu.memref_slice %arg4[%dma_wait3A_1384, %dma_wait3A_1387] : memref<50x16384xi32, #tpu.memory_space<hbm>> -> memref<1x16384xi32, #tpu.memory_space<hbm>>
    %dma_wait3A_1389 = tpu.memref_squeeze %dma_wait3A_1388 : memref<1x16384xi32, #tpu.memory_space<hbm>> -> memref<16384xi32, #tpu.memory_space<hbm>>
    %dma_wait3A_1390 = arith.constant 0 : i32
    %dma_wait3A_1391 = tpu.memref_slice %dma_wait3A_1389[%dma_wait3A_1390] : memref<16384xi32, #tpu.memory_space<hbm>> -> memref<1024xi32, #tpu.memory_space<hbm>>
    %dma_wait3A_1392 = arith.constant 0 : i32
    %dma_wait3A_1393 = tpu.memref_slice %arg7[%dma_wait3A_1392] : memref<51200xi32, #tpu.memory_space<vmem>> -> memref<1024xi32, #tpu.memory_space<vmem>>
    %dma_wait3A_1394 = arith.constant 0 : i32
    %dma_wait3A_1395 = tpu.memref_slice %arg4[%dma_wait3A_1384, %dma_wait3A_1394] : memref<50x16384xi32, #tpu.memory_space<hbm>> -> memref<1x16384xi32, #tpu.memory_space<hbm>>
    %dma_wait3A_1396 = tpu.memref_squeeze %dma_wait3A_1395 : memref<1x16384xi32, #tpu.memory_space<hbm>> -> memref<16384xi32, #tpu.memory_space<hbm>>
    %dma_wait3A_1397 = arith.constant 0 : i32
    %dma_wait3A_1398 = tpu.memref_slice %dma_wait3A_1396[%dma_wait3A_1397] : memref<16384xi32, #tpu.memory_space<hbm>> -> memref<1024xi32, #tpu.memory_space<hbm>>
    tpu.wait_dma2 semaphore(%arg10 : memref<!tpu.dma_semaphore, #tpu.memory_space<semaphore_mem>>) src(%dma_wait3A_1398 : memref<1024xi32, #tpu.memory_space<hbm>>) dst(%dma_wait3A_1393 : memref<1024xi32, #tpu.memory_space<vmem>>)
    %scan3A = arith.constant 0 : i32
    %scan3A_1399 = arith.constant 0 : i32
    %scan3A_1400 = arith.constant 32 : i32
    %scan3A_1401 = arith.addi %scan3A_1399, %scan3A_1400 : i32
    %scan3A_1402 = arith.constant 1 : i32
    scf.for %scan3A_1404 = %scan3A_1399 to %scan3A_1401 step %scan3A_1402  : i32 {
      %mul3A_1405 = arith.constant 32 : i32
      %mul3A_1406 = arith.muli %arg0, %mul3A_1405 : i32
      %add3A = arith.addi %mul3A_1406, %scan3A_1404 : i32
      %barrier3A = arith.constant 0 : index
      tpu.barrier barrier_id(%barrier3A)
      %mul3A_1407 = arith.constant 62464 : i32
      %mul3A_1408 = arith.muli %arg1, %mul3A_1407 : i32
      %mul3A_1409 = arith.constant 62464 : i32
      %mul3A_1410 = arith.muli %arg1, %mul3A_1409 : i32
      "tpu.region"() ({
        %run_scoped3A_1645 = tpu.sem_alloc : memref<!tpu.dma_semaphore, #tpu.memory_space<semaphore_mem>>
        %dma_start3A_1646 = tpu.memref_slice %arg6[%mul3A_1410] : memref<1000000xf32, #tpu.memory_space<vmem_shared>> -> memref<62464xf32, #tpu.memory_space<vmem_shared>>
        %dma_start3A_1647 = arith.constant 0 : i32
        %dma_start3A_1648 = tpu.memref_slice %arg2[%add3A, %dma_start3A_1647] : memref<64x1000000xf32, #tpu.memory_space<hbm>> -> memref<1x1000000xf32, #tpu.memory_space<hbm>>
        %dma_start3A_1649 = tpu.memref_squeeze %dma_start3A_1648 : memref<1x1000000xf32, #tpu.memory_space<hbm>> -> memref<1000000xf32, #tpu.memory_space<hbm>>
        %dma_start3A_1650 = tpu.memref_slice %dma_start3A_1649[%mul3A_1408] : memref<1000000xf32, #tpu.memory_space<hbm>> -> memref<62464xf32, #tpu.memory_space<hbm>>
        tpu.enqueue_dma source(%dma_start3A_1650 : memref<62464xf32, #tpu.memory_space<hbm>>) target(%dma_start3A_1646 : memref<62464xf32, #tpu.memory_space<vmem_shared>>) target_semaphore(%run_scoped3A_1645 : memref<!tpu.dma_semaphore, #tpu.memory_space<semaphore_mem>>)
        %dma_wait3A_1651 = tpu.memref_slice %arg6[%mul3A_1410] : memref<1000000xf32, #tpu.memory_space<vmem_shared>> -> memref<62464xf32, #tpu.memory_space<vmem_shared>>
        %dma_wait3A_1652 = arith.constant 0 : i32
        %dma_wait3A_1653 = tpu.memref_slice %arg2[%add3A, %dma_wait3A_1652] : memref<64x1000000xf32, #tpu.memory_space<hbm>> -> memref<1x1000000xf32, #tpu.memory_space<hbm>>
        %dma_wait3A_1654 = tpu.memref_squeeze %dma_wait3A_1653 : memref<1x1000000xf32, #tpu.memory_space<hbm>> -> memref<1000000xf32, #tpu.memory_space<hbm>>
        %dma_wait3A_1655 = tpu.memref_slice %dma_wait3A_1654[%mul3A_1408] : memref<1000000xf32, #tpu.memory_space<hbm>> -> memref<62464xf32, #tpu.memory_space<hbm>>
        tpu.wait_dma2 semaphore(%run_scoped3A_1645 : memref<!tpu.dma_semaphore, #tpu.memory_space<semaphore_mem>>) src(%dma_wait3A_1655 : memref<62464xf32, #tpu.memory_space<hbm>>) dst(%dma_wait3A_1651 : memref<62464xf32, #tpu.memory_space<vmem_shared>>)
        tpu.yield
      }) : () -> ()
      %eq3A = arith.constant 0 : i32
      %eq3A_1411 = arith.cmpi eq, %arg1, %eq3A : i32
      %convert_element_type3A = arith.extui %eq3A_1411 : i1 to i32
      %cond3A = arith.constant 0 : i32
      %cond3A_1412 = arith.cmpi ne, %convert_element_type3A, %cond3A : i32
      scf.if %cond3A_1412 {
        "tpu.region"() ({
          %run_scoped3A_1645 = tpu.sem_alloc : memref<!tpu.dma_semaphore, #tpu.memory_space<semaphore_mem>>
          %dma_start3A_1646 = arith.constant 999424 : i32
          %dma_start3A_1647 = tpu.memref_slice %arg6[%dma_start3A_1646] : memref<1000000xf32, #tpu.memory_space<vmem_shared>> -> memref<512xf32, #tpu.memory_space<vmem_shared>>
          %dma_start3A_1648 = arith.constant 0 : i32
          %dma_start3A_1649 = tpu.memref_slice %arg2[%add3A, %dma_start3A_1648] : memref<64x1000000xf32, #tpu.memory_space<hbm>> -> memref<1x1000000xf32, #tpu.memory_space<hbm>>
          %dma_start3A_1650 = tpu.memref_squeeze %dma_start3A_1649 : memref<1x1000000xf32, #tpu.memory_space<hbm>> -> memref<1000000xf32, #tpu.memory_space<hbm>>
          %dma_start3A_1651 = arith.constant 999424 : i32
          %dma_start3A_1652 = tpu.memref_slice %dma_start3A_1650[%dma_start3A_1651] : memref<1000000xf32, #tpu.memory_space<hbm>> -> memref<512xf32, #tpu.memory_space<hbm>>
          tpu.enqueue_dma source(%dma_start3A_1652 : memref<512xf32, #tpu.memory_space<hbm>>) target(%dma_start3A_1647 : memref<512xf32, #tpu.memory_space<vmem_shared>>) target_semaphore(%run_scoped3A_1645 : memref<!tpu.dma_semaphore, #tpu.memory_space<semaphore_mem>>)
          %dma_wait3A_1653 = arith.constant 999424 : i32
          %dma_wait3A_1654 = tpu.memref_slice %arg6[%dma_wait3A_1653] : memref<1000000xf32, #tpu.memory_space<vmem_shared>> -> memref<512xf32, #tpu.memory_space<vmem_shared>>
          %dma_wait3A_1655 = arith.constant 0 : i32
          %dma_wait3A_1656 = tpu.memref_slice %arg2[%add3A, %dma_wait3A_1655] : memref<64x1000000xf32, #tpu.memory_space<hbm>> -> memref<1x1000000xf32, #tpu.memory_space<hbm>>
          %dma_wait3A_1657 = tpu.memref_squeeze %dma_wait3A_1656 : memref<1x1000000xf32, #tpu.memory_space<hbm>> -> memref<1000000xf32, #tpu.memory_space<hbm>>
          %dma_wait3A_1658 = arith.constant 999424 : i32
          %dma_wait3A_1659 = tpu.memref_slice %dma_wait3A_1657[%dma_wait3A_1658] : memref<1000000xf32, #tpu.memory_space<hbm>> -> memref<512xf32, #tpu.memory_space<hbm>>
          tpu.wait_dma2 semaphore(%run_scoped3A_1645 : memref<!tpu.dma_semaphore, #tpu.memory_space<semaphore_mem>>) src(%dma_wait3A_1659 : memref<512xf32, #tpu.memory_space<hbm>>) dst(%dma_wait3A_1654 : memref<512xf32, #tpu.memory_space<vmem_shared>>)
          tpu.yield
        }) : () -> ()
      } else {
      }
      %eq3A_1413 = arith.constant 1 : i32
      %eq3A_1414 = arith.cmpi eq, %arg1, %eq3A_1413 : i32
      %convert_element_type3A_1415 = arith.extui %eq3A_1414 : i1 to i32
      %cond3A_1416 = arith.constant 0 : i32
      %cond3A_1417 = arith.cmpi ne, %convert_element_type3A_1415, %cond3A_1416 : i32
      scf.if %cond3A_1417 {
        "tpu.region"() ({
          %run_scoped3A_1645 = tpu.sem_alloc : memref<!tpu.dma_semaphore, #tpu.memory_space<semaphore_mem>>
          %dma_start3A_1646 = arith.constant 0 : i32
          %dma_start3A_1647 = tpu.memref_slice %arg3[%add3A, %dma_start3A_1646] : memref<64x128xf32, #tpu.memory_space<hbm>> -> memref<1x128xf32, #tpu.memory_space<hbm>>
          %dma_start3A_1648 = tpu.memref_squeeze %dma_start3A_1647 : memref<1x128xf32, #tpu.memory_space<hbm>> -> memref<128xf32, #tpu.memory_space<hbm>>
          %dma_start3A_1649 = arith.constant 0 : i32
          %dma_start3A_1650 = tpu.memref_slice %arg3[%add3A, %dma_start3A_1649] : memref<64x128xf32, #tpu.memory_space<hbm>> -> memref<1x128xf32, #tpu.memory_space<hbm>>
          %dma_start3A_1651 = tpu.memref_squeeze %dma_start3A_1650 : memref<1x128xf32, #tpu.memory_space<hbm>> -> memref<128xf32, #tpu.memory_space<hbm>>
          tpu.enqueue_dma source(%dma_start3A_1651 : memref<128xf32, #tpu.memory_space<hbm>>) target(%arg9 : memref<128xf32, #tpu.memory_space<vmem>>) target_semaphore(%run_scoped3A_1645 : memref<!tpu.dma_semaphore, #tpu.memory_space<semaphore_mem>>)
          %dma_wait3A_1652 = arith.constant 0 : i32
          %dma_wait3A_1653 = tpu.memref_slice %arg3[%add3A, %dma_wait3A_1652] : memref<64x128xf32, #tpu.memory_space<hbm>> -> memref<1x128xf32, #tpu.memory_space<hbm>>
          %dma_wait3A_1654 = tpu.memref_squeeze %dma_wait3A_1653 : memref<1x128xf32, #tpu.memory_space<hbm>> -> memref<128xf32, #tpu.memory_space<hbm>>
          %dma_wait3A_1655 = arith.constant 0 : i32
          %dma_wait3A_1656 = tpu.memref_slice %arg3[%add3A, %dma_wait3A_1655] : memref<64x128xf32, #tpu.memory_space<hbm>> -> memref<1x128xf32, #tpu.memory_space<hbm>>
          %dma_wait3A_1657 = tpu.memref_squeeze %dma_wait3A_1656 : memref<1x128xf32, #tpu.memory_space<hbm>> -> memref<128xf32, #tpu.memory_space<hbm>>
          tpu.wait_dma2 semaphore(%run_scoped3A_1645 : memref<!tpu.dma_semaphore, #tpu.memory_space<semaphore_mem>>) src(%dma_wait3A_1657 : memref<128xf32, #tpu.memory_space<hbm>>) dst(%arg9 : memref<128xf32, #tpu.memory_space<vmem>>)
          tpu.yield
        }) : () -> ()
        "tpu.region"() ({
          %run_scoped3A_1645 = tpu.sem_alloc : memref<!tpu.dma_semaphore, #tpu.memory_space<semaphore_mem>>
          %dma_start3A_1646 = arith.constant 0 : i32
          %dma_start3A_1647 = tpu.memref_slice %arg9[%dma_start3A_1646] : memref<128xf32, #tpu.memory_space<vmem>> -> memref<64xf32, #tpu.memory_space<vmem>>
          %dma_start3A_1648 = arith.constant 999936 : i32
          %dma_start3A_1649 = tpu.memref_slice %arg6[%dma_start3A_1648] : memref<1000000xf32, #tpu.memory_space<vmem_shared>> -> memref<64xf32, #tpu.memory_space<vmem_shared>>
          %dma_start3A_1650 = arith.constant 999936 : i32
          %dma_start3A_1651 = tpu.memref_slice %arg6[%dma_start3A_1650] : memref<1000000xf32, #tpu.memory_space<vmem_shared>> -> memref<64xf32, #tpu.memory_space<vmem_shared>>
          %dma_start3A_1652 = arith.constant 0 : i32
          %dma_start3A_1653 = tpu.memref_slice %arg9[%dma_start3A_1652] : memref<128xf32, #tpu.memory_space<vmem>> -> memref<64xf32, #tpu.memory_space<vmem>>
          tpu.enqueue_dma source(%dma_start3A_1653 : memref<64xf32, #tpu.memory_space<vmem>>) target(%dma_start3A_1651 : memref<64xf32, #tpu.memory_space<vmem_shared>>) target_semaphore(%run_scoped3A_1645 : memref<!tpu.dma_semaphore, #tpu.memory_space<semaphore_mem>>)
          %dma_wait3A_1654 = arith.constant 0 : i32
          %dma_wait3A_1655 = tpu.memref_slice %arg9[%dma_wait3A_1654] : memref<128xf32, #tpu.memory_space<vmem>> -> memref<64xf32, #tpu.memory_space<vmem>>
          %dma_wait3A_1656 = arith.constant 999936 : i32
          %dma_wait3A_1657 = tpu.memref_slice %arg6[%dma_wait3A_1656] : memref<1000000xf32, #tpu.memory_space<vmem_shared>> -> memref<64xf32, #tpu.memory_space<vmem_shared>>
          %dma_wait3A_1658 = arith.constant 999936 : i32
          %dma_wait3A_1659 = tpu.memref_slice %arg6[%dma_wait3A_1658] : memref<1000000xf32, #tpu.memory_space<vmem_shared>> -> memref<64xf32, #tpu.memory_space<vmem_shared>>
          %dma_wait3A_1660 = arith.constant 0 : i32
          %dma_wait3A_1661 = tpu.memref_slice %arg9[%dma_wait3A_1660] : memref<128xf32, #tpu.memory_space<vmem>> -> memref<64xf32, #tpu.memory_space<vmem>>
          tpu.wait_dma2 semaphore(%run_scoped3A_1645 : memref<!tpu.dma_semaphore, #tpu.memory_space<semaphore_mem>>) src(%dma_wait3A_1661 : memref<64xf32, #tpu.memory_space<vmem>>) dst(%dma_wait3A_1659 : memref<64xf32, #tpu.memory_space<vmem_shared>>)
          tpu.yield
        }) : () -> ()
      } else {
      }
      %barrier3A_1418 = arith.constant 0 : index
      tpu.barrier barrier_id(%barrier3A_1418)
      %scan3A_1419 = arith.constant 0 : i32
      %scan3A_1420 = arith.constant 0 : i32
      %scan3A_1421 = arith.constant 8 : i32
      %scan3A_1422 = arith.addi %scan3A_1420, %scan3A_1421 : i32
      %scan3A_1423 = arith.constant 1 : i32
      scf.for %scan3A_1645 = %scan3A_1420 to %scan3A_1422 step %scan3A_1423  : i32 {
        %add3A_1646 = arith.constant 0 : i32
        %add3A_1647 = arith.addi %add3A_1646, %scan3A_1645 : i32
        %mul3A_1648 = arith.constant 1024 : i32
        %mul3A_1649 = arith.muli %add3A_1647, %mul3A_1648 : i32
        %dma_start3A_1650 = arith.constant 0 : i32
        %dma_start3A_1651 = arith.constant 0 : i32
        %dma_start3A_1652 = arith.constant 0 : i32
        %dma_start3A_1653 = tpu.memref_slice %arg8[%dma_start3A_1650, %scan3A_1645, %dma_start3A_1651, %dma_start3A_1652] : memref<2x8x1x1024xf32, #tpu.memory_space<vmem>> -> memref<1x1x1x1024xf32, #tpu.memory_space<vmem>>
        %dma_start3A_1654 = tpu.memref_squeeze %dma_start3A_1653 : memref<1x1x1x1024xf32, #tpu.memory_space<vmem>> -> memref<1024xf32, #tpu.memory_space<vmem>>
        %dma_start3A_1655 = tpu.memref_slice %arg7[%mul3A_1649] : memref<51200xi32, #tpu.memory_space<vmem>> -> memref<1024xi32, #tpu.memory_space<vmem>>
        %dma_start3A_1656 = arith.constant 0 : i32
        %dma_start3A_1657 = tpu.memref_slice %arg6[%dma_start3A_1656] : memref<1000000xf32, #tpu.memory_space<vmem_shared>> -> memref<1000000xf32, #tpu.memory_space<vmem_shared>>
        tpu.enqueue_indirect_dma source(%dma_start3A_1657 : memref<1000000xf32, #tpu.memory_space<vmem_shared>>) target(%dma_start3A_1654 : memref<1024xf32, #tpu.memory_space<vmem>>) offsets(%dma_start3A_1655 : memref<1024xi32, #tpu.memory_space<vmem>>) semaphore(%arg10 : memref<!tpu.dma_semaphore, #tpu.memory_space<semaphore_mem>>)
        %gt3A = arith.constant 1 : i32
        %gt3A_1658 = arith.cmpi sgt, %scan3A_1645, %gt3A : i32
        %convert_element_type3A_1659 = arith.extui %gt3A_1658 : i1 to i32
        %cond3A_1660 = arith.constant 0 : i32
        %cond3A_1661 = arith.cmpi ne, %convert_element_type3A_1659, %cond3A_1660 : i32
        scf.if %cond3A_1661 {
          %dma_wait3A_1662 = arith.constant 0 : i32
          %dma_wait3A_1663 = arith.constant 0 : i32
          %dma_wait3A_1664 = arith.constant 0 : i32
          %dma_wait3A_1665 = arith.constant 0 : i32
          %dma_wait3A_1666 = arith.constant 0 : i32
          %dma_wait3A_1667 = tpu.memref_slice %arg8[%dma_wait3A_1663, %dma_wait3A_1664, %dma_wait3A_1665, %dma_wait3A_1666] : memref<2x8x1x1024xf32, #tpu.memory_space<vmem>> -> memref<1x1x1x1024xf32, #tpu.memory_space<vmem>>
          %dma_wait3A_1668 = tpu.memref_squeeze %dma_wait3A_1667 : memref<1x1x1x1024xf32, #tpu.memory_space<vmem>> -> memref<1024xf32, #tpu.memory_space<vmem>>
          %dma_wait3A_1669 = arith.constant 0 : i32
          %dma_wait3A_1670 = tpu.memref_slice %arg2[%dma_wait3A_1662, %dma_wait3A_1669] : memref<64x1000000xf32, #tpu.memory_space<hbm>> -> memref<1x1000000xf32, #tpu.memory_space<hbm>>
          %dma_wait3A_1671 = tpu.memref_squeeze %dma_wait3A_1670 : memref<1x1000000xf32, #tpu.memory_space<hbm>> -> memref<1000000xf32, #tpu.memory_space<hbm>>
          %dma_wait3A_1672 = arith.constant 0 : i32
          %dma_wait3A_1673 = tpu.memref_slice %dma_wait3A_1671[%dma_wait3A_1672] : memref<1000000xf32, #tpu.memory_space<hbm>> -> memref<1024xf32, #tpu.memory_space<hbm>>
          %dma_wait3A_1674 = arith.constant 0 : i32
          %dma_wait3A_1675 = tpu.memref_slice %arg8[%dma_wait3A_1663, %dma_wait3A_1664, %dma_wait3A_1665, %dma_wait3A_1674] : memref<2x8x1x1024xf32, #tpu.memory_space<vmem>> -> memref<1x1x1x1024xf32, #tpu.memory_space<vmem>>
          %dma_wait3A_1676 = tpu.memref_squeeze %dma_wait3A_1675 : memref<1x1x1x1024xf32, #tpu.memory_space<vmem>> -> memref<1024xf32, #tpu.memory_space<vmem>>
          %dma_wait3A_1677 = arith.constant 0 : i32
          %dma_wait3A_1678 = tpu.memref_slice %arg2[%dma_wait3A_1662, %dma_wait3A_1677] : memref<64x1000000xf32, #tpu.memory_space<hbm>> -> memref<1x1000000xf32, #tpu.memory_space<hbm>>
          %dma_wait3A_1679 = tpu.memref_squeeze %dma_wait3A_1678 : memref<1x1000000xf32, #tpu.memory_space<hbm>> -> memref<1000000xf32, #tpu.memory_space<hbm>>
          %dma_wait3A_1680 = arith.constant 0 : i32
          %dma_wait3A_1681 = tpu.memref_slice %dma_wait3A_1679[%dma_wait3A_1680] : memref<1000000xf32, #tpu.memory_space<hbm>> -> memref<1024xf32, #tpu.memory_space<hbm>>
          tpu.wait_dma2 semaphore(%arg10 : memref<!tpu.dma_semaphore, #tpu.memory_space<semaphore_mem>>) src(%dma_wait3A_1681 : memref<1024xf32, #tpu.memory_space<hbm>>) dst(%dma_wait3A_1676 : memref<1024xf32, #tpu.memory_space<vmem>>)
        } else {
        }
      }
      %scan3A_1424 = arith.constant 8 : i32
      %dma_wait3A_1425 = arith.constant 0 : i32
      %dma_wait3A_1426 = arith.constant 0 : i32
      %dma_wait3A_1427 = arith.constant 0 : i32
      %dma_wait3A_1428 = arith.constant 0 : i32
      %dma_wait3A_1429 = arith.constant 0 : i32
      %dma_wait3A_1430 = tpu.memref_slice %arg8[%dma_wait3A_1426, %dma_wait3A_1427, %dma_wait3A_1428, %dma_wait3A_1429] : memref<2x8x1x1024xf32, #tpu.memory_space<vmem>> -> memref<1x1x1x1024xf32, #tpu.memory_space<vmem>>
      %dma_wait3A_1431 = tpu.memref_squeeze %dma_wait3A_1430 : memref<1x1x1x1024xf32, #tpu.memory_space<vmem>> -> memref<1024xf32, #tpu.memory_space<vmem>>
      %dma_wait3A_1432 = arith.constant 0 : i32
      %dma_wait3A_1433 = tpu.memref_slice %arg2[%dma_wait3A_1425, %dma_wait3A_1432] : memref<64x1000000xf32, #tpu.memory_space<hbm>> -> memref<1x1000000xf32, #tpu.memory_space<hbm>>
      %dma_wait3A_1434 = tpu.memref_squeeze %dma_wait3A_1433 : memref<1x1000000xf32, #tpu.memory_space<hbm>> -> memref<1000000xf32, #tpu.memory_space<hbm>>
      %dma_wait3A_1435 = arith.constant 0 : i32
      %dma_wait3A_1436 = tpu.memref_slice %dma_wait3A_1434[%dma_wait3A_1435] : memref<1000000xf32, #tpu.memory_space<hbm>> -> memref<1024xf32, #tpu.memory_space<hbm>>
      %dma_wait3A_1437 = arith.constant 0 : i32
      %dma_wait3A_1438 = tpu.memref_slice %arg8[%dma_wait3A_1426, %dma_wait3A_1427, %dma_wait3A_1428, %dma_wait3A_1437] : memref<2x8x1x1024xf32, #tpu.memory_space<vmem>> -> memref<1x1x1x1024xf32, #tpu.memory_space<vmem>>
      %dma_wait3A_1439 = tpu.memref_squeeze %dma_wait3A_1438 : memref<1x1x1x1024xf32, #tpu.memory_space<vmem>> -> memref<1024xf32, #tpu.memory_space<vmem>>
      %dma_wait3A_1440 = arith.constant 0 : i32
      %dma_wait3A_1441 = tpu.memref_slice %arg2[%dma_wait3A_1425, %dma_wait3A_1440] : memref<64x1000000xf32, #tpu.memory_space<hbm>> -> memref<1x1000000xf32, #tpu.memory_space<hbm>>
      %dma_wait3A_1442 = tpu.memref_squeeze %dma_wait3A_1441 : memref<1x1000000xf32, #tpu.memory_space<hbm>> -> memref<1000000xf32, #tpu.memory_space<hbm>>
      %dma_wait3A_1443 = arith.constant 0 : i32
      %dma_wait3A_1444 = tpu.memref_slice %dma_wait3A_1442[%dma_wait3A_1443] : memref<1000000xf32, #tpu.memory_space<hbm>> -> memref<1024xf32, #tpu.memory_space<hbm>>
      tpu.wait_dma2 semaphore(%arg10 : memref<!tpu.dma_semaphore, #tpu.memory_space<semaphore_mem>>) src(%dma_wait3A_1444 : memref<1024xf32, #tpu.memory_space<hbm>>) dst(%dma_wait3A_1439 : memref<1024xf32, #tpu.memory_space<vmem>>)
      %dma_wait3A_1445 = arith.constant 0 : i32
      %dma_wait3A_1446 = arith.constant 0 : i32
      %dma_wait3A_1447 = arith.constant 0 : i32
      %dma_wait3A_1448 = arith.constant 0 : i32
      %dma_wait3A_1449 = arith.constant 0 : i32
      %dma_wait3A_1450 = tpu.memref_slice %arg8[%dma_wait3A_1446, %dma_wait3A_1447, %dma_wait3A_1448, %dma_wait3A_1449] : memref<2x8x1x1024xf32, #tpu.memory_space<vmem>> -> memref<1x1x1x1024xf32, #tpu.memory_space<vmem>>
      %dma_wait3A_1451 = tpu.memref_squeeze %dma_wait3A_1450 : memref<1x1x1x1024xf32, #tpu.memory_space<vmem>> -> memref<1024xf32, #tpu.memory_space<vmem>>
      %dma_wait3A_1452 = arith.constant 0 : i32
      %dma_wait3A_1453 = tpu.memref_slice %arg2[%dma_wait3A_1445, %dma_wait3A_1452] : memref<64x1000000xf32, #tpu.memory_space<hbm>> -> memref<1x1000000xf32, #tpu.memory_space<hbm>>
      %dma_wait3A_1454 = tpu.memref_squeeze %dma_wait3A_1453 : memref<1x1000000xf32, #tpu.memory_space<hbm>> -> memref<1000000xf32, #tpu.memory_space<hbm>>
      %dma_wait3A_1455 = arith.constant 0 : i32
      %dma_wait3A_1456 = tpu.memref_slice %dma_wait3A_1454[%dma_wait3A_1455] : memref<1000000xf32, #tpu.memory_space<hbm>> -> memref<1024xf32, #tpu.memory_space<hbm>>
      %dma_wait3A_1457 = arith.constant 0 : i32
      %dma_wait3A_1458 = tpu.memref_slice %arg8[%dma_wait3A_1446, %dma_wait3A_1447, %dma_wait3A_1448, %dma_wait3A_1457] : memref<2x8x1x1024xf32, #tpu.memory_space<vmem>> -> memref<1x1x1x1024xf32, #tpu.memory_space<vmem>>
      %dma_wait3A_1459 = tpu.memref_squeeze %dma_wait3A_1458 : memref<1x1x1x1024xf32, #tpu.memory_space<vmem>> -> memref<1024xf32, #tpu.memory_space<vmem>>
      %dma_wait3A_1460 = arith.constant 0 : i32
      %dma_wait3A_1461 = tpu.memref_slice %arg2[%dma_wait3A_1445, %dma_wait3A_1460] : memref<64x1000000xf32, #tpu.memory_space<hbm>> -> memref<1x1000000xf32, #tpu.memory_space<hbm>>
      %dma_wait3A_1462 = tpu.memref_squeeze %dma_wait3A_1461 : memref<1x1000000xf32, #tpu.memory_space<hbm>> -> memref<1000000xf32, #tpu.memory_space<hbm>>
      %dma_wait3A_1463 = arith.constant 0 : i32
      %dma_wait3A_1464 = tpu.memref_slice %dma_wait3A_1462[%dma_wait3A_1463] : memref<1000000xf32, #tpu.memory_space<hbm>> -> memref<1024xf32, #tpu.memory_space<hbm>>
      tpu.wait_dma2 semaphore(%arg10 : memref<!tpu.dma_semaphore, #tpu.memory_space<semaphore_mem>>) src(%dma_wait3A_1464 : memref<1024xf32, #tpu.memory_space<hbm>>) dst(%dma_wait3A_1459 : memref<1024xf32, #tpu.memory_space<vmem>>)
      %dma_start3A_1465 = arith.constant 0 : i32
      %dma_start3A_1466 = arith.constant 0 : i32
      %dma_start3A_1467 = arith.constant 0 : i32
      %dma_start3A_1468 = arith.constant 0 : i32
      %dma_start3A_1469 = tpu.memref_slice %arg8[%dma_start3A_1465, %dma_start3A_1466, %dma_start3A_1467, %dma_start3A_1468] : memref<2x8x1x1024xf32, #tpu.memory_space<vmem>> -> memref<1x8x1x1024xf32, #tpu.memory_space<vmem>>
      %dma_start3A_1470 = tpu.memref_squeeze %dma_start3A_1469 : memref<1x8x1x1024xf32, #tpu.memory_space<vmem>> -> memref<8x1x1024xf32, #tpu.memory_space<vmem>>
      %dma_start3A_1471 = arith.constant 0 : i32
      %dma_start3A_1472 = tpu.memref_slice %arg5[%dma_start3A_1471, %add3A, %mul3A_0] : memref<50x64x16384xf32, #tpu.memory_space<hbm>> -> memref<8x1x1024xf32, #tpu.memory_space<hbm>>
      %dma_start3A_1473 = arith.constant 0 : i32
      %dma_start3A_1474 = tpu.memref_slice %arg5[%dma_start3A_1473, %add3A, %mul3A_0] : memref<50x64x16384xf32, #tpu.memory_space<hbm>> -> memref<8x1x1024xf32, #tpu.memory_space<hbm>>
      %dma_start3A_1475 = arith.constant 0 : i32
      %dma_start3A_1476 = arith.constant 0 : i32
      %dma_start3A_1477 = arith.constant 0 : i32
      %dma_start3A_1478 = tpu.memref_slice %arg8[%dma_start3A_1465, %dma_start3A_1475, %dma_start3A_1476, %dma_start3A_1477] : memref<2x8x1x1024xf32, #tpu.memory_space<vmem>> -> memref<1x8x1x1024xf32, #tpu.memory_space<vmem>>
      %dma_start3A_1479 = tpu.memref_squeeze %dma_start3A_1478 : memref<1x8x1x1024xf32, #tpu.memory_space<vmem>> -> memref<8x1x1024xf32, #tpu.memory_space<vmem>>
      tpu.enqueue_dma source(%dma_start3A_1479 : memref<8x1x1024xf32, #tpu.memory_space<vmem>>) target(%dma_start3A_1474 : memref<8x1x1024xf32, #tpu.memory_space<hbm>>) target_semaphore(%arg11 : memref<!tpu.dma_semaphore, #tpu.memory_space<semaphore_mem>>)
      %scan3A_1480 = arith.constant 0 : i32
      %scan3A_1481 = arith.constant 0 : i32
      %scan3A_1482 = arith.constant 8 : i32
      %scan3A_1483 = arith.addi %scan3A_1481, %scan3A_1482 : i32
      %scan3A_1484 = arith.constant 1 : i32
      scf.for %scan3A_1645 = %scan3A_1481 to %scan3A_1483 step %scan3A_1484  : i32 {
        %add3A_1646 = arith.constant 8 : i32
        %add3A_1647 = arith.addi %add3A_1646, %scan3A_1645 : i32
        %mul3A_1648 = arith.constant 1024 : i32
        %mul3A_1649 = arith.muli %add3A_1647, %mul3A_1648 : i32
        %dma_start3A_1650 = arith.constant 1 : i32
        %dma_start3A_1651 = arith.constant 0 : i32
        %dma_start3A_1652 = arith.constant 0 : i32
        %dma_start3A_1653 = tpu.memref_slice %arg8[%dma_start3A_1650, %scan3A_1645, %dma_start3A_1651, %dma_start3A_1652] : memref<2x8x1x1024xf32, #tpu.memory_space<vmem>> -> memref<1x1x1x1024xf32, #tpu.memory_space<vmem>>
        %dma_start3A_1654 = tpu.memref_squeeze %dma_start3A_1653 : memref<1x1x1x1024xf32, #tpu.memory_space<vmem>> -> memref<1024xf32, #tpu.memory_space<vmem>>
        %dma_start3A_1655 = tpu.memref_slice %arg7[%mul3A_1649] : memref<51200xi32, #tpu.memory_space<vmem>> -> memref<1024xi32, #tpu.memory_space<vmem>>
        %dma_start3A_1656 = arith.constant 0 : i32
        %dma_start3A_1657 = tpu.memref_slice %arg6[%dma_start3A_1656] : memref<1000000xf32, #tpu.memory_space<vmem_shared>> -> memref<1000000xf32, #tpu.memory_space<vmem_shared>>
        tpu.enqueue_indirect_dma source(%dma_start3A_1657 : memref<1000000xf32, #tpu.memory_space<vmem_shared>>) target(%dma_start3A_1654 : memref<1024xf32, #tpu.memory_space<vmem>>) offsets(%dma_start3A_1655 : memref<1024xi32, #tpu.memory_space<vmem>>) semaphore(%arg10 : memref<!tpu.dma_semaphore, #tpu.memory_space<semaphore_mem>>)
        %gt3A = arith.constant 1 : i32
        %gt3A_1658 = arith.cmpi sgt, %scan3A_1645, %gt3A : i32
        %convert_element_type3A_1659 = arith.extui %gt3A_1658 : i1 to i32
        %cond3A_1660 = arith.constant 0 : i32
        %cond3A_1661 = arith.cmpi ne, %convert_element_type3A_1659, %cond3A_1660 : i32
        scf.if %cond3A_1661 {
          %dma_wait3A_1662 = arith.constant 0 : i32
          %dma_wait3A_1663 = arith.constant 0 : i32
          %dma_wait3A_1664 = arith.constant 0 : i32
          %dma_wait3A_1665 = arith.constant 0 : i32
          %dma_wait3A_1666 = arith.constant 0 : i32
          %dma_wait3A_1667 = tpu.memref_slice %arg8[%dma_wait3A_1663, %dma_wait3A_1664, %dma_wait3A_1665, %dma_wait3A_1666] : memref<2x8x1x1024xf32, #tpu.memory_space<vmem>> -> memref<1x1x1x1024xf32, #tpu.memory_space<vmem>>
          %dma_wait3A_1668 = tpu.memref_squeeze %dma_wait3A_1667 : memref<1x1x1x1024xf32, #tpu.memory_space<vmem>> -> memref<1024xf32, #tpu.memory_space<vmem>>
          %dma_wait3A_1669 = arith.constant 0 : i32
          %dma_wait3A_1670 = tpu.memref_slice %arg2[%dma_wait3A_1662, %dma_wait3A_1669] : memref<64x1000000xf32, #tpu.memory_space<hbm>> -> memref<1x1000000xf32, #tpu.memory_space<hbm>>
          %dma_wait3A_1671 = tpu.memref_squeeze %dma_wait3A_1670 : memref<1x1000000xf32, #tpu.memory_space<hbm>> -> memref<1000000xf32, #tpu.memory_space<hbm>>
          %dma_wait3A_1672 = arith.constant 0 : i32
          %dma_wait3A_1673 = tpu.memref_slice %dma_wait3A_1671[%dma_wait3A_1672] : memref<1000000xf32, #tpu.memory_space<hbm>> -> memref<1024xf32, #tpu.memory_space<hbm>>
          %dma_wait3A_1674 = arith.constant 0 : i32
          %dma_wait3A_1675 = tpu.memref_slice %arg8[%dma_wait3A_1663, %dma_wait3A_1664, %dma_wait3A_1665, %dma_wait3A_1674] : memref<2x8x1x1024xf32, #tpu.memory_space<vmem>> -> memref<1x1x1x1024xf32, #tpu.memory_space<vmem>>
          %dma_wait3A_1676 = tpu.memref_squeeze %dma_wait3A_1675 : memref<1x1x1x1024xf32, #tpu.memory_space<vmem>> -> memref<1024xf32, #tpu.memory_space<vmem>>
          %dma_wait3A_1677 = arith.constant 0 : i32
          %dma_wait3A_1678 = tpu.memref_slice %arg2[%dma_wait3A_1662, %dma_wait3A_1677] : memref<64x1000000xf32, #tpu.memory_space<hbm>> -> memref<1x1000000xf32, #tpu.memory_space<hbm>>
          %dma_wait3A_1679 = tpu.memref_squeeze %dma_wait3A_1678 : memref<1x1000000xf32, #tpu.memory_space<hbm>> -> memref<1000000xf32, #tpu.memory_space<hbm>>
          %dma_wait3A_1680 = arith.constant 0 : i32
          %dma_wait3A_1681 = tpu.memref_slice %dma_wait3A_1679[%dma_wait3A_1680] : memref<1000000xf32, #tpu.memory_space<hbm>> -> memref<1024xf32, #tpu.memory_space<hbm>>
          tpu.wait_dma2 semaphore(%arg10 : memref<!tpu.dma_semaphore, #tpu.memory_space<semaphore_mem>>) src(%dma_wait3A_1681 : memref<1024xf32, #tpu.memory_space<hbm>>) dst(%dma_wait3A_1676 : memref<1024xf32, #tpu.memory_space<vmem>>)
        } else {
        }
      }
      %scan3A_1485 = arith.constant 8 : i32
      %dma_wait3A_1486 = arith.constant 0 : i32
      %dma_wait3A_1487 = arith.constant 0 : i32
      %dma_wait3A_1488 = arith.constant 0 : i32
      %dma_wait3A_1489 = arith.constant 0 : i32
      %dma_wait3A_1490 = arith.constant 0 : i32
      %dma_wait3A_1491 = tpu.memref_slice %arg8[%dma_wait3A_1487, %dma_wait3A_1488, %dma_wait3A_1489, %dma_wait3A_1490] : memref<2x8x1x1024xf32, #tpu.memory_space<vmem>> -> memref<1x1x1x1024xf32, #tpu.memory_space<vmem>>
      %dma_wait3A_1492 = tpu.memref_squeeze %dma_wait3A_1491 : memref<1x1x1x1024xf32, #tpu.memory_space<vmem>> -> memref<1024xf32, #tpu.memory_space<vmem>>
      %dma_wait3A_1493 = arith.constant 0 : i32
      %dma_wait3A_1494 = tpu.memref_slice %arg2[%dma_wait3A_1486, %dma_wait3A_1493] : memref<64x1000000xf32, #tpu.memory_space<hbm>> -> memref<1x1000000xf32, #tpu.memory_space<hbm>>
      %dma_wait3A_1495 = tpu.memref_squeeze %dma_wait3A_1494 : memref<1x1000000xf32, #tpu.memory_space<hbm>> -> memref<1000000xf32, #tpu.memory_space<hbm>>
      %dma_wait3A_1496 = arith.constant 0 : i32
      %dma_wait3A_1497 = tpu.memref_slice %dma_wait3A_1495[%dma_wait3A_1496] : memref<1000000xf32, #tpu.memory_space<hbm>> -> memref<1024xf32, #tpu.memory_space<hbm>>
      %dma_wait3A_1498 = arith.constant 0 : i32
      %dma_wait3A_1499 = tpu.memref_slice %arg8[%dma_wait3A_1487, %dma_wait3A_1488, %dma_wait3A_1489, %dma_wait3A_1498] : memref<2x8x1x1024xf32, #tpu.memory_space<vmem>> -> memref<1x1x1x1024xf32, #tpu.memory_space<vmem>>
      %dma_wait3A_1500 = tpu.memref_squeeze %dma_wait3A_1499 : memref<1x1x1x1024xf32, #tpu.memory_space<vmem>> -> memref<1024xf32, #tpu.memory_space<vmem>>
      %dma_wait3A_1501 = arith.constant 0 : i32
      %dma_wait3A_1502 = tpu.memref_slice %arg2[%dma_wait3A_1486, %dma_wait3A_1501] : memref<64x1000000xf32, #tpu.memory_space<hbm>> -> memref<1x1000000xf32, #tpu.memory_space<hbm>>
      %dma_wait3A_1503 = tpu.memref_squeeze %dma_wait3A_1502 : memref<1x1000000xf32, #tpu.memory_space<hbm>> -> memref<1000000xf32, #tpu.memory_space<hbm>>
      %dma_wait3A_1504 = arith.constant 0 : i32
      %dma_wait3A_1505 = tpu.memref_slice %dma_wait3A_1503[%dma_wait3A_1504] : memref<1000000xf32, #tpu.memory_space<hbm>> -> memref<1024xf32, #tpu.memory_space<hbm>>
      tpu.wait_dma2 semaphore(%arg10 : memref<!tpu.dma_semaphore, #tpu.memory_space<semaphore_mem>>) src(%dma_wait3A_1505 : memref<1024xf32, #tpu.memory_space<hbm>>) dst(%dma_wait3A_1500 : memref<1024xf32, #tpu.memory_space<vmem>>)
      %dma_wait3A_1506 = arith.constant 0 : i32
      %dma_wait3A_1507 = arith.constant 0 : i32
      %dma_wait3A_1508 = arith.constant 0 : i32
      %dma_wait3A_1509 = arith.constant 0 : i32
      %dma_wait3A_1510 = arith.constant 0 : i32
      %dma_wait3A_1511 = tpu.memref_slice %arg8[%dma_wait3A_1507, %dma_wait3A_1508, %dma_wait3A_1509, %dma_wait3A_1510] : memref<2x8x1x1024xf32, #tpu.memory_space<vmem>> -> memref<1x1x1x1024xf32, #tpu.memory_space<vmem>>
      %dma_wait3A_1512 = tpu.memref_squeeze %dma_wait3A_1511 : memref<1x1x1x1024xf32, #tpu.memory_space<vmem>> -> memref<1024xf32, #tpu.memory_space<vmem>>
      %dma_wait3A_1513 = arith.constant 0 : i32
      %dma_wait3A_1514 = tpu.memref_slice %arg2[%dma_wait3A_1506, %dma_wait3A_1513] : memref<64x1000000xf32, #tpu.memory_space<hbm>> -> memref<1x1000000xf32, #tpu.memory_space<hbm>>
      %dma_wait3A_1515 = tpu.memref_squeeze %dma_wait3A_1514 : memref<1x1000000xf32, #tpu.memory_space<hbm>> -> memref<1000000xf32, #tpu.memory_space<hbm>>
      %dma_wait3A_1516 = arith.constant 0 : i32
      %dma_wait3A_1517 = tpu.memref_slice %dma_wait3A_1515[%dma_wait3A_1516] : memref<1000000xf32, #tpu.memory_space<hbm>> -> memref<1024xf32, #tpu.memory_space<hbm>>
      %dma_wait3A_1518 = arith.constant 0 : i32
      %dma_wait3A_1519 = tpu.memref_slice %arg8[%dma_wait3A_1507, %dma_wait3A_1508, %dma_wait3A_1509, %dma_wait3A_1518] : memref<2x8x1x1024xf32, #tpu.memory_space<vmem>> -> memref<1x1x1x1024xf32, #tpu.memory_space<vmem>>
      %dma_wait3A_1520 = tpu.memref_squeeze %dma_wait3A_1519 : memref<1x1x1x1024xf32, #tpu.memory_space<vmem>> -> memref<1024xf32, #tpu.memory_space<vmem>>
      %dma_wait3A_1521 = arith.constant 0 : i32
      %dma_wait3A_1522 = tpu.memref_slice %arg2[%dma_wait3A_1506, %dma_wait3A_1521] : memref<64x1000000xf32, #tpu.memory_space<hbm>> -> memref<1x1000000xf32, #tpu.memory_space<hbm>>
      %dma_wait3A_1523 = tpu.memref_squeeze %dma_wait3A_1522 : memref<1x1000000xf32, #tpu.memory_space<hbm>> -> memref<1000000xf32, #tpu.memory_space<hbm>>
      %dma_wait3A_1524 = arith.constant 0 : i32
      %dma_wait3A_1525 = tpu.memref_slice %dma_wait3A_1523[%dma_wait3A_1524] : memref<1000000xf32, #tpu.memory_space<hbm>> -> memref<1024xf32, #tpu.memory_space<hbm>>
      tpu.wait_dma2 semaphore(%arg10 : memref<!tpu.dma_semaphore, #tpu.memory_space<semaphore_mem>>) src(%dma_wait3A_1525 : memref<1024xf32, #tpu.memory_space<hbm>>) dst(%dma_wait3A_1520 : memref<1024xf32, #tpu.memory_space<vmem>>)
      %dma_start3A_1526 = arith.constant 1 : i32
      %dma_start3A_1527 = arith.constant 0 : i32
      %dma_start3A_1528 = arith.constant 0 : i32
      %dma_start3A_1529 = arith.constant 0 : i32
      %dma_start3A_1530 = tpu.memref_slice %arg8[%dma_start3A_1526, %dma_start3A_1527, %dma_start3A_1528, %dma_start3A_1529] : memref<2x8x1x1024xf32, #tpu.memory_space<vmem>> -> memref<1x8x1x1024xf32, #tpu.memory_space<vmem>>
      %dma_start3A_1531 = tpu.memref_squeeze %dma_start3A_1530 : memref<1x8x1x1024xf32, #tpu.memory_space<vmem>> -> memref<8x1x1024xf32, #tpu.memory_space<vmem>>
      %dma_start3A_1532 = arith.constant 8 : i32
      %dma_start3A_1533 = tpu.memref_slice %arg5[%dma_start3A_1532, %add3A, %mul3A_0] : memref<50x64x16384xf32, #tpu.memory_space<hbm>> -> memref<8x1x1024xf32, #tpu.memory_space<hbm>>
      %dma_start3A_1534 = arith.constant 8 : i32
      %dma_start3A_1535 = tpu.memref_slice %arg5[%dma_start3A_1534, %add3A, %mul3A_0] : memref<50x64x16384xf32, #tpu.memory_space<hbm>> -> memref<8x1x1024xf32, #tpu.memory_space<hbm>>
      %dma_start3A_1536 = arith.constant 0 : i32
      %dma_start3A_1537 = arith.constant 0 : i32
      %dma_start3A_1538 = arith.constant 0 : i32
      %dma_start3A_1539 = tpu.memref_slice %arg8[%dma_start3A_1526, %dma_start3A_1536, %dma_start3A_1537, %dma_start3A_1538] : memref<2x8x1x1024xf32, #tpu.memory_space<vmem>> -> memref<1x8x1x1024xf32, #tpu.memory_space<vmem>>
      %dma_start3A_1540 = tpu.memref_squeeze %dma_start3A_1539 : memref<1x8x1x1024xf32, #tpu.memory_space<vmem>> -> memref<8x1x1024xf32, #tpu.memory_space<vmem>>
      tpu.enqueue_dma source(%dma_start3A_1540 : memref<8x1x1024xf32, #tpu.memory_space<vmem>>) target(%dma_start3A_1535 : memref<8x1x1024xf32, #tpu.memory_space<hbm>>) target_semaphore(%arg12 : memref<!tpu.dma_semaphore, #tpu.memory_space<semaphore_mem>>)
      %scan3A_1541 = arith.constant 0 : i32
      %scan3A_1542 = arith.constant 0 : i32
      %scan3A_1543 = arith.constant 2 : i32
      %scan3A_1544 = arith.addi %scan3A_1542, %scan3A_1543 : i32
      %scan3A_1545 = arith.constant 1 : i32
      scf.for %scan3A_1645 = %scan3A_1542 to %scan3A_1544 step %scan3A_1545  : i32 {
        %mul3A_1646 = arith.constant 2 : i32
        %mul3A_1647 = arith.muli %mul3A_1646, %scan3A_1645 : i32
        %add3A_1648 = arith.constant 2 : i32
        %add3A_1649 = arith.addi %mul3A_1647, %add3A_1648 : i32
        %dma_wait3A_1650 = arith.constant 0 : i32
        %dma_wait3A_1651 = arith.constant 0 : i32
        %dma_wait3A_1652 = arith.constant 0 : i32
        %dma_wait3A_1653 = arith.constant 0 : i32
        %dma_wait3A_1654 = tpu.memref_slice %arg8[%dma_wait3A_1650, %dma_wait3A_1651, %dma_wait3A_1652, %dma_wait3A_1653] : memref<2x8x1x1024xf32, #tpu.memory_space<vmem>> -> memref<1x8x1x1024xf32, #tpu.memory_space<vmem>>
        %dma_wait3A_1655 = tpu.memref_squeeze %dma_wait3A_1654 : memref<1x8x1x1024xf32, #tpu.memory_space<vmem>> -> memref<8x1x1024xf32, #tpu.memory_space<vmem>>
        %dma_wait3A_1656 = arith.constant 0 : i32
        %dma_wait3A_1657 = arith.constant 0 : i32
        %dma_wait3A_1658 = arith.constant 0 : i32
        %dma_wait3A_1659 = tpu.memref_slice %arg5[%dma_wait3A_1656, %dma_wait3A_1657, %dma_wait3A_1658] : memref<50x64x16384xf32, #tpu.memory_space<hbm>> -> memref<8x1x1024xf32, #tpu.memory_space<hbm>>
        %dma_wait3A_1660 = arith.constant 0 : i32
        %dma_wait3A_1661 = arith.constant 0 : i32
        %dma_wait3A_1662 = arith.constant 0 : i32
        %dma_wait3A_1663 = tpu.memref_slice %arg5[%dma_wait3A_1660, %dma_wait3A_1661, %dma_wait3A_1662] : memref<50x64x16384xf32, #tpu.memory_space<hbm>> -> memref<8x1x1024xf32, #tpu.memory_space<hbm>>
        %dma_wait3A_1664 = arith.constant 0 : i32
        %dma_wait3A_1665 = arith.constant 0 : i32
        %dma_wait3A_1666 = arith.constant 0 : i32
        %dma_wait3A_1667 = tpu.memref_slice %arg8[%dma_wait3A_1650, %dma_wait3A_1664, %dma_wait3A_1665, %dma_wait3A_1666] : memref<2x8x1x1024xf32, #tpu.memory_space<vmem>> -> memref<1x8x1x1024xf32, #tpu.memory_space<vmem>>
        %dma_wait3A_1668 = tpu.memref_squeeze %dma_wait3A_1667 : memref<1x8x1x1024xf32, #tpu.memory_space<vmem>> -> memref<8x1x1024xf32, #tpu.memory_space<vmem>>
        tpu.wait_dma2 semaphore(%arg11 : memref<!tpu.dma_semaphore, #tpu.memory_space<semaphore_mem>>) src(%dma_wait3A_1668 : memref<8x1x1024xf32, #tpu.memory_space<vmem>>) dst(%dma_wait3A_1663 : memref<8x1x1024xf32, #tpu.memory_space<hbm>>)
        %scan3A_1669 = arith.constant 0 : i32
        %scan3A_1670 = arith.constant 0 : i32
        %scan3A_1671 = arith.constant 8 : i32
        %scan3A_1672 = arith.addi %scan3A_1670, %scan3A_1671 : i32
        %scan3A_1673 = arith.constant 1 : i32
        scf.for %scan3A_1812 = %scan3A_1670 to %scan3A_1672 step %scan3A_1673  : i32 {
          %mul3A_1813 = arith.constant 8 : i32
          %mul3A_1814 = arith.muli %add3A_1649, %mul3A_1813 : i32
          %add3A_1815 = arith.addi %mul3A_1814, %scan3A_1812 : i32
          %mul3A_1816 = arith.constant 1024 : i32
          %mul3A_1817 = arith.muli %add3A_1815, %mul3A_1816 : i32
          %dma_start3A_1818 = arith.constant 0 : i32
          %dma_start3A_1819 = arith.constant 0 : i32
          %dma_start3A_1820 = arith.constant 0 : i32
          %dma_start3A_1821 = tpu.memref_slice %arg8[%dma_start3A_1818, %scan3A_1812, %dma_start3A_1819, %dma_start3A_1820] : memref<2x8x1x1024xf32, #tpu.memory_space<vmem>> -> memref<1x1x1x1024xf32, #tpu.memory_space<vmem>>
          %dma_start3A_1822 = tpu.memref_squeeze %dma_start3A_1821 : memref<1x1x1x1024xf32, #tpu.memory_space<vmem>> -> memref<1024xf32, #tpu.memory_space<vmem>>
          %dma_start3A_1823 = tpu.memref_slice %arg7[%mul3A_1817] : memref<51200xi32, #tpu.memory_space<vmem>> -> memref<1024xi32, #tpu.memory_space<vmem>>
          %dma_start3A_1824 = arith.constant 0 : i32
          %dma_start3A_1825 = tpu.memref_slice %arg6[%dma_start3A_1824] : memref<1000000xf32, #tpu.memory_space<vmem_shared>> -> memref<1000000xf32, #tpu.memory_space<vmem_shared>>
          tpu.enqueue_indirect_dma source(%dma_start3A_1825 : memref<1000000xf32, #tpu.memory_space<vmem_shared>>) target(%dma_start3A_1822 : memref<1024xf32, #tpu.memory_space<vmem>>) offsets(%dma_start3A_1823 : memref<1024xi32, #tpu.memory_space<vmem>>) semaphore(%arg10 : memref<!tpu.dma_semaphore, #tpu.memory_space<semaphore_mem>>)
          %gt3A = arith.constant 1 : i32
          %gt3A_1826 = arith.cmpi sgt, %scan3A_1812, %gt3A : i32
          %convert_element_type3A_1827 = arith.extui %gt3A_1826 : i1 to i32
          %cond3A_1828 = arith.constant 0 : i32
          %cond3A_1829 = arith.cmpi ne, %convert_element_type3A_1827, %cond3A_1828 : i32
          scf.if %cond3A_1829 {
            %dma_wait3A_1830 = arith.constant 0 : i32
            %dma_wait3A_1831 = arith.constant 0 : i32
            %dma_wait3A_1832 = arith.constant 0 : i32
            %dma_wait3A_1833 = arith.constant 0 : i32
            %dma_wait3A_1834 = arith.constant 0 : i32
            %dma_wait3A_1835 = tpu.memref_slice %arg8[%dma_wait3A_1831, %dma_wait3A_1832, %dma_wait3A_1833, %dma_wait3A_1834] : memref<2x8x1x1024xf32, #tpu.memory_space<vmem>> -> memref<1x1x1x1024xf32, #tpu.memory_space<vmem>>
            %dma_wait3A_1836 = tpu.memref_squeeze %dma_wait3A_1835 : memref<1x1x1x1024xf32, #tpu.memory_space<vmem>> -> memref<1024xf32, #tpu.memory_space<vmem>>
            %dma_wait3A_1837 = arith.constant 0 : i32
            %dma_wait3A_1838 = tpu.memref_slice %arg2[%dma_wait3A_1830, %dma_wait3A_1837] : memref<64x1000000xf32, #tpu.memory_space<hbm>> -> memref<1x1000000xf32, #tpu.memory_space<hbm>>
            %dma_wait3A_1839 = tpu.memref_squeeze %dma_wait3A_1838 : memref<1x1000000xf32, #tpu.memory_space<hbm>> -> memref<1000000xf32, #tpu.memory_space<hbm>>
            %dma_wait3A_1840 = arith.constant 0 : i32
            %dma_wait3A_1841 = tpu.memref_slice %dma_wait3A_1839[%dma_wait3A_1840] : memref<1000000xf32, #tpu.memory_space<hbm>> -> memref<1024xf32, #tpu.memory_space<hbm>>
            %dma_wait3A_1842 = arith.constant 0 : i32
            %dma_wait3A_1843 = tpu.memref_slice %arg8[%dma_wait3A_1831, %dma_wait3A_1832, %dma_wait3A_1833, %dma_wait3A_1842] : memref<2x8x1x1024xf32, #tpu.memory_space<vmem>> -> memref<1x1x1x1024xf32, #tpu.memory_space<vmem>>
            %dma_wait3A_1844 = tpu.memref_squeeze %dma_wait3A_1843 : memref<1x1x1x1024xf32, #tpu.memory_space<vmem>> -> memref<1024xf32, #tpu.memory_space<vmem>>
            %dma_wait3A_1845 = arith.constant 0 : i32
            %dma_wait3A_1846 = tpu.memref_slice %arg2[%dma_wait3A_1830, %dma_wait3A_1845] : memref<64x1000000xf32, #tpu.memory_space<hbm>> -> memref<1x1000000xf32, #tpu.memory_space<hbm>>
            %dma_wait3A_1847 = tpu.memref_squeeze %dma_wait3A_1846 : memref<1x1000000xf32, #tpu.memory_space<hbm>> -> memref<1000000xf32, #tpu.memory_space<hbm>>
            %dma_wait3A_1848 = arith.constant 0 : i32
            %dma_wait3A_1849 = tpu.memref_slice %dma_wait3A_1847[%dma_wait3A_1848] : memref<1000000xf32, #tpu.memory_space<hbm>> -> memref<1024xf32, #tpu.memory_space<hbm>>
            tpu.wait_dma2 semaphore(%arg10 : memref<!tpu.dma_semaphore, #tpu.memory_space<semaphore_mem>>) src(%dma_wait3A_1849 : memref<1024xf32, #tpu.memory_space<hbm>>) dst(%dma_wait3A_1844 : memref<1024xf32, #tpu.memory_space<vmem>>)
          } else {
          }
        }
        %scan3A_1674 = arith.constant 8 : i32
        %dma_wait3A_1675 = arith.constant 0 : i32
        %dma_wait3A_1676 = arith.constant 0 : i32
        %dma_wait3A_1677 = arith.constant 0 : i32
        %dma_wait3A_1678 = arith.constant 0 : i32
        %dma_wait3A_1679 = arith.constant 0 : i32
        %dma_wait3A_1680 = tpu.memref_slice %arg8[%dma_wait3A_1676, %dma_wait3A_1677, %dma_wait3A_1678, %dma_wait3A_1679] : memref<2x8x1x1024xf32, #tpu.memory_space<vmem>> -> memref<1x1x1x1024xf32, #tpu.memory_space<vmem>>
        %dma_wait3A_1681 = tpu.memref_squeeze %dma_wait3A_1680 : memref<1x1x1x1024xf32, #tpu.memory_space<vmem>> -> memref<1024xf32, #tpu.memory_space<vmem>>
        %dma_wait3A_1682 = arith.constant 0 : i32
        %dma_wait3A_1683 = tpu.memref_slice %arg2[%dma_wait3A_1675, %dma_wait3A_1682] : memref<64x1000000xf32, #tpu.memory_space<hbm>> -> memref<1x1000000xf32, #tpu.memory_space<hbm>>
        %dma_wait3A_1684 = tpu.memref_squeeze %dma_wait3A_1683 : memref<1x1000000xf32, #tpu.memory_space<hbm>> -> memref<1000000xf32, #tpu.memory_space<hbm>>
        %dma_wait3A_1685 = arith.constant 0 : i32
        %dma_wait3A_1686 = tpu.memref_slice %dma_wait3A_1684[%dma_wait3A_1685] : memref<1000000xf32, #tpu.memory_space<hbm>> -> memref<1024xf32, #tpu.memory_space<hbm>>
        %dma_wait3A_1687 = arith.constant 0 : i32
        %dma_wait3A_1688 = tpu.memref_slice %arg8[%dma_wait3A_1676, %dma_wait3A_1677, %dma_wait3A_1678, %dma_wait3A_1687] : memref<2x8x1x1024xf32, #tpu.memory_space<vmem>> -> memref<1x1x1x1024xf32, #tpu.memory_space<vmem>>
        %dma_wait3A_1689 = tpu.memref_squeeze %dma_wait3A_1688 : memref<1x1x1x1024xf32, #tpu.memory_space<vmem>> -> memref<1024xf32, #tpu.memory_space<vmem>>
        %dma_wait3A_1690 = arith.constant 0 : i32
        %dma_wait3A_1691 = tpu.memref_slice %arg2[%dma_wait3A_1675, %dma_wait3A_1690] : memref<64x1000000xf32, #tpu.memory_space<hbm>> -> memref<1x1000000xf32, #tpu.memory_space<hbm>>
        %dma_wait3A_1692 = tpu.memref_squeeze %dma_wait3A_1691 : memref<1x1000000xf32, #tpu.memory_space<hbm>> -> memref<1000000xf32, #tpu.memory_space<hbm>>
        %dma_wait3A_1693 = arith.constant 0 : i32
        %dma_wait3A_1694 = tpu.memref_slice %dma_wait3A_1692[%dma_wait3A_1693] : memref<1000000xf32, #tpu.memory_space<hbm>> -> memref<1024xf32, #tpu.memory_space<hbm>>
        tpu.wait_dma2 semaphore(%arg10 : memref<!tpu.dma_semaphore, #tpu.memory_space<semaphore_mem>>) src(%dma_wait3A_1694 : memref<1024xf32, #tpu.memory_space<hbm>>) dst(%dma_wait3A_1689 : memref<1024xf32, #tpu.memory_space<vmem>>)
        %dma_wait3A_1695 = arith.constant 0 : i32
        %dma_wait3A_1696 = arith.constant 0 : i32
        %dma_wait3A_1697 = arith.constant 0 : i32
        %dma_wait3A_1698 = arith.constant 0 : i32
        %dma_wait3A_1699 = arith.constant 0 : i32
        %dma_wait3A_1700 = tpu.memref_slice %arg8[%dma_wait3A_1696, %dma_wait3A_1697, %dma_wait3A_1698, %dma_wait3A_1699] : memref<2x8x1x1024xf32, #tpu.memory_space<vmem>> -> memref<1x1x1x1024xf32, #tpu.memory_space<vmem>>
        %dma_wait3A_1701 = tpu.memref_squeeze %dma_wait3A_1700 : memref<1x1x1x1024xf32, #tpu.memory_space<vmem>> -> memref<1024xf32, #tpu.memory_space<vmem>>
        %dma_wait3A_1702 = arith.constant 0 : i32
        %dma_wait3A_1703 = tpu.memref_slice %arg2[%dma_wait3A_1695, %dma_wait3A_1702] : memref<64x1000000xf32, #tpu.memory_space<hbm>> -> memref<1x1000000xf32, #tpu.memory_space<hbm>>
        %dma_wait3A_1704 = tpu.memref_squeeze %dma_wait3A_1703 : memref<1x1000000xf32, #tpu.memory_space<hbm>> -> memref<1000000xf32, #tpu.memory_space<hbm>>
        %dma_wait3A_1705 = arith.constant 0 : i32
        %dma_wait3A_1706 = tpu.memref_slice %dma_wait3A_1704[%dma_wait3A_1705] : memref<1000000xf32, #tpu.memory_space<hbm>> -> memref<1024xf32, #tpu.memory_space<hbm>>
        %dma_wait3A_1707 = arith.constant 0 : i32
        %dma_wait3A_1708 = tpu.memref_slice %arg8[%dma_wait3A_1696, %dma_wait3A_1697, %dma_wait3A_1698, %dma_wait3A_1707] : memref<2x8x1x1024xf32, #tpu.memory_space<vmem>> -> memref<1x1x1x1024xf32, #tpu.memory_space<vmem>>
        %dma_wait3A_1709 = tpu.memref_squeeze %dma_wait3A_1708 : memref<1x1x1x1024xf32, #tpu.memory_space<vmem>> -> memref<1024xf32, #tpu.memory_space<vmem>>
        %dma_wait3A_1710 = arith.constant 0 : i32
        %dma_wait3A_1711 = tpu.memref_slice %arg2[%dma_wait3A_1695, %dma_wait3A_1710] : memref<64x1000000xf32, #tpu.memory_space<hbm>> -> memref<1x1000000xf32, #tpu.memory_space<hbm>>
        %dma_wait3A_1712 = tpu.memref_squeeze %dma_wait3A_1711 : memref<1x1000000xf32, #tpu.memory_space<hbm>> -> memref<1000000xf32, #tpu.memory_space<hbm>>
        %dma_wait3A_1713 = arith.constant 0 : i32
        %dma_wait3A_1714 = tpu.memref_slice %dma_wait3A_1712[%dma_wait3A_1713] : memref<1000000xf32, #tpu.memory_space<hbm>> -> memref<1024xf32, #tpu.memory_space<hbm>>
        tpu.wait_dma2 semaphore(%arg10 : memref<!tpu.dma_semaphore, #tpu.memory_space<semaphore_mem>>) src(%dma_wait3A_1714 : memref<1024xf32, #tpu.memory_space<hbm>>) dst(%dma_wait3A_1709 : memref<1024xf32, #tpu.memory_space<vmem>>)
        %mul3A_1715 = arith.constant 8 : i32
        %mul3A_1716 = arith.muli %add3A_1649, %mul3A_1715 : i32
        %dma_start3A_1717 = arith.constant 0 : i32
        %dma_start3A_1718 = arith.constant 0 : i32
        %dma_start3A_1719 = arith.constant 0 : i32
        %dma_start3A_1720 = arith.constant 0 : i32
        %dma_start3A_1721 = tpu.memref_slice %arg8[%dma_start3A_1717, %dma_start3A_1718, %dma_start3A_1719, %dma_start3A_1720] : memref<2x8x1x1024xf32, #tpu.memory_space<vmem>> -> memref<1x8x1x1024xf32, #tpu.memory_space<vmem>>
        %dma_start3A_1722 = tpu.memref_squeeze %dma_start3A_1721 : memref<1x8x1x1024xf32, #tpu.memory_space<vmem>> -> memref<8x1x1024xf32, #tpu.memory_space<vmem>>
        %dma_start3A_1723 = tpu.memref_slice %arg5[%mul3A_1716, %add3A, %mul3A_0] : memref<50x64x16384xf32, #tpu.memory_space<hbm>> -> memref<8x1x1024xf32, #tpu.memory_space<hbm>>
        %dma_start3A_1724 = tpu.memref_slice %arg5[%mul3A_1716, %add3A, %mul3A_0] : memref<50x64x16384xf32, #tpu.memory_space<hbm>> -> memref<8x1x1024xf32, #tpu.memory_space<hbm>>
        %dma_start3A_1725 = arith.constant 0 : i32
        %dma_start3A_1726 = arith.constant 0 : i32
        %dma_start3A_1727 = arith.constant 0 : i32
        %dma_start3A_1728 = tpu.memref_slice %arg8[%dma_start3A_1717, %dma_start3A_1725, %dma_start3A_1726, %dma_start3A_1727] : memref<2x8x1x1024xf32, #tpu.memory_space<vmem>> -> memref<1x8x1x1024xf32, #tpu.memory_space<vmem>>
        %dma_start3A_1729 = tpu.memref_squeeze %dma_start3A_1728 : memref<1x8x1x1024xf32, #tpu.memory_space<vmem>> -> memref<8x1x1024xf32, #tpu.memory_space<vmem>>
        tpu.enqueue_dma source(%dma_start3A_1729 : memref<8x1x1024xf32, #tpu.memory_space<vmem>>) target(%dma_start3A_1724 : memref<8x1x1024xf32, #tpu.memory_space<hbm>>) target_semaphore(%arg11 : memref<!tpu.dma_semaphore, #tpu.memory_space<semaphore_mem>>)
        %dma_wait3A_1730 = arith.constant 1 : i32
        %dma_wait3A_1731 = arith.constant 0 : i32
        %dma_wait3A_1732 = arith.constant 0 : i32
        %dma_wait3A_1733 = arith.constant 0 : i32
        %dma_wait3A_1734 = tpu.memref_slice %arg8[%dma_wait3A_1730, %dma_wait3A_1731, %dma_wait3A_1732, %dma_wait3A_1733] : memref<2x8x1x1024xf32, #tpu.memory_space<vmem>> -> memref<1x8x1x1024xf32, #tpu.memory_space<vmem>>
        %dma_wait3A_1735 = tpu.memref_squeeze %dma_wait3A_1734 : memref<1x8x1x1024xf32, #tpu.memory_space<vmem>> -> memref<8x1x1024xf32, #tpu.memory_space<vmem>>
        %dma_wait3A_1736 = arith.constant 0 : i32
        %dma_wait3A_1737 = arith.constant 0 : i32
        %dma_wait3A_1738 = arith.constant 0 : i32
        %dma_wait3A_1739 = tpu.memref_slice %arg5[%dma_wait3A_1736, %dma_wait3A_1737, %dma_wait3A_1738] : memref<50x64x16384xf32, #tpu.memory_space<hbm>> -> memref<8x1x1024xf32, #tpu.memory_space<hbm>>
        %dma_wait3A_1740 = arith.constant 0 : i32
        %dma_wait3A_1741 = arith.constant 0 : i32
        %dma_wait3A_1742 = arith.constant 0 : i32
        %dma_wait3A_1743 = tpu.memref_slice %arg5[%dma_wait3A_1740, %dma_wait3A_1741, %dma_wait3A_1742] : memref<50x64x16384xf32, #tpu.memory_space<hbm>> -> memref<8x1x1024xf32, #tpu.memory_space<hbm>>
        %dma_wait3A_1744 = arith.constant 0 : i32
        %dma_wait3A_1745 = arith.constant 0 : i32
        %dma_wait3A_1746 = arith.constant 0 : i32
        %dma_wait3A_1747 = tpu.memref_slice %arg8[%dma_wait3A_1730, %dma_wait3A_1744, %dma_wait3A_1745, %dma_wait3A_1746] : memref<2x8x1x1024xf32, #tpu.memory_space<vmem>> -> memref<1x8x1x1024xf32, #tpu.memory_space<vmem>>
        %dma_wait3A_1748 = tpu.memref_squeeze %dma_wait3A_1747 : memref<1x8x1x1024xf32, #tpu.memory_space<vmem>> -> memref<8x1x1024xf32, #tpu.memory_space<vmem>>
        tpu.wait_dma2 semaphore(%arg12 : memref<!tpu.dma_semaphore, #tpu.memory_space<semaphore_mem>>) src(%dma_wait3A_1748 : memref<8x1x1024xf32, #tpu.memory_space<vmem>>) dst(%dma_wait3A_1743 : memref<8x1x1024xf32, #tpu.memory_space<hbm>>)
        %add3A_1749 = arith.constant 1 : i32
        %add3A_1750 = arith.addi %add3A_1649, %add3A_1749 : i32
        %scan3A_1751 = arith.constant 0 : i32
        %scan3A_1752 = arith.constant 0 : i32
        %scan3A_1753 = arith.constant 8 : i32
        %scan3A_1754 = arith.addi %scan3A_1752, %scan3A_1753 : i32
        %scan3A_1755 = arith.constant 1 : i32
        scf.for %scan3A_1812 = %scan3A_1752 to %scan3A_1754 step %scan3A_1755  : i32 {
          %mul3A_1813 = arith.constant 8 : i32
          %mul3A_1814 = arith.muli %add3A_1750, %mul3A_1813 : i32
          %add3A_1815 = arith.addi %mul3A_1814, %scan3A_1812 : i32
          %mul3A_1816 = arith.constant 1024 : i32
          %mul3A_1817 = arith.muli %add3A_1815, %mul3A_1816 : i32
          %dma_start3A_1818 = arith.constant 1 : i32
          %dma_start3A_1819 = arith.constant 0 : i32
          %dma_start3A_1820 = arith.constant 0 : i32
          %dma_start3A_1821 = tpu.memref_slice %arg8[%dma_start3A_1818, %scan3A_1812, %dma_start3A_1819, %dma_start3A_1820] : memref<2x8x1x1024xf32, #tpu.memory_space<vmem>> -> memref<1x1x1x1024xf32, #tpu.memory_space<vmem>>
          %dma_start3A_1822 = tpu.memref_squeeze %dma_start3A_1821 : memref<1x1x1x1024xf32, #tpu.memory_space<vmem>> -> memref<1024xf32, #tpu.memory_space<vmem>>
          %dma_start3A_1823 = tpu.memref_slice %arg7[%mul3A_1817] : memref<51200xi32, #tpu.memory_space<vmem>> -> memref<1024xi32, #tpu.memory_space<vmem>>
          %dma_start3A_1824 = arith.constant 0 : i32
          %dma_start3A_1825 = tpu.memref_slice %arg6[%dma_start3A_1824] : memref<1000000xf32, #tpu.memory_space<vmem_shared>> -> memref<1000000xf32, #tpu.memory_space<vmem_shared>>
          tpu.enqueue_indirect_dma source(%dma_start3A_1825 : memref<1000000xf32, #tpu.memory_space<vmem_shared>>) target(%dma_start3A_1822 : memref<1024xf32, #tpu.memory_space<vmem>>) offsets(%dma_start3A_1823 : memref<1024xi32, #tpu.memory_space<vmem>>) semaphore(%arg10 : memref<!tpu.dma_semaphore, #tpu.memory_space<semaphore_mem>>)
          %gt3A = arith.constant 1 : i32
          %gt3A_1826 = arith.cmpi sgt, %scan3A_1812, %gt3A : i32
          %convert_element_type3A_1827 = arith.extui %gt3A_1826 : i1 to i32
          %cond3A_1828 = arith.constant 0 : i32
          %cond3A_1829 = arith.cmpi ne, %convert_element_type3A_1827, %cond3A_1828 : i32
          scf.if %cond3A_1829 {
            %dma_wait3A_1830 = arith.constant 0 : i32
            %dma_wait3A_1831 = arith.constant 0 : i32
            %dma_wait3A_1832 = arith.constant 0 : i32
            %dma_wait3A_1833 = arith.constant 0 : i32
            %dma_wait3A_1834 = arith.constant 0 : i32
            %dma_wait3A_1835 = tpu.memref_slice %arg8[%dma_wait3A_1831, %dma_wait3A_1832, %dma_wait3A_1833, %dma_wait3A_1834] : memref<2x8x1x1024xf32, #tpu.memory_space<vmem>> -> memref<1x1x1x1024xf32, #tpu.memory_space<vmem>>
            %dma_wait3A_1836 = tpu.memref_squeeze %dma_wait3A_1835 : memref<1x1x1x1024xf32, #tpu.memory_space<vmem>> -> memref<1024xf32, #tpu.memory_space<vmem>>
            %dma_wait3A_1837 = arith.constant 0 : i32
            %dma_wait3A_1838 = tpu.memref_slice %arg2[%dma_wait3A_1830, %dma_wait3A_1837] : memref<64x1000000xf32, #tpu.memory_space<hbm>> -> memref<1x1000000xf32, #tpu.memory_space<hbm>>
            %dma_wait3A_1839 = tpu.memref_squeeze %dma_wait3A_1838 : memref<1x1000000xf32, #tpu.memory_space<hbm>> -> memref<1000000xf32, #tpu.memory_space<hbm>>
            %dma_wait3A_1840 = arith.constant 0 : i32
            %dma_wait3A_1841 = tpu.memref_slice %dma_wait3A_1839[%dma_wait3A_1840] : memref<1000000xf32, #tpu.memory_space<hbm>> -> memref<1024xf32, #tpu.memory_space<hbm>>
            %dma_wait3A_1842 = arith.constant 0 : i32
            %dma_wait3A_1843 = tpu.memref_slice %arg8[%dma_wait3A_1831, %dma_wait3A_1832, %dma_wait3A_1833, %dma_wait3A_1842] : memref<2x8x1x1024xf32, #tpu.memory_space<vmem>> -> memref<1x1x1x1024xf32, #tpu.memory_space<vmem>>
            %dma_wait3A_1844 = tpu.memref_squeeze %dma_wait3A_1843 : memref<1x1x1x1024xf32, #tpu.memory_space<vmem>> -> memref<1024xf32, #tpu.memory_space<vmem>>
            %dma_wait3A_1845 = arith.constant 0 : i32
            %dma_wait3A_1846 = tpu.memref_slice %arg2[%dma_wait3A_1830, %dma_wait3A_1845] : memref<64x1000000xf32, #tpu.memory_space<hbm>> -> memref<1x1000000xf32, #tpu.memory_space<hbm>>
            %dma_wait3A_1847 = tpu.memref_squeeze %dma_wait3A_1846 : memref<1x1000000xf32, #tpu.memory_space<hbm>> -> memref<1000000xf32, #tpu.memory_space<hbm>>
            %dma_wait3A_1848 = arith.constant 0 : i32
            %dma_wait3A_1849 = tpu.memref_slice %dma_wait3A_1847[%dma_wait3A_1848] : memref<1000000xf32, #tpu.memory_space<hbm>> -> memref<1024xf32, #tpu.memory_space<hbm>>
            tpu.wait_dma2 semaphore(%arg10 : memref<!tpu.dma_semaphore, #tpu.memory_space<semaphore_mem>>) src(%dma_wait3A_1849 : memref<1024xf32, #tpu.memory_space<hbm>>) dst(%dma_wait3A_1844 : memref<1024xf32, #tpu.memory_space<vmem>>)
          } else {
          }
        }
        %scan3A_1756 = arith.constant 8 : i32
        %dma_wait3A_1757 = arith.constant 0 : i32
        %dma_wait3A_1758 = arith.constant 0 : i32
        %dma_wait3A_1759 = arith.constant 0 : i32
        %dma_wait3A_1760 = arith.constant 0 : i32
        %dma_wait3A_1761 = arith.constant 0 : i32
        %dma_wait3A_1762 = tpu.memref_slice %arg8[%dma_wait3A_1758, %dma_wait3A_1759, %dma_wait3A_1760, %dma_wait3A_1761] : memref<2x8x1x1024xf32, #tpu.memory_space<vmem>> -> memref<1x1x1x1024xf32, #tpu.memory_space<vmem>>
        %dma_wait3A_1763 = tpu.memref_squeeze %dma_wait3A_1762 : memref<1x1x1x1024xf32, #tpu.memory_space<vmem>> -> memref<1024xf32, #tpu.memory_space<vmem>>
        %dma_wait3A_1764 = arith.constant 0 : i32
        %dma_wait3A_1765 = tpu.memref_slice %arg2[%dma_wait3A_1757, %dma_wait3A_1764] : memref<64x1000000xf32, #tpu.memory_space<hbm>> -> memref<1x1000000xf32, #tpu.memory_space<hbm>>
        %dma_wait3A_1766 = tpu.memref_squeeze %dma_wait3A_1765 : memref<1x1000000xf32, #tpu.memory_space<hbm>> -> memref<1000000xf32, #tpu.memory_space<hbm>>
        %dma_wait3A_1767 = arith.constant 0 : i32
        %dma_wait3A_1768 = tpu.memref_slice %dma_wait3A_1766[%dma_wait3A_1767] : memref<1000000xf32, #tpu.memory_space<hbm>> -> memref<1024xf32, #tpu.memory_space<hbm>>
        %dma_wait3A_1769 = arith.constant 0 : i32
        %dma_wait3A_1770 = tpu.memref_slice %arg8[%dma_wait3A_1758, %dma_wait3A_1759, %dma_wait3A_1760, %dma_wait3A_1769] : memref<2x8x1x1024xf32, #tpu.memory_space<vmem>> -> memref<1x1x1x1024xf32, #tpu.memory_space<vmem>>
        %dma_wait3A_1771 = tpu.memref_squeeze %dma_wait3A_1770 : memref<1x1x1x1024xf32, #tpu.memory_space<vmem>> -> memref<1024xf32, #tpu.memory_space<vmem>>
        %dma_wait3A_1772 = arith.constant 0 : i32
        %dma_wait3A_1773 = tpu.memref_slice %arg2[%dma_wait3A_1757, %dma_wait3A_1772] : memref<64x1000000xf32, #tpu.memory_space<hbm>> -> memref<1x1000000xf32, #tpu.memory_space<hbm>>
        %dma_wait3A_1774 = tpu.memref_squeeze %dma_wait3A_1773 : memref<1x1000000xf32, #tpu.memory_space<hbm>> -> memref<1000000xf32, #tpu.memory_space<hbm>>
        %dma_wait3A_1775 = arith.constant 0 : i32
        %dma_wait3A_1776 = tpu.memref_slice %dma_wait3A_1774[%dma_wait3A_1775] : memref<1000000xf32, #tpu.memory_space<hbm>> -> memref<1024xf32, #tpu.memory_space<hbm>>
        tpu.wait_dma2 semaphore(%arg10 : memref<!tpu.dma_semaphore, #tpu.memory_space<semaphore_mem>>) src(%dma_wait3A_1776 : memref<1024xf32, #tpu.memory_space<hbm>>) dst(%dma_wait3A_1771 : memref<1024xf32, #tpu.memory_space<vmem>>)
        %dma_wait3A_1777 = arith.constant 0 : i32
        %dma_wait3A_1778 = arith.constant 0 : i32
        %dma_wait3A_1779 = arith.constant 0 : i32
        %dma_wait3A_1780 = arith.constant 0 : i32
        %dma_wait3A_1781 = arith.constant 0 : i32
        %dma_wait3A_1782 = tpu.memref_slice %arg8[%dma_wait3A_1778, %dma_wait3A_1779, %dma_wait3A_1780, %dma_wait3A_1781] : memref<2x8x1x1024xf32, #tpu.memory_space<vmem>> -> memref<1x1x1x1024xf32, #tpu.memory_space<vmem>>
        %dma_wait3A_1783 = tpu.memref_squeeze %dma_wait3A_1782 : memref<1x1x1x1024xf32, #tpu.memory_space<vmem>> -> memref<1024xf32, #tpu.memory_space<vmem>>
        %dma_wait3A_1784 = arith.constant 0 : i32
        %dma_wait3A_1785 = tpu.memref_slice %arg2[%dma_wait3A_1777, %dma_wait3A_1784] : memref<64x1000000xf32, #tpu.memory_space<hbm>> -> memref<1x1000000xf32, #tpu.memory_space<hbm>>
        %dma_wait3A_1786 = tpu.memref_squeeze %dma_wait3A_1785 : memref<1x1000000xf32, #tpu.memory_space<hbm>> -> memref<1000000xf32, #tpu.memory_space<hbm>>
        %dma_wait3A_1787 = arith.constant 0 : i32
        %dma_wait3A_1788 = tpu.memref_slice %dma_wait3A_1786[%dma_wait3A_1787] : memref<1000000xf32, #tpu.memory_space<hbm>> -> memref<1024xf32, #tpu.memory_space<hbm>>
        %dma_wait3A_1789 = arith.constant 0 : i32
        %dma_wait3A_1790 = tpu.memref_slice %arg8[%dma_wait3A_1778, %dma_wait3A_1779, %dma_wait3A_1780, %dma_wait3A_1789] : memref<2x8x1x1024xf32, #tpu.memory_space<vmem>> -> memref<1x1x1x1024xf32, #tpu.memory_space<vmem>>
        %dma_wait3A_1791 = tpu.memref_squeeze %dma_wait3A_1790 : memref<1x1x1x1024xf32, #tpu.memory_space<vmem>> -> memref<1024xf32, #tpu.memory_space<vmem>>
        %dma_wait3A_1792 = arith.constant 0 : i32
        %dma_wait3A_1793 = tpu.memref_slice %arg2[%dma_wait3A_1777, %dma_wait3A_1792] : memref<64x1000000xf32, #tpu.memory_space<hbm>> -> memref<1x1000000xf32, #tpu.memory_space<hbm>>
        %dma_wait3A_1794 = tpu.memref_squeeze %dma_wait3A_1793 : memref<1x1000000xf32, #tpu.memory_space<hbm>> -> memref<1000000xf32, #tpu.memory_space<hbm>>
        %dma_wait3A_1795 = arith.constant 0 : i32
        %dma_wait3A_1796 = tpu.memref_slice %dma_wait3A_1794[%dma_wait3A_1795] : memref<1000000xf32, #tpu.memory_space<hbm>> -> memref<1024xf32, #tpu.memory_space<hbm>>
        tpu.wait_dma2 semaphore(%arg10 : memref<!tpu.dma_semaphore, #tpu.memory_space<semaphore_mem>>) src(%dma_wait3A_1796 : memref<1024xf32, #tpu.memory_space<hbm>>) dst(%dma_wait3A_1791 : memref<1024xf32, #tpu.memory_space<vmem>>)
        %mul3A_1797 = arith.constant 8 : i32
        %mul3A_1798 = arith.muli %add3A_1750, %mul3A_1797 : i32
        %dma_start3A_1799 = arith.constant 1 : i32
        %dma_start3A_1800 = arith.constant 0 : i32
        %dma_start3A_1801 = arith.constant 0 : i32
        %dma_start3A_1802 = arith.constant 0 : i32
        %dma_start3A_1803 = tpu.memref_slice %arg8[%dma_start3A_1799, %dma_start3A_1800, %dma_start3A_1801, %dma_start3A_1802] : memref<2x8x1x1024xf32, #tpu.memory_space<vmem>> -> memref<1x8x1x1024xf32, #tpu.memory_space<vmem>>
        %dma_start3A_1804 = tpu.memref_squeeze %dma_start3A_1803 : memref<1x8x1x1024xf32, #tpu.memory_space<vmem>> -> memref<8x1x1024xf32, #tpu.memory_space<vmem>>
        %dma_start3A_1805 = tpu.memref_slice %arg5[%mul3A_1798, %add3A, %mul3A_0] : memref<50x64x16384xf32, #tpu.memory_space<hbm>> -> memref<8x1x1024xf32, #tpu.memory_space<hbm>>
        %dma_start3A_1806 = tpu.memref_slice %arg5[%mul3A_1798, %add3A, %mul3A_0] : memref<50x64x16384xf32, #tpu.memory_space<hbm>> -> memref<8x1x1024xf32, #tpu.memory_space<hbm>>
        %dma_start3A_1807 = arith.constant 0 : i32
        %dma_start3A_1808 = arith.constant 0 : i32
        %dma_start3A_1809 = arith.constant 0 : i32
        %dma_start3A_1810 = tpu.memref_slice %arg8[%dma_start3A_1799, %dma_start3A_1807, %dma_start3A_1808, %dma_start3A_1809] : memref<2x8x1x1024xf32, #tpu.memory_space<vmem>> -> memref<1x8x1x1024xf32, #tpu.memory_space<vmem>>
        %dma_start3A_1811 = tpu.memref_squeeze %dma_start3A_1810 : memref<1x8x1x1024xf32, #tpu.memory_space<vmem>> -> memref<8x1x1024xf32, #tpu.memory_space<vmem>>
        tpu.enqueue_dma source(%dma_start3A_1811 : memref<8x1x1024xf32, #tpu.memory_space<vmem>>) target(%dma_start3A_1806 : memref<8x1x1024xf32, #tpu.memory_space<hbm>>) target_semaphore(%arg12 : memref<!tpu.dma_semaphore, #tpu.memory_space<semaphore_mem>>)
      }
      %scan3A_1546 = arith.constant 2 : i32
      %dma_wait3A_1547 = arith.constant 0 : i32
      %dma_wait3A_1548 = arith.constant 0 : i32
      %dma_wait3A_1549 = arith.constant 0 : i32
      %dma_wait3A_1550 = arith.constant 0 : i32
      %dma_wait3A_1551 = tpu.memref_slice %arg8[%dma_wait3A_1547, %dma_wait3A_1548, %dma_wait3A_1549, %dma_wait3A_1550] : memref<2x8x1x1024xf32, #tpu.memory_space<vmem>> -> memref<1x8x1x1024xf32, #tpu.memory_space<vmem>>
      %dma_wait3A_1552 = tpu.memref_squeeze %dma_wait3A_1551 : memref<1x8x1x1024xf32, #tpu.memory_space<vmem>> -> memref<8x1x1024xf32, #tpu.memory_space<vmem>>
      %dma_wait3A_1553 = arith.constant 0 : i32
      %dma_wait3A_1554 = arith.constant 0 : i32
      %dma_wait3A_1555 = arith.constant 0 : i32
      %dma_wait3A_1556 = tpu.memref_slice %arg5[%dma_wait3A_1553, %dma_wait3A_1554, %dma_wait3A_1555] : memref<50x64x16384xf32, #tpu.memory_space<hbm>> -> memref<8x1x1024xf32, #tpu.memory_space<hbm>>
      %dma_wait3A_1557 = arith.constant 0 : i32
      %dma_wait3A_1558 = arith.constant 0 : i32
      %dma_wait3A_1559 = arith.constant 0 : i32
      %dma_wait3A_1560 = tpu.memref_slice %arg5[%dma_wait3A_1557, %dma_wait3A_1558, %dma_wait3A_1559] : memref<50x64x16384xf32, #tpu.memory_space<hbm>> -> memref<8x1x1024xf32, #tpu.memory_space<hbm>>
      %dma_wait3A_1561 = arith.constant 0 : i32
      %dma_wait3A_1562 = arith.constant 0 : i32
      %dma_wait3A_1563 = arith.constant 0 : i32
      %dma_wait3A_1564 = tpu.memref_slice %arg8[%dma_wait3A_1547, %dma_wait3A_1561, %dma_wait3A_1562, %dma_wait3A_1563] : memref<2x8x1x1024xf32, #tpu.memory_space<vmem>> -> memref<1x8x1x1024xf32, #tpu.memory_space<vmem>>
      %dma_wait3A_1565 = tpu.memref_squeeze %dma_wait3A_1564 : memref<1x8x1x1024xf32, #tpu.memory_space<vmem>> -> memref<8x1x1024xf32, #tpu.memory_space<vmem>>
      tpu.wait_dma2 semaphore(%arg11 : memref<!tpu.dma_semaphore, #tpu.memory_space<semaphore_mem>>) src(%dma_wait3A_1565 : memref<8x1x1024xf32, #tpu.memory_space<vmem>>) dst(%dma_wait3A_1560 : memref<8x1x1024xf32, #tpu.memory_space<hbm>>)
      %dma_start3A_1566 = arith.constant 0 : i32
      %dma_start3A_1567 = arith.constant 0 : i32
      %dma_start3A_1568 = arith.constant 0 : i32
      %dma_start3A_1569 = arith.constant 0 : i32
      %dma_start3A_1570 = tpu.memref_slice %arg8[%dma_start3A_1566, %dma_start3A_1567, %dma_start3A_1568, %dma_start3A_1569] : memref<2x8x1x1024xf32, #tpu.memory_space<vmem>> -> memref<1x1x1x1024xf32, #tpu.memory_space<vmem>>
      %dma_start3A_1571 = tpu.memref_squeeze %dma_start3A_1570 : memref<1x1x1x1024xf32, #tpu.memory_space<vmem>> -> memref<1024xf32, #tpu.memory_space<vmem>>
      %dma_start3A_1572 = arith.constant 49152 : i32
      %dma_start3A_1573 = tpu.memref_slice %arg7[%dma_start3A_1572] : memref<51200xi32, #tpu.memory_space<vmem>> -> memref<1024xi32, #tpu.memory_space<vmem>>
      %dma_start3A_1574 = arith.constant 0 : i32
      %dma_start3A_1575 = tpu.memref_slice %arg6[%dma_start3A_1574] : memref<1000000xf32, #tpu.memory_space<vmem_shared>> -> memref<1000000xf32, #tpu.memory_space<vmem_shared>>
      tpu.enqueue_indirect_dma source(%dma_start3A_1575 : memref<1000000xf32, #tpu.memory_space<vmem_shared>>) target(%dma_start3A_1571 : memref<1024xf32, #tpu.memory_space<vmem>>) offsets(%dma_start3A_1573 : memref<1024xi32, #tpu.memory_space<vmem>>) semaphore(%arg10 : memref<!tpu.dma_semaphore, #tpu.memory_space<semaphore_mem>>)
      %dma_start3A_1576 = arith.constant 0 : i32
      %dma_start3A_1577 = arith.constant 1 : i32
      %dma_start3A_1578 = arith.constant 0 : i32
      %dma_start3A_1579 = arith.constant 0 : i32
      %dma_start3A_1580 = tpu.memref_slice %arg8[%dma_start3A_1576, %dma_start3A_1577, %dma_start3A_1578, %dma_start3A_1579] : memref<2x8x1x1024xf32, #tpu.memory_space<vmem>> -> memref<1x1x1x1024xf32, #tpu.memory_space<vmem>>
      %dma_start3A_1581 = tpu.memref_squeeze %dma_start3A_1580 : memref<1x1x1x1024xf32, #tpu.memory_space<vmem>> -> memref<1024xf32, #tpu.memory_space<vmem>>
      %dma_start3A_1582 = arith.constant 50176 : i32
      %dma_start3A_1583 = tpu.memref_slice %arg7[%dma_start3A_1582] : memref<51200xi32, #tpu.memory_space<vmem>> -> memref<1024xi32, #tpu.memory_space<vmem>>
      %dma_start3A_1584 = arith.constant 0 : i32
      %dma_start3A_1585 = tpu.memref_slice %arg6[%dma_start3A_1584] : memref<1000000xf32, #tpu.memory_space<vmem_shared>> -> memref<1000000xf32, #tpu.memory_space<vmem_shared>>
      tpu.enqueue_indirect_dma source(%dma_start3A_1585 : memref<1000000xf32, #tpu.memory_space<vmem_shared>>) target(%dma_start3A_1581 : memref<1024xf32, #tpu.memory_space<vmem>>) offsets(%dma_start3A_1583 : memref<1024xi32, #tpu.memory_space<vmem>>) semaphore(%arg10 : memref<!tpu.dma_semaphore, #tpu.memory_space<semaphore_mem>>)
      %dma_wait3A_1586 = arith.constant 0 : i32
      %dma_wait3A_1587 = arith.constant 0 : i32
      %dma_wait3A_1588 = arith.constant 0 : i32
      %dma_wait3A_1589 = arith.constant 0 : i32
      %dma_wait3A_1590 = arith.constant 0 : i32
      %dma_wait3A_1591 = tpu.memref_slice %arg8[%dma_wait3A_1587, %dma_wait3A_1588, %dma_wait3A_1589, %dma_wait3A_1590] : memref<2x8x1x1024xf32, #tpu.memory_space<vmem>> -> memref<1x1x1x1024xf32, #tpu.memory_space<vmem>>
      %dma_wait3A_1592 = tpu.memref_squeeze %dma_wait3A_1591 : memref<1x1x1x1024xf32, #tpu.memory_space<vmem>> -> memref<1024xf32, #tpu.memory_space<vmem>>
      %dma_wait3A_1593 = arith.constant 0 : i32
      %dma_wait3A_1594 = tpu.memref_slice %arg2[%dma_wait3A_1586, %dma_wait3A_1593] : memref<64x1000000xf32, #tpu.memory_space<hbm>> -> memref<1x1000000xf32, #tpu.memory_space<hbm>>
      %dma_wait3A_1595 = tpu.memref_squeeze %dma_wait3A_1594 : memref<1x1000000xf32, #tpu.memory_space<hbm>> -> memref<1000000xf32, #tpu.memory_space<hbm>>
      %dma_wait3A_1596 = arith.constant 0 : i32
      %dma_wait3A_1597 = tpu.memref_slice %dma_wait3A_1595[%dma_wait3A_1596] : memref<1000000xf32, #tpu.memory_space<hbm>> -> memref<1024xf32, #tpu.memory_space<hbm>>
      %dma_wait3A_1598 = arith.constant 0 : i32
      %dma_wait3A_1599 = tpu.memref_slice %arg8[%dma_wait3A_1587, %dma_wait3A_1588, %dma_wait3A_1589, %dma_wait3A_1598] : memref<2x8x1x1024xf32, #tpu.memory_space<vmem>> -> memref<1x1x1x1024xf32, #tpu.memory_space<vmem>>
      %dma_wait3A_1600 = tpu.memref_squeeze %dma_wait3A_1599 : memref<1x1x1x1024xf32, #tpu.memory_space<vmem>> -> memref<1024xf32, #tpu.memory_space<vmem>>
      %dma_wait3A_1601 = arith.constant 0 : i32
      %dma_wait3A_1602 = tpu.memref_slice %arg2[%dma_wait3A_1586, %dma_wait3A_1601] : memref<64x1000000xf32, #tpu.memory_space<hbm>> -> memref<1x1000000xf32, #tpu.memory_space<hbm>>
      %dma_wait3A_1603 = tpu.memref_squeeze %dma_wait3A_1602 : memref<1x1000000xf32, #tpu.memory_space<hbm>> -> memref<1000000xf32, #tpu.memory_space<hbm>>
      %dma_wait3A_1604 = arith.constant 0 : i32
      %dma_wait3A_1605 = tpu.memref_slice %dma_wait3A_1603[%dma_wait3A_1604] : memref<1000000xf32, #tpu.memory_space<hbm>> -> memref<1024xf32, #tpu.memory_space<hbm>>
      tpu.wait_dma2 semaphore(%arg10 : memref<!tpu.dma_semaphore, #tpu.memory_space<semaphore_mem>>) src(%dma_wait3A_1605 : memref<1024xf32, #tpu.memory_space<hbm>>) dst(%dma_wait3A_1600 : memref<1024xf32, #tpu.memory_space<vmem>>)
      %dma_wait3A_1606 = arith.constant 0 : i32
      %dma_wait3A_1607 = arith.constant 0 : i32
      %dma_wait3A_1608 = arith.constant 0 : i32
      %dma_wait3A_1609 = arith.constant 0 : i32
      %dma_wait3A_1610 = arith.constant 0 : i32
      %dma_wait3A_1611 = tpu.memref_slice %arg8[%dma_wait3A_1607, %dma_wait3A_1608, %dma_wait3A_1609, %dma_wait3A_1610] : memref<2x8x1x1024xf32, #tpu.memory_space<vmem>> -> memref<1x1x1x1024xf32, #tpu.memory_space<vmem>>
      %dma_wait3A_1612 = tpu.memref_squeeze %dma_wait3A_1611 : memref<1x1x1x1024xf32, #tpu.memory_space<vmem>> -> memref<1024xf32, #tpu.memory_space<vmem>>
      %dma_wait3A_1613 = arith.constant 0 : i32
      %dma_wait3A_1614 = tpu.memref_slice %arg2[%dma_wait3A_1606, %dma_wait3A_1613] : memref<64x1000000xf32, #tpu.memory_space<hbm>> -> memref<1x1000000xf32, #tpu.memory_space<hbm>>
      %dma_wait3A_1615 = tpu.memref_squeeze %dma_wait3A_1614 : memref<1x1000000xf32, #tpu.memory_space<hbm>> -> memref<1000000xf32, #tpu.memory_space<hbm>>
      %dma_wait3A_1616 = arith.constant 0 : i32
      %dma_wait3A_1617 = tpu.memref_slice %dma_wait3A_1615[%dma_wait3A_1616] : memref<1000000xf32, #tpu.memory_space<hbm>> -> memref<1024xf32, #tpu.memory_space<hbm>>
      %dma_wait3A_1618 = arith.constant 0 : i32
      %dma_wait3A_1619 = tpu.memref_slice %arg8[%dma_wait3A_1607, %dma_wait3A_1608, %dma_wait3A_1609, %dma_wait3A_1618] : memref<2x8x1x1024xf32, #tpu.memory_space<vmem>> -> memref<1x1x1x1024xf32, #tpu.memory_space<vmem>>
      %dma_wait3A_1620 = tpu.memref_squeeze %dma_wait3A_1619 : memref<1x1x1x1024xf32, #tpu.memory_space<vmem>> -> memref<1024xf32, #tpu.memory_space<vmem>>
      %dma_wait3A_1621 = arith.constant 0 : i32
      %dma_wait3A_1622 = tpu.memref_slice %arg2[%dma_wait3A_1606, %dma_wait3A_1621] : memref<64x1000000xf32, #tpu.memory_space<hbm>> -> memref<1x1000000xf32, #tpu.memory_space<hbm>>
      %dma_wait3A_1623 = tpu.memref_squeeze %dma_wait3A_1622 : memref<1x1000000xf32, #tpu.memory_space<hbm>> -> memref<1000000xf32, #tpu.memory_space<hbm>>
      %dma_wait3A_1624 = arith.constant 0 : i32
      %dma_wait3A_1625 = tpu.memref_slice %dma_wait3A_1623[%dma_wait3A_1624] : memref<1000000xf32, #tpu.memory_space<hbm>> -> memref<1024xf32, #tpu.memory_space<hbm>>
      tpu.wait_dma2 semaphore(%arg10 : memref<!tpu.dma_semaphore, #tpu.memory_space<semaphore_mem>>) src(%dma_wait3A_1625 : memref<1024xf32, #tpu.memory_space<hbm>>) dst(%dma_wait3A_1620 : memref<1024xf32, #tpu.memory_space<vmem>>)
      %run_scoped3A = arith.constant 0 : i32
      "tpu.region"() ({
        %run_scoped3A_1645 = tpu.sem_alloc : memref<!tpu.dma_semaphore, #tpu.memory_space<semaphore_mem>>
        %dma_start3A_1646 = arith.constant 0 : i32
        %dma_start3A_1647 = arith.constant 0 : i32
        %dma_start3A_1648 = arith.constant 0 : i32
        %dma_start3A_1649 = tpu.memref_slice %arg8[%run_scoped3A, %dma_start3A_1646, %dma_start3A_1647, %dma_start3A_1648] : memref<2x8x1x1024xf32, #tpu.memory_space<vmem>> -> memref<1x2x1x1024xf32, #tpu.memory_space<vmem>>
        %dma_start3A_1650 = tpu.memref_squeeze %dma_start3A_1649 : memref<1x2x1x1024xf32, #tpu.memory_space<vmem>> -> memref<2x1x1024xf32, #tpu.memory_space<vmem>>
        %dma_start3A_1651 = arith.constant 48 : i32
        %dma_start3A_1652 = tpu.memref_slice %arg5[%dma_start3A_1651, %add3A, %mul3A_0] : memref<50x64x16384xf32, #tpu.memory_space<hbm>> -> memref<2x1x1024xf32, #tpu.memory_space<hbm>>
        %dma_start3A_1653 = arith.constant 48 : i32
        %dma_start3A_1654 = tpu.memref_slice %arg5[%dma_start3A_1653, %add3A, %mul3A_0] : memref<50x64x16384xf32, #tpu.memory_space<hbm>> -> memref<2x1x1024xf32, #tpu.memory_space<hbm>>
        %dma_start3A_1655 = arith.constant 0 : i32
        %dma_start3A_1656 = arith.constant 0 : i32
        %dma_start3A_1657 = arith.constant 0 : i32
        %dma_start3A_1658 = tpu.memref_slice %arg8[%run_scoped3A, %dma_start3A_1655, %dma_start3A_1656, %dma_start3A_1657] : memref<2x8x1x1024xf32, #tpu.memory_space<vmem>> -> memref<1x2x1x1024xf32, #tpu.memory_space<vmem>>
        %dma_start3A_1659 = tpu.memref_squeeze %dma_start3A_1658 : memref<1x2x1x1024xf32, #tpu.memory_space<vmem>> -> memref<2x1x1024xf32, #tpu.memory_space<vmem>>
        tpu.enqueue_dma source(%dma_start3A_1659 : memref<2x1x1024xf32, #tpu.memory_space<vmem>>) target(%dma_start3A_1654 : memref<2x1x1024xf32, #tpu.memory_space<hbm>>) target_semaphore(%run_scoped3A_1645 : memref<!tpu.dma_semaphore, #tpu.memory_space<semaphore_mem>>)
        %dma_wait3A_1660 = arith.constant 0 : i32
        %dma_wait3A_1661 = arith.constant 0 : i32
        %dma_wait3A_1662 = arith.constant 0 : i32
        %dma_wait3A_1663 = tpu.memref_slice %arg8[%run_scoped3A, %dma_wait3A_1660, %dma_wait3A_1661, %dma_wait3A_1662] : memref<2x8x1x1024xf32, #tpu.memory_space<vmem>> -> memref<1x2x1x1024xf32, #tpu.memory_space<vmem>>
        %dma_wait3A_1664 = tpu.memref_squeeze %dma_wait3A_1663 : memref<1x2x1x1024xf32, #tpu.memory_space<vmem>> -> memref<2x1x1024xf32, #tpu.memory_space<vmem>>
        %dma_wait3A_1665 = arith.constant 48 : i32
        %dma_wait3A_1666 = tpu.memref_slice %arg5[%dma_wait3A_1665, %add3A, %mul3A_0] : memref<50x64x16384xf32, #tpu.memory_space<hbm>> -> memref<2x1x1024xf32, #tpu.memory_space<hbm>>
        %dma_wait3A_1667 = arith.constant 48 : i32
        %dma_wait3A_1668 = tpu.memref_slice %arg5[%dma_wait3A_1667, %add3A, %mul3A_0] : memref<50x64x16384xf32, #tpu.memory_space<hbm>> -> memref<2x1x1024xf32, #tpu.memory_space<hbm>>
        %dma_wait3A_1669 = arith.constant 0 : i32
        %dma_wait3A_1670 = arith.constant 0 : i32
        %dma_wait3A_1671 = arith.constant 0 : i32
        %dma_wait3A_1672 = tpu.memref_slice %arg8[%run_scoped3A, %dma_wait3A_1669, %dma_wait3A_1670, %dma_wait3A_1671] : memref<2x8x1x1024xf32, #tpu.memory_space<vmem>> -> memref<1x2x1x1024xf32, #tpu.memory_space<vmem>>
        %dma_wait3A_1673 = tpu.memref_squeeze %dma_wait3A_1672 : memref<1x2x1x1024xf32, #tpu.memory_space<vmem>> -> memref<2x1x1024xf32, #tpu.memory_space<vmem>>
        tpu.wait_dma2 semaphore(%run_scoped3A_1645 : memref<!tpu.dma_semaphore, #tpu.memory_space<semaphore_mem>>) src(%dma_wait3A_1673 : memref<2x1x1024xf32, #tpu.memory_space<vmem>>) dst(%dma_wait3A_1668 : memref<2x1x1024xf32, #tpu.memory_space<hbm>>)
        tpu.yield
      }) : () -> ()
      %dma_wait3A_1626 = arith.constant 1 : i32
      %dma_wait3A_1627 = arith.constant 0 : i32
      %dma_wait3A_1628 = arith.constant 0 : i32
      %dma_wait3A_1629 = arith.constant 0 : i32
      %dma_wait3A_1630 = tpu.memref_slice %arg8[%dma_wait3A_1626, %dma_wait3A_1627, %dma_wait3A_1628, %dma_wait3A_1629] : memref<2x8x1x1024xf32, #tpu.memory_space<vmem>> -> memref<1x8x1x1024xf32, #tpu.memory_space<vmem>>
      %dma_wait3A_1631 = tpu.memref_squeeze %dma_wait3A_1630 : memref<1x8x1x1024xf32, #tpu.memory_space<vmem>> -> memref<8x1x1024xf32, #tpu.memory_space<vmem>>
      %dma_wait3A_1632 = arith.constant 0 : i32
      %dma_wait3A_1633 = arith.constant 0 : i32
      %dma_wait3A_1634 = arith.constant 0 : i32
      %dma_wait3A_1635 = tpu.memref_slice %arg5[%dma_wait3A_1632, %dma_wait3A_1633, %dma_wait3A_1634] : memref<50x64x16384xf32, #tpu.memory_space<hbm>> -> memref<8x1x1024xf32, #tpu.memory_space<hbm>>
      %dma_wait3A_1636 = arith.constant 0 : i32
      %dma_wait3A_1637 = arith.constant 0 : i32
      %dma_wait3A_1638 = arith.constant 0 : i32
      %dma_wait3A_1639 = tpu.memref_slice %arg5[%dma_wait3A_1636, %dma_wait3A_1637, %dma_wait3A_1638] : memref<50x64x16384xf32, #tpu.memory_space<hbm>> -> memref<8x1x1024xf32, #tpu.memory_space<hbm>>
      %dma_wait3A_1640 = arith.constant 0 : i32
      %dma_wait3A_1641 = arith.constant 0 : i32
      %dma_wait3A_1642 = arith.constant 0 : i32
      %dma_wait3A_1643 = tpu.memref_slice %arg8[%dma_wait3A_1626, %dma_wait3A_1640, %dma_wait3A_1641, %dma_wait3A_1642] : memref<2x8x1x1024xf32, #tpu.memory_space<vmem>> -> memref<1x8x1x1024xf32, #tpu.memory_space<vmem>>
      %dma_wait3A_1644 = tpu.memref_squeeze %dma_wait3A_1643 : memref<1x8x1x1024xf32, #tpu.memory_space<vmem>> -> memref<8x1x1024xf32, #tpu.memory_space<vmem>>
      tpu.wait_dma2 semaphore(%arg12 : memref<!tpu.dma_semaphore, #tpu.memory_space<semaphore_mem>>) src(%dma_wait3A_1644 : memref<8x1x1024xf32, #tpu.memory_space<vmem>>) dst(%dma_wait3A_1639 : memref<8x1x1024xf32, #tpu.memory_space<hbm>>)
    }
    %scan3A_1403 = arith.constant 32 : i32
    return
  }
}

</mosaic_0001>

<sc_bundles>
// kernel: kernel.3.cloned.1.call-start
scs
__scs_entry_jumppad:
0x0: {  	(pc) =	sbr.rel $0x88, $3  }
0x1: {  	(tag) =	ssettag $0x0;
	lr =	simm.s32 $0x1  }
0x2: {  	[smem:$0x3F9F] =	sst lr;
	_ =	strace $0xD0000000  }
0x3: {  	_ = 	snop  }
0x4: {  	_ = 	snop  }
0x5: {  	_ = 	snop  }
0x6: {  	_ = 	snop  }
0x7: {  	_ = 	snop  }
__scs_overlays_trampoline_lowered:
0x8: {  	[smem:$0x3FAE] =	sst s0  }
0x9: {  	[smem:$0x3FAF] =	sst s1  }
0xa: {  	[smem:$0x3FB0] =	sst s2  }
0xb: {  	[smem:$0x3FB1] =	sst s3  }
0xc: {  	[smem:$0x3FB2] =	sst s4  }
0xd: {  	[smem:$0x3FB3] =	sst s5  }
0xe: {  	[smem:$0x3FB4] =	sst s6  }
0xf: {  	[smem:$0x3FB5] =	sst s7  }
0x10: {  	[smem:$0x3FB6] =	sst s8  }
0x11: {  	[smem:$0x3FB7] =	sst s9;
	s0 =	simm.s32 @!p0 $0x0  }
0x12: {  	s1 =	sld [smem:$0x3F9D];
	s0 =	simm.s32 @p0 $0x1  }
0x13: {  	[smem:$0x3FB8] =	sst s0;
	s0 =	simm.s32 @!p1 $0x0  }
0x14: {  	s2 =	sld [smem:$0x3F9C];
	s0 =	simm.s32 @p1 $0x1  }
0x15: {  	[smem:$0x3FB9] =	sst s0;
	s0 =	simm.s32 @!p2 $0x0  }
0x16: {  	s3 =	sld [smem:$0x3FDB];
	s0 =	simm.s32 @p2 $0x1  }
0x17: {  	s4 =	simm.s32 $0x1BF5;
	[smem:$0x3FBB] =	sst s0  }
0x18: {  	s0 =	sld [smem:$0x3F9E];
	_ =	swait.ge [sflag:s4], $0x0  }
0x19: {  	s7 =	sld [smem:$0x3F9F]  }
0x1a: {  	s8 =	sadd.s32 $0xFFFFE003, lr  }
0x1b: {  	s9 =	sadd.s32 $0xFFFFFEF7, lr;
	s5 =	simm.s32 $0xFFFFFFFF;
	p2 =	slt.u32 s8, $0xFFFFF086  }
0x1c: {  	p1 =	slt.u32 s9, $0xF7A;
	s5 =	simm.s32 @!p2 $0x0  }
0x1d: {  	s5 =	simm.s32 @p1 $0x1;
	p0 =	seq.s32 s7, s2  }
0x1e: {  	s7 =	smul.u32 @!p0 $0xF7A, s2;
	p2 =	seq.s32 @!p0 s5, $0x0  }
0x1f: {  	s9 =	smul.u32 $0xF7A, s1;
	s8 =	simm.s32 @!p0 $0x1BF5;
	p2 =	por !p2, p0  }
0x20: {  	[sflag:s8] =	ssyncset.s32 @!p0 $0xFFFFF086;
	s6 =	sadd.s32 @!p0 s3, s7;
	s7 =	simm.s32 @!p0 $0x108  }
0x21: {  	s3 =	sadd.s32 s3, s9;
	s6 =	sadd.s32 @!p0 $0x88, s6;
	s7 =	simm.s32 @p2 $0x1082  }
0x22: {  	[simem:s7], [sflag:s8] =	dma.local @!p0 [hbm:s6], $0xF7A  }
0x23: {  	s9 =	sor.u32 $0xD0000000, s2;
	s6 =	simm.s32 $0x108;
	_ =	swait.ge @!p0 [sflag:s8], $0x0  }
0x24: {  	s3 =	sadd.s32 $0x88, s3;
	s6 =	simm.s32 @!p1 $0x1082;
	[sflag:s4] =	ssyncset.s32 $0xFFFFF086  }
0x25: {  	[simem:s6], [sflag:s4] =	dma.local [hbm:s3], $0xF7A  }
0x26: {  	[smem:$0x3F9F] =	sst s1;
	(tag) =	ssettag s2;
	_ =	strace s9  }
0x27: {  	s1 =	sld [smem:$0x3FAF]  }
0x28: {  	s2 =	sld [smem:$0x3FB0]  }
0x29: {  	s4 =	sld [smem:$0x3FB2]  }
0x2a: {  	p0 =	seq.s32 s5, $0x0;
	s5 =	sld [smem:$0x3FB3]  }
0x2b: {  	s6 =	sld [smem:$0x3FB4]  }
0x2c: {  	s7 =	sld [smem:$0x3FB5]  }
0x2d: {  	s3 =	simm.s32 $0x108;
	s8 =	sld [smem:$0x3FB6]  }
0x2e: {  	s3 =	simm.s32 @!p0 $0x1082;
	s9 =	sld [smem:$0x3FB7]  }
0x2f: {  	lr =	sadd.s32 s0, s3;
	s0 =	sld [smem:$0x3FAE]  }
0x30: {  	s3 =	sld [smem:$0x3FB1]  }
0x31: {  	[smem:$0x3FBA] =	sst s10  }
0x32: {  	s10 =	sld [smem:$0x3FB8];
	_ =	sdelay $0x3  }
0x33: {  	p0 =	seq.s32 s10, $0x1;
	s10 =	sld [smem:$0x3FBA];
	_ =	sdelay $0x3  }
0x34: {  	[smem:$0x3FBA] =	sst s10  }
0x35: {  	s10 =	sld [smem:$0x3FB9];
	_ =	sdelay $0x3  }
0x36: {  	p1 =	seq.s32 s10, $0x1;
	s10 =	sld [smem:$0x3FBA];
	_ =	sdelay $0x3  }
0x37: {  	[smem:$0x3FBA] =	sst s10  }
0x38: {  	s10 =	sld [smem:$0x3FBB]  }
0x39: {  	_ = 	snop;
	(pc) =	sbr.ind lr, $3  }
0x3a: {  	_ = 	snop  }
0x3b: {  	_ = 	snop  }
0x3c: {  	p2 =	seq.s32 s10, $0x1;
	s10 =	sld [smem:$0x3FBA]  }
0x3d: {  	_ =	shalt  }
0x3e: {  	_ =	shalt  }
0x3f: {  	_ =	shalt  }
0x40: {  	_ =	shalt  }
0x41: {  	_ =	shalt  }
0x42: {  	_ =	shalt  }
0x43: {  	_ =	shalt  }
0x44: {  	_ =	shalt  }
0x45: {  	_ =	shalt  }
0x46: {  	_ =	shalt  }
0x47: {  	_ =	shalt  }
0x48: {  	_ =	shalt  }
0x49: {  	_ =	shalt  }
0x4a: {  	_ =	shalt  }
0x4b: {  	_ =	shalt  }
0x4c: {  	_ =	shalt  }
0x4d: {  	_ =	shalt  }
0x4e: {  	_ =	shalt  }
0x4f: {  	_ =	shalt  }
0x50: {  	_ =	shalt  }
0x51: {  	_ =	shalt  }
0x52: {  	_ =	shalt  }
0x53: {  	_ =	shalt  }
0x54: {  	_ =	shalt  }
0x55: {  	_ =	shalt  }
0x56: {  	_ =	shalt  }
0x57: {  	_ =	shalt  }
0x58: {  	_ =	shalt  }
0x59: {  	_ =	shalt  }
0x5a: {  	_ =	shalt  }
0x5b: {  	_ =	shalt  }
0x5c: {  	_ =	shalt  }
0x5d: {  	_ =	shalt  }
0x5e: {  	_ =	shalt  }
0x5f: {  	_ =	shalt  }
0x60: {  	_ =	shalt  }
0x61: {  	_ =	shalt  }
0x62: {  	_ =	shalt  }
0x63: {  	_ =	shalt  }
0x64: {  	_ =	shalt  }
0x65: {  	_ =	shalt  }
0x66: {  	_ =	shalt  }
0x67: {  	_ =	shalt  }
0x68: {  	_ =	shalt  }
0x69: {  	_ =	shalt  }
0x6a: {  	_ =	shalt  }
0x6b: {  	_ =	shalt  }
0x6c: {  	_ =	shalt  }
0x6d: {  	_ =	shalt  }
0x6e: {  	_ =	shalt  }
0x6f: {  	_ =	shalt  }
0x70: {  	_ =	shalt  }
0x71: {  	_ =	shalt  }
0x72: {  	_ =	shalt  }
0x73: {  	_ =	shalt  }
0x74: {  	_ =	shalt  }
0x75: {  	_ =	shalt  }
0x76: {  	_ =	shalt  }
0x77: {  	_ =	shalt  }
0x78: {  	_ =	shalt  }
0x79: {  	_ =	shalt  }
0x7a: {  	_ =	shalt  }
0x7b: {  	_ =	shalt  }
0x7c: {  	_ =	shalt  }
0x7d: {  	_ =	shalt  }
0x7e: {  	_ =	shalt  }
0x7f: {  	_ =	shalt  }
0x80: {  	_ =	shalt  }
0x81: {  	_ =	shalt  }
0x82: {  	_ =	shalt  }
0x83: {  	_ =	shalt  }
0x84: {  	_ =	shalt  }
0x85: {  	_ =	shalt  }
0x86: {  	_ =	shalt  }
0x87: {  	_ =	shalt  }
.Lfunc_end0:
.L_simem_size_0:
called_computation_lowered:
.L_overlay_start_0:
0x88: {  	s2 =	sld [smem:$0x3FD9]  }
0x89: {  	s3 =	sld [smem:$0x3FFE];
	_ =	sdelay $0x1  }
0x8a: {  	s1 =	srdreg.scid  }
0x8b: {  	s0 =	sand.u32 $0x1, s1  }
0x8c: {  	s17 =	sshll.u32 s0, $0xA;
	s2 =	sadd.s32 s3, s2  }
0x8d: {  	s2 =	sadd.s32 s2, s17  }
0x8e: {  	[smem:$0x3FC6] =	sst s2  }
0x8f: {  	_ = 	snop  }
0x90: {  	s2 =	sld [smem:$0x3FC9]  }
0x91: {  	s18 =	sld [smem:$0x3FC8]  }
0x92: {  	s4 =	sld [smem:$0x3FD0];
	(tm) =	ssettm $0x1  }
0x93: {  	s5 =	sld [smem:$0x3FFB];
	_ =	sdelay $0x3  }
0x94: {  	_ =	strace s5  }
0x95: {  	s5 =	sld [smem:$0x3FFC];
	_ =	sdelay $0x3  }
0x96: {  	_ =	strace s5  }
0x97: {  	s5 =	sld [smem:$0x3FFD];
	_ =	sdelay $0x3  }
0x98: {  	_ =	strace s5  }
0x99: {  	_ =	strace $0x8FFFFFFF  }
0x9a: {  	s19 =	sld [smem:$0x3FDB];
	_ =	sdelay $0x1  }
0x9b: {  	s6 =	simm.s32 $_scs_section_size  }
0x9c: {  	s7 =	simm.s32 $_size__tile_overlayer_lowered;
	s8 =	simm.s32 $_tile_overlayer_lowered  }
0x9d: {  	s22 =	simm.s32 $0x1BFF;
	s21 =	sshll.u32 s8, $0x1;
	s5 =	sadd.s32 s6, s19  }
0x9e: {  	s9 =	simm.s32 $0x0;
	s20 =	sshll.u32 s7, $0x1;
	s7 =	sadd.s32 s21, s5  }
0x9f: {  	[timem:s9], [sflag:s22] =	dma.local [hbm:s7], s20  }
0xa0: {  	_ =	swait.ge [sflag:s22], s20  }
0xa1: {  	s6 =	ssub.s32 $0x0, s20;
	[sflag:s22] =	ssyncset.done $0x0  }
0xa2: {  	[sflag:s22] =	ssyncadd.s32 s6;
	_ =	sdelay $0x1  }
0xa3: {  	s23 =	simm.s32 $0x1B8B  }
0xa4: {  	_ =	swait.ge [sflag:s23], $0x1  }
0xa5: {  	[sflag:s23] =	ssyncset.done $0x0  }
0xa6: {  	s25 =	simm.s32 $0x1B8E;
	s24 =	sld [smem:$0x3FFE];
	[sflag:s23] =	ssyncadd.s32 $0xFFFFFFFF  }
0xa7: {  	s26 =	simm.s32 $execute0_lowered;
	[smem:$0x3FD2] =	sst s25  }
0xa8: {  	s7 =	sshll.u32 s26, $0x1;
	_ =	strace $0x80000046;
	[dreg:$0x1] =	wrdreg $0xFFFFFFFF  }
0xa9: {  	s28 =	simm.s32 $_size_execute0_lowered;
	s5 =	sadd.s32 s5, s7;
	[dreg:$0x0] =	wrdreg $0x0  }
0xaa: {  	s7 =	sshll.u32 s28, $0x1;
	[dreg:$0x2] =	wrdreg s5  }
0xab: {  	[dreg:$0x3] =	wrdreg s7  }
0xac: {  	[dreg:$0x4] =	wrdreg $0xC0  }
0xad: {  	_ =	task [dreg:s9], $0x5FFFF  }
0xae: {  	[dreg:$0x1] =	wrdreg $0xFFFFFFFF  }
0xaf: {  	[dreg:$0x0] =	wrdreg $0x60  }
0xb0: {  	[dreg:$0x2] =	wrdreg s18  }
0xb1: {  	[dreg:$0x3] =	wrdreg s24  }
0xb2: {  	[dreg:$0x4] =	wrdreg s2  }
0xb3: {  	[dreg:$0x5] =	wrdreg s4  }
0xb4: {  	[dreg:$0x6] =	wrdreg $0x0  }
0xb5: {  	[dreg:$0x7] =	wrdreg $0x9  }
0xb6: {  	_ =	task.clear_ibuf [dreg:s9], $0x8FFFF;
	_ =	strace $0x90000046  }
0xb7: {  	s29 =	simm.s32 $0x9;
	_ =	strace $0x80000048  }
0xb8: {  	_ =	swait.ge [sflag:s29], $0x1  }
0xb9: {  	[sflag:s29] =	ssyncadd.s32 $0xFFFFFFFF  }
0xba: {  	_ =	strace $0x90000048  }
0xbb: {  	_ =	sfence  }
0xbc: {  	s30 =	sld [smem:$0x0];
	_ =	sdelay $0x2  }
0xbd: {  	s31 =	sshll.u32 s1, $0xD;
	s1 =	sshrl.u32 s1, $0x2  }
0xbe: {  	s3 =	sand.u32 $0x4000, s31;
	s1 =	sadd.s32 s1, s30  }
0xbf: {  	s0 =	sor.u32 s3, s0;
	s1 =	sshll.u32 s1, $0x11  }
0xc0: {  	s0 =	sor.u32 s1, s0  }
0xc1: {  	s0 =	sadd.s32 $0x8F2B, s0  }
0xc2: {  	[sflag:s0] =	ssyncadd.remote.s32 $0x1  }
0xc3: {  	_ =	sfence.sel $0xFFFF  }
0xc4: {  	[dreg:$0x0] =	wrdreg $0xFFFFFFFF;
	(pc) =	sbr.abs _section_cstart, $3  }
0xc5: {  	[dreg:$0x1] =	wrdreg $0xFFFFFFFF  }
0xc6: {  	_ =	task.clear_ibuf [dreg:s9], $0x2FFFF;
	_ =	strace $0x9FFFFFFF  }
0xc7: {  	(tm) =	ssettm $0x7FFFFFFF  }
tec
execute0_lowered:
.L_overlay_start_1:
0x0: {  	(tag) =	ssettag $0x1  }
0x1: {  	s0 =	rddreg [dreg:$0x1]  }
0x2: {  	s1 =	rddreg [dreg:$0x2]  }
0x3: {  	s2 =	rddreg [dreg:$0x3]  }
0x4: {  	s3 =	rddreg [dreg:$0x4];
	s5 =	simm.s32 $0x0;
	s4 =	srdreg.scid  }
0x5: {  	s7 =	stileid.u32;
	[smem:$0x7FF] =	sst s5  }
0x6: {  	s4 =	sand.u32 $0x1, s4;
	s6 =	sshll.u32 s7, $0xA;
	s0 =	sadd.s32 $0x400, s0  }
0x7: {  	s12 =	sshll.u32 s7, $0xD;
	_ =	strace $0x80000047;
	[dreg:$0x6] =	wrdreg s0  }
0x8: {  	s10 =	ssub.s32 $0x2, s4;
	[smem:$0x7DE] =	sst s12;
	s4 =	sshll.u32 s4, $0x5  }
0x9: {  	s6 =	sadd.s32 s1, s6;
	[dreg:$0x15] =	wrdreg s4  }
0xa: {  	s13 =	sadd.s32 $0x10, s6;
	[dreg:$0x7] =	wrdreg s6  }
0xb: {  	s14 =	sadd.s32 $0x20, s6;
	[dreg:$0x8] =	wrdreg s13  }
0xc: {  	s15 =	sadd.s32 $0x30, s6;
	[dreg:$0x9] =	wrdreg s14  }
0xd: {  	s16 =	sadd.s32 $0x40, s6;
	[dreg:$0xa] =	wrdreg s15  }
0xe: {  	s17 =	sadd.s32 $0x50, s6;
	[dreg:$0xb] =	wrdreg s16  }
0xf: {  	s18 =	sadd.s32 $0x60, s6;
	[dreg:$0xc] =	wrdreg s17  }
0x10: {  	s19 =	sadd.s32 $0x70, s6;
	[dreg:$0xd] =	wrdreg s18  }
0x11: {  	s20 =	sadd.s32 $0x4000, s6;
	[dreg:$0xe] =	wrdreg s19  }
0x12: {  	s21 =	sadd.s32 $0x4010, s6;
	[dreg:$0xf] =	wrdreg s20  }
0x13: {  	s23 =	sadd.s32 $0x4020, s6;
	[dreg:$0x10] =	wrdreg s21  }
0x14: {  	s24 =	sadd.s32 $0x4030, s6;
	[dreg:$0x11] =	wrdreg s23  }
0x15: {  	s25 =	sadd.s32 $0x4040, s6;
	[dreg:$0x12] =	wrdreg s24  }
0x16: {  	s22 =	smul.u32 $0x3D000, s7;
	s26 =	sadd.s32 $0x4050, s6;
	[dreg:$0x13] =	wrdreg s25  }
0x17: {  	s12 =	sadd.s32 $0x4070, s6;
	[dreg:$0x14] =	wrdreg s26  }
0x18: {  	s1 =	sshrl.u32 s22, $0x2;
	s22 =	sadd.s32 $0xC010, s6;
	[dreg:$0x1a] =	wrdreg s12  }
0x19: {  	s8 =	sadd.s32 $0xF4000, s3;
	s4 =	sadd.s32 $0xC070, s6;
	[smem:$0x7E3] =	sst s22  }
0x1a: {  	s11 =	sshrl.u32 s10, $0x1;
	s5 =	sadd.s32 $0x10000, s6;
	[smem:$0x7E9] =	sst s4  }
0x1b: {  	s0 =	ssub.s32 s10, s11;
	s10 =	sshrl.u32 s8, $0x3;
	[smem:$0x7EA] =	sst s5  }
0x1c: {  	s11 =	sadd.s32 $0x4060, s6;
	[dreg:$0x18] =	wrdreg s10  }
0x1d: {  	s13 =	sadd.s32 $0x8000, s6;
	[dreg:$0x19] =	wrdreg s11  }
0x1e: {  	s14 =	sadd.s32 $0x8010, s6;
	[dreg:$0x1b] =	wrdreg s13  }
0x1f: {  	s15 =	sadd.s32 $0x8020, s6;
	[dreg:$0x1c] =	wrdreg s14  }
0x20: {  	s16 =	sadd.s32 $0x8030, s6;
	[dreg:$0x1d] =	wrdreg s15  }
0x21: {  	s17 =	sadd.s32 $0x8040, s6;
	[dreg:$0x1e] =	wrdreg s16  }
0x22: {  	s18 =	sadd.s32 $0x8050, s6;
	[dreg:$0x1f] =	wrdreg s17  }
0x23: {  	s19 =	sadd.s32 $0x8060, s6;
	[smem:$0x7DF] =	sst s18  }
0x24: {  	s20 =	sadd.s32 $0x8070, s6;
	[smem:$0x7E0] =	sst s19  }
0x25: {  	s21 =	sadd.s32 $0xC000, s6;
	[smem:$0x7E1] =	sst s20  }
0x26: {  	s23 =	sadd.s32 $0xC020, s6;
	[smem:$0x7E2] =	sst s21  }
0x27: {  	s24 =	sadd.s32 $0xC030, s6;
	[smem:$0x7E4] =	sst s23  }
0x28: {  	s25 =	sadd.s32 $0xC040, s6;
	[smem:$0x7E5] =	sst s24  }
0x29: {  	s26 =	sadd.s32 $0xC050, s6;
	[smem:$0x7E6] =	sst s25  }
0x2a: {  	s8 =	sadd.s32 $0x10010, s6;
	[smem:$0x7E7] =	sst s26  }
0x2b: {  	s12 =	sadd.s32 $0x10050, s6;
	[smem:$0x7EB] =	sst s8  }
0x2c: {  	s22 =	sadd.s32 $0x14070, s6;
	[smem:$0x7EF] =	sst s12  }
0x2d: {  	s1 =	sadd.s32 s1, s3;
	s0 =	smax.u32 s0, $0x1;
	[smem:$0x7F9] =	sst s22  }
0x2e: {  	s9 =	sshrl.u32 s1, $0x3;
	[dreg:$0x16] =	wrdreg s0  }
0x2f: {  	s1 =	sadd.s32 $0xC060, s6;
	[dreg:$0x17] =	wrdreg s9  }
0x30: {  	s10 =	sadd.s32 $0x10030, s6;
	[smem:$0x7E8] =	sst s1  }
0x31: {  	s11 =	sadd.s32 $0x10040, s6;
	[smem:$0x7ED] =	sst s10  }
0x32: {  	s13 =	sadd.s32 $0x10060, s6;
	[smem:$0x7EE] =	sst s11  }
0x33: {  	s28 =	simm.s32 $0x1C828;
	s14 =	sadd.s32 $0x10070, s6;
	[smem:$0x7F0] =	sst s13  }
0x34: {  	s29 =	simm.s32 $0x1CC28;
	s15 =	sadd.s32 $0x14000, s6;
	[smem:$0x7F1] =	sst s14  }
0x35: {  	s30 =	simm.s32 $0x1D028;
	s16 =	sadd.s32 $0x14010, s6;
	[smem:$0x7F2] =	sst s15  }
0x36: {  	s31 =	simm.s32 $0x1D428;
	s17 =	sadd.s32 $0x14020, s6;
	[smem:$0x7F3] =	sst s16  }
0x37: {  	p1 =	seq.s32 s7, $0x1;
	s18 =	sadd.s32 $0x14030, s6;
	[smem:$0x7F4] =	sst s17  }
0x38: {  	p0 =	sne.s32 s7, $0x0;
	s19 =	sadd.s32 $0x14040, s6;
	[smem:$0x7F5] =	sst s18  }
0x39: {  	s5 =	simm.s32 $0x1C028;
	s20 =	sadd.s32 $0x14050, s6;
	[smem:$0x7F6] =	sst s19  }
0x3a: {  	s21 =	sadd.s32 $0x14060, s6;
	s23 =	sadd.s32 $0x18000, s6;
	[smem:$0x7F7] =	sst s20  }
0x3b: {  	s24 =	sadd.s32 $0x18010, s6;
	s25 =	smul.u32 $0xF400, s7;
	[smem:$0x7F8] =	sst s21  }
0x3c: {  	s26 =	sadd.s32 $0xF4200, s3;
	s12 =	simm.s32 $0x1E828;
	[smem:$0x7FA] =	sst s23  }
0x3d: {  	s7 =	simm.s32 $0x0;
	s9 =	sadd.s32 $0x10020, s6;
	[smem:$0x7FB] =	sst s24  }
0x3e: {  	[smem:$0x7FD] =	sst s26;
	s21 =	simm.s32 $0x80;
	s23 =	simm.s32 $0x400  }
0x3f: {  	s6 =	simm.s32 $0x1;
	s20 =	simm.s32 $0x4;
	s1 =	simm.s32 $0x1BC28  }
0x40: {  	s26 =	simm.s32 $0x1C428;
	s0 =	simm.s32 $0x1D828;
	s10 =	simm.s32 $0x1E028  }
0x41: {  	s11 =	simm.s32 $0x1E428;
	s13 =	simm.s32 $0x1EC28;
	s14 =	simm.s32 $0x1F028  }
0x42: {  	s15 =	simm.s32 $0x1F428;
	s16 =	simm.s32 $0x1F828;
	[smem:$0x7EC] =	sst s9  }
0x43: {  	s17 =	simm.s32 $0x3;
	[smem:$0x7FC] =	sst s25;
	s9 =	simm.s32 $0x1DC28  }
.LBB2_1:
0x44: {  	s4 =	rddreg [dreg:$0x7]  }
0x45: {  	s22 =	simm.s32 $0xF428;
	s24 =	rddreg [dreg:$0x8]  }
0x46: {  	[tilespmem:s22], [sflag:$0x1] =	stream.strided.gather [hbm4b:s4+s21], $0x400, s23, s21, $0x38;
	[tilespmem:$0x1FCA8] =	vst v63  }
0x47: {  	s25 =	simm.s32 $0xF828;
	s8 =	rddreg [dreg:$0x9]  }
0x48: {  	[tilespmem:s25], [sflag:$0x1] =	stream.strided.gather [hbm4b:s24+s21], $0x400, s23, s21, $0x38;
	[tilespmem:$0x1FCA8] =	vst v63  }
0x49: {  	s18 =	simm.s32 $0xFC28;
	s19 =	rddreg [dreg:$0xa]  }
0x4a: {  	[tilespmem:s18], [sflag:$0x1] =	stream.strided.gather [hbm4b:s8+s21], $0x400, s23, s21, $0x38;
	[tilespmem:$0x1FCA8] =	vst v63  }
0x4b: {  	s22 =	simm.s32 $0x10028;
	s24 =	rddreg [dreg:$0xb]  }
0x4c: {  	[tilespmem:s22], [sflag:$0x1] =	stream.strided.gather [hbm4b:s19+s21], $0x400, s23, s21, $0x38;
	[tilespmem:$0x1FCA8] =	vst v63  }
0x4d: {  	s25 =	simm.s32 $0x10428;
	s8 =	rddreg [dreg:$0xc]  }
0x4e: {  	[tilespmem:s25], [sflag:$0x1] =	stream.strided.gather [hbm4b:s24+s21], $0x400, s23, s21, $0x38;
	[tilespmem:$0x1FCA8] =	vst v63  }
0x4f: {  	s18 =	simm.s32 $0x10828;
	s19 =	rddreg [dreg:$0xd]  }
0x50: {  	[tilespmem:s18], [sflag:$0x1] =	stream.strided.gather [hbm4b:s8+s21], $0x400, s23, s21, $0x38;
	[tilespmem:$0x1FCA8] =	vst v63  }
0x51: {  	s22 =	simm.s32 $0x10C28;
	s24 =	rddreg [dreg:$0xe]  }
0x52: {  	[tilespmem:s22], [sflag:$0x1] =	stream.strided.gather [hbm4b:s19+s21], $0x400, s23, s21, $0x38;
	[tilespmem:$0x1FCA8] =	vst v63  }
0x53: {  	s25 =	simm.s32 $0x11028;
	s8 =	rddreg [dreg:$0xf]  }
0x54: {  	[tilespmem:s25], [sflag:$0x1] =	stream.strided.gather [hbm4b:s24+s21], $0x400, s23, s21, $0x38;
	[tilespmem:$0x1FCA8] =	vst v63  }
0x55: {  	s18 =	simm.s32 $0x11428;
	s19 =	rddreg [dreg:$0x10]  }
0x56: {  	[tilespmem:s18], [sflag:$0x1] =	stream.strided.gather [hbm4b:s8+s21], $0x400, s23, s21, $0x38;
	[tilespmem:$0x1FCA8] =	vst v63  }
0x57: {  	s22 =	simm.s32 $0x11828;
	s24 =	rddreg [dreg:$0x11]  }
0x58: {  	[tilespmem:s22], [sflag:$0x1] =	stream.strided.gather [hbm4b:s19+s21], $0x400, s23, s21, $0x38;
	[tilespmem:$0x1FCA8] =	vst v63  }
0x59: {  	s25 =	simm.s32 $0x11C28;
	s8 =	rddreg [dreg:$0x12]  }
0x5a: {  	[tilespmem:s25], [sflag:$0x1] =	stream.strided.gather [hbm4b:s24+s21], $0x400, s23, s21, $0x38;
	[tilespmem:$0x1FCA8] =	vst v63  }
0x5b: {  	s18 =	simm.s32 $0x12028;
	s19 =	rddreg [dreg:$0x13]  }
0x5c: {  	[tilespmem:s18], [sflag:$0x1] =	stream.strided.gather [hbm4b:s8+s21], $0x400, s23, s21, $0x38;
	[tilespmem:$0x1FCA8] =	vst v63  }
0x5d: {  	s22 =	simm.s32 $0x12428;
	s24 =	rddreg [dreg:$0x14]  }
0x5e: {  	[tilespmem:s22], [sflag:$0x1] =	stream.strided.gather [hbm4b:s19+s21], $0x400, s23, s21, $0x38;
	[tilespmem:$0x1FCA8] =	vst v63  }
0x5f: {  	s25 =	simm.s32 $0x12828;
	s8 =	rddreg [dreg:$0x19]  }
0x60: {  	[tilespmem:s25], [sflag:$0x1] =	stream.strided.gather [hbm4b:s24+s21], $0x400, s23, s21, $0x38;
	[tilespmem:$0x1FCA8] =	vst v63  }
0x61: {  	s18 =	simm.s32 $0x12C28;
	s19 =	rddreg [dreg:$0x1a]  }
0x62: {  	[tilespmem:s18], [sflag:$0x1] =	stream.strided.gather [hbm4b:s8+s21], $0x400, s23, s21, $0x38;
	[tilespmem:$0x1FCA8] =	vst v63  }
0x63: {  	s22 =	simm.s32 $0x13028;
	s24 =	rddreg [dreg:$0x1b]  }
0x64: {  	[tilespmem:s22], [sflag:$0x1] =	stream.strided.gather [hbm4b:s19+s21], $0x400, s23, s21, $0x38;
	[tilespmem:$0x1FCA8] =	vst v63  }
0x65: {  	s25 =	simm.s32 $0x13428;
	s8 =	rddreg [dreg:$0x1c]  }
0x66: {  	[tilespmem:s25], [sflag:$0x1] =	stream.strided.gather [hbm4b:s24+s21], $0x400, s23, s21, $0x38;
	[tilespmem:$0x1FCA8] =	vst v63  }
0x67: {  	s18 =	simm.s32 $0x13828;
	s19 =	rddreg [dreg:$0x1d]  }
0x68: {  	[tilespmem:s18], [sflag:$0x1] =	stream.strided.gather [hbm4b:s8+s21], $0x400, s23, s21, $0x38;
	[tilespmem:$0x1FCA8] =	vst v63  }
0x69: {  	s22 =	simm.s32 $0x13C28;
	s24 =	rddreg [dreg:$0x1e]  }
0x6a: {  	[tilespmem:s22], [sflag:$0x1] =	stream.strided.gather [hbm4b:s19+s21], $0x400, s23, s21, $0x38;
	[tilespmem:$0x1FCA8] =	vst v63  }
0x6b: {  	s25 =	simm.s32 $0x14028;
	s8 =	rddreg [dreg:$0x1f]  }
0x6c: {  	[tilespmem:s25], [sflag:$0x1] =	stream.strided.gather [hbm4b:s24+s21], $0x400, s23, s21, $0x38;
	[tilespmem:$0x1FCA8] =	vst v63  }
0x6d: {  	s18 =	simm.s32 $0x14428;
	s19 =	sld [smem:$0x7DF]  }
0x6e: {  	[tilespmem:s18], [sflag:$0x1] =	stream.strided.gather [hbm4b:s8+s21], $0x400, s23, s21, $0x38;
	[tilespmem:$0x1FCA8] =	vst v63  }
0x6f: {  	s22 =	simm.s32 $0x14828;
	s24 =	sld [smem:$0x7E0]  }
0x70: {  	[tilespmem:s22], [sflag:$0x1] =	stream.strided.gather [hbm4b:s19+s21], $0x400, s23, s21, $0x38;
	[tilespmem:$0x1FCA8] =	vst v63  }
0x71: {  	s25 =	simm.s32 $0x14C28;
	s8 =	sld [smem:$0x7E1]  }
0x72: {  	[tilespmem:s25], [sflag:$0x1] =	stream.strided.gather [hbm4b:s24+s21], $0x400, s23, s21, $0x38;
	[tilespmem:$0x1FCA8] =	vst v63  }
0x73: {  	s18 =	simm.s32 $0x15028;
	s19 =	sld [smem:$0x7E2]  }
0x74: {  	[tilespmem:s18], [sflag:$0x1] =	stream.strided.gather [hbm4b:s8+s21], $0x400, s23, s21, $0x38;
	[tilespmem:$0x1FCA8] =	vst v63  }
0x75: {  	s22 =	simm.s32 $0x15428;
	s24 =	sld [smem:$0x7E3]  }
0x76: {  	[tilespmem:s22], [sflag:$0x1] =	stream.strided.gather [hbm4b:s19+s21], $0x400, s23, s21, $0x38;
	[tilespmem:$0x1FCA8] =	vst v63  }
0x77: {  	s25 =	simm.s32 $0x15828;
	s8 =	sld [smem:$0x7E4]  }
0x78: {  	[tilespmem:s25], [sflag:$0x1] =	stream.strided.gather [hbm4b:s24+s21], $0x400, s23, s21, $0x38;
	[tilespmem:$0x1FCA8] =	vst v63  }
0x79: {  	s18 =	simm.s32 $0x15C28;
	s19 =	sld [smem:$0x7E5]  }
0x7a: {  	[tilespmem:s18], [sflag:$0x1] =	stream.strided.gather [hbm4b:s8+s21], $0x400, s23, s21, $0x38;
	[tilespmem:$0x1FCA8] =	vst v63  }
0x7b: {  	s22 =	simm.s32 $0x16028;
	s24 =	sld [smem:$0x7E6]  }
0x7c: {  	[tilespmem:s22], [sflag:$0x1] =	stream.strided.gather [hbm4b:s19+s21], $0x400, s23, s21, $0x38;
	[tilespmem:$0x1FCA8] =	vst v63  }
0x7d: {  	s25 =	simm.s32 $0x16428;
	s8 =	sld [smem:$0x7E7]  }
0x7e: {  	[tilespmem:s25], [sflag:$0x1] =	stream.strided.gather [hbm4b:s24+s21], $0x400, s23, s21, $0x38;
	[tilespmem:$0x1FCA8] =	vst v63  }
0x7f: {  	s18 =	simm.s32 $0x16828;
	s19 =	sld [smem:$0x7E8]  }
0x80: {  	[tilespmem:s18], [sflag:$0x1] =	stream.strided.gather [hbm4b:s8+s21], $0x400, s23, s21, $0x38;
	[tilespmem:$0x1FCA8] =	vst v63  }
0x81: {  	s22 =	simm.s32 $0x16C28;
	s24 =	sld [smem:$0x7E9]  }
0x82: {  	[tilespmem:s22], [sflag:$0x1] =	stream.strided.gather [hbm4b:s19+s21], $0x400, s23, s21, $0x38;
	[tilespmem:$0x1FCA8] =	vst v63  }
0x83: {  	s25 =	simm.s32 $0x17028;
	s8 =	sld [smem:$0x7EA]  }
0x84: {  	[tilespmem:s25], [sflag:$0x1] =	stream.strided.gather [hbm4b:s24+s21], $0x400, s23, s21, $0x38;
	[tilespmem:$0x1FCA8] =	vst v63  }
0x85: {  	s18 =	simm.s32 $0x17428;
	s19 =	sld [smem:$0x7EB]  }
0x86: {  	[tilespmem:s18], [sflag:$0x1] =	stream.strided.gather [hbm4b:s8+s21], $0x400, s23, s21, $0x38;
	[tilespmem:$0x1FCA8] =	vst v63  }
0x87: {  	s22 =	simm.s32 $0x17828;
	s24 =	sld [smem:$0x7EC]  }
0x88: {  	[tilespmem:s22], [sflag:$0x1] =	stream.strided.gather [hbm4b:s19+s21], $0x400, s23, s21, $0x38;
	[tilespmem:$0x1FCA8] =	vst v63  }
0x89: {  	s25 =	simm.s32 $0x17C28;
	s8 =	sld [smem:$0x7ED]  }
0x8a: {  	[tilespmem:s25], [sflag:$0x1] =	stream.strided.gather [hbm4b:s24+s21], $0x400, s23, s21, $0x38;
	[tilespmem:$0x1FCA8] =	vst v63  }
0x8b: {  	s18 =	simm.s32 $0x18028;
	s19 =	sld [smem:$0x7EE]  }
0x8c: {  	[tilespmem:s18], [sflag:$0x1] =	stream.strided.gather [hbm4b:s8+s21], $0x400, s23, s21, $0x38;
	[tilespmem:$0x1FCA8] =	vst v63  }
0x8d: {  	s22 =	simm.s32 $0x18428;
	s24 =	sld [smem:$0x7EF]  }
0x8e: {  	[tilespmem:s22], [sflag:$0x1] =	stream.strided.gather [hbm4b:s19+s21], $0x400, s23, s21, $0x38;
	[tilespmem:$0x1FCA8] =	vst v63  }
0x8f: {  	s25 =	simm.s32 $0x18828;
	s8 =	sld [smem:$0x7F0]  }
0x90: {  	[tilespmem:s25], [sflag:$0x1] =	stream.strided.gather [hbm4b:s24+s21], $0x400, s23, s21, $0x38;
	[tilespmem:$0x1FCA8] =	vst v63  }
0x91: {  	s18 =	simm.s32 $0x18C28;
	s19 =	sld [smem:$0x7F1]  }
0x92: {  	[tilespmem:s18], [sflag:$0x1] =	stream.strided.gather [hbm4b:s8+s21], $0x400, s23, s21, $0x38;
	[tilespmem:$0x1FCA8] =	vst v63  }
0x93: {  	s22 =	simm.s32 $0x19028;
	s24 =	sld [smem:$0x7F2]  }
0x94: {  	[tilespmem:s22], [sflag:$0x1] =	stream.strided.gather [hbm4b:s19+s21], $0x400, s23, s21, $0x38;
	[tilespmem:$0x1FCA8] =	vst v63  }
0x95: {  	s25 =	simm.s32 $0x19428;
	s8 =	sld [smem:$0x7F3]  }
0x96: {  	[tilespmem:s25], [sflag:$0x1] =	stream.strided.gather [hbm4b:s24+s21], $0x400, s23, s21, $0x38;
	[tilespmem:$0x1FCA8] =	vst v63  }
0x97: {  	s18 =	simm.s32 $0x19828;
	s19 =	sld [smem:$0x7F4]  }
0x98: {  	[tilespmem:s18], [sflag:$0x1] =	stream.strided.gather [hbm4b:s8+s21], $0x400, s23, s21, $0x38;
	[tilespmem:$0x1FCA8] =	vst v63  }
0x99: {  	s22 =	simm.s32 $0x19C28;
	s24 =	sld [smem:$0x7F5]  }
0x9a: {  	[tilespmem:s22], [sflag:$0x1] =	stream.strided.gather [hbm4b:s19+s21], $0x400, s23, s21, $0x38;
	[tilespmem:$0x1FCA8] =	vst v63  }
0x9b: {  	s25 =	simm.s32 $0x1A028;
	s8 =	sld [smem:$0x7F6]  }
0x9c: {  	[tilespmem:s25], [sflag:$0x1] =	stream.strided.gather [hbm4b:s24+s21], $0x400, s23, s21, $0x38;
	[tilespmem:$0x1FCA8] =	vst v63  }
0x9d: {  	s18 =	simm.s32 $0x1A428;
	s19 =	sld [smem:$0x7F7]  }
0x9e: {  	[tilespmem:s18], [sflag:$0x1] =	stream.strided.gather [hbm4b:s8+s21], $0x400, s23, s21, $0x38;
	[tilespmem:$0x1FCA8] =	vst v63  }
0x9f: {  	s22 =	simm.s32 $0x1A828;
	s24 =	sld [smem:$0x7F8]  }
0xa0: {  	[tilespmem:s22], [sflag:$0x1] =	stream.strided.gather [hbm4b:s19+s21], $0x400, s23, s21, $0x38;
	[tilespmem:$0x1FCA8] =	vst v63  }
0xa1: {  	s25 =	simm.s32 $0x1AC28;
	s8 =	sld [smem:$0x7F9]  }
0xa2: {  	[tilespmem:s25], [sflag:$0x1] =	stream.strided.gather [hbm4b:s24+s21], $0x400, s23, s21, $0x38;
	[tilespmem:$0x1FCA8] =	vst v63  }
0xa3: {  	s18 =	simm.s32 $0x1B028;
	s19 =	sld [smem:$0x7FA]  }
0xa4: {  	[tilespmem:s18], [sflag:$0x1] =	stream.strided.gather [hbm4b:s8+s21], $0x400, s23, s21, $0x38;
	[tilespmem:$0x1FCA8] =	vst v63  }
0xa5: {  	s22 =	simm.s32 $0x1B428;
	s24 =	sld [smem:$0x7FB]  }
0xa6: {  	[tilespmem:s22], [sflag:$0x1] =	stream.strided.gather [hbm4b:s19+s21], $0x400, s23, s21, $0x38;
	[tilespmem:$0x1FCA8] =	vst v63  }
0xa7: {  	[smem:$0x7DD] =	sst s7;
	s25 =	simm.s32 $0x1B828  }
0xa8: {  	[tilespmem:s25], [sflag:$0x1] =	stream.strided.gather [hbm4b:s24+s21], $0x400, s23, s21, $0x38;
	[tilespmem:$0x1FCA8] =	vst v63  }
0xa9: {  	_ =	swait.ge [sflag:s6], $0x400  }
0xaa: {  	[sflag:s6] =	ssyncset.done $0x0  }
0xab: {  	[sflag:s6] =	ssyncadd.s32 $0xFFFFFC00  }
0xac: {  	_ =	swait.ge [sflag:s6], $0x400  }
0xad: {  	[sflag:s6] =	ssyncset.done $0x0  }
0xae: {  	[sflag:s6] =	ssyncadd.s32 $0xFFFFFC00  }
0xaf: {  	_ =	swait.ge [sflag:s6], $0x400  }
0xb0: {  	[sflag:s6] =	ssyncset.done $0x0  }
0xb1: {  	[sflag:s6] =	ssyncadd.s32 $0xFFFFFC00  }
0xb2: {  	_ =	swait.ge [sflag:s6], $0x400  }
0xb3: {  	[sflag:s6] =	ssyncset.done $0x0  }
0xb4: {  	[sflag:s6] =	ssyncadd.s32 $0xFFFFFC00  }
0xb5: {  	_ =	swait.ge [sflag:s6], $0x400  }
0xb6: {  	[sflag:s6] =	ssyncset.done $0x0  }
0xb7: {  	[sflag:s6] =	ssyncadd.s32 $0xFFFFFC00  }
0xb8: {  	_ =	swait.ge [sflag:s6], $0x400  }
0xb9: {  	[sflag:s6] =	ssyncset.done $0x0  }
0xba: {  	[sflag:s6] =	ssyncadd.s32 $0xFFFFFC00  }
0xbb: {  	_ =	swait.ge [sflag:s6], $0x400  }
0xbc: {  	[sflag:s6] =	ssyncset.done $0x0  }
0xbd: {  	[sflag:s6] =	ssyncadd.s32 $0xFFFFFC00  }
0xbe: {  	_ =	swait.ge [sflag:s6], $0x400  }
0xbf: {  	[sflag:s6] =	ssyncset.done $0x0  }
0xc0: {  	[sflag:s6] =	ssyncadd.s32 $0xFFFFFC00  }
0xc1: {  	_ =	swait.ge [sflag:s6], $0x400  }
0xc2: {  	[sflag:s6] =	ssyncset.done $0x0  }
0xc3: {  	[sflag:s6] =	ssyncadd.s32 $0xFFFFFC00  }
0xc4: {  	_ =	swait.ge [sflag:s6], $0x400  }
0xc5: {  	[sflag:s6] =	ssyncset.done $0x0  }
0xc6: {  	[sflag:s6] =	ssyncadd.s32 $0xFFFFFC00  }
0xc7: {  	_ =	swait.ge [sflag:s6], $0x400  }
0xc8: {  	[sflag:s6] =	ssyncset.done $0x0  }
0xc9: {  	[sflag:s6] =	ssyncadd.s32 $0xFFFFFC00  }
0xca: {  	_ =	swait.ge [sflag:s6], $0x400  }
0xcb: {  	[sflag:s6] =	ssyncset.done $0x0  }
0xcc: {  	[sflag:s6] =	ssyncadd.s32 $0xFFFFFC00  }
0xcd: {  	_ =	swait.ge [sflag:s6], $0x400  }
0xce: {  	[sflag:s6] =	ssyncset.done $0x0  }
0xcf: {  	[sflag:s6] =	ssyncadd.s32 $0xFFFFFC00  }
0xd0: {  	_ =	swait.ge [sflag:s6], $0x400  }
0xd1: {  	[sflag:s6] =	ssyncset.done $0x0  }
0xd2: {  	[sflag:s6] =	ssyncadd.s32 $0xFFFFFC00  }
0xd3: {  	_ =	swait.ge [sflag:s6], $0x400  }
0xd4: {  	[sflag:s6] =	ssyncset.done $0x0  }
0xd5: {  	[sflag:s6] =	ssyncadd.s32 $0xFFFFFC00  }
0xd6: {  	_ =	swait.ge [sflag:s6], $0x400  }
0xd7: {  	[sflag:s6] =	ssyncset.done $0x0  }
0xd8: {  	[sflag:s6] =	ssyncadd.s32 $0xFFFFFC00  }
0xd9: {  	_ =	swait.ge [sflag:s6], $0x400  }
0xda: {  	[sflag:s6] =	ssyncset.done $0x0  }
0xdb: {  	[sflag:s6] =	ssyncadd.s32 $0xFFFFFC00  }
0xdc: {  	_ =	swait.ge [sflag:s6], $0x400  }
0xdd: {  	[sflag:s6] =	ssyncset.done $0x0  }
0xde: {  	[sflag:s6] =	ssyncadd.s32 $0xFFFFFC00  }
0xdf: {  	_ =	swait.ge [sflag:s6], $0x400  }
0xe0: {  	[sflag:s6] =	ssyncset.done $0x0  }
0xe1: {  	[sflag:s6] =	ssyncadd.s32 $0xFFFFFC00  }
0xe2: {  	_ =	swait.ge [sflag:s6], $0x400  }
0xe3: {  	[sflag:s6] =	ssyncset.done $0x0  }
0xe4: {  	[sflag:s6] =	ssyncadd.s32 $0xFFFFFC00  }
0xe5: {  	_ =	swait.ge [sflag:s6], $0x400  }
0xe6: {  	[sflag:s6] =	ssyncset.done $0x0  }
0xe7: {  	[sflag:s6] =	ssyncadd.s32 $0xFFFFFC00  }
0xe8: {  	_ =	swait.ge [sflag:s6], $0x400  }
0xe9: {  	[sflag:s6] =	ssyncset.done $0x0  }
0xea: {  	[sflag:s6] =	ssyncadd.s32 $0xFFFFFC00  }
0xeb: {  	_ =	swait.ge [sflag:s6], $0x400  }
0xec: {  	[sflag:s6] =	ssyncset.done $0x0  }
0xed: {  	[sflag:s6] =	ssyncadd.s32 $0xFFFFFC00  }
0xee: {  	_ =	swait.ge [sflag:s6], $0x400  }
0xef: {  	[sflag:s6] =	ssyncset.done $0x0  }
0xf0: {  	[sflag:s6] =	ssyncadd.s32 $0xFFFFFC00  }
0xf1: {  	_ =	swait.ge [sflag:s6], $0x400  }
0xf2: {  	[sflag:s6] =	ssyncset.done $0x0  }
0xf3: {  	[sflag:s6] =	ssyncadd.s32 $0xFFFFFC00  }
0xf4: {  	_ =	swait.ge [sflag:s6], $0x400  }
0xf5: {  	[sflag:s6] =	ssyncset.done $0x0  }
0xf6: {  	[sflag:s6] =	ssyncadd.s32 $0xFFFFFC00  }
0xf7: {  	_ =	swait.ge [sflag:s6], $0x400  }
0xf8: {  	[sflag:s6] =	ssyncset.done $0x0  }
0xf9: {  	[sflag:s6] =	ssyncadd.s32 $0xFFFFFC00  }
0xfa: {  	_ =	swait.ge [sflag:s6], $0x400  }
0xfb: {  	[sflag:s6] =	ssyncset.done $0x0  }
0xfc: {  	[sflag:s6] =	ssyncadd.s32 $0xFFFFFC00  }
0xfd: {  	_ =	swait.ge [sflag:s6], $0x400  }
0xfe: {  	[sflag:s6] =	ssyncset.done $0x0  }
0xff: {  	[sflag:s6] =	ssyncadd.s32 $0xFFFFFC00  }
0x100: {  	_ =	swait.ge [sflag:s6], $0x400  }
0x101: {  	[sflag:s6] =	ssyncset.done $0x0  }
0x102: {  	[sflag:s6] =	ssyncadd.s32 $0xFFFFFC00  }
0x103: {  	_ =	swait.ge [sflag:s6], $0x400  }
0x104: {  	[sflag:s6] =	ssyncset.done $0x0  }
0x105: {  	[sflag:s6] =	ssyncadd.s32 $0xFFFFFC00  }
0x106: {  	_ =	swait.ge [sflag:s6], $0x400  }
0x107: {  	[sflag:s6] =	ssyncset.done $0x0  }
0x108: {  	[sflag:s6] =	ssyncadd.s32 $0xFFFFFC00  }
0x109: {  	_ =	swait.ge [sflag:s6], $0x400  }
0x10a: {  	[sflag:s6] =	ssyncset.done $0x0  }
0x10b: {  	[sflag:s6] =	ssyncadd.s32 $0xFFFFFC00  }
0x10c: {  	_ =	swait.ge [sflag:s6], $0x400  }
0x10d: {  	[sflag:s6] =	ssyncset.done $0x0  }
0x10e: {  	[sflag:s6] =	ssyncadd.s32 $0xFFFFFC00  }
0x10f: {  	_ =	swait.ge [sflag:s6], $0x400  }
0x110: {  	[sflag:s6] =	ssyncset.done $0x0  }
0x111: {  	[sflag:s6] =	ssyncadd.s32 $0xFFFFFC00  }
0x112: {  	_ =	swait.ge [sflag:s6], $0x400  }
0x113: {  	[sflag:s6] =	ssyncset.done $0x0  }
0x114: {  	[sflag:s6] =	ssyncadd.s32 $0xFFFFFC00  }
0x115: {  	_ =	swait.ge [sflag:s6], $0x400  }
0x116: {  	[sflag:s6] =	ssyncset.done $0x0  }
0x117: {  	[sflag:s6] =	ssyncadd.s32 $0xFFFFFC00  }
0x118: {  	_ =	swait.ge [sflag:s6], $0x400  }
0x119: {  	[sflag:s6] =	ssyncset.done $0x0  }
0x11a: {  	[sflag:s6] =	ssyncadd.s32 $0xFFFFFC00  }
0x11b: {  	_ =	swait.ge [sflag:s6], $0x400  }
0x11c: {  	[sflag:s6] =	ssyncset.done $0x0  }
0x11d: {  	[sflag:s6] =	ssyncadd.s32 $0xFFFFFC00  }
0x11e: {  	_ =	swait.ge [sflag:s6], $0x400  }
0x11f: {  	[sflag:s6] =	ssyncset.done $0x0  }
0x120: {  	[sflag:s6] =	ssyncadd.s32 $0xFFFFFC00  }
0x121: {  	_ =	swait.ge [sflag:s6], $0x400  }
0x122: {  	[sflag:s6] =	ssyncset.done $0x0  }
0x123: {  	[sflag:s6] =	ssyncadd.s32 $0xFFFFFC00  }
0x124: {  	_ =	swait.ge [sflag:s6], $0x400  }
0x125: {  	[sflag:s6] =	ssyncset.done $0x0  }
0x126: {  	[sflag:s6] =	ssyncadd.s32 $0xFFFFFC00  }
0x127: {  	_ =	swait.ge [sflag:s6], $0x400  }
0x128: {  	[sflag:s6] =	ssyncset.done $0x0  }
0x129: {  	[sflag:s6] =	ssyncadd.s32 $0xFFFFFC00  }
0x12a: {  	_ =	swait.ge [sflag:s6], $0x400  }
0x12b: {  	[sflag:s6] =	ssyncset.done $0x0  }
0x12c: {  	[sflag:s6] =	ssyncadd.s32 $0xFFFFFC00  }
0x12d: {  	_ =	swait.ge [sflag:s6], $0x400  }
0x12e: {  	[sflag:s6] =	ssyncset.done $0x0  }
0x12f: {  	[sflag:s6] =	ssyncadd.s32 $0xFFFFFC00  }
0x130: {  	_ =	swait.ge [sflag:s6], $0x400  }
0x131: {  	[sflag:s6] =	ssyncset.done $0x0  }
0x132: {  	[sflag:s6] =	ssyncadd.s32 $0xFFFFFC00  }
0x133: {  	_ =	swait.ge [sflag:s6], $0x400  }
0x134: {  	[sflag:s6] =	ssyncset.done $0x0  }
0x135: {  	[sflag:s6] =	ssyncadd.s32 $0xFFFFFC00  }
0x136: {  	_ =	swait.ge [sflag:s6], $0x400  }
0x137: {  	[sflag:s6] =	ssyncset.done $0x0  }
0x138: {  	[sflag:s6] =	ssyncadd.s32 $0xFFFFFC00  }
0x139: {  	_ =	swait.ge [sflag:s6], $0x400  }
0x13a: {  	[sflag:s6] =	ssyncset.done $0x0  }
0x13b: {  	[sflag:s6] =	ssyncadd.s32 $0xFFFFFC00  }
0x13c: {  	_ =	swait.ge [sflag:s6], $0x400  }
0x13d: {  	[sflag:s6] =	ssyncset.done $0x0  }
0x13e: {  	s7 =	simm.s32 $0x0;
	[sflag:s6] =	ssyncadd.s32 $0xFFFFFC00  }
.LBB2_2:
0x13f: {  	s4 =	rddreg [dreg:$0x15]  }
0x140: {  	s4 =	sadd.s32 s4, s7  }
0x141: {  	s4 =	sshrl.u32 s4, $0x3  }
0x142: {  	s22 =	sshll.u32 s7, $0x7;
	s24 =	smul.u32 $0x7A1400, s4  }
0x143: {  	s18 =	rddreg [dreg:$0x0];
	[bflag:$0x0] =	sbarrier.arrive $0xFFFF;
	s25 =	sand.u32 $0x380, s22  }
0x144: {  	s19 =	sld [smem:$0x7FC];
	s22 =	sor.u32 s25, s24;
	s24 =	stileid.u32  }
0x145: {  	s22 =	sshrl.u32 s22, $0x3;
	s8 =	sshll.u32 s24, $0x6  }
0x146: {  	s22 =	sadd.s32 s18, s22;
	s24 =	sor.u32 $0x1C04, s8;
	s18 =	rddreg [dreg:$0x17]  }
.Ltmp0:
0x147: {  	s8 =	simm.s32 $0x10;
	s19 =	sadd.s32 s19, s22;
	(pc) =	sbr.rel @p1 .LBB2_5-.Ltmp0, $4  }
0x148: {  	[spmem:s18@s8], [sflag:s24] =	dma.strided [hbm:s19@s21], $0x1E80, s6, $0x10   }
0x149: {  	_ =	swait.ge [sflag:s20], $0x1E80  }
0x14a: {  	[sflag:s20] =	ssyncset.done $0x0  }
0x14b: {  	[sflag:s20] =	ssyncadd.s32 $0xFFFFE180  }
.Ltmp1:
0x14c: {  	(pc) =	sbr.rel @p0 .LBB2_7-.Ltmp1, $1  }
0x14d: {  	_ =	sdelay $0x3  }
.Ltmp2:
0x14e: {  	(pc) =	sbr.rel .LBB2_6-.Ltmp2, $3  }
0x14f: {  	_ =	sdelay $0x1  }
0x150: {  	s19 =	sadd.s32 $0xF4000, s22;
	s18 =	rddreg [dreg:$0x18];
	s8 =	simm.s32 $0x10  }
0x151: {  	[spmem:s18@s8], [sflag:s24] =	dma.strided [hbm:s19@s21], $0x40, s6, $0x10   }
.LBB2_5:
0x152: {  	s19 =	sshll.u32 s4, $0xA  }
0x153: {  	s19 =	sor.u32 s25, s19  }
0x154: {  	s18 =	rddreg [dreg:$0x6];
	s19 =	sshrl.u32 s19, $0x3  }
0x155: {  	s22 =	simm.s32 $0x0;
	s8 =	simm.s32 $0x1FC28;
	s19 =	sadd.s32 s18, s19  }
0x156: {  	[tilespmem:s8], [sflag:$0x4] =	stream.linear.gather [hbm4b:s19+s22], $0x80, $0x38;
	[tilespmem:$0x1FCA8] =	vst v63  }
0x157: {  	_ =	swait.ge [sflag:s20], $0x80  }
0x158: {  	s24 =	sld [smem:$0x7FD]  }
0x159: {  	[sflag:s20] =	ssyncset.done $0x0  }
0x15a: {  	[sflag:s20] =	ssyncadd.s32 $0xFFFFFF80  }
0x15b: {  	[spmem:s24] =	stream.linear.scatter [tilespmem:s8], [sflag:$0x4], $0x40, $0x38;
	[tilespmem:$0x1FCA8] =	vst v63  }
.LBB2_6:
0x15c: {  	_ =	swait.ge [sflag:s20], $0x40  }
0x15d: {  	[sflag:s20] =	ssyncset.done $0x0  }
0x15e: {  	[sflag:s20] =	ssyncadd.s32 $0xFFFFFFC0  }
.LBB2_7:
0x15f: {  	[bflag:$0x0] =	sbarrier.arrive $0xFFFF;
	s18 =	simm.s32 $0xF428  }
0x160: {  	[tilespmem:s1], [sflag:$0x1] =	stream.indirect.gather [spmem:s3], $0x1, s18, s23, $0xb8;
	[tilespmem:$0x1FCA8] =	vst v63  }
0x161: {  	s8 =	simm.s32 $0xF828  }
0x162: {  	[tilespmem:s5], [sflag:$0x1] =	stream.indirect.gather [spmem:s3], $0x1, s8, s23, $0xb8;
	[tilespmem:$0x1FCA8] =	vst v63  }
0x163: {  	s19 =	simm.s32 $0xFC28  }
0x164: {  	[tilespmem:s26], [sflag:$0x1] =	stream.indirect.gather [spmem:s3], $0x1, s19, s23, $0xb8;
	[tilespmem:$0x1FCA8] =	vst v63  }
0x165: {  	_ =	swait.ge [sflag:s6], $0x400  }
0x166: {  	[sflag:s6] =	ssyncset.done $0x0  }
0x167: {  	s22 =	simm.s32 $0x10028;
	[sflag:s6] =	ssyncadd.s32 $0xFFFFFC00  }
0x168: {  	[tilespmem:s28], [sflag:$0x1] =	stream.indirect.gather [spmem:s3], $0x1, s22, s23, $0xb8;
	[tilespmem:$0x1FCA8] =	vst v63  }
0x169: {  	_ =	swait.ge [sflag:s6], $0x400  }
0x16a: {  	[sflag:s6] =	ssyncset.done $0x0  }
0x16b: {  	s24 =	simm.s32 $0x10428;
	[sflag:s6] =	ssyncadd.s32 $0xFFFFFC00  }
0x16c: {  	[tilespmem:s29], [sflag:$0x1] =	stream.indirect.gather [spmem:s3], $0x1, s24, s23, $0xb8;
	[tilespmem:$0x1FCA8] =	vst v63  }
0x16d: {  	_ =	swait.ge [sflag:s6], $0x400  }
0x16e: {  	[sflag:s6] =	ssyncset.done $0x0  }
0x16f: {  	s8 =	simm.s32 $0x10828;
	[sflag:s6] =	ssyncadd.s32 $0xFFFFFC00  }
0x170: {  	[tilespmem:s30], [sflag:$0x1] =	stream.indirect.gather [spmem:s3], $0x1, s8, s23, $0xb8;
	[tilespmem:$0x1FCA8] =	vst v63  }
0x171: {  	_ =	swait.ge [sflag:s6], $0x400  }
0x172: {  	[sflag:s6] =	ssyncset.done $0x0  }
0x173: {  	s19 =	simm.s32 $0x10C28;
	[sflag:s6] =	ssyncadd.s32 $0xFFFFFC00  }
0x174: {  	[tilespmem:s31], [sflag:$0x1] =	stream.indirect.gather [spmem:s3], $0x1, s19, s23, $0xb8;
	[tilespmem:$0x1FCA8] =	vst v63  }
0x175: {  	_ =	swait.ge [sflag:s6], $0x400  }
0x176: {  	[sflag:s6] =	ssyncset.done $0x0  }
0x177: {  	s22 =	simm.s32 $0x11028;
	[sflag:s6] =	ssyncadd.s32 $0xFFFFFC00  }
0x178: {  	[tilespmem:s0], [sflag:$0x1] =	stream.indirect.gather [spmem:s3], $0x1, s22, s23, $0xb8;
	[tilespmem:$0x1FCA8] =	vst v63  }
0x179: {  	_ =	swait.ge [sflag:s6], $0x400  }
0x17a: {  	[sflag:s6] =	ssyncset.done $0x0  }
0x17b: {  	[sflag:s6] =	ssyncadd.s32 $0xFFFFFC00  }
0x17c: {  	_ =	swait.ge [sflag:s6], $0x400  }
0x17d: {  	s8 =	sld [smem:$0x7DE];
	_ =	sdelay $0x1  }
0x17e: {  	[sflag:s6] =	ssyncset.done $0x0  }
0x17f: {  	s22 =	sshll.u32 s4, $0x11;
	[sflag:s6] =	ssyncadd.s32 $0xFFFFFC00;
	s24 =	sor.u32 s8, s25  }
0x180: {  	_ =	swait.ge [sflag:s6], $0x400;
	s4 =	sor.u32 s22, s24  }
0x181: {  	[sflag:s6] =	ssyncset.done $0x0;
	s4 =	sshrl.u32 s4, $0x3  }
0x182: {  	[sflag:s6] =	ssyncadd.s32 $0xFFFFFC00;
	s19 =	sadd.s32 s2, s4  }
0x183: {  	[hbm4b:s19+s21] =	stream.strided.scatter [tilespmem:s1], [sflag:$0x2], $0x400, s23, s21, $0x38;
	[tilespmem:$0x1FCA8] =	vst v63  }
0x184: {  	s24 =	sadd.s32 $0x20000, s19  }
0x185: {  	[hbm4b:s24+s21] =	stream.strided.scatter [tilespmem:s5], [sflag:$0x2], $0x400, s23, s21, $0x38;
	[tilespmem:$0x1FCA8] =	vst v63  }
0x186: {  	s18 =	sadd.s32 $0x40000, s19  }
0x187: {  	[hbm4b:s18+s21] =	stream.strided.scatter [tilespmem:s26], [sflag:$0x2], $0x400, s23, s21, $0x38;
	[tilespmem:$0x1FCA8] =	vst v63  }
0x188: {  	s18 =	sadd.s32 $0x60000, s19  }
0x189: {  	[hbm4b:s18+s21] =	stream.strided.scatter [tilespmem:s28], [sflag:$0x2], $0x400, s23, s21, $0x38;
	[tilespmem:$0x1FCA8] =	vst v63  }
0x18a: {  	s18 =	sadd.s32 $0x80000, s19  }
0x18b: {  	[hbm4b:s18+s21] =	stream.strided.scatter [tilespmem:s29], [sflag:$0x2], $0x400, s23, s21, $0x38;
	[tilespmem:$0x1FCA8] =	vst v63  }
0x18c: {  	s18 =	sadd.s32 $0xA0000, s19  }
0x18d: {  	[hbm4b:s18+s21] =	stream.strided.scatter [tilespmem:s30], [sflag:$0x2], $0x400, s23, s21, $0x38;
	[tilespmem:$0x1FCA8] =	vst v63  }
0x18e: {  	s18 =	sadd.s32 $0xC0000, s19  }
0x18f: {  	[hbm4b:s18+s21] =	stream.strided.scatter [tilespmem:s31], [sflag:$0x2], $0x400, s23, s21, $0x38;
	[tilespmem:$0x1FCA8] =	vst v63  }
0x190: {  	s19 =	sadd.s32 $0xE0000, s19  }
0x191: {  	[hbm4b:s19+s21] =	stream.strided.scatter [tilespmem:s0], [sflag:$0x2], $0x400, s23, s21, $0x38;
	[tilespmem:$0x1FCA8] =	vst v63  }
0x192: {  	s24 =	simm.s32 $0x11428  }
0x193: {  	[tilespmem:s9], [sflag:$0x1] =	stream.indirect.gather [spmem:s3], $0x1, s24, s23, $0xb8;
	[tilespmem:$0x1FCA8] =	vst v63  }
0x194: {  	s19 =	simm.s32 $0x11828  }
0x195: {  	[tilespmem:s10], [sflag:$0x1] =	stream.indirect.gather [spmem:s3], $0x1, s19, s23, $0xb8;
	[tilespmem:$0x1FCA8] =	vst v63  }
0x196: {  	s24 =	simm.s32 $0x11C28  }
0x197: {  	[tilespmem:s11], [sflag:$0x1] =	stream.indirect.gather [spmem:s3], $0x1, s24, s23, $0xb8;
	[tilespmem:$0x1FCA8] =	vst v63  }
0x198: {  	_ =	swait.ge [sflag:s6], $0x400  }
0x199: {  	[sflag:s6] =	ssyncset.done $0x0  }
0x19a: {  	s19 =	simm.s32 $0x12028;
	[sflag:s6] =	ssyncadd.s32 $0xFFFFFC00  }
0x19b: {  	[tilespmem:s12], [sflag:$0x1] =	stream.indirect.gather [spmem:s3], $0x1, s19, s23, $0xb8;
	[tilespmem:$0x1FCA8] =	vst v63  }
0x19c: {  	_ =	swait.ge [sflag:s6], $0x400  }
0x19d: {  	[sflag:s6] =	ssyncset.done $0x0  }
0x19e: {  	s24 =	simm.s32 $0x12428;
	[sflag:s6] =	ssyncadd.s32 $0xFFFFFC00  }
0x19f: {  	[tilespmem:s13], [sflag:$0x1] =	stream.indirect.gather [spmem:s3], $0x1, s24, s23, $0xb8;
	[tilespmem:$0x1FCA8] =	vst v63  }
0x1a0: {  	_ =	swait.ge [sflag:s6], $0x400  }
0x1a1: {  	[sflag:s6] =	ssyncset.done $0x0  }
0x1a2: {  	s19 =	simm.s32 $0x12828;
	[sflag:s6] =	ssyncadd.s32 $0xFFFFFC00  }
0x1a3: {  	[tilespmem:s14], [sflag:$0x1] =	stream.indirect.gather [spmem:s3], $0x1, s19, s23, $0xb8;
	[tilespmem:$0x1FCA8] =	vst v63  }
0x1a4: {  	_ =	swait.ge [sflag:s6], $0x400  }
0x1a5: {  	[sflag:s6] =	ssyncset.done $0x0  }
0x1a6: {  	s24 =	simm.s32 $0x12C28;
	[sflag:s6] =	ssyncadd.s32 $0xFFFFFC00  }
0x1a7: {  	[tilespmem:s15], [sflag:$0x1] =	stream.indirect.gather [spmem:s3], $0x1, s24, s23, $0xb8;
	[tilespmem:$0x1FCA8] =	vst v63  }
0x1a8: {  	_ =	swait.ge [sflag:s6], $0x400  }
0x1a9: {  	[sflag:s6] =	ssyncset.done $0x0  }
0x1aa: {  	s19 =	simm.s32 $0x13028;
	[sflag:s6] =	ssyncadd.s32 $0xFFFFFC00  }
0x1ab: {  	[tilespmem:s16], [sflag:$0x1] =	stream.indirect.gather [spmem:s3], $0x1, s19, s23, $0xb8;
	[tilespmem:$0x1FCA8] =	vst v63  }
0x1ac: {  	_ =	swait.ge [sflag:s6], $0x400  }
0x1ad: {  	[sflag:s6] =	ssyncset.done $0x0  }
0x1ae: {  	[sflag:s6] =	ssyncadd.s32 $0xFFFFFC00  }
0x1af: {  	_ =	swait.ge [sflag:s6], $0x400  }
0x1b0: {  	[sflag:s6] =	ssyncset.done $0x0  }
0x1b1: {  	[sflag:s6] =	ssyncadd.s32 $0xFFFFFC00  }
0x1b2: {  	_ =	swait.ge [sflag:s6], $0x400  }
0x1b3: {  	s24 =	sor.u32 $0x100000, s4;
	[sflag:s6] =	ssyncset.done $0x0  }
0x1b4: {  	s19 =	sadd.s32 s2, s24;
	[sflag:s6] =	ssyncadd.s32 $0xFFFFFC00  }
0x1b5: {  	[hbm4b:s19+s21] =	stream.strided.scatter [tilespmem:s9], [sflag:$0x3], $0x400, s23, s21, $0x38;
	[tilespmem:$0x1FCA8] =	vst v63  }
0x1b6: {  	s18 =	sadd.s32 $0x20000, s19  }
0x1b7: {  	[hbm4b:s18+s21] =	stream.strided.scatter [tilespmem:s10], [sflag:$0x3], $0x400, s23, s21, $0x38;
	[tilespmem:$0x1FCA8] =	vst v63  }
0x1b8: {  	s18 =	sadd.s32 $0x40000, s19  }
0x1b9: {  	[hbm4b:s18+s21] =	stream.strided.scatter [tilespmem:s11], [sflag:$0x3], $0x400, s23, s21, $0x38;
	[tilespmem:$0x1FCA8] =	vst v63  }
0x1ba: {  	s18 =	sadd.s32 $0x60000, s19  }
0x1bb: {  	[hbm4b:s18+s21] =	stream.strided.scatter [tilespmem:s12], [sflag:$0x3], $0x400, s23, s21, $0x38;
	[tilespmem:$0x1FCA8] =	vst v63  }
0x1bc: {  	s18 =	sadd.s32 $0x80000, s19  }
0x1bd: {  	[hbm4b:s18+s21] =	stream.strided.scatter [tilespmem:s13], [sflag:$0x3], $0x400, s23, s21, $0x38;
	[tilespmem:$0x1FCA8] =	vst v63  }
0x1be: {  	s18 =	sadd.s32 $0xA0000, s19  }
0x1bf: {  	[hbm4b:s18+s21] =	stream.strided.scatter [tilespmem:s14], [sflag:$0x3], $0x400, s23, s21, $0x38;
	[tilespmem:$0x1FCA8] =	vst v63  }
0x1c0: {  	p2 =	por $0x1, $0x1;
	s24 =	sor.u32 s8, s22;
	s18 =	sadd.s32 $0xC0000, s19  }
0x1c1: {  	[hbm4b:s18+s21] =	stream.strided.scatter [tilespmem:s15], [sflag:$0x3], $0x400, s23, s21, $0x38;
	[tilespmem:$0x1FCA8] =	vst v63  }
0x1c2: {  	s22 =	simm.s32 $0x0;
	s25 =	sor.u32 s25, s24;
	s19 =	sadd.s32 $0xE0000, s19  }
0x1c3: {  	[hbm4b:s19+s21] =	stream.strided.scatter [tilespmem:s16], [sflag:$0x3], $0x400, s23, s21, $0x38;
	[tilespmem:$0x1FCA8] =	vst v63  }
.LBB2_8:
0x1c4: {  	s19 =	sadd.s32 $0x2, s22;
	s24 =	simm.s32 $0x2  }
0x1c5: {  	_ =	swait.ge [sflag:s24], $0x2000;
	s18 =	sshll.u32 s19, $0xD  }
0x1c6: {  	[sflag:s24] =	ssyncset.done $0x0;
	s18 =	sand.u32 $0x3FFFE000, s18  }
0x1c7: {  	[sflag:s24] =	ssyncadd.s32 $0xFFFFE000;
	s8 =	sadd.s32 $0xF428, s18  }
0x1c8: {  	[tilespmem:s1], [sflag:$0x1] =	stream.indirect.gather [spmem:s3], $0x1, s8, s23, $0xb8;
	[tilespmem:$0x1FCA8] =	vst v63  }
0x1c9: {  	s8 =	sadd.s32 $0xF828, s18  }
0x1ca: {  	[tilespmem:s5], [sflag:$0x1] =	stream.indirect.gather [spmem:s3], $0x1, s8, s23, $0xb8;
	[tilespmem:$0x1FCA8] =	vst v63  }
0x1cb: {  	s8 =	sadd.s32 $0xFC28, s18  }
0x1cc: {  	[tilespmem:s26], [sflag:$0x1] =	stream.indirect.gather [spmem:s3], $0x1, s8, s23, $0xb8;
	[tilespmem:$0x1FCA8] =	vst v63  }
0x1cd: {  	_ =	swait.ge [sflag:s6], $0x400  }
0x1ce: {  	[sflag:s6] =	ssyncset.done $0x0  }
0x1cf: {  	s8 =	sadd.s32 $0x10028, s18;
	[sflag:s6] =	ssyncadd.s32 $0xFFFFFC00  }
0x1d0: {  	[tilespmem:s28], [sflag:$0x1] =	stream.indirect.gather [spmem:s3], $0x1, s8, s23, $0xb8;
	[tilespmem:$0x1FCA8] =	vst v63  }
0x1d1: {  	_ =	swait.ge [sflag:s6], $0x400  }
0x1d2: {  	[sflag:s6] =	ssyncset.done $0x0  }
0x1d3: {  	s8 =	sadd.s32 $0x10428, s18;
	[sflag:s6] =	ssyncadd.s32 $0xFFFFFC00  }
0x1d4: {  	[tilespmem:s29], [sflag:$0x1] =	stream.indirect.gather [spmem:s3], $0x1, s8, s23, $0xb8;
	[tilespmem:$0x1FCA8] =	vst v63  }
0x1d5: {  	_ =	swait.ge [sflag:s6], $0x400  }
0x1d6: {  	[sflag:s6] =	ssyncset.done $0x0  }
0x1d7: {  	s8 =	sadd.s32 $0x10828, s18;
	[sflag:s6] =	ssyncadd.s32 $0xFFFFFC00  }
0x1d8: {  	[tilespmem:s30], [sflag:$0x1] =	stream.indirect.gather [spmem:s3], $0x1, s8, s23, $0xb8;
	[tilespmem:$0x1FCA8] =	vst v63  }
0x1d9: {  	_ =	swait.ge [sflag:s6], $0x400  }
0x1da: {  	[sflag:s6] =	ssyncset.done $0x0  }
0x1db: {  	s8 =	sadd.s32 $0x10C28, s18;
	[sflag:s6] =	ssyncadd.s32 $0xFFFFFC00  }
0x1dc: {  	[tilespmem:s31], [sflag:$0x1] =	stream.indirect.gather [spmem:s3], $0x1, s8, s23, $0xb8;
	[tilespmem:$0x1FCA8] =	vst v63  }
0x1dd: {  	_ =	swait.ge [sflag:s6], $0x400  }
0x1de: {  	[sflag:s6] =	ssyncset.done $0x0  }
0x1df: {  	s18 =	sadd.s32 $0x11028, s18;
	[sflag:s6] =	ssyncadd.s32 $0xFFFFFC00  }
0x1e0: {  	[tilespmem:s0], [sflag:$0x1] =	stream.indirect.gather [spmem:s3], $0x1, s18, s23, $0xb8;
	[tilespmem:$0x1FCA8] =	vst v63  }
0x1e1: {  	_ =	swait.ge [sflag:s6], $0x400  }
0x1e2: {  	[sflag:s6] =	ssyncset.done $0x0  }
0x1e3: {  	[sflag:s6] =	ssyncadd.s32 $0xFFFFFC00  }
0x1e4: {  	_ =	swait.ge [sflag:s6], $0x400  }
0x1e5: {  	[sflag:s6] =	ssyncset.done $0x0  }
0x1e6: {  	s19 =	sshll.u32 s19, $0x17;
	[sflag:s6] =	ssyncadd.s32 $0xFFFFFC00  }
0x1e7: {  	s18 =	sadd.s32 s25, s19;
	_ =	swait.ge [sflag:s6], $0x400  }
0x1e8: {  	s18 =	sshrl.u32 s18, $0x3;
	[sflag:s6] =	ssyncset.done $0x0  }
0x1e9: {  	s18 =	sadd.s32 s2, s18;
	[sflag:s6] =	ssyncadd.s32 $0xFFFFFC00  }
0x1ea: {  	[hbm4b:s18+s21] =	stream.strided.scatter [tilespmem:s1], [sflag:$0x2], $0x400, s23, s21, $0x38;
	[tilespmem:$0x1FCA8] =	vst v63  }
0x1eb: {  	s24 =	sadd.s32 $0x20000, s18  }
0x1ec: {  	[hbm4b:s24+s21] =	stream.strided.scatter [tilespmem:s5], [sflag:$0x2], $0x400, s23, s21, $0x38;
	[tilespmem:$0x1FCA8] =	vst v63  }
0x1ed: {  	s8 =	sadd.s32 $0x40000, s18  }
0x1ee: {  	[hbm4b:s8+s21] =	stream.strided.scatter [tilespmem:s26], [sflag:$0x2], $0x400, s23, s21, $0x38;
	[tilespmem:$0x1FCA8] =	vst v63  }
0x1ef: {  	s24 =	sadd.s32 $0x60000, s18  }
0x1f0: {  	[hbm4b:s24+s21] =	stream.strided.scatter [tilespmem:s28], [sflag:$0x2], $0x400, s23, s21, $0x38;
	[tilespmem:$0x1FCA8] =	vst v63  }
0x1f1: {  	s8 =	sadd.s32 $0x80000, s18  }
0x1f2: {  	[hbm4b:s8+s21] =	stream.strided.scatter [tilespmem:s29], [sflag:$0x2], $0x400, s23, s21, $0x38;
	[tilespmem:$0x1FCA8] =	vst v63  }
0x1f3: {  	s24 =	sadd.s32 $0xA0000, s18  }
0x1f4: {  	[hbm4b:s24+s21] =	stream.strided.scatter [tilespmem:s30], [sflag:$0x2], $0x400, s23, s21, $0x38;
	[tilespmem:$0x1FCA8] =	vst v63  }
0x1f5: {  	s8 =	sadd.s32 $0xC0000, s18  }
0x1f6: {  	[hbm4b:s8+s21] =	stream.strided.scatter [tilespmem:s31], [sflag:$0x2], $0x400, s23, s21, $0x38;
	[tilespmem:$0x1FCA8] =	vst v63  }
0x1f7: {  	s18 =	sadd.s32 $0xE0000, s18  }
0x1f8: {  	[hbm4b:s18+s21] =	stream.strided.scatter [tilespmem:s0], [sflag:$0x2], $0x400, s23, s21, $0x38;
	[tilespmem:$0x1FCA8] =	vst v63  }
0x1f9: {  	s18 =	sadd.s32 $0x3, s22  }
0x1fa: {  	_ =	swait.ge [sflag:s17], $0x2000;
	s22 =	sshll.u32 s18, $0xD  }
0x1fb: {  	[sflag:s17] =	ssyncset.done $0x0;
	s19 =	sand.u32 $0x3FFFE000, s22  }
0x1fc: {  	[sflag:s17] =	ssyncadd.s32 $0xFFFFE000;
	s24 =	sadd.s32 $0xF428, s19  }
0x1fd: {  	[tilespmem:s9], [sflag:$0x1] =	stream.indirect.gather [spmem:s3], $0x1, s24, s23, $0xb8;
	[tilespmem:$0x1FCA8] =	vst v63  }
0x1fe: {  	s8 =	sadd.s32 $0xF828, s19  }
0x1ff: {  	[tilespmem:s10], [sflag:$0x1] =	stream.indirect.gather [spmem:s3], $0x1, s8, s23, $0xb8;
	[tilespmem:$0x1FCA8] =	vst v63  }
0x200: {  	s24 =	sadd.s32 $0xFC28, s19  }
0x201: {  	[tilespmem:s11], [sflag:$0x1] =	stream.indirect.gather [spmem:s3], $0x1, s24, s23, $0xb8;
	[tilespmem:$0x1FCA8] =	vst v63  }
0x202: {  	_ =	swait.ge [sflag:s6], $0x400  }
0x203: {  	[sflag:s6] =	ssyncset.done $0x0  }
0x204: {  	s8 =	sadd.s32 $0x10028, s19;
	[sflag:s6] =	ssyncadd.s32 $0xFFFFFC00  }
0x205: {  	[tilespmem:s12], [sflag:$0x1] =	stream.indirect.gather [spmem:s3], $0x1, s8, s23, $0xb8;
	[tilespmem:$0x1FCA8] =	vst v63  }
0x206: {  	_ =	swait.ge [sflag:s6], $0x400  }
0x207: {  	[sflag:s6] =	ssyncset.done $0x0  }
0x208: {  	s24 =	sadd.s32 $0x10428, s19;
	[sflag:s6] =	ssyncadd.s32 $0xFFFFFC00  }
0x209: {  	[tilespmem:s13], [sflag:$0x1] =	stream.indirect.gather [spmem:s3], $0x1, s24, s23, $0xb8;
	[tilespmem:$0x1FCA8] =	vst v63  }
0x20a: {  	_ =	swait.ge [sflag:s6], $0x400  }
0x20b: {  	[sflag:s6] =	ssyncset.done $0x0  }
0x20c: {  	s8 =	sadd.s32 $0x10828, s19;
	[sflag:s6] =	ssyncadd.s32 $0xFFFFFC00  }
0x20d: {  	[tilespmem:s14], [sflag:$0x1] =	stream.indirect.gather [spmem:s3], $0x1, s8, s23, $0xb8;
	[tilespmem:$0x1FCA8] =	vst v63  }
0x20e: {  	_ =	swait.ge [sflag:s6], $0x400  }
0x20f: {  	[sflag:s6] =	ssyncset.done $0x0  }
0x210: {  	s24 =	sadd.s32 $0x10C28, s19;
	[sflag:s6] =	ssyncadd.s32 $0xFFFFFC00  }
0x211: {  	[tilespmem:s15], [sflag:$0x1] =	stream.indirect.gather [spmem:s3], $0x1, s24, s23, $0xb8;
	[tilespmem:$0x1FCA8] =	vst v63  }
0x212: {  	_ =	swait.ge [sflag:s6], $0x400  }
0x213: {  	[sflag:s6] =	ssyncset.done $0x0  }
0x214: {  	s19 =	sadd.s32 $0x11028, s19;
	[sflag:s6] =	ssyncadd.s32 $0xFFFFFC00  }
0x215: {  	[tilespmem:s16], [sflag:$0x1] =	stream.indirect.gather [spmem:s3], $0x1, s19, s23, $0xb8;
	[tilespmem:$0x1FCA8] =	vst v63  }
0x216: {  	_ =	swait.ge [sflag:s6], $0x400  }
0x217: {  	[sflag:s6] =	ssyncset.done $0x0  }
0x218: {  	[sflag:s6] =	ssyncadd.s32 $0xFFFFFC00  }
0x219: {  	_ =	swait.ge [sflag:s6], $0x400  }
0x21a: {  	[sflag:s6] =	ssyncset.done $0x0  }
0x21b: {  	s18 =	sshll.u32 s18, $0x17;
	[sflag:s6] =	ssyncadd.s32 $0xFFFFFC00  }
0x21c: {  	s18 =	sadd.s32 s25, s18;
	_ =	swait.ge [sflag:s6], $0x400  }
0x21d: {  	s18 =	sshrl.u32 s18, $0x3;
	[sflag:s6] =	ssyncset.done $0x0  }
0x21e: {  	s18 =	sadd.s32 s2, s18;
	[sflag:s6] =	ssyncadd.s32 $0xFFFFFC00  }
0x21f: {  	[hbm4b:s18+s21] =	stream.strided.scatter [tilespmem:s9], [sflag:$0x3], $0x400, s23, s21, $0x38;
	[tilespmem:$0x1FCA8] =	vst v63  }
0x220: {  	s8 =	sadd.s32 $0x20000, s18  }
0x221: {  	[hbm4b:s8+s21] =	stream.strided.scatter [tilespmem:s10], [sflag:$0x3], $0x400, s23, s21, $0x38;
	[tilespmem:$0x1FCA8] =	vst v63  }
0x222: {  	s22 =	sadd.s32 $0x40000, s18  }
0x223: {  	[hbm4b:s22+s21] =	stream.strided.scatter [tilespmem:s11], [sflag:$0x3], $0x400, s23, s21, $0x38;
	[tilespmem:$0x1FCA8] =	vst v63  }
0x224: {  	s24 =	sadd.s32 $0x60000, s18  }
0x225: {  	[hbm4b:s24+s21] =	stream.strided.scatter [tilespmem:s12], [sflag:$0x3], $0x400, s23, s21, $0x38;
	[tilespmem:$0x1FCA8] =	vst v63  }
0x226: {  	s8 =	sadd.s32 $0x80000, s18  }
0x227: {  	[hbm4b:s8+s21] =	stream.strided.scatter [tilespmem:s13], [sflag:$0x3], $0x400, s23, s21, $0x38;
	[tilespmem:$0x1FCA8] =	vst v63  }
0x228: {  	p3 =	por p2, p2;
	s22 =	sadd.s32 $0xA0000, s18  }
0x229: {  	[hbm4b:s22+s21] =	stream.strided.scatter [tilespmem:s14], [sflag:$0x3], $0x400, s23, s21, $0x38;
	[tilespmem:$0x1FCA8] =	vst v63  }
.Ltmp3:
0x22a: {  	_ = 	snop;
	(pc) =	sbr.rel @p3 .LBB2_8-.Ltmp3, $4  }
0x22b: {  	s24 =	sadd.s32 $0xC0000, s18  }
0x22c: {  	[hbm4b:s24+s21] =	stream.strided.scatter [tilespmem:s15], [sflag:$0x3], $0x400, s23, s21, $0x38;
	[tilespmem:$0x1FCA8] =	vst v63  }
0x22d: {  	p2 =	por $0x0, $0x0;
	s18 =	sadd.s32 $0xE0000, s18;
	s22 =	simm.s32 $0x2  }
0x22e: {  	[hbm4b:s18+s21] =	stream.strided.scatter [tilespmem:s16], [sflag:$0x3], $0x400, s23, s21, $0x38;
	[tilespmem:$0x1FCA8] =	vst v63  }
0x22f: {  	s8 =	simm.s32 $0x2  }
0x230: {  	_ =	swait.ge [sflag:s8], $0x2000  }
0x231: {  	[sflag:s8] =	ssyncset.done $0x0  }
0x232: {  	s18 =	simm.s32 $0x1B428;
	[sflag:s8] =	ssyncadd.s32 $0xFFFFE000  }
0x233: {  	[tilespmem:s1], [sflag:$0x1] =	stream.indirect.gather [spmem:s3], $0x1, s18, s23, $0xb8;
	[tilespmem:$0x1FCA8] =	vst v63  }
0x234: {  	s25 =	simm.s32 $0x1B828  }
0x235: {  	[tilespmem:s5], [sflag:$0x1] =	stream.indirect.gather [spmem:s3], $0x1, s25, s23, $0xb8;
	[tilespmem:$0x1FCA8] =	vst v63  }
0x236: {  	_ =	swait.ge [sflag:s6], $0x400  }
0x237: {  	[sflag:s6] =	ssyncset.done $0x0  }
0x238: {  	[sflag:s6] =	ssyncadd.s32 $0xFFFFFC00  }
0x239: {  	_ =	swait.ge [sflag:s6], $0x400  }
0x23a: {  	s4 =	sor.u32 $0x600000, s4;
	[sflag:s6] =	ssyncset.done $0x0  }
0x23b: {  	s4 =	sadd.s32 s2, s4;
	[sflag:s6] =	ssyncadd.s32 $0xFFFFFC00  }
0x23c: {  	[hbm4b:s4+s21] =	stream.strided.scatter [tilespmem:s1], [sflag:$0x4], $0x400, s23, s21, $0x38;
	[tilespmem:$0x1FCA8] =	vst v63  }
0x23d: {  	s7 =	sadd.s32 $0x1, s7;
	s4 =	sadd.s32 $0x20000, s4  }
0x23e: {  	[hbm4b:s4+s21] =	stream.strided.scatter [tilespmem:s5], [sflag:$0x4], $0x400, s23, s21, $0x38;
	[tilespmem:$0x1FCA8] =	vst v63  }
0x23f: {  	p2 =	sne.s32 s7, $0x20;
	_ =	swait.ge [sflag:s20], $0x800  }
.Ltmp4:
0x240: {  	[sflag:s20] =	ssyncset.done $0x0;
	(pc) =	sbr.rel @p2 .LBB2_2-.Ltmp4, $4  }
0x241: {  	[sflag:s20] =	ssyncadd.s32 $0xFFFFF800  }
0x242: {  	_ =	swait.ge [sflag:s17], $0x2000  }
0x243: {  	[sflag:s17] =	ssyncset.done $0x0  }
0x244: {  	[sflag:s17] =	ssyncadd.s32 $0xFFFFE000  }
0x245: {  	s7 =	sld [smem:$0x7DD];
	_ =	sdelay $0x2  }
0x246: {  	s4 =	rddreg [dreg:$0x16];
	s7 =	sadd.s32 $0x1, s7  }
0x247: {  	p2 =	sne.s32 s7, s4  }
.Ltmp5:
0x248: {  	_ = 	snop;
	(pc) =	sbr.rel @p2 .LBB2_1-.Ltmp5, $1  }
0x249: {  	_ =	sdelay $0x3  }
0x24a: {  	_ =	sfence.sel $0x180000  }
0x24b: {  	[bflag:$0x0] =	sbarrier.arrive $0xFFFF  }
0x24c: {  	_ =	strace $0x90000047  }
0x24d: {  	[bflag:$0x2] =	sbarrier.arrive $0xFFFF  }
0x24e: {  	s0 =	rddreg [dreg:$0x5]  }
0x24f: {  	s0 =	sadd.s32 @!p0 $0x100000, s0  }
0x250: {  	[sflag:s0] =	ssyncadd.tile.s32 @!p0 $0x1;
	_ =	shalt  }
.Lfunc_end2:
_tile_overlayer_lowered:
.L_overlay_start_2:
0x251: {  	(tag) =	ssettag $0x2  }
0x252: {  	s0 =	rddreg [dreg:$0x0];
	s2 =	stileid.u32  }
0x253: {  	s1 =	rddreg [dreg:$0x1];
	p0 =	sne.s32 s2, $0x0  }
0x254: {  	s3 =	rddreg [dreg:$0x2];
	[bflag:$0x3] =	sbarrier.arrive $0xFFFF;
	s2 =	simm.s32 @!p0 $0x1C04  }
0x255: {  	[timem:s3], [sflag:s2] =	dma.local @!p0 [hbm:s0], s1  }
0x256: {  	s0 =	simm.s32 @!p0 $0x4  }
0x257: {  	_ =	swait.ge @!p0 [sflag:s0], s1  }
0x258: {  	s1 =	ssub.s32 @!p0 $0x0, s1;
	[sflag:s0] =	ssyncset.done @!p0 $0x0  }
0x259: {  	[sflag:s0] =	ssyncadd.s32 @!p0 s1  }
0x25a: {  	[bflag:$0x3] =	sbarrier.arrive $0xFFFF  }
0x25b: {  	_ =	shalt  }

</sc_bundles>
